<compile_context>
chip_gen: v7x
topology: tpu7x:2x2x1
jax: 0.10.2.dev20260603
libtpu: 0.0.44.dev20260713+nightly
codegen_flags: <defaults>
</compile_context>

<pallas_src>
import functools

import jax
import jax.numpy as jnp
from jax import lax
from jax.experimental import pallas as pl
from jax.experimental.pallas import tpu as pltpu
from jax.experimental.pallas import tpu_sc as plsc

CHUNK = 128



def _worker_id():
    c = lax.axis_index("c")
    s = lax.axis_index("s")
    return s * 2 + c, c, s


def _stripe_chunks(npt):
    out = []
    q = 0
    while q < npt:
        out.append((q, min(CHUNK, npt - q)))
        q += CHUNK
    return out


def _msg_body(h_hbm, ei_hbm, zeros_hbm, *refs, n_pad, e, with_deg):
    if with_deg:
        (out_hbm, degs_hbm,
         rows0, gsem0, rows1, gsem1,
         ib0, ism0, ib1, ism1, ib2, ism2, ib3, ism3,
         acc, ones_v, zbuf, accd_in, accd_out) = refs
    else:
        (out_hbm,
         rows0, gsem0, rows1, gsem1,
         ib0, ism0, ib1, ism1, ib2, ism2, ib3, ism3,
         acc) = refs
    wid, c, s = _worker_id()
    npt = n_pad // 16
    nch = e // CHUNK
    nj = (nch + 31) // 32
    nt = (nj + 3) // 4
    rows = [rows0, rows1]
    gsems = [gsem0, gsem1]
    pairs = [(ib0, ism0), (ib1, ism1), (ib2, ism2), (ib3, ism3)]

    def idx_start(j, p):
        ib, ism = pairs[p]
        cid = j * 32 + wid

        @pl.when(cid < nch)
        def _():
            pltpu.async_copy(ei_hbm.at[:, pl.ds(cid * CHUNK, CHUNK)], ib, ism)

    idx_start(0, 0)
    idx_start(1, 1)
    idx_start(2, 2)
    idx_start(3, 3)

    pltpu.sync_copy(zeros_hbm.at[pl.ds(0, CHUNK)], rows0)
    for q, w in _stripe_chunks(npt):
        pltpu.sync_copy(rows0.at[pl.ds(0, w)], acc.at[pl.ds(s * npt + q, w)])
    if with_deg:
        for i in range(CHUNK // 16):
            ones_v[pl.ds(i * 16, 16)] = jnp.ones((16,), jnp.float32)
        zlen = zbuf.shape[0]
        for i in range(zlen // 16):
            zbuf[pl.ds(i * 16, 16)] = jnp.zeros((16,), jnp.float32)
        pltpu.sync_copy(zbuf.at[pl.ds(0, npt)], accd_in.at[pl.ds(s * npt, npt)])
        pltpu.sync_copy(zbuf.at[pl.ds(0, npt)], accd_out.at[pl.ds(s * npt, npt)])
    plsc.subcore_barrier()

    def gather_start(j, b, p):
        ib, ism = pairs[p]
        cid = j * 32 + wid

        @pl.when(cid < nch)
        def _():
            pltpu.make_async_copy(
                ei_hbm.at[:, pl.ds(cid * CHUNK, CHUNK)], ib, ism).wait()
            pltpu.async_copy(h_hbm.at[ib.at[0]], rows[b], gsems[b])

    def finish(j, b, p):
        ib, ism = pairs[p]
        cid = j * 32 + wid

        @pl.when(cid < nch)
        def _():
            pltpu.make_async_copy(h_hbm.at[ib.at[0]], rows[b], gsems[b]).wait()
            pltpu.sync_copy(rows[b], acc.at[ib.at[1]], add=True)
            if with_deg:
                pltpu.sync_copy(ones_v, accd_in.at[ib.at[1]], add=True)
                pltpu.sync_copy(ones_v, accd_out.at[ib.at[0]], add=True)

    gather_start(0, 0, 0)
    gather_start(1, 1, 1)

    def body(t, carry):
        j = t * 4
        for off, b in ((0, 0), (1, 1), (2, 0), (3, 1)):
            p = off
            p_next = (off + 2) % 4
            finish(j + off, b, p)
            idx_start(j + off + 4, p)
            gather_start(j + off + 2, b, p_next)
        return carry

    lax.fori_loop(0, nt, body, 0)
    plsc.subcore_barrier()

    _writeback(acc, out_hbm, c, s, npt, rows, gsems)
    if with_deg:
        base_c = c * (2 * n_pad)
        pltpu.sync_copy(accd_in.at[pl.ds(s * npt, npt)], zbuf.at[pl.ds(0, npt)])
        pltpu.sync_copy(zbuf.at[pl.ds(0, npt)],
                        degs_hbm.at[pl.ds(base_c + s * npt, npt)])
        pltpu.sync_copy(accd_out.at[pl.ds(s * npt, npt)], zbuf.at[pl.ds(0, npt)])
        pltpu.sync_copy(zbuf.at[pl.ds(0, npt)],
                        degs_hbm.at[pl.ds(base_c + n_pad + s * npt, npt)])


def _writeback(acc, out_hbm, c, s, npt, rows, gsems):
    chunks = _stripe_chunks(npt)
    nb = len(rows)

    for i, (q, w) in enumerate(chunks):
        if i >= 2:
            continue
        pltpu.async_copy(acc.at[pl.ds(s * npt + q, w)],
                         rows[i % nb].at[pl.ds(0, w)], gsems[i % nb])
    for i, (q, w) in enumerate(chunks):
        b = i % nb
        pltpu.make_async_copy(acc.at[pl.ds(s * npt + q, w)],
                              rows[b].at[pl.ds(0, w)], gsems[b]).wait()
        pltpu.sync_copy(rows[b].at[pl.ds(0, w)], out_hbm.at[c, pl.ds(s * npt + q, w)])
        if i + 2 < len(chunks):
            q2, w2 = chunks[i + 2]
            pltpu.async_copy(acc.at[pl.ds(s * npt + q2, w2)],
                             rows[b].at[pl.ds(0, w2)], gsems[b])


def _msg3_body(h_hbm, ei_hbm, zeros_hbm, out_hbm,
               rows0, gsem0, rows1, gsem1, rows2, gsem2,
               ib0, ism0, ib1, ism1, ib2, ism2,
               acc, *, n_pad, e):
    wid, c, s = _worker_id()
    npt = n_pad // 16
    nch = e // CHUNK
    nj = (nch + 31) // 32
    nt = (nj + 2) // 3
    rows = [rows0, rows1, rows2]
    gsems = [gsem0, gsem1, gsem2]
    pairs = [(ib0, ism0), (ib1, ism1), (ib2, ism2)]

    def idx_start(j, p):
        ib, ism = pairs[p]
        cid = j * 32 + wid

        @pl.when(cid < nch)
        def _():
            pltpu.async_copy(ei_hbm.at[:, pl.ds(cid * CHUNK, CHUNK)], ib, ism)

    idx_start(0, 0)
    idx_start(1, 1)
    idx_start(2, 2)
    pltpu.sync_copy(zeros_hbm.at[pl.ds(0, CHUNK)], rows2)
    for q, w in _stripe_chunks(npt):
        pltpu.sync_copy(rows2.at[pl.ds(0, w)], acc.at[pl.ds(s * npt + q, w)])
    plsc.subcore_barrier()

    def gather_start(j, b):
        ib, ism = pairs[b]
        cid = j * 32 + wid

        @pl.when(cid < nch)
        def _():
            pltpu.make_async_copy(
                ei_hbm.at[:, pl.ds(cid * CHUNK, CHUNK)], ib, ism).wait()
            pltpu.async_copy(h_hbm.at[ib.at[0]], rows[b], gsems[b])

    def finish(j, b):
        ib, ism = pairs[b]
        cid = j * 32 + wid

        @pl.when(cid < nch)
        def _():
            pltpu.make_async_copy(h_hbm.at[ib.at[0]], rows[b], gsems[b]).wait()
            pltpu.sync_copy(rows[b], acc.at[ib.at[1]], add=True)

    gather_start(0, 0)
    gather_start(1, 1)

    def body(t, carry):
        j = t * 3
        for off in (0, 1, 2):
            finish(j + off, off)
            idx_start(j + off + 3, off)
            gather_start(j + off + 2, (off + 2) % 3)
        return carry

    lax.fori_loop(0, nt, body, 0)
    plsc.subcore_barrier()

    _writeback(acc, out_hbm, c, s, npt, rows[:2], gsems[:2])


def _sc_mesh():
    return plsc.VectorSubcoreMesh(core_axis_name="c", subcore_axis_name="s")


def _make_msg3_call(n_pad, d, e):
    scratch = []
    for _ in range(3):
        scratch += [pltpu.VMEM((CHUNK, d), jnp.float32), pltpu.SemaphoreType.DMA]
    for _ in range(3):
        scratch += [
            pltpu.VMEM((2, CHUNK), jnp.int32),
            pltpu.SemaphoreType.DMA,
        ]
    scratch.append(pltpu.VMEM_SHARED((n_pad, d), jnp.float32))
    return pl.kernel(
        functools.partial(_msg3_body, n_pad=n_pad, e=e),
        out_type=jax.ShapeDtypeStruct((2, n_pad, d), jnp.float32),
        mesh=_sc_mesh(),
        scratch_types=scratch,
    )


def _make_msg_call(n_pad, d, e, with_deg):
    out_type = [jax.ShapeDtypeStruct((2, n_pad, d), jnp.float32)]
    scratch = [
        pltpu.VMEM((CHUNK, d), jnp.float32),
        pltpu.SemaphoreType.DMA,
        pltpu.VMEM((CHUNK, d), jnp.float32),
        pltpu.SemaphoreType.DMA,
    ]
    for _ in range(4):
        scratch += [
            pltpu.VMEM((2, CHUNK), jnp.int32),
            pltpu.SemaphoreType.DMA,
        ]
    scratch.append(pltpu.VMEM_SHARED((n_pad, d), jnp.float32))
    if with_deg:
        out_type.append(jax.ShapeDtypeStruct((4 * n_pad,), jnp.float32))
        zlen = ((n_pad // 16 + 15) // 16) * 16
        scratch += [
            pltpu.VMEM((CHUNK,), jnp.float32),
            pltpu.VMEM((zlen,), jnp.float32),
            pltpu.VMEM_SHARED((n_pad,), jnp.float32),
            pltpu.VMEM_SHARED((n_pad,), jnp.float32),
        ]
    return pl.kernel(
        functools.partial(_msg_body, n_pad=n_pad, e=e, with_deg=with_deg),
        out_type=out_type,
        mesh=_sc_mesh(),
        scratch_types=scratch,
    )



def _feats_body(degp_ref, w1t_ref, b1_ref, w2t_ref, b2_ref, w3t_ref, b3_ref,
                awt_ref, invd_ref, *, n):
    n_pad = degp_ref.shape[2]
    degs = degp_ref[0] + degp_ref[1]
    deg_in = degs[0:1, :]
    deg_out = degs[1:2, :]
    feats = jnp.concatenate(
        [deg_in, deg_out, jnp.log(1.0 + deg_in), jnp.log(1.0 + deg_out)], axis=0)
    mask = (lax.broadcasted_iota(jnp.int32, (1, n_pad), 1) < n).astype(jnp.float32)
    inv_n = 1.0 / n
    mean = jnp.sum(feats * mask, axis=1, keepdims=True) * inv_n
    var = jnp.sum(((feats - mean) * mask) ** 2, axis=1, keepdims=True) * inv_n
    normed = (feats - mean) / (jnp.sqrt(var) + 1e-6)
    a = jnp.maximum(jnp.dot(w1t_ref[...], normed,
                            preferred_element_type=jnp.float32) + b1_ref[...], 0.0)
    a = jnp.maximum(jnp.dot(w2t_ref[...], a,
                            preferred_element_type=jnp.float32) + b2_ref[...], 0.0)
    logits = jnp.dot(w3t_ref[...], a, preferred_element_type=jnp.float32) + b3_ref[...]
    m = jnp.max(logits, axis=0, keepdims=True)
    ex = jnp.exp(logits - m)
    awt_ref[...] = ex / jnp.sum(ex, axis=0, keepdims=True)
    invd_ref[...] = 1.0 / jnp.maximum(deg_in, 1.0)


def _hop_body(p_ref, invd_ref, h_ref, prim_ref, awk_ref, outp_ref,
              w_ref, wih_ref, whh_ref, bih_ref, bhh_ref,
              hn_ref, outn_ref):
    d = h_ref.shape[1]
    msg = (p_ref[0] + p_ref[1]) * invd_ref[...]
    x = jnp.maximum(jnp.dot(msg, w_ref[...], preferred_element_type=jnp.float32), 0.0)
    gi = jnp.dot(x, wih_ref[...], preferred_element_type=jnp.float32) + bih_ref[...]
    h = h_ref[...]
    gh = jnp.dot(h, whh_ref[...], preferred_element_type=jnp.float32) + bhh_ref[...]
    r = jax.nn.sigmoid(gi[:, 0:d] + gh[:, 0:d])
    z = jax.nn.sigmoid(gi[:, d:2 * d] + gh[:, d:2 * d])
    ng = jnp.tanh(gi[:, 2 * d:3 * d] + r * gh[:, 2 * d:3 * d])
    hn = (1.0 - z) * ng + z * h + prim_ref[...]
    hn_ref[...] = hn
    outn_ref[...] = outp_ref[...] + awk_ref[...] * hn


def _make_hop_call(n, d, rows):
    g = n // rows
    full = lambda i: (0, 0)
    rb = lambda i: (i, 0)
    return pl.pallas_call(
        _hop_body,
        grid=(g,),
        in_specs=[
            pl.BlockSpec((2, rows, d), lambda i: (0, i, 0)),
            pl.BlockSpec((rows, 1), rb),
            pl.BlockSpec((rows, d), rb),
            pl.BlockSpec((rows, d), rb),
            pl.BlockSpec((rows, 1), rb),
            pl.BlockSpec((rows, d), rb),
            pl.BlockSpec((d, d), full),
            pl.BlockSpec((d, 3 * d), full),
            pl.BlockSpec((d, 3 * d), full),
            pl.BlockSpec((1, 3 * d), full),
            pl.BlockSpec((1, 3 * d), full),
        ],
        out_specs=[
            pl.BlockSpec((rows, d), rb),
            pl.BlockSpec((rows, d), rb),
        ],
        out_shape=[
            jax.ShapeDtypeStruct((n, d), jnp.float32),
            jax.ShapeDtypeStruct((n, d), jnp.float32),
        ],
    )



def kernel(edge_index, primary_emb, W_hops, gru_w_ih, gru_w_hh, gru_b_ih,
           gru_b_hh, mlp_w1, mlp_b1, mlp_w2, mlp_b2, mlp_w3, mlp_b3):
    n, d = primary_emb.shape
    e = edge_index.shape[1]
    k_len = W_hops.shape[0]

    n_pad = ((n + 127) // 128) * 128
    zeros_nd = jnp.zeros((n_pad, d), jnp.float32)

    msg_deg_call = _make_msg_call(n_pad, d, e, with_deg=True)
    msg_call = _make_msg3_call(n_pad, d, e)

    partials1, degs = msg_deg_call(primary_emb, edge_index, zeros_nd)
    degp = degs.reshape(2, 2, n_pad)

    feats_call = pl.pallas_call(
        functools.partial(_feats_body, n=n),
        out_shape=[
            jax.ShapeDtypeStruct((k_len, n_pad), jnp.float32),
            jax.ShapeDtypeStruct((1, n_pad), jnp.float32),
        ],
    )
    awt, invd = feats_call(
        degp,
        mlp_w1.T, mlp_b1.reshape(-1, 1),
        mlp_w2.T, mlp_b2.reshape(-1, 1),
        mlp_w3.T, mlp_b3.reshape(-1, 1),
    )
    invd_col = invd[0, :n].reshape(n, 1)
    wih_t = gru_w_ih.T
    whh_t = gru_w_hh.T
    bih_row = gru_b_ih.reshape(1, -1)
    bhh_row = gru_b_hh.reshape(1, -1)

    hop_call = _make_hop_call(n, d, rows=2000)

    h = primary_emb
    out = jnp.zeros((n, d), jnp.float32)
    for hop in range(k_len):
        partials = partials1 if hop == 0 else msg_call(h, edge_index, zeros_nd)
        h, out = hop_call(partials, invd_col, h, primary_emb,
                          awt[hop, :n].reshape(n, 1), out,
                          W_hops[hop], wih_t, whh_t, bih_row, bhh_row)
    return out

# --- scband reference (transcript-rebuilt; emitter-appended) ---
"""Pipeline reference for scband-adaptive-context-gnn-36378372997164 (READ-ONLY COPY).

The authoritative reference and input builder live on the scoring server;
editing this copy changes nothing except your own understanding.
"""

import jax, jax.numpy as jnp
import numpy as np

N = 10000
E = 320000
D = 128
K = 3
FEAT = 4

def setup_inputs(seed: int = 0):
    key = jax.random.key(seed)
    ks = jax.random.split(key, 14)
    s = 0.05
    inp = {}
    inp["edge_index"] = jax.random.randint(ks[0], (2, E), 0, N, dtype=jnp.int32)
    inp["primary_emb"] = jax.random.normal(ks[1], (N, D), dtype=jnp.float32)
    inp["W_hops"] = jax.random.normal(ks[2], (K, D, D), dtype=jnp.float32) * s
    inp["gru_w_ih"] = jax.random.normal(ks[3], (3 * D, D), dtype=jnp.float32) * s
    inp["gru_w_hh"] = jax.random.normal(ks[4], (3 * D, D), dtype=jnp.float32) * s
    inp["gru_b_ih"] = jnp.zeros((3 * D,), dtype=jnp.float32)
    inp["gru_b_hh"] = jnp.zeros((3 * D,), dtype=jnp.float32)
    inp["mlp_w1"] = jax.random.normal(ks[5], (FEAT, 64), dtype=jnp.float32) * 0.1
    inp["mlp_b1"] = jnp.zeros((64,), dtype=jnp.float32)
    inp["mlp_w2"] = jax.random.normal(ks[6], (64, 32), dtype=jnp.float32) * 0.1
    inp["mlp_b2"] = jnp.zeros((32,), dtype=jnp.float32)
    inp["mlp_w3"] = jax.random.normal(ks[7], (32, K), dtype=jnp.float32) * 0.1
    inp["mlp_b3"] = jnp.zeros((K,), dtype=jnp.float32)
    return inp

def reference(edge_index, primary_emb, W_hops, gru_w_ih, gru_w_hh, gru_b_ih, gru_b_hh, mlp_w1, mlp_b1, mlp_w2, mlp_b2, mlp_w3, mlp_b3):
    src = edge_index[0]
    dst = edge_index[1]
    n = primary_emb.shape[0]
    k_len = W_hops.shape[0]
    ones = jnp.ones(src.shape, dtype=jnp.float32)
    # StructuralFeatureExtractor: degree-based structural features
    deg_in = jax.ops.segment_sum(ones, dst, num_segments=n)
    deg_out = jax.ops.segment_sum(ones, src, num_segments=n)
    feats = jnp.stack([deg_in, deg_out, jnp.log1p(deg_in), jnp.log1p(deg_out)], axis=1)
    feats = (feats - feats.mean(axis=0)) / (feats.std(axis=0) + 1e-6)
    # AdaptiveWeightMLP -> per-node weights over K context path lengths
    a = jax.nn.relu(feats @ mlp_w1 + mlp_b1)
    a = jax.nn.relu(a @ mlp_w2 + mlp_b2)
    aw = jax.nn.softmax(a @ mlp_w3 + mlp_b3, axis=1)
    deg_c = jnp.maximum(deg_in, 1.0)[:, None]
    h = primary_emb
    ctx = []
    # forward_all_hops: K hops of CGNN message passing + GRU gate + add_init
    for hop in range(k_len):
        msg = jax.ops.segment_sum(jnp.take(h, src, axis=0), dst, num_segments=n) / deg_c
        x = jax.nn.relu(msg @ W_hops[hop])
        gi = x @ gru_w_ih.T + gru_b_ih
        gh = h @ gru_w_hh.T + gru_b_hh
        i_r, i_z, i_n = jnp.split(gi, 3, axis=1)
        h_r, h_z, h_n = jnp.split(gh, 3, axis=1)
        r = jax.nn.sigmoid(i_r + h_r)
        z = jax.nn.sigmoid(i_z + h_z)
        ng = jnp.tanh(i_n + r * h_n)
        h = (1.0 - z) * ng + z * h
        h = h + primary_emb
        ctx.append(h)
    # AdaptiveContextAggregator: per-node weighted sum of context embeddings
    out = jnp.zeros_like(primary_emb)
    for hop in range(k_len):
        out = out + aw[:, hop:hop + 1] * ctx[hop]
    return out

if __name__ == "__main__":
    import jax
    _d = setup_inputs()
    print(jax.jit(kernel)(*tuple(_d.values())))

</pallas_src>

<mosaic_0001>
#map = affine_map<(d0, d1) -> (0, 0)>
#map1 = affine_map<(d0, d1) -> (0, 0, 0)>
#map2 = affine_map<(d0, d1) -> (0)>
module attributes {stable_mosaic.version = 14 : i64} {
  func.func @_msg_body(%arg0: i32, %arg1: i32, %arg2: memref<10000x128xf32, #tpu.memory_space<hbm>>, %arg3: memref<2x320000xi32, #tpu.memory_space<hbm>>, %arg4: memref<10112x128xf32, #tpu.memory_space<hbm>>, %arg5: memref<2x10112x128xf32, #tpu.memory_space<hbm>>, %arg6: memref<40448xf32, #tpu.memory_space<hbm>>, %arg7: memref<128x128xf32, #tpu.memory_space<vmem>>, %arg8: memref<!tpu.dma_semaphore, #tpu.memory_space<semaphore_mem>>, %arg9: memref<128x128xf32, #tpu.memory_space<vmem>>, %arg10: memref<!tpu.dma_semaphore, #tpu.memory_space<semaphore_mem>>, %arg11: memref<2x128xi32, #tpu.memory_space<vmem>>, %arg12: memref<!tpu.dma_semaphore, #tpu.memory_space<semaphore_mem>>, %arg13: memref<2x128xi32, #tpu.memory_space<vmem>>, %arg14: memref<!tpu.dma_semaphore, #tpu.memory_space<semaphore_mem>>, %arg15: memref<2x128xi32, #tpu.memory_space<vmem>>, %arg16: memref<!tpu.dma_semaphore, #tpu.memory_space<semaphore_mem>>, %arg17: memref<2x128xi32, #tpu.memory_space<vmem>>, %arg18: memref<!tpu.dma_semaphore, #tpu.memory_space<semaphore_mem>>, %arg19: memref<10112x128xf32, #tpu.memory_space<vmem_shared>>, %arg20: memref<128xf32, #tpu.memory_space<vmem>>, %arg21: memref<640xf32, #tpu.memory_space<vmem>>, %arg22: memref<10112xf32, #tpu.memory_space<vmem_shared>>, %arg23: memref<10112xf32, #tpu.memory_space<vmem_shared>>) attributes {dimension_semantics = [#tpu.dimension_semantics<core_parallel>, #tpu.dimension_semantics<subcore_parallel>], iteration_bounds = array<i64: 2, 16>, scalar_prefetch = 0 : i64, scratch_operands = 17 : i64, tpu.core_type = #tpu.core_type<sc_vector_subcore>, window_params = [{transform_indices = #map}, {transform_indices = #map}, {transform_indices = #map}, {transform_indices = #map1}, {transform_indices = #map2}]} {
    %mul3A = arith.constant 2 : i32
    %mul3A_0 = arith.muli %arg1, %mul3A : i32
    %add3A = arith.addi %mul3A_0, %arg0 : i32
    %add3A_1 = arith.constant 0 : i32
    %add3A_2 = arith.addi %add3A_1, %add3A : i32
    %lt3A = arith.constant 2500 : i32
    %lt3A_3 = arith.cmpi slt, %add3A_2, %lt3A : i32
    %convert_element_type3A = arith.extui %lt3A_3 : i1 to i32
    %cond3A = arith.constant 0 : i32
    %cond3A_4 = arith.cmpi ne, %convert_element_type3A, %cond3A : i32
    scf.if %cond3A_4 {
      %mul3A_528 = arith.constant 128 : i32
      %mul3A_529 = arith.muli %add3A_2, %mul3A_528 : i32
      %dma_start3A_530 = arith.constant 0 : i32
      %dma_start3A_531 = tpu.memref_slice %arg3[%dma_start3A_530, %mul3A_529] : memref<2x320000xi32, #tpu.memory_space<hbm>> -> memref<2x128xi32, #tpu.memory_space<hbm>>
      %dma_start3A_532 = arith.constant 0 : i32
      %dma_start3A_533 = tpu.memref_slice %arg3[%dma_start3A_532, %mul3A_529] : memref<2x320000xi32, #tpu.memory_space<hbm>> -> memref<2x128xi32, #tpu.memory_space<hbm>>
      tpu.enqueue_dma source(%dma_start3A_533 : memref<2x128xi32, #tpu.memory_space<hbm>>) target(%arg11 : memref<2x128xi32, #tpu.memory_space<vmem>>) target_semaphore(%arg12 : memref<!tpu.dma_semaphore, #tpu.memory_space<semaphore_mem>>)
    } else {
    }
    %add3A_5 = arith.constant 32 : i32
    %add3A_6 = arith.addi %add3A_5, %add3A : i32
    %lt3A_7 = arith.constant 2500 : i32
    %lt3A_8 = arith.cmpi slt, %add3A_6, %lt3A_7 : i32
    %convert_element_type3A_9 = arith.extui %lt3A_8 : i1 to i32
    %cond3A_10 = arith.constant 0 : i32
    %cond3A_11 = arith.cmpi ne, %convert_element_type3A_9, %cond3A_10 : i32
    scf.if %cond3A_11 {
      %mul3A_528 = arith.constant 128 : i32
      %mul3A_529 = arith.muli %add3A_6, %mul3A_528 : i32
      %dma_start3A_530 = arith.constant 0 : i32
      %dma_start3A_531 = tpu.memref_slice %arg3[%dma_start3A_530, %mul3A_529] : memref<2x320000xi32, #tpu.memory_space<hbm>> -> memref<2x128xi32, #tpu.memory_space<hbm>>
      %dma_start3A_532 = arith.constant 0 : i32
      %dma_start3A_533 = tpu.memref_slice %arg3[%dma_start3A_532, %mul3A_529] : memref<2x320000xi32, #tpu.memory_space<hbm>> -> memref<2x128xi32, #tpu.memory_space<hbm>>
      tpu.enqueue_dma source(%dma_start3A_533 : memref<2x128xi32, #tpu.memory_space<hbm>>) target(%arg13 : memref<2x128xi32, #tpu.memory_space<vmem>>) target_semaphore(%arg14 : memref<!tpu.dma_semaphore, #tpu.memory_space<semaphore_mem>>)
    } else {
    }
    %add3A_12 = arith.constant 64 : i32
    %add3A_13 = arith.addi %add3A_12, %add3A : i32
    %lt3A_14 = arith.constant 2500 : i32
    %lt3A_15 = arith.cmpi slt, %add3A_13, %lt3A_14 : i32
    %convert_element_type3A_16 = arith.extui %lt3A_15 : i1 to i32
    %cond3A_17 = arith.constant 0 : i32
    %cond3A_18 = arith.cmpi ne, %convert_element_type3A_16, %cond3A_17 : i32
    scf.if %cond3A_18 {
      %mul3A_528 = arith.constant 128 : i32
      %mul3A_529 = arith.muli %add3A_13, %mul3A_528 : i32
      %dma_start3A_530 = arith.constant 0 : i32
      %dma_start3A_531 = tpu.memref_slice %arg3[%dma_start3A_530, %mul3A_529] : memref<2x320000xi32, #tpu.memory_space<hbm>> -> memref<2x128xi32, #tpu.memory_space<hbm>>
      %dma_start3A_532 = arith.constant 0 : i32
      %dma_start3A_533 = tpu.memref_slice %arg3[%dma_start3A_532, %mul3A_529] : memref<2x320000xi32, #tpu.memory_space<hbm>> -> memref<2x128xi32, #tpu.memory_space<hbm>>
      tpu.enqueue_dma source(%dma_start3A_533 : memref<2x128xi32, #tpu.memory_space<hbm>>) target(%arg15 : memref<2x128xi32, #tpu.memory_space<vmem>>) target_semaphore(%arg16 : memref<!tpu.dma_semaphore, #tpu.memory_space<semaphore_mem>>)
    } else {
    }
    %add3A_19 = arith.constant 96 : i32
    %add3A_20 = arith.addi %add3A_19, %add3A : i32
    %lt3A_21 = arith.constant 2500 : i32
    %lt3A_22 = arith.cmpi slt, %add3A_20, %lt3A_21 : i32
    %convert_element_type3A_23 = arith.extui %lt3A_22 : i1 to i32
    %cond3A_24 = arith.constant 0 : i32
    %cond3A_25 = arith.cmpi ne, %convert_element_type3A_23, %cond3A_24 : i32
    scf.if %cond3A_25 {
      %mul3A_528 = arith.constant 128 : i32
      %mul3A_529 = arith.muli %add3A_20, %mul3A_528 : i32
      %dma_start3A_530 = arith.constant 0 : i32
      %dma_start3A_531 = tpu.memref_slice %arg3[%dma_start3A_530, %mul3A_529] : memref<2x320000xi32, #tpu.memory_space<hbm>> -> memref<2x128xi32, #tpu.memory_space<hbm>>
      %dma_start3A_532 = arith.constant 0 : i32
      %dma_start3A_533 = tpu.memref_slice %arg3[%dma_start3A_532, %mul3A_529] : memref<2x320000xi32, #tpu.memory_space<hbm>> -> memref<2x128xi32, #tpu.memory_space<hbm>>
      tpu.enqueue_dma source(%dma_start3A_533 : memref<2x128xi32, #tpu.memory_space<hbm>>) target(%arg17 : memref<2x128xi32, #tpu.memory_space<vmem>>) target_semaphore(%arg18 : memref<!tpu.dma_semaphore, #tpu.memory_space<semaphore_mem>>)
    } else {
    }
    "tpu.region"() ({
      %run_scoped3A = tpu.sem_alloc : memref<!tpu.dma_semaphore, #tpu.memory_space<semaphore_mem>>
      %dma_start3A_528 = arith.constant 0 : i32
      %dma_start3A_529 = arith.constant 0 : i32
      %dma_start3A_530 = tpu.memref_slice %arg4[%dma_start3A_528, %dma_start3A_529] : memref<10112x128xf32, #tpu.memory_space<hbm>> -> memref<128x128xf32, #tpu.memory_space<hbm>>
      %dma_start3A_531 = arith.constant 0 : i32
      %dma_start3A_532 = arith.constant 0 : i32
      %dma_start3A_533 = tpu.memref_slice %arg4[%dma_start3A_531, %dma_start3A_532] : memref<10112x128xf32, #tpu.memory_space<hbm>> -> memref<128x128xf32, #tpu.memory_space<hbm>>
      tpu.enqueue_dma source(%dma_start3A_533 : memref<128x128xf32, #tpu.memory_space<hbm>>) target(%arg7 : memref<128x128xf32, #tpu.memory_space<vmem>>) target_semaphore(%run_scoped3A : memref<!tpu.dma_semaphore, #tpu.memory_space<semaphore_mem>>)
      %dma_wait3A_534 = arith.constant 0 : i32
      %dma_wait3A_535 = arith.constant 0 : i32
      %dma_wait3A_536 = tpu.memref_slice %arg4[%dma_wait3A_534, %dma_wait3A_535] : memref<10112x128xf32, #tpu.memory_space<hbm>> -> memref<128x128xf32, #tpu.memory_space<hbm>>
      %dma_wait3A_537 = arith.constant 0 : i32
      %dma_wait3A_538 = arith.constant 0 : i32
      %dma_wait3A_539 = tpu.memref_slice %arg4[%dma_wait3A_537, %dma_wait3A_538] : memref<10112x128xf32, #tpu.memory_space<hbm>> -> memref<128x128xf32, #tpu.memory_space<hbm>>
      tpu.wait_dma2 semaphore(%run_scoped3A : memref<!tpu.dma_semaphore, #tpu.memory_space<semaphore_mem>>) src(%dma_wait3A_539 : memref<128x128xf32, #tpu.memory_space<hbm>>) dst(%arg7 : memref<128x128xf32, #tpu.memory_space<vmem>>)
      tpu.yield
    }) : () -> ()
    %mul3A_26 = arith.constant 632 : i32
    %mul3A_27 = arith.muli %arg1, %mul3A_26 : i32
    %add3A_28 = arith.constant 0 : i32
    %add3A_29 = arith.addi %mul3A_27, %add3A_28 : i32
    "tpu.region"() ({
      %run_scoped3A = tpu.sem_alloc : memref<!tpu.dma_semaphore, #tpu.memory_space<semaphore_mem>>
      %dma_start3A_528 = arith.constant 0 : i32
      %dma_start3A_529 = arith.constant 0 : i32
      %dma_start3A_530 = tpu.memref_slice %arg7[%dma_start3A_528, %dma_start3A_529] : memref<128x128xf32, #tpu.memory_space<vmem>> -> memref<128x128xf32, #tpu.memory_space<vmem>>
      %dma_start3A_531 = arith.constant 0 : i32
      %dma_start3A_532 = tpu.memref_slice %arg19[%add3A_29, %dma_start3A_531] : memref<10112x128xf32, #tpu.memory_space<vmem_shared>> -> memref<128x128xf32, #tpu.memory_space<vmem_shared>>
      %dma_start3A_533 = arith.constant 0 : i32
      %dma_start3A_534 = tpu.memref_slice %arg19[%add3A_29, %dma_start3A_533] : memref<10112x128xf32, #tpu.memory_space<vmem_shared>> -> memref<128x128xf32, #tpu.memory_space<vmem_shared>>
      %dma_start3A_535 = arith.constant 0 : i32
      %dma_start3A_536 = arith.constant 0 : i32
      %dma_start3A_537 = tpu.memref_slice %arg7[%dma_start3A_535, %dma_start3A_536] : memref<128x128xf32, #tpu.memory_space<vmem>> -> memref<128x128xf32, #tpu.memory_space<vmem>>
      tpu.enqueue_dma source(%dma_start3A_537 : memref<128x128xf32, #tpu.memory_space<vmem>>) target(%dma_start3A_534 : memref<128x128xf32, #tpu.memory_space<vmem_shared>>) target_semaphore(%run_scoped3A : memref<!tpu.dma_semaphore, #tpu.memory_space<semaphore_mem>>)
      %dma_wait3A_538 = arith.constant 0 : i32
      %dma_wait3A_539 = arith.constant 0 : i32
      %dma_wait3A_540 = tpu.memref_slice %arg7[%dma_wait3A_538, %dma_wait3A_539] : memref<128x128xf32, #tpu.memory_space<vmem>> -> memref<128x128xf32, #tpu.memory_space<vmem>>
      %dma_wait3A_541 = arith.constant 0 : i32
      %dma_wait3A_542 = tpu.memref_slice %arg19[%add3A_29, %dma_wait3A_541] : memref<10112x128xf32, #tpu.memory_space<vmem_shared>> -> memref<128x128xf32, #tpu.memory_space<vmem_shared>>
      %dma_wait3A_543 = arith.constant 0 : i32
      %dma_wait3A_544 = tpu.memref_slice %arg19[%add3A_29, %dma_wait3A_543] : memref<10112x128xf32, #tpu.memory_space<vmem_shared>> -> memref<128x128xf32, #tpu.memory_space<vmem_shared>>
      %dma_wait3A_545 = arith.constant 0 : i32
      %dma_wait3A_546 = arith.constant 0 : i32
      %dma_wait3A_547 = tpu.memref_slice %arg7[%dma_wait3A_545, %dma_wait3A_546] : memref<128x128xf32, #tpu.memory_space<vmem>> -> memref<128x128xf32, #tpu.memory_space<vmem>>
      tpu.wait_dma2 semaphore(%run_scoped3A : memref<!tpu.dma_semaphore, #tpu.memory_space<semaphore_mem>>) src(%dma_wait3A_547 : memref<128x128xf32, #tpu.memory_space<vmem>>) dst(%dma_wait3A_544 : memref<128x128xf32, #tpu.memory_space<vmem_shared>>)
      tpu.yield
    }) : () -> ()
    %mul3A_30 = arith.constant 632 : i32
    %mul3A_31 = arith.muli %arg1, %mul3A_30 : i32
    %add3A_32 = arith.constant 128 : i32
    %add3A_33 = arith.addi %mul3A_31, %add3A_32 : i32
    "tpu.region"() ({
      %run_scoped3A = tpu.sem_alloc : memref<!tpu.dma_semaphore, #tpu.memory_space<semaphore_mem>>
      %dma_start3A_528 = arith.constant 0 : i32
      %dma_start3A_529 = arith.constant 0 : i32
      %dma_start3A_530 = tpu.memref_slice %arg7[%dma_start3A_528, %dma_start3A_529] : memref<128x128xf32, #tpu.memory_space<vmem>> -> memref<128x128xf32, #tpu.memory_space<vmem>>
      %dma_start3A_531 = arith.constant 0 : i32
      %dma_start3A_532 = tpu.memref_slice %arg19[%add3A_33, %dma_start3A_531] : memref<10112x128xf32, #tpu.memory_space<vmem_shared>> -> memref<128x128xf32, #tpu.memory_space<vmem_shared>>
      %dma_start3A_533 = arith.constant 0 : i32
      %dma_start3A_534 = tpu.memref_slice %arg19[%add3A_33, %dma_start3A_533] : memref<10112x128xf32, #tpu.memory_space<vmem_shared>> -> memref<128x128xf32, #tpu.memory_space<vmem_shared>>
      %dma_start3A_535 = arith.constant 0 : i32
      %dma_start3A_536 = arith.constant 0 : i32
      %dma_start3A_537 = tpu.memref_slice %arg7[%dma_start3A_535, %dma_start3A_536] : memref<128x128xf32, #tpu.memory_space<vmem>> -> memref<128x128xf32, #tpu.memory_space<vmem>>
      tpu.enqueue_dma source(%dma_start3A_537 : memref<128x128xf32, #tpu.memory_space<vmem>>) target(%dma_start3A_534 : memref<128x128xf32, #tpu.memory_space<vmem_shared>>) target_semaphore(%run_scoped3A : memref<!tpu.dma_semaphore, #tpu.memory_space<semaphore_mem>>)
      %dma_wait3A_538 = arith.constant 0 : i32
      %dma_wait3A_539 = arith.constant 0 : i32
      %dma_wait3A_540 = tpu.memref_slice %arg7[%dma_wait3A_538, %dma_wait3A_539] : memref<128x128xf32, #tpu.memory_space<vmem>> -> memref<128x128xf32, #tpu.memory_space<vmem>>
      %dma_wait3A_541 = arith.constant 0 : i32
      %dma_wait3A_542 = tpu.memref_slice %arg19[%add3A_33, %dma_wait3A_541] : memref<10112x128xf32, #tpu.memory_space<vmem_shared>> -> memref<128x128xf32, #tpu.memory_space<vmem_shared>>
      %dma_wait3A_543 = arith.constant 0 : i32
      %dma_wait3A_544 = tpu.memref_slice %arg19[%add3A_33, %dma_wait3A_543] : memref<10112x128xf32, #tpu.memory_space<vmem_shared>> -> memref<128x128xf32, #tpu.memory_space<vmem_shared>>
      %dma_wait3A_545 = arith.constant 0 : i32
      %dma_wait3A_546 = arith.constant 0 : i32
      %dma_wait3A_547 = tpu.memref_slice %arg7[%dma_wait3A_545, %dma_wait3A_546] : memref<128x128xf32, #tpu.memory_space<vmem>> -> memref<128x128xf32, #tpu.memory_space<vmem>>
      tpu.wait_dma2 semaphore(%run_scoped3A : memref<!tpu.dma_semaphore, #tpu.memory_space<semaphore_mem>>) src(%dma_wait3A_547 : memref<128x128xf32, #tpu.memory_space<vmem>>) dst(%dma_wait3A_544 : memref<128x128xf32, #tpu.memory_space<vmem_shared>>)
      tpu.yield
    }) : () -> ()
    %mul3A_34 = arith.constant 632 : i32
    %mul3A_35 = arith.muli %arg1, %mul3A_34 : i32
    %add3A_36 = arith.constant 256 : i32
    %add3A_37 = arith.addi %mul3A_35, %add3A_36 : i32
    "tpu.region"() ({
      %run_scoped3A = tpu.sem_alloc : memref<!tpu.dma_semaphore, #tpu.memory_space<semaphore_mem>>
      %dma_start3A_528 = arith.constant 0 : i32
      %dma_start3A_529 = arith.constant 0 : i32
      %dma_start3A_530 = tpu.memref_slice %arg7[%dma_start3A_528, %dma_start3A_529] : memref<128x128xf32, #tpu.memory_space<vmem>> -> memref<128x128xf32, #tpu.memory_space<vmem>>
      %dma_start3A_531 = arith.constant 0 : i32
      %dma_start3A_532 = tpu.memref_slice %arg19[%add3A_37, %dma_start3A_531] : memref<10112x128xf32, #tpu.memory_space<vmem_shared>> -> memref<128x128xf32, #tpu.memory_space<vmem_shared>>
      %dma_start3A_533 = arith.constant 0 : i32
      %dma_start3A_534 = tpu.memref_slice %arg19[%add3A_37, %dma_start3A_533] : memref<10112x128xf32, #tpu.memory_space<vmem_shared>> -> memref<128x128xf32, #tpu.memory_space<vmem_shared>>
      %dma_start3A_535 = arith.constant 0 : i32
      %dma_start3A_536 = arith.constant 0 : i32
      %dma_start3A_537 = tpu.memref_slice %arg7[%dma_start3A_535, %dma_start3A_536] : memref<128x128xf32, #tpu.memory_space<vmem>> -> memref<128x128xf32, #tpu.memory_space<vmem>>
      tpu.enqueue_dma source(%dma_start3A_537 : memref<128x128xf32, #tpu.memory_space<vmem>>) target(%dma_start3A_534 : memref<128x128xf32, #tpu.memory_space<vmem_shared>>) target_semaphore(%run_scoped3A : memref<!tpu.dma_semaphore, #tpu.memory_space<semaphore_mem>>)
      %dma_wait3A_538 = arith.constant 0 : i32
      %dma_wait3A_539 = arith.constant 0 : i32
      %dma_wait3A_540 = tpu.memref_slice %arg7[%dma_wait3A_538, %dma_wait3A_539] : memref<128x128xf32, #tpu.memory_space<vmem>> -> memref<128x128xf32, #tpu.memory_space<vmem>>
      %dma_wait3A_541 = arith.constant 0 : i32
      %dma_wait3A_542 = tpu.memref_slice %arg19[%add3A_37, %dma_wait3A_541] : memref<10112x128xf32, #tpu.memory_space<vmem_shared>> -> memref<128x128xf32, #tpu.memory_space<vmem_shared>>
      %dma_wait3A_543 = arith.constant 0 : i32
      %dma_wait3A_544 = tpu.memref_slice %arg19[%add3A_37, %dma_wait3A_543] : memref<10112x128xf32, #tpu.memory_space<vmem_shared>> -> memref<128x128xf32, #tpu.memory_space<vmem_shared>>
      %dma_wait3A_545 = arith.constant 0 : i32
      %dma_wait3A_546 = arith.constant 0 : i32
      %dma_wait3A_547 = tpu.memref_slice %arg7[%dma_wait3A_545, %dma_wait3A_546] : memref<128x128xf32, #tpu.memory_space<vmem>> -> memref<128x128xf32, #tpu.memory_space<vmem>>
      tpu.wait_dma2 semaphore(%run_scoped3A : memref<!tpu.dma_semaphore, #tpu.memory_space<semaphore_mem>>) src(%dma_wait3A_547 : memref<128x128xf32, #tpu.memory_space<vmem>>) dst(%dma_wait3A_544 : memref<128x128xf32, #tpu.memory_space<vmem_shared>>)
      tpu.yield
    }) : () -> ()
    %mul3A_38 = arith.constant 632 : i32
    %mul3A_39 = arith.muli %arg1, %mul3A_38 : i32
    %add3A_40 = arith.constant 384 : i32
    %add3A_41 = arith.addi %mul3A_39, %add3A_40 : i32
    "tpu.region"() ({
      %run_scoped3A = tpu.sem_alloc : memref<!tpu.dma_semaphore, #tpu.memory_space<semaphore_mem>>
      %dma_start3A_528 = arith.constant 0 : i32
      %dma_start3A_529 = arith.constant 0 : i32
      %dma_start3A_530 = tpu.memref_slice %arg7[%dma_start3A_528, %dma_start3A_529] : memref<128x128xf32, #tpu.memory_space<vmem>> -> memref<128x128xf32, #tpu.memory_space<vmem>>
      %dma_start3A_531 = arith.constant 0 : i32
      %dma_start3A_532 = tpu.memref_slice %arg19[%add3A_41, %dma_start3A_531] : memref<10112x128xf32, #tpu.memory_space<vmem_shared>> -> memref<128x128xf32, #tpu.memory_space<vmem_shared>>
      %dma_start3A_533 = arith.constant 0 : i32
      %dma_start3A_534 = tpu.memref_slice %arg19[%add3A_41, %dma_start3A_533] : memref<10112x128xf32, #tpu.memory_space<vmem_shared>> -> memref<128x128xf32, #tpu.memory_space<vmem_shared>>
      %dma_start3A_535 = arith.constant 0 : i32
      %dma_start3A_536 = arith.constant 0 : i32
      %dma_start3A_537 = tpu.memref_slice %arg7[%dma_start3A_535, %dma_start3A_536] : memref<128x128xf32, #tpu.memory_space<vmem>> -> memref<128x128xf32, #tpu.memory_space<vmem>>
      tpu.enqueue_dma source(%dma_start3A_537 : memref<128x128xf32, #tpu.memory_space<vmem>>) target(%dma_start3A_534 : memref<128x128xf32, #tpu.memory_space<vmem_shared>>) target_semaphore(%run_scoped3A : memref<!tpu.dma_semaphore, #tpu.memory_space<semaphore_mem>>)
      %dma_wait3A_538 = arith.constant 0 : i32
      %dma_wait3A_539 = arith.constant 0 : i32
      %dma_wait3A_540 = tpu.memref_slice %arg7[%dma_wait3A_538, %dma_wait3A_539] : memref<128x128xf32, #tpu.memory_space<vmem>> -> memref<128x128xf32, #tpu.memory_space<vmem>>
      %dma_wait3A_541 = arith.constant 0 : i32
      %dma_wait3A_542 = tpu.memref_slice %arg19[%add3A_41, %dma_wait3A_541] : memref<10112x128xf32, #tpu.memory_space<vmem_shared>> -> memref<128x128xf32, #tpu.memory_space<vmem_shared>>
      %dma_wait3A_543 = arith.constant 0 : i32
      %dma_wait3A_544 = tpu.memref_slice %arg19[%add3A_41, %dma_wait3A_543] : memref<10112x128xf32, #tpu.memory_space<vmem_shared>> -> memref<128x128xf32, #tpu.memory_space<vmem_shared>>
      %dma_wait3A_545 = arith.constant 0 : i32
      %dma_wait3A_546 = arith.constant 0 : i32
      %dma_wait3A_547 = tpu.memref_slice %arg7[%dma_wait3A_545, %dma_wait3A_546] : memref<128x128xf32, #tpu.memory_space<vmem>> -> memref<128x128xf32, #tpu.memory_space<vmem>>
      tpu.wait_dma2 semaphore(%run_scoped3A : memref<!tpu.dma_semaphore, #tpu.memory_space<semaphore_mem>>) src(%dma_wait3A_547 : memref<128x128xf32, #tpu.memory_space<vmem>>) dst(%dma_wait3A_544 : memref<128x128xf32, #tpu.memory_space<vmem_shared>>)
      tpu.yield
    }) : () -> ()
    %mul3A_42 = arith.constant 632 : i32
    %mul3A_43 = arith.muli %arg1, %mul3A_42 : i32
    %add3A_44 = arith.constant 512 : i32
    %add3A_45 = arith.addi %mul3A_43, %add3A_44 : i32
    "tpu.region"() ({
      %run_scoped3A = tpu.sem_alloc : memref<!tpu.dma_semaphore, #tpu.memory_space<semaphore_mem>>
      %dma_start3A_528 = arith.constant 0 : i32
      %dma_start3A_529 = arith.constant 0 : i32
      %dma_start3A_530 = tpu.memref_slice %arg7[%dma_start3A_528, %dma_start3A_529] : memref<128x128xf32, #tpu.memory_space<vmem>> -> memref<120x128xf32, #tpu.memory_space<vmem>>
      %dma_start3A_531 = arith.constant 0 : i32
      %dma_start3A_532 = tpu.memref_slice %arg19[%add3A_45, %dma_start3A_531] : memref<10112x128xf32, #tpu.memory_space<vmem_shared>> -> memref<120x128xf32, #tpu.memory_space<vmem_shared>>
      %dma_start3A_533 = arith.constant 0 : i32
      %dma_start3A_534 = tpu.memref_slice %arg19[%add3A_45, %dma_start3A_533] : memref<10112x128xf32, #tpu.memory_space<vmem_shared>> -> memref<120x128xf32, #tpu.memory_space<vmem_shared>>
      %dma_start3A_535 = arith.constant 0 : i32
      %dma_start3A_536 = arith.constant 0 : i32
      %dma_start3A_537 = tpu.memref_slice %arg7[%dma_start3A_535, %dma_start3A_536] : memref<128x128xf32, #tpu.memory_space<vmem>> -> memref<120x128xf32, #tpu.memory_space<vmem>>
      tpu.enqueue_dma source(%dma_start3A_537 : memref<120x128xf32, #tpu.memory_space<vmem>>) target(%dma_start3A_534 : memref<120x128xf32, #tpu.memory_space<vmem_shared>>) target_semaphore(%run_scoped3A : memref<!tpu.dma_semaphore, #tpu.memory_space<semaphore_mem>>)
      %dma_wait3A_538 = arith.constant 0 : i32
      %dma_wait3A_539 = arith.constant 0 : i32
      %dma_wait3A_540 = tpu.memref_slice %arg7[%dma_wait3A_538, %dma_wait3A_539] : memref<128x128xf32, #tpu.memory_space<vmem>> -> memref<120x128xf32, #tpu.memory_space<vmem>>
      %dma_wait3A_541 = arith.constant 0 : i32
      %dma_wait3A_542 = tpu.memref_slice %arg19[%add3A_45, %dma_wait3A_541] : memref<10112x128xf32, #tpu.memory_space<vmem_shared>> -> memref<120x128xf32, #tpu.memory_space<vmem_shared>>
      %dma_wait3A_543 = arith.constant 0 : i32
      %dma_wait3A_544 = tpu.memref_slice %arg19[%add3A_45, %dma_wait3A_543] : memref<10112x128xf32, #tpu.memory_space<vmem_shared>> -> memref<120x128xf32, #tpu.memory_space<vmem_shared>>
      %dma_wait3A_545 = arith.constant 0 : i32
      %dma_wait3A_546 = arith.constant 0 : i32
      %dma_wait3A_547 = tpu.memref_slice %arg7[%dma_wait3A_545, %dma_wait3A_546] : memref<128x128xf32, #tpu.memory_space<vmem>> -> memref<120x128xf32, #tpu.memory_space<vmem>>
      tpu.wait_dma2 semaphore(%run_scoped3A : memref<!tpu.dma_semaphore, #tpu.memory_space<semaphore_mem>>) src(%dma_wait3A_547 : memref<120x128xf32, #tpu.memory_space<vmem>>) dst(%dma_wait3A_544 : memref<120x128xf32, #tpu.memory_space<vmem_shared>>)
      tpu.yield
    }) : () -> ()
    %broadcast_in_dim3A = arith.constant 1.000000e+00 : f32
    %broadcast_in_dim3A_46 = vector.broadcast %broadcast_in_dim3A : f32 to vector<16xf32>
    %swap3A = arith.constant 0 : index
    %swap3A_47 = tpu.vector_load %arg20[%swap3A] {strides = array<i32>} : memref<128xf32, #tpu.memory_space<vmem>>, vector<16xf32>,
    %swap3A_48 = vector.shape_cast %swap3A_47 : vector<16xf32> to vector<16xf32>
    %swap3A_49 = vector.shape_cast %broadcast_in_dim3A_46 : vector<16xf32> to vector<16xf32>
    tpu.vector_store %arg20[%swap3A], %swap3A_49 {strides = array<i32>} : memref<128xf32, #tpu.memory_space<vmem>>, vector<16xf32>,
    %broadcast_in_dim3A_50 = arith.constant 1.000000e+00 : f32
    %broadcast_in_dim3A_51 = vector.broadcast %broadcast_in_dim3A_50 : f32 to vector<16xf32>
    %swap3A_52 = arith.constant 16 : index
    %swap3A_53 = tpu.vector_load %arg20[%swap3A_52] {strides = array<i32>} : memref<128xf32, #tpu.memory_space<vmem>>, vector<16xf32>,
    %swap3A_54 = vector.shape_cast %swap3A_53 : vector<16xf32> to vector<16xf32>
    %swap3A_55 = vector.shape_cast %broadcast_in_dim3A_51 : vector<16xf32> to vector<16xf32>
    tpu.vector_store %arg20[%swap3A_52], %swap3A_55 {strides = array<i32>} : memref<128xf32, #tpu.memory_space<vmem>>, vector<16xf32>,
    %broadcast_in_dim3A_56 = arith.constant 1.000000e+00 : f32
    %broadcast_in_dim3A_57 = vector.broadcast %broadcast_in_dim3A_56 : f32 to vector<16xf32>
    %swap3A_58 = arith.constant 32 : index
    %swap3A_59 = tpu.vector_load %arg20[%swap3A_58] {strides = array<i32>} : memref<128xf32, #tpu.memory_space<vmem>>, vector<16xf32>,
    %swap3A_60 = vector.shape_cast %swap3A_59 : vector<16xf32> to vector<16xf32>
    %swap3A_61 = vector.shape_cast %broadcast_in_dim3A_57 : vector<16xf32> to vector<16xf32>
    tpu.vector_store %arg20[%swap3A_58], %swap3A_61 {strides = array<i32>} : memref<128xf32, #tpu.memory_space<vmem>>, vector<16xf32>,
    %broadcast_in_dim3A_62 = arith.constant 1.000000e+00 : f32
    %broadcast_in_dim3A_63 = vector.broadcast %broadcast_in_dim3A_62 : f32 to vector<16xf32>
    %swap3A_64 = arith.constant 48 : index
    %swap3A_65 = tpu.vector_load %arg20[%swap3A_64] {strides = array<i32>} : memref<128xf32, #tpu.memory_space<vmem>>, vector<16xf32>,
    %swap3A_66 = vector.shape_cast %swap3A_65 : vector<16xf32> to vector<16xf32>
    %swap3A_67 = vector.shape_cast %broadcast_in_dim3A_63 : vector<16xf32> to vector<16xf32>
    tpu.vector_store %arg20[%swap3A_64], %swap3A_67 {strides = array<i32>} : memref<128xf32, #tpu.memory_space<vmem>>, vector<16xf32>,
    %broadcast_in_dim3A_68 = arith.constant 1.000000e+00 : f32
    %broadcast_in_dim3A_69 = vector.broadcast %broadcast_in_dim3A_68 : f32 to vector<16xf32>
    %swap3A_70 = arith.constant 64 : index
    %swap3A_71 = tpu.vector_load %arg20[%swap3A_70] {strides = array<i32>} : memref<128xf32, #tpu.memory_space<vmem>>, vector<16xf32>,
    %swap3A_72 = vector.shape_cast %swap3A_71 : vector<16xf32> to vector<16xf32>
    %swap3A_73 = vector.shape_cast %broadcast_in_dim3A_69 : vector<16xf32> to vector<16xf32>
    tpu.vector_store %arg20[%swap3A_70], %swap3A_73 {strides = array<i32>} : memref<128xf32, #tpu.memory_space<vmem>>, vector<16xf32>,
    %broadcast_in_dim3A_74 = arith.constant 1.000000e+00 : f32
    %broadcast_in_dim3A_75 = vector.broadcast %broadcast_in_dim3A_74 : f32 to vector<16xf32>
    %swap3A_76 = arith.constant 80 : index
    %swap3A_77 = tpu.vector_load %arg20[%swap3A_76] {strides = array<i32>} : memref<128xf32, #tpu.memory_space<vmem>>, vector<16xf32>,
    %swap3A_78 = vector.shape_cast %swap3A_77 : vector<16xf32> to vector<16xf32>
    %swap3A_79 = vector.shape_cast %broadcast_in_dim3A_75 : vector<16xf32> to vector<16xf32>
    tpu.vector_store %arg20[%swap3A_76], %swap3A_79 {strides = array<i32>} : memref<128xf32, #tpu.memory_space<vmem>>, vector<16xf32>,
    %broadcast_in_dim3A_80 = arith.constant 1.000000e+00 : f32
    %broadcast_in_dim3A_81 = vector.broadcast %broadcast_in_dim3A_80 : f32 to vector<16xf32>
    %swap3A_82 = arith.constant 96 : index
    %swap3A_83 = tpu.vector_load %arg20[%swap3A_82] {strides = array<i32>} : memref<128xf32, #tpu.memory_space<vmem>>, vector<16xf32>,
    %swap3A_84 = vector.shape_cast %swap3A_83 : vector<16xf32> to vector<16xf32>
    %swap3A_85 = vector.shape_cast %broadcast_in_dim3A_81 : vector<16xf32> to vector<16xf32>
    tpu.vector_store %arg20[%swap3A_82], %swap3A_85 {strides = array<i32>} : memref<128xf32, #tpu.memory_space<vmem>>, vector<16xf32>,
    %broadcast_in_dim3A_86 = arith.constant 1.000000e+00 : f32
    %broadcast_in_dim3A_87 = vector.broadcast %broadcast_in_dim3A_86 : f32 to vector<16xf32>
    %swap3A_88 = arith.constant 112 : index
    %swap3A_89 = tpu.vector_load %arg20[%swap3A_88] {strides = array<i32>} : memref<128xf32, #tpu.memory_space<vmem>>, vector<16xf32>,
    %swap3A_90 = vector.shape_cast %swap3A_89 : vector<16xf32> to vector<16xf32>
    %swap3A_91 = vector.shape_cast %broadcast_in_dim3A_87 : vector<16xf32> to vector<16xf32>
    tpu.vector_store %arg20[%swap3A_88], %swap3A_91 {strides = array<i32>} : memref<128xf32, #tpu.memory_space<vmem>>, vector<16xf32>,
    %broadcast_in_dim3A_92 = arith.constant 0.000000e+00 : f32
    %broadcast_in_dim3A_93 = vector.broadcast %broadcast_in_dim3A_92 : f32 to vector<16xf32>
    %swap3A_94 = arith.constant 0 : index
    %swap3A_95 = tpu.vector_load %arg21[%swap3A_94] {strides = array<i32>} : memref<640xf32, #tpu.memory_space<vmem>>, vector<16xf32>,
    %swap3A_96 = vector.shape_cast %swap3A_95 : vector<16xf32> to vector<16xf32>
    %swap3A_97 = vector.shape_cast %broadcast_in_dim3A_93 : vector<16xf32> to vector<16xf32>
    tpu.vector_store %arg21[%swap3A_94], %swap3A_97 {strides = array<i32>} : memref<640xf32, #tpu.memory_space<vmem>>, vector<16xf32>,
    %broadcast_in_dim3A_98 = arith.constant 0.000000e+00 : f32
    %broadcast_in_dim3A_99 = vector.broadcast %broadcast_in_dim3A_98 : f32 to vector<16xf32>
    %swap3A_100 = arith.constant 16 : index
    %swap3A_101 = tpu.vector_load %arg21[%swap3A_100] {strides = array<i32>} : memref<640xf32, #tpu.memory_space<vmem>>, vector<16xf32>,
    %swap3A_102 = vector.shape_cast %swap3A_101 : vector<16xf32> to vector<16xf32>
    %swap3A_103 = vector.shape_cast %broadcast_in_dim3A_99 : vector<16xf32> to vector<16xf32>
    tpu.vector_store %arg21[%swap3A_100], %swap3A_103 {strides = array<i32>} : memref<640xf32, #tpu.memory_space<vmem>>, vector<16xf32>,
    %broadcast_in_dim3A_104 = arith.constant 0.000000e+00 : f32
    %broadcast_in_dim3A_105 = vector.broadcast %broadcast_in_dim3A_104 : f32 to vector<16xf32>
    %swap3A_106 = arith.constant 32 : index
    %swap3A_107 = tpu.vector_load %arg21[%swap3A_106] {strides = array<i32>} : memref<640xf32, #tpu.memory_space<vmem>>, vector<16xf32>,
    %swap3A_108 = vector.shape_cast %swap3A_107 : vector<16xf32> to vector<16xf32>
    %swap3A_109 = vector.shape_cast %broadcast_in_dim3A_105 : vector<16xf32> to vector<16xf32>
    tpu.vector_store %arg21[%swap3A_106], %swap3A_109 {strides = array<i32>} : memref<640xf32, #tpu.memory_space<vmem>>, vector<16xf32>,
    %broadcast_in_dim3A_110 = arith.constant 0.000000e+00 : f32
    %broadcast_in_dim3A_111 = vector.broadcast %broadcast_in_dim3A_110 : f32 to vector<16xf32>
    %swap3A_112 = arith.constant 48 : index
    %swap3A_113 = tpu.vector_load %arg21[%swap3A_112] {strides = array<i32>} : memref<640xf32, #tpu.memory_space<vmem>>, vector<16xf32>,
    %swap3A_114 = vector.shape_cast %swap3A_113 : vector<16xf32> to vector<16xf32>
    %swap3A_115 = vector.shape_cast %broadcast_in_dim3A_111 : vector<16xf32> to vector<16xf32>
    tpu.vector_store %arg21[%swap3A_112], %swap3A_115 {strides = array<i32>} : memref<640xf32, #tpu.memory_space<vmem>>, vector<16xf32>,
    %broadcast_in_dim3A_116 = arith.constant 0.000000e+00 : f32
    %broadcast_in_dim3A_117 = vector.broadcast %broadcast_in_dim3A_116 : f32 to vector<16xf32>
    %swap3A_118 = arith.constant 64 : index
    %swap3A_119 = tpu.vector_load %arg21[%swap3A_118] {strides = array<i32>} : memref<640xf32, #tpu.memory_space<vmem>>, vector<16xf32>,
    %swap3A_120 = vector.shape_cast %swap3A_119 : vector<16xf32> to vector<16xf32>
    %swap3A_121 = vector.shape_cast %broadcast_in_dim3A_117 : vector<16xf32> to vector<16xf32>
    tpu.vector_store %arg21[%swap3A_118], %swap3A_121 {strides = array<i32>} : memref<640xf32, #tpu.memory_space<vmem>>, vector<16xf32>,
    %broadcast_in_dim3A_122 = arith.constant 0.000000e+00 : f32
    %broadcast_in_dim3A_123 = vector.broadcast %broadcast_in_dim3A_122 : f32 to vector<16xf32>
    %swap3A_124 = arith.constant 80 : index
    %swap3A_125 = tpu.vector_load %arg21[%swap3A_124] {strides = array<i32>} : memref<640xf32, #tpu.memory_space<vmem>>, vector<16xf32>,
    %swap3A_126 = vector.shape_cast %swap3A_125 : vector<16xf32> to vector<16xf32>
    %swap3A_127 = vector.shape_cast %broadcast_in_dim3A_123 : vector<16xf32> to vector<16xf32>
    tpu.vector_store %arg21[%swap3A_124], %swap3A_127 {strides = array<i32>} : memref<640xf32, #tpu.memory_space<vmem>>, vector<16xf32>,
    %broadcast_in_dim3A_128 = arith.constant 0.000000e+00 : f32
    %broadcast_in_dim3A_129 = vector.broadcast %broadcast_in_dim3A_128 : f32 to vector<16xf32>
    %swap3A_130 = arith.constant 96 : index
    %swap3A_131 = tpu.vector_load %arg21[%swap3A_130] {strides = array<i32>} : memref<640xf32, #tpu.memory_space<vmem>>, vector<16xf32>,
    %swap3A_132 = vector.shape_cast %swap3A_131 : vector<16xf32> to vector<16xf32>
    %swap3A_133 = vector.shape_cast %broadcast_in_dim3A_129 : vector<16xf32> to vector<16xf32>
    tpu.vector_store %arg21[%swap3A_130], %swap3A_133 {strides = array<i32>} : memref<640xf32, #tpu.memory_space<vmem>>, vector<16xf32>,
    %broadcast_in_dim3A_134 = arith.constant 0.000000e+00 : f32
    %broadcast_in_dim3A_135 = vector.broadcast %broadcast_in_dim3A_134 : f32 to vector<16xf32>
    %swap3A_136 = arith.constant 112 : index
    %swap3A_137 = tpu.vector_load %arg21[%swap3A_136] {strides = array<i32>} : memref<640xf32, #tpu.memory_space<vmem>>, vector<16xf32>,
    %swap3A_138 = vector.shape_cast %swap3A_137 : vector<16xf32> to vector<16xf32>
    %swap3A_139 = vector.shape_cast %broadcast_in_dim3A_135 : vector<16xf32> to vector<16xf32>
    tpu.vector_store %arg21[%swap3A_136], %swap3A_139 {strides = array<i32>} : memref<640xf32, #tpu.memory_space<vmem>>, vector<16xf32>,
    %broadcast_in_dim3A_140 = arith.constant 0.000000e+00 : f32
    %broadcast_in_dim3A_141 = vector.broadcast %broadcast_in_dim3A_140 : f32 to vector<16xf32>
    %swap3A_142 = arith.constant 128 : index
    %swap3A_143 = tpu.vector_load %arg21[%swap3A_142] {strides = array<i32>} : memref<640xf32, #tpu.memory_space<vmem>>, vector<16xf32>,
    %swap3A_144 = vector.shape_cast %swap3A_143 : vector<16xf32> to vector<16xf32>
    %swap3A_145 = vector.shape_cast %broadcast_in_dim3A_141 : vector<16xf32> to vector<16xf32>
    tpu.vector_store %arg21[%swap3A_142], %swap3A_145 {strides = array<i32>} : memref<640xf32, #tpu.memory_space<vmem>>, vector<16xf32>,
    %broadcast_in_dim3A_146 = arith.constant 0.000000e+00 : f32
    %broadcast_in_dim3A_147 = vector.broadcast %broadcast_in_dim3A_146 : f32 to vector<16xf32>
    %swap3A_148 = arith.constant 144 : index
    %swap3A_149 = tpu.vector_load %arg21[%swap3A_148] {strides = array<i32>} : memref<640xf32, #tpu.memory_space<vmem>>, vector<16xf32>,
    %swap3A_150 = vector.shape_cast %swap3A_149 : vector<16xf32> to vector<16xf32>
    %swap3A_151 = vector.shape_cast %broadcast_in_dim3A_147 : vector<16xf32> to vector<16xf32>
    tpu.vector_store %arg21[%swap3A_148], %swap3A_151 {strides = array<i32>} : memref<640xf32, #tpu.memory_space<vmem>>, vector<16xf32>,
    %broadcast_in_dim3A_152 = arith.constant 0.000000e+00 : f32
    %broadcast_in_dim3A_153 = vector.broadcast %broadcast_in_dim3A_152 : f32 to vector<16xf32>
    %swap3A_154 = arith.constant 160 : index
    %swap3A_155 = tpu.vector_load %arg21[%swap3A_154] {strides = array<i32>} : memref<640xf32, #tpu.memory_space<vmem>>, vector<16xf32>,
    %swap3A_156 = vector.shape_cast %swap3A_155 : vector<16xf32> to vector<16xf32>
    %swap3A_157 = vector.shape_cast %broadcast_in_dim3A_153 : vector<16xf32> to vector<16xf32>
    tpu.vector_store %arg21[%swap3A_154], %swap3A_157 {strides = array<i32>} : memref<640xf32, #tpu.memory_space<vmem>>, vector<16xf32>,
    %broadcast_in_dim3A_158 = arith.constant 0.000000e+00 : f32
    %broadcast_in_dim3A_159 = vector.broadcast %broadcast_in_dim3A_158 : f32 to vector<16xf32>
    %swap3A_160 = arith.constant 176 : index
    %swap3A_161 = tpu.vector_load %arg21[%swap3A_160] {strides = array<i32>} : memref<640xf32, #tpu.memory_space<vmem>>, vector<16xf32>,
    %swap3A_162 = vector.shape_cast %swap3A_161 : vector<16xf32> to vector<16xf32>
    %swap3A_163 = vector.shape_cast %broadcast_in_dim3A_159 : vector<16xf32> to vector<16xf32>
    tpu.vector_store %arg21[%swap3A_160], %swap3A_163 {strides = array<i32>} : memref<640xf32, #tpu.memory_space<vmem>>, vector<16xf32>,
    %broadcast_in_dim3A_164 = arith.constant 0.000000e+00 : f32
    %broadcast_in_dim3A_165 = vector.broadcast %broadcast_in_dim3A_164 : f32 to vector<16xf32>
    %swap3A_166 = arith.constant 192 : index
    %swap3A_167 = tpu.vector_load %arg21[%swap3A_166] {strides = array<i32>} : memref<640xf32, #tpu.memory_space<vmem>>, vector<16xf32>,
    %swap3A_168 = vector.shape_cast %swap3A_167 : vector<16xf32> to vector<16xf32>
    %swap3A_169 = vector.shape_cast %broadcast_in_dim3A_165 : vector<16xf32> to vector<16xf32>
    tpu.vector_store %arg21[%swap3A_166], %swap3A_169 {strides = array<i32>} : memref<640xf32, #tpu.memory_space<vmem>>, vector<16xf32>,
    %broadcast_in_dim3A_170 = arith.constant 0.000000e+00 : f32
    %broadcast_in_dim3A_171 = vector.broadcast %broadcast_in_dim3A_170 : f32 to vector<16xf32>
    %swap3A_172 = arith.constant 208 : index
    %swap3A_173 = tpu.vector_load %arg21[%swap3A_172] {strides = array<i32>} : memref<640xf32, #tpu.memory_space<vmem>>, vector<16xf32>,
    %swap3A_174 = vector.shape_cast %swap3A_173 : vector<16xf32> to vector<16xf32>
    %swap3A_175 = vector.shape_cast %broadcast_in_dim3A_171 : vector<16xf32> to vector<16xf32>
    tpu.vector_store %arg21[%swap3A_172], %swap3A_175 {strides = array<i32>} : memref<640xf32, #tpu.memory_space<vmem>>, vector<16xf32>,
    %broadcast_in_dim3A_176 = arith.constant 0.000000e+00 : f32
    %broadcast_in_dim3A_177 = vector.broadcast %broadcast_in_dim3A_176 : f32 to vector<16xf32>
    %swap3A_178 = arith.constant 224 : index
    %swap3A_179 = tpu.vector_load %arg21[%swap3A_178] {strides = array<i32>} : memref<640xf32, #tpu.memory_space<vmem>>, vector<16xf32>,
    %swap3A_180 = vector.shape_cast %swap3A_179 : vector<16xf32> to vector<16xf32>
    %swap3A_181 = vector.shape_cast %broadcast_in_dim3A_177 : vector<16xf32> to vector<16xf32>
    tpu.vector_store %arg21[%swap3A_178], %swap3A_181 {strides = array<i32>} : memref<640xf32, #tpu.memory_space<vmem>>, vector<16xf32>,
    %broadcast_in_dim3A_182 = arith.constant 0.000000e+00 : f32
    %broadcast_in_dim3A_183 = vector.broadcast %broadcast_in_dim3A_182 : f32 to vector<16xf32>
    %swap3A_184 = arith.constant 240 : index
    %swap3A_185 = tpu.vector_load %arg21[%swap3A_184] {strides = array<i32>} : memref<640xf32, #tpu.memory_space<vmem>>, vector<16xf32>,
    %swap3A_186 = vector.shape_cast %swap3A_185 : vector<16xf32> to vector<16xf32>
    %swap3A_187 = vector.shape_cast %broadcast_in_dim3A_183 : vector<16xf32> to vector<16xf32>
    tpu.vector_store %arg21[%swap3A_184], %swap3A_187 {strides = array<i32>} : memref<640xf32, #tpu.memory_space<vmem>>, vector<16xf32>,
    %broadcast_in_dim3A_188 = arith.constant 0.000000e+00 : f32
    %broadcast_in_dim3A_189 = vector.broadcast %broadcast_in_dim3A_188 : f32 to vector<16xf32>
    %swap3A_190 = arith.constant 256 : index
    %swap3A_191 = tpu.vector_load %arg21[%swap3A_190] {strides = array<i32>} : memref<640xf32, #tpu.memory_space<vmem>>, vector<16xf32>,
    %swap3A_192 = vector.shape_cast %swap3A_191 : vector<16xf32> to vector<16xf32>
    %swap3A_193 = vector.shape_cast %broadcast_in_dim3A_189 : vector<16xf32> to vector<16xf32>
    tpu.vector_store %arg21[%swap3A_190], %swap3A_193 {strides = array<i32>} : memref<640xf32, #tpu.memory_space<vmem>>, vector<16xf32>,
    %broadcast_in_dim3A_194 = arith.constant 0.000000e+00 : f32
    %broadcast_in_dim3A_195 = vector.broadcast %broadcast_in_dim3A_194 : f32 to vector<16xf32>
    %swap3A_196 = arith.constant 272 : index
    %swap3A_197 = tpu.vector_load %arg21[%swap3A_196] {strides = array<i32>} : memref<640xf32, #tpu.memory_space<vmem>>, vector<16xf32>,
    %swap3A_198 = vector.shape_cast %swap3A_197 : vector<16xf32> to vector<16xf32>
    %swap3A_199 = vector.shape_cast %broadcast_in_dim3A_195 : vector<16xf32> to vector<16xf32>
    tpu.vector_store %arg21[%swap3A_196], %swap3A_199 {strides = array<i32>} : memref<640xf32, #tpu.memory_space<vmem>>, vector<16xf32>,
    %broadcast_in_dim3A_200 = arith.constant 0.000000e+00 : f32
    %broadcast_in_dim3A_201 = vector.broadcast %broadcast_in_dim3A_200 : f32 to vector<16xf32>
    %swap3A_202 = arith.constant 288 : index
    %swap3A_203 = tpu.vector_load %arg21[%swap3A_202] {strides = array<i32>} : memref<640xf32, #tpu.memory_space<vmem>>, vector<16xf32>,
    %swap3A_204 = vector.shape_cast %swap3A_203 : vector<16xf32> to vector<16xf32>
    %swap3A_205 = vector.shape_cast %broadcast_in_dim3A_201 : vector<16xf32> to vector<16xf32>
    tpu.vector_store %arg21[%swap3A_202], %swap3A_205 {strides = array<i32>} : memref<640xf32, #tpu.memory_space<vmem>>, vector<16xf32>,
    %broadcast_in_dim3A_206 = arith.constant 0.000000e+00 : f32
    %broadcast_in_dim3A_207 = vector.broadcast %broadcast_in_dim3A_206 : f32 to vector<16xf32>
    %swap3A_208 = arith.constant 304 : index
    %swap3A_209 = tpu.vector_load %arg21[%swap3A_208] {strides = array<i32>} : memref<640xf32, #tpu.memory_space<vmem>>, vector<16xf32>,
    %swap3A_210 = vector.shape_cast %swap3A_209 : vector<16xf32> to vector<16xf32>
    %swap3A_211 = vector.shape_cast %broadcast_in_dim3A_207 : vector<16xf32> to vector<16xf32>
    tpu.vector_store %arg21[%swap3A_208], %swap3A_211 {strides = array<i32>} : memref<640xf32, #tpu.memory_space<vmem>>, vector<16xf32>,
    %broadcast_in_dim3A_212 = arith.constant 0.000000e+00 : f32
    %broadcast_in_dim3A_213 = vector.broadcast %broadcast_in_dim3A_212 : f32 to vector<16xf32>
    %swap3A_214 = arith.constant 320 : index
    %swap3A_215 = tpu.vector_load %arg21[%swap3A_214] {strides = array<i32>} : memref<640xf32, #tpu.memory_space<vmem>>, vector<16xf32>,
    %swap3A_216 = vector.shape_cast %swap3A_215 : vector<16xf32> to vector<16xf32>
    %swap3A_217 = vector.shape_cast %broadcast_in_dim3A_213 : vector<16xf32> to vector<16xf32>
    tpu.vector_store %arg21[%swap3A_214], %swap3A_217 {strides = array<i32>} : memref<640xf32, #tpu.memory_space<vmem>>, vector<16xf32>,
    %broadcast_in_dim3A_218 = arith.constant 0.000000e+00 : f32
    %broadcast_in_dim3A_219 = vector.broadcast %broadcast_in_dim3A_218 : f32 to vector<16xf32>
    %swap3A_220 = arith.constant 336 : index
    %swap3A_221 = tpu.vector_load %arg21[%swap3A_220] {strides = array<i32>} : memref<640xf32, #tpu.memory_space<vmem>>, vector<16xf32>,
    %swap3A_222 = vector.shape_cast %swap3A_221 : vector<16xf32> to vector<16xf32>
    %swap3A_223 = vector.shape_cast %broadcast_in_dim3A_219 : vector<16xf32> to vector<16xf32>
    tpu.vector_store %arg21[%swap3A_220], %swap3A_223 {strides = array<i32>} : memref<640xf32, #tpu.memory_space<vmem>>, vector<16xf32>,
    %broadcast_in_dim3A_224 = arith.constant 0.000000e+00 : f32
    %broadcast_in_dim3A_225 = vector.broadcast %broadcast_in_dim3A_224 : f32 to vector<16xf32>
    %swap3A_226 = arith.constant 352 : index
    %swap3A_227 = tpu.vector_load %arg21[%swap3A_226] {strides = array<i32>} : memref<640xf32, #tpu.memory_space<vmem>>, vector<16xf32>,
    %swap3A_228 = vector.shape_cast %swap3A_227 : vector<16xf32> to vector<16xf32>
    %swap3A_229 = vector.shape_cast %broadcast_in_dim3A_225 : vector<16xf32> to vector<16xf32>
    tpu.vector_store %arg21[%swap3A_226], %swap3A_229 {strides = array<i32>} : memref<640xf32, #tpu.memory_space<vmem>>, vector<16xf32>,
    %broadcast_in_dim3A_230 = arith.constant 0.000000e+00 : f32
    %broadcast_in_dim3A_231 = vector.broadcast %broadcast_in_dim3A_230 : f32 to vector<16xf32>
    %swap3A_232 = arith.constant 368 : index
    %swap3A_233 = tpu.vector_load %arg21[%swap3A_232] {strides = array<i32>} : memref<640xf32, #tpu.memory_space<vmem>>, vector<16xf32>,
    %swap3A_234 = vector.shape_cast %swap3A_233 : vector<16xf32> to vector<16xf32>
    %swap3A_235 = vector.shape_cast %broadcast_in_dim3A_231 : vector<16xf32> to vector<16xf32>
    tpu.vector_store %arg21[%swap3A_232], %swap3A_235 {strides = array<i32>} : memref<640xf32, #tpu.memory_space<vmem>>, vector<16xf32>,
    %broadcast_in_dim3A_236 = arith.constant 0.000000e+00 : f32
    %broadcast_in_dim3A_237 = vector.broadcast %broadcast_in_dim3A_236 : f32 to vector<16xf32>
    %swap3A_238 = arith.constant 384 : index
    %swap3A_239 = tpu.vector_load %arg21[%swap3A_238] {strides = array<i32>} : memref<640xf32, #tpu.memory_space<vmem>>, vector<16xf32>,
    %swap3A_240 = vector.shape_cast %swap3A_239 : vector<16xf32> to vector<16xf32>
    %swap3A_241 = vector.shape_cast %broadcast_in_dim3A_237 : vector<16xf32> to vector<16xf32>
    tpu.vector_store %arg21[%swap3A_238], %swap3A_241 {strides = array<i32>} : memref<640xf32, #tpu.memory_space<vmem>>, vector<16xf32>,
    %broadcast_in_dim3A_242 = arith.constant 0.000000e+00 : f32
    %broadcast_in_dim3A_243 = vector.broadcast %broadcast_in_dim3A_242 : f32 to vector<16xf32>
    %swap3A_244 = arith.constant 400 : index
    %swap3A_245 = tpu.vector_load %arg21[%swap3A_244] {strides = array<i32>} : memref<640xf32, #tpu.memory_space<vmem>>, vector<16xf32>,
    %swap3A_246 = vector.shape_cast %swap3A_245 : vector<16xf32> to vector<16xf32>
    %swap3A_247 = vector.shape_cast %broadcast_in_dim3A_243 : vector<16xf32> to vector<16xf32>
    tpu.vector_store %arg21[%swap3A_244], %swap3A_247 {strides = array<i32>} : memref<640xf32, #tpu.memory_space<vmem>>, vector<16xf32>,
    %broadcast_in_dim3A_248 = arith.constant 0.000000e+00 : f32
    %broadcast_in_dim3A_249 = vector.broadcast %broadcast_in_dim3A_248 : f32 to vector<16xf32>
    %swap3A_250 = arith.constant 416 : index
    %swap3A_251 = tpu.vector_load %arg21[%swap3A_250] {strides = array<i32>} : memref<640xf32, #tpu.memory_space<vmem>>, vector<16xf32>,
    %swap3A_252 = vector.shape_cast %swap3A_251 : vector<16xf32> to vector<16xf32>
    %swap3A_253 = vector.shape_cast %broadcast_in_dim3A_249 : vector<16xf32> to vector<16xf32>
    tpu.vector_store %arg21[%swap3A_250], %swap3A_253 {strides = array<i32>} : memref<640xf32, #tpu.memory_space<vmem>>, vector<16xf32>,
    %broadcast_in_dim3A_254 = arith.constant 0.000000e+00 : f32
    %broadcast_in_dim3A_255 = vector.broadcast %broadcast_in_dim3A_254 : f32 to vector<16xf32>
    %swap3A_256 = arith.constant 432 : index
    %swap3A_257 = tpu.vector_load %arg21[%swap3A_256] {strides = array<i32>} : memref<640xf32, #tpu.memory_space<vmem>>, vector<16xf32>,
    %swap3A_258 = vector.shape_cast %swap3A_257 : vector<16xf32> to vector<16xf32>
    %swap3A_259 = vector.shape_cast %broadcast_in_dim3A_255 : vector<16xf32> to vector<16xf32>
    tpu.vector_store %arg21[%swap3A_256], %swap3A_259 {strides = array<i32>} : memref<640xf32, #tpu.memory_space<vmem>>, vector<16xf32>,
    %broadcast_in_dim3A_260 = arith.constant 0.000000e+00 : f32
    %broadcast_in_dim3A_261 = vector.broadcast %broadcast_in_dim3A_260 : f32 to vector<16xf32>
    %swap3A_262 = arith.constant 448 : index
    %swap3A_263 = tpu.vector_load %arg21[%swap3A_262] {strides = array<i32>} : memref<640xf32, #tpu.memory_space<vmem>>, vector<16xf32>,
    %swap3A_264 = vector.shape_cast %swap3A_263 : vector<16xf32> to vector<16xf32>
    %swap3A_265 = vector.shape_cast %broadcast_in_dim3A_261 : vector<16xf32> to vector<16xf32>
    tpu.vector_store %arg21[%swap3A_262], %swap3A_265 {strides = array<i32>} : memref<640xf32, #tpu.memory_space<vmem>>, vector<16xf32>,
    %broadcast_in_dim3A_266 = arith.constant 0.000000e+00 : f32
    %broadcast_in_dim3A_267 = vector.broadcast %broadcast_in_dim3A_266 : f32 to vector<16xf32>
    %swap3A_268 = arith.constant 464 : index
    %swap3A_269 = tpu.vector_load %arg21[%swap3A_268] {strides = array<i32>} : memref<640xf32, #tpu.memory_space<vmem>>, vector<16xf32>,
    %swap3A_270 = vector.shape_cast %swap3A_269 : vector<16xf32> to vector<16xf32>
    %swap3A_271 = vector.shape_cast %broadcast_in_dim3A_267 : vector<16xf32> to vector<16xf32>
    tpu.vector_store %arg21[%swap3A_268], %swap3A_271 {strides = array<i32>} : memref<640xf32, #tpu.memory_space<vmem>>, vector<16xf32>,
    %broadcast_in_dim3A_272 = arith.constant 0.000000e+00 : f32
    %broadcast_in_dim3A_273 = vector.broadcast %broadcast_in_dim3A_272 : f32 to vector<16xf32>
    %swap3A_274 = arith.constant 480 : index
    %swap3A_275 = tpu.vector_load %arg21[%swap3A_274] {strides = array<i32>} : memref<640xf32, #tpu.memory_space<vmem>>, vector<16xf32>,
    %swap3A_276 = vector.shape_cast %swap3A_275 : vector<16xf32> to vector<16xf32>
    %swap3A_277 = vector.shape_cast %broadcast_in_dim3A_273 : vector<16xf32> to vector<16xf32>
    tpu.vector_store %arg21[%swap3A_274], %swap3A_277 {strides = array<i32>} : memref<640xf32, #tpu.memory_space<vmem>>, vector<16xf32>,
    %broadcast_in_dim3A_278 = arith.constant 0.000000e+00 : f32
    %broadcast_in_dim3A_279 = vector.broadcast %broadcast_in_dim3A_278 : f32 to vector<16xf32>
    %swap3A_280 = arith.constant 496 : index
    %swap3A_281 = tpu.vector_load %arg21[%swap3A_280] {strides = array<i32>} : memref<640xf32, #tpu.memory_space<vmem>>, vector<16xf32>,
    %swap3A_282 = vector.shape_cast %swap3A_281 : vector<16xf32> to vector<16xf32>
    %swap3A_283 = vector.shape_cast %broadcast_in_dim3A_279 : vector<16xf32> to vector<16xf32>
    tpu.vector_store %arg21[%swap3A_280], %swap3A_283 {strides = array<i32>} : memref<640xf32, #tpu.memory_space<vmem>>, vector<16xf32>,
    %broadcast_in_dim3A_284 = arith.constant 0.000000e+00 : f32
    %broadcast_in_dim3A_285 = vector.broadcast %broadcast_in_dim3A_284 : f32 to vector<16xf32>
    %swap3A_286 = arith.constant 512 : index
    %swap3A_287 = tpu.vector_load %arg21[%swap3A_286] {strides = array<i32>} : memref<640xf32, #tpu.memory_space<vmem>>, vector<16xf32>,
    %swap3A_288 = vector.shape_cast %swap3A_287 : vector<16xf32> to vector<16xf32>
    %swap3A_289 = vector.shape_cast %broadcast_in_dim3A_285 : vector<16xf32> to vector<16xf32>
    tpu.vector_store %arg21[%swap3A_286], %swap3A_289 {strides = array<i32>} : memref<640xf32, #tpu.memory_space<vmem>>, vector<16xf32>,
    %broadcast_in_dim3A_290 = arith.constant 0.000000e+00 : f32
    %broadcast_in_dim3A_291 = vector.broadcast %broadcast_in_dim3A_290 : f32 to vector<16xf32>
    %swap3A_292 = arith.constant 528 : index
    %swap3A_293 = tpu.vector_load %arg21[%swap3A_292] {strides = array<i32>} : memref<640xf32, #tpu.memory_space<vmem>>, vector<16xf32>,
    %swap3A_294 = vector.shape_cast %swap3A_293 : vector<16xf32> to vector<16xf32>
    %swap3A_295 = vector.shape_cast %broadcast_in_dim3A_291 : vector<16xf32> to vector<16xf32>
    tpu.vector_store %arg21[%swap3A_292], %swap3A_295 {strides = array<i32>} : memref<640xf32, #tpu.memory_space<vmem>>, vector<16xf32>,
    %broadcast_in_dim3A_296 = arith.constant 0.000000e+00 : f32
    %broadcast_in_dim3A_297 = vector.broadcast %broadcast_in_dim3A_296 : f32 to vector<16xf32>
    %swap3A_298 = arith.constant 544 : index
    %swap3A_299 = tpu.vector_load %arg21[%swap3A_298] {strides = array<i32>} : memref<640xf32, #tpu.memory_space<vmem>>, vector<16xf32>,
    %swap3A_300 = vector.shape_cast %swap3A_299 : vector<16xf32> to vector<16xf32>
    %swap3A_301 = vector.shape_cast %broadcast_in_dim3A_297 : vector<16xf32> to vector<16xf32>
    tpu.vector_store %arg21[%swap3A_298], %swap3A_301 {strides = array<i32>} : memref<640xf32, #tpu.memory_space<vmem>>, vector<16xf32>,
    %broadcast_in_dim3A_302 = arith.constant 0.000000e+00 : f32
    %broadcast_in_dim3A_303 = vector.broadcast %broadcast_in_dim3A_302 : f32 to vector<16xf32>
    %swap3A_304 = arith.constant 560 : index
    %swap3A_305 = tpu.vector_load %arg21[%swap3A_304] {strides = array<i32>} : memref<640xf32, #tpu.memory_space<vmem>>, vector<16xf32>,
    %swap3A_306 = vector.shape_cast %swap3A_305 : vector<16xf32> to vector<16xf32>
    %swap3A_307 = vector.shape_cast %broadcast_in_dim3A_303 : vector<16xf32> to vector<16xf32>
    tpu.vector_store %arg21[%swap3A_304], %swap3A_307 {strides = array<i32>} : memref<640xf32, #tpu.memory_space<vmem>>, vector<16xf32>,
    %broadcast_in_dim3A_308 = arith.constant 0.000000e+00 : f32
    %broadcast_in_dim3A_309 = vector.broadcast %broadcast_in_dim3A_308 : f32 to vector<16xf32>
    %swap3A_310 = arith.constant 576 : index
    %swap3A_311 = tpu.vector_load %arg21[%swap3A_310] {strides = array<i32>} : memref<640xf32, #tpu.memory_space<vmem>>, vector<16xf32>,
    %swap3A_312 = vector.shape_cast %swap3A_311 : vector<16xf32> to vector<16xf32>
    %swap3A_313 = vector.shape_cast %broadcast_in_dim3A_309 : vector<16xf32> to vector<16xf32>
    tpu.vector_store %arg21[%swap3A_310], %swap3A_313 {strides = array<i32>} : memref<640xf32, #tpu.memory_space<vmem>>, vector<16xf32>,
    %broadcast_in_dim3A_314 = arith.constant 0.000000e+00 : f32
    %broadcast_in_dim3A_315 = vector.broadcast %broadcast_in_dim3A_314 : f32 to vector<16xf32>
    %swap3A_316 = arith.constant 592 : index
    %swap3A_317 = tpu.vector_load %arg21[%swap3A_316] {strides = array<i32>} : memref<640xf32, #tpu.memory_space<vmem>>, vector<16xf32>,
    %swap3A_318 = vector.shape_cast %swap3A_317 : vector<16xf32> to vector<16xf32>
    %swap3A_319 = vector.shape_cast %broadcast_in_dim3A_315 : vector<16xf32> to vector<16xf32>
    tpu.vector_store %arg21[%swap3A_316], %swap3A_319 {strides = array<i32>} : memref<640xf32, #tpu.memory_space<vmem>>, vector<16xf32>,
    %broadcast_in_dim3A_320 = arith.constant 0.000000e+00 : f32
    %broadcast_in_dim3A_321 = vector.broadcast %broadcast_in_dim3A_320 : f32 to vector<16xf32>
    %swap3A_322 = arith.constant 608 : index
    %swap3A_323 = tpu.vector_load %arg21[%swap3A_322] {strides = array<i32>} : memref<640xf32, #tpu.memory_space<vmem>>, vector<16xf32>,
    %swap3A_324 = vector.shape_cast %swap3A_323 : vector<16xf32> to vector<16xf32>
    %swap3A_325 = vector.shape_cast %broadcast_in_dim3A_321 : vector<16xf32> to vector<16xf32>
    tpu.vector_store %arg21[%swap3A_322], %swap3A_325 {strides = array<i32>} : memref<640xf32, #tpu.memory_space<vmem>>, vector<16xf32>,
    %broadcast_in_dim3A_326 = arith.constant 0.000000e+00 : f32
    %broadcast_in_dim3A_327 = vector.broadcast %broadcast_in_dim3A_326 : f32 to vector<16xf32>
    %swap3A_328 = arith.constant 624 : index
    %swap3A_329 = tpu.vector_load %arg21[%swap3A_328] {strides = array<i32>} : memref<640xf32, #tpu.memory_space<vmem>>, vector<16xf32>,
    %swap3A_330 = vector.shape_cast %swap3A_329 : vector<16xf32> to vector<16xf32>
    %swap3A_331 = vector.shape_cast %broadcast_in_dim3A_327 : vector<16xf32> to vector<16xf32>
    tpu.vector_store %arg21[%swap3A_328], %swap3A_331 {strides = array<i32>} : memref<640xf32, #tpu.memory_space<vmem>>, vector<16xf32>,
    %mul3A_332 = arith.constant 632 : i32
    %mul3A_333 = arith.muli %arg1, %mul3A_332 : i32
    "tpu.region"() ({
      %run_scoped3A = tpu.sem_alloc : memref<!tpu.dma_semaphore, #tpu.memory_space<semaphore_mem>>
      %dma_start3A_528 = arith.constant 0 : i32
      %dma_start3A_529 = tpu.memref_slice %arg21[%dma_start3A_528] : memref<640xf32, #tpu.memory_space<vmem>> -> memref<632xf32, #tpu.memory_space<vmem>>
      %dma_start3A_530 = tpu.memref_slice %arg22[%mul3A_333] : memref<10112xf32, #tpu.memory_space<vmem_shared>> -> memref<632xf32, #tpu.memory_space<vmem_shared>>
      %dma_start3A_531 = tpu.memref_slice %arg22[%mul3A_333] : memref<10112xf32, #tpu.memory_space<vmem_shared>> -> memref<632xf32, #tpu.memory_space<vmem_shared>>
      %dma_start3A_532 = arith.constant 0 : i32
      %dma_start3A_533 = tpu.memref_slice %arg21[%dma_start3A_532] : memref<640xf32, #tpu.memory_space<vmem>> -> memref<632xf32, #tpu.memory_space<vmem>>
      tpu.enqueue_dma source(%dma_start3A_533 : memref<632xf32, #tpu.memory_space<vmem>>) target(%dma_start3A_531 : memref<632xf32, #tpu.memory_space<vmem_shared>>) target_semaphore(%run_scoped3A : memref<!tpu.dma_semaphore, #tpu.memory_space<semaphore_mem>>)
      %dma_wait3A_534 = arith.constant 0 : i32
      %dma_wait3A_535 = tpu.memref_slice %arg21[%dma_wait3A_534] : memref<640xf32, #tpu.memory_space<vmem>> -> memref<632xf32, #tpu.memory_space<vmem>>
      %dma_wait3A_536 = tpu.memref_slice %arg22[%mul3A_333] : memref<10112xf32, #tpu.memory_space<vmem_shared>> -> memref<632xf32, #tpu.memory_space<vmem_shared>>
      %dma_wait3A_537 = tpu.memref_slice %arg22[%mul3A_333] : memref<10112xf32, #tpu.memory_space<vmem_shared>> -> memref<632xf32, #tpu.memory_space<vmem_shared>>
      %dma_wait3A_538 = arith.constant 0 : i32
      %dma_wait3A_539 = tpu.memref_slice %arg21[%dma_wait3A_538] : memref<640xf32, #tpu.memory_space<vmem>> -> memref<632xf32, #tpu.memory_space<vmem>>
      tpu.wait_dma2 semaphore(%run_scoped3A : memref<!tpu.dma_semaphore, #tpu.memory_space<semaphore_mem>>) src(%dma_wait3A_539 : memref<632xf32, #tpu.memory_space<vmem>>) dst(%dma_wait3A_537 : memref<632xf32, #tpu.memory_space<vmem_shared>>)
      tpu.yield
    }) : () -> ()
    %mul3A_334 = arith.constant 632 : i32
    %mul3A_335 = arith.muli %arg1, %mul3A_334 : i32
    "tpu.region"() ({
      %run_scoped3A = tpu.sem_alloc : memref<!tpu.dma_semaphore, #tpu.memory_space<semaphore_mem>>
      %dma_start3A_528 = arith.constant 0 : i32
      %dma_start3A_529 = tpu.memref_slice %arg21[%dma_start3A_528] : memref<640xf32, #tpu.memory_space<vmem>> -> memref<632xf32, #tpu.memory_space<vmem>>
      %dma_start3A_530 = tpu.memref_slice %arg23[%mul3A_335] : memref<10112xf32, #tpu.memory_space<vmem_shared>> -> memref<632xf32, #tpu.memory_space<vmem_shared>>
      %dma_start3A_531 = tpu.memref_slice %arg23[%mul3A_335] : memref<10112xf32, #tpu.memory_space<vmem_shared>> -> memref<632xf32, #tpu.memory_space<vmem_shared>>
      %dma_start3A_532 = arith.constant 0 : i32
      %dma_start3A_533 = tpu.memref_slice %arg21[%dma_start3A_532] : memref<640xf32, #tpu.memory_space<vmem>> -> memref<632xf32, #tpu.memory_space<vmem>>
      tpu.enqueue_dma source(%dma_start3A_533 : memref<632xf32, #tpu.memory_space<vmem>>) target(%dma_start3A_531 : memref<632xf32, #tpu.memory_space<vmem_shared>>) target_semaphore(%run_scoped3A : memref<!tpu.dma_semaphore, #tpu.memory_space<semaphore_mem>>)
      %dma_wait3A_534 = arith.constant 0 : i32
      %dma_wait3A_535 = tpu.memref_slice %arg21[%dma_wait3A_534] : memref<640xf32, #tpu.memory_space<vmem>> -> memref<632xf32, #tpu.memory_space<vmem>>
      %dma_wait3A_536 = tpu.memref_slice %arg23[%mul3A_335] : memref<10112xf32, #tpu.memory_space<vmem_shared>> -> memref<632xf32, #tpu.memory_space<vmem_shared>>
      %dma_wait3A_537 = tpu.memref_slice %arg23[%mul3A_335] : memref<10112xf32, #tpu.memory_space<vmem_shared>> -> memref<632xf32, #tpu.memory_space<vmem_shared>>
      %dma_wait3A_538 = arith.constant 0 : i32
      %dma_wait3A_539 = tpu.memref_slice %arg21[%dma_wait3A_538] : memref<640xf32, #tpu.memory_space<vmem>> -> memref<632xf32, #tpu.memory_space<vmem>>
      tpu.wait_dma2 semaphore(%run_scoped3A : memref<!tpu.dma_semaphore, #tpu.memory_space<semaphore_mem>>) src(%dma_wait3A_539 : memref<632xf32, #tpu.memory_space<vmem>>) dst(%dma_wait3A_537 : memref<632xf32, #tpu.memory_space<vmem_shared>>)
      tpu.yield
    }) : () -> ()
    %barrier3A = arith.constant 0 : index
    tpu.barrier barrier_id(%barrier3A)
    %add3A_336 = arith.constant 0 : i32
    %add3A_337 = arith.addi %add3A_336, %add3A : i32
    %lt3A_338 = arith.constant 2500 : i32
    %lt3A_339 = arith.cmpi slt, %add3A_337, %lt3A_338 : i32
    %convert_element_type3A_340 = arith.extui %lt3A_339 : i1 to i32
    %cond3A_341 = arith.constant 0 : i32
    %cond3A_342 = arith.cmpi ne, %convert_element_type3A_340, %cond3A_341 : i32
    scf.if %cond3A_342 {
      %mul3A_528 = arith.constant 128 : i32
      %mul3A_529 = arith.muli %add3A_337, %mul3A_528 : i32
      %dma_wait3A_530 = arith.constant 0 : i32
      %dma_wait3A_531 = tpu.memref_slice %arg3[%dma_wait3A_530, %mul3A_529] : memref<2x320000xi32, #tpu.memory_space<hbm>> -> memref<2x128xi32, #tpu.memory_space<hbm>>
      %dma_wait3A_532 = arith.constant 0 : i32
      %dma_wait3A_533 = tpu.memref_slice %arg3[%dma_wait3A_532, %mul3A_529] : memref<2x320000xi32, #tpu.memory_space<hbm>> -> memref<2x128xi32, #tpu.memory_space<hbm>>
      tpu.wait_dma2 semaphore(%arg12 : memref<!tpu.dma_semaphore, #tpu.memory_space<semaphore_mem>>) src(%dma_wait3A_533 : memref<2x128xi32, #tpu.memory_space<hbm>>) dst(%arg11 : memref<2x128xi32, #tpu.memory_space<vmem>>)
      %dma_start3A_534 = arith.constant 0 : i32
      %dma_start3A_535 = arith.constant 0 : i32
      %dma_start3A_536 = tpu.memref_slice %arg11[%dma_start3A_534, %dma_start3A_535] : memref<2x128xi32, #tpu.memory_space<vmem>> -> memref<1x128xi32, #tpu.memory_space<vmem>>
      %dma_start3A_537 = tpu.memref_squeeze %dma_start3A_536 : memref<1x128xi32, #tpu.memory_space<vmem>> -> memref<128xi32, #tpu.memory_space<vmem>>
      %dma_start3A_538 = arith.constant 0 : i32
      %dma_start3A_539 = arith.constant 0 : i32
      %dma_start3A_540 = tpu.memref_slice %arg2[%dma_start3A_538, %dma_start3A_539] : memref<10000x128xf32, #tpu.memory_space<hbm>> -> memref<10000x128xf32, #tpu.memory_space<hbm>>
      tpu.enqueue_indirect_dma source(%dma_start3A_540 : memref<10000x128xf32, #tpu.memory_space<hbm>>) target(%arg7 : memref<128x128xf32, #tpu.memory_space<vmem>>) offsets(%dma_start3A_537 : memref<128xi32, #tpu.memory_space<vmem>>) semaphore(%arg8 : memref<!tpu.dma_semaphore, #tpu.memory_space<semaphore_mem>>)
    } else {
    }
    %add3A_343 = arith.constant 32 : i32
    %add3A_344 = arith.addi %add3A_343, %add3A : i32
    %lt3A_345 = arith.constant 2500 : i32
    %lt3A_346 = arith.cmpi slt, %add3A_344, %lt3A_345 : i32
    %convert_element_type3A_347 = arith.extui %lt3A_346 : i1 to i32
    %cond3A_348 = arith.constant 0 : i32
    %cond3A_349 = arith.cmpi ne, %convert_element_type3A_347, %cond3A_348 : i32
    scf.if %cond3A_349 {
      %mul3A_528 = arith.constant 128 : i32
      %mul3A_529 = arith.muli %add3A_344, %mul3A_528 : i32
      %dma_wait3A_530 = arith.constant 0 : i32
      %dma_wait3A_531 = tpu.memref_slice %arg3[%dma_wait3A_530, %mul3A_529] : memref<2x320000xi32, #tpu.memory_space<hbm>> -> memref<2x128xi32, #tpu.memory_space<hbm>>
      %dma_wait3A_532 = arith.constant 0 : i32
      %dma_wait3A_533 = tpu.memref_slice %arg3[%dma_wait3A_532, %mul3A_529] : memref<2x320000xi32, #tpu.memory_space<hbm>> -> memref<2x128xi32, #tpu.memory_space<hbm>>
      tpu.wait_dma2 semaphore(%arg14 : memref<!tpu.dma_semaphore, #tpu.memory_space<semaphore_mem>>) src(%dma_wait3A_533 : memref<2x128xi32, #tpu.memory_space<hbm>>) dst(%arg13 : memref<2x128xi32, #tpu.memory_space<vmem>>)
      %dma_start3A_534 = arith.constant 0 : i32
      %dma_start3A_535 = arith.constant 0 : i32
      %dma_start3A_536 = tpu.memref_slice %arg13[%dma_start3A_534, %dma_start3A_535] : memref<2x128xi32, #tpu.memory_space<vmem>> -> memref<1x128xi32, #tpu.memory_space<vmem>>
      %dma_start3A_537 = tpu.memref_squeeze %dma_start3A_536 : memref<1x128xi32, #tpu.memory_space<vmem>> -> memref<128xi32, #tpu.memory_space<vmem>>
      %dma_start3A_538 = arith.constant 0 : i32
      %dma_start3A_539 = arith.constant 0 : i32
      %dma_start3A_540 = tpu.memref_slice %arg2[%dma_start3A_538, %dma_start3A_539] : memref<10000x128xf32, #tpu.memory_space<hbm>> -> memref<10000x128xf32, #tpu.memory_space<hbm>>
      tpu.enqueue_indirect_dma source(%dma_start3A_540 : memref<10000x128xf32, #tpu.memory_space<hbm>>) target(%arg9 : memref<128x128xf32, #tpu.memory_space<vmem>>) offsets(%dma_start3A_537 : memref<128xi32, #tpu.memory_space<vmem>>) semaphore(%arg10 : memref<!tpu.dma_semaphore, #tpu.memory_space<semaphore_mem>>)
    } else {
    }
    %scan3A = arith.constant 0 : i32
    %scan3A_350 = arith.constant 0 : i32
    %scan3A_351 = arith.constant 20 : i32
    %scan3A_352 = arith.addi %scan3A_350, %scan3A_351 : i32
    %scan3A_353 = arith.constant 1 : i32
    scf.for %scan3A_528 = %scan3A_350 to %scan3A_352 step %scan3A_353  : i32 {
      %mul3A_529 = arith.constant 4 : i32
      %mul3A_530 = arith.muli %scan3A_528, %mul3A_529 : i32
      %add3A_531 = arith.constant 0 : i32
      %add3A_532 = arith.addi %mul3A_530, %add3A_531 : i32
      %mul3A_533 = arith.constant 32 : i32
      %mul3A_534 = arith.muli %add3A_532, %mul3A_533 : i32
      %add3A_535 = arith.addi %mul3A_534, %add3A : i32
      %lt3A_536 = arith.constant 2500 : i32
      %lt3A_537 = arith.cmpi slt, %add3A_535, %lt3A_536 : i32
      %convert_element_type3A_538 = arith.extui %lt3A_537 : i1 to i32
      %cond3A_539 = arith.constant 0 : i32
      %cond3A_540 = arith.cmpi ne, %convert_element_type3A_538, %cond3A_539 : i32
      scf.if %cond3A_540 {
        %dma_wait3A_667 = arith.constant 0 : i32
        %dma_wait3A_668 = arith.constant 0 : i32
        %dma_wait3A_669 = tpu.memref_slice %arg11[%dma_wait3A_667, %dma_wait3A_668] : memref<2x128xi32, #tpu.memory_space<vmem>> -> memref<1x128xi32, #tpu.memory_space<vmem>>
        %dma_wait3A_670 = tpu.memref_squeeze %dma_wait3A_669 : memref<1x128xi32, #tpu.memory_space<vmem>> -> memref<128xi32, #tpu.memory_space<vmem>>
        %dma_wait3A_671 = arith.constant 0 : i32
        %dma_wait3A_672 = arith.constant 0 : i32
        %dma_wait3A_673 = tpu.memref_slice %arg2[%dma_wait3A_671, %dma_wait3A_672] : memref<10000x128xf32, #tpu.memory_space<hbm>> -> memref<10000x128xf32, #tpu.memory_space<hbm>>
        tpu.wait_indirect_dma semaphore(%arg8 : memref<!tpu.dma_semaphore, #tpu.memory_space<semaphore_mem>>) src(%dma_wait3A_673 : memref<10000x128xf32, #tpu.memory_space<hbm>>) dst(%arg7 : memref<128x128xf32, #tpu.memory_space<vmem>>)
        %run_scoped3A = arith.constant 1 : i32
        "tpu.region"() ({
          %run_scoped3A_676 = tpu.sem_alloc : memref<!tpu.dma_semaphore, #tpu.memory_space<semaphore_mem>>
          %dma_start3A_677 = arith.constant 0 : i32
          %dma_start3A_678 = tpu.memref_slice %arg11[%run_scoped3A, %dma_start3A_677] : memref<2x128xi32, #tpu.memory_space<vmem>> -> memref<1x128xi32, #tpu.memory_space<vmem>>
          %dma_start3A_679 = tpu.memref_squeeze %dma_start3A_678 : memref<1x128xi32, #tpu.memory_space<vmem>> -> memref<128xi32, #tpu.memory_space<vmem>>
          %dma_start3A_680 = arith.constant 0 : i32
          %dma_start3A_681 = arith.constant 0 : i32
          %dma_start3A_682 = tpu.memref_slice %arg19[%dma_start3A_680, %dma_start3A_681] : memref<10112x128xf32, #tpu.memory_space<vmem_shared>> -> memref<10112x128xf32, #tpu.memory_space<vmem_shared>>
          tpu.enqueue_indirect_dma source(%arg7 : memref<128x128xf32, #tpu.memory_space<vmem>>) target(%dma_start3A_682 : memref<10112x128xf32, #tpu.memory_space<vmem_shared>>) offsets(%dma_start3A_679 : memref<128xi32, #tpu.memory_space<vmem>>) semaphore(%run_scoped3A_676 : memref<!tpu.dma_semaphore, #tpu.memory_space<semaphore_mem>>) {add = true}
          %dma_wait3A_683 = arith.constant 0 : i32
          %dma_wait3A_684 = tpu.memref_slice %arg11[%run_scoped3A, %dma_wait3A_683] : memref<2x128xi32, #tpu.memory_space<vmem>> -> memref<1x128xi32, #tpu.memory_space<vmem>>
          %dma_wait3A_685 = tpu.memref_squeeze %dma_wait3A_684 : memref<1x128xi32, #tpu.memory_space<vmem>> -> memref<128xi32, #tpu.memory_space<vmem>>
          %dma_wait3A_686 = arith.constant 0 : i32
          %dma_wait3A_687 = arith.constant 0 : i32
          %dma_wait3A_688 = tpu.memref_slice %arg19[%dma_wait3A_686, %dma_wait3A_687] : memref<10112x128xf32, #tpu.memory_space<vmem_shared>> -> memref<10112x128xf32, #tpu.memory_space<vmem_shared>>
          tpu.wait_indirect_dma semaphore(%run_scoped3A_676 : memref<!tpu.dma_semaphore, #tpu.memory_space<semaphore_mem>>) src(%arg7 : memref<128x128xf32, #tpu.memory_space<vmem>>) dst(%dma_wait3A_688 : memref<10112x128xf32, #tpu.memory_space<vmem_shared>>)
          tpu.yield
        }) : () -> ()
        %run_scoped3A_674 = arith.constant 1 : i32
        "tpu.region"() ({
          %run_scoped3A_676 = tpu.sem_alloc : memref<!tpu.dma_semaphore, #tpu.memory_space<semaphore_mem>>
          %dma_start3A_677 = arith.constant 0 : i32
          %dma_start3A_678 = tpu.memref_slice %arg11[%run_scoped3A_674, %dma_start3A_677] : memref<2x128xi32, #tpu.memory_space<vmem>> -> memref<1x128xi32, #tpu.memory_space<vmem>>
          %dma_start3A_679 = tpu.memref_squeeze %dma_start3A_678 : memref<1x128xi32, #tpu.memory_space<vmem>> -> memref<128xi32, #tpu.memory_space<vmem>>
          %dma_start3A_680 = arith.constant 0 : i32
          %dma_start3A_681 = tpu.memref_slice %arg22[%dma_start3A_680] : memref<10112xf32, #tpu.memory_space<vmem_shared>> -> memref<10112xf32, #tpu.memory_space<vmem_shared>>
          tpu.enqueue_indirect_dma source(%arg20 : memref<128xf32, #tpu.memory_space<vmem>>) target(%dma_start3A_681 : memref<10112xf32, #tpu.memory_space<vmem_shared>>) offsets(%dma_start3A_679 : memref<128xi32, #tpu.memory_space<vmem>>) semaphore(%run_scoped3A_676 : memref<!tpu.dma_semaphore, #tpu.memory_space<semaphore_mem>>) {add = true}
          %dma_wait3A_682 = arith.constant 0 : i32
          %dma_wait3A_683 = tpu.memref_slice %arg11[%run_scoped3A_674, %dma_wait3A_682] : memref<2x128xi32, #tpu.memory_space<vmem>> -> memref<1x128xi32, #tpu.memory_space<vmem>>
          %dma_wait3A_684 = tpu.memref_squeeze %dma_wait3A_683 : memref<1x128xi32, #tpu.memory_space<vmem>> -> memref<128xi32, #tpu.memory_space<vmem>>
          %dma_wait3A_685 = arith.constant 0 : i32
          %dma_wait3A_686 = tpu.memref_slice %arg22[%dma_wait3A_685] : memref<10112xf32, #tpu.memory_space<vmem_shared>> -> memref<10112xf32, #tpu.memory_space<vmem_shared>>
          tpu.wait_indirect_dma semaphore(%run_scoped3A_676 : memref<!tpu.dma_semaphore, #tpu.memory_space<semaphore_mem>>) src(%arg20 : memref<128xf32, #tpu.memory_space<vmem>>) dst(%dma_wait3A_686 : memref<10112xf32, #tpu.memory_space<vmem_shared>>)
          tpu.yield
        }) : () -> ()
        %run_scoped3A_675 = arith.constant 0 : i32
        "tpu.region"() ({
          %run_scoped3A_676 = tpu.sem_alloc : memref<!tpu.dma_semaphore, #tpu.memory_space<semaphore_mem>>
          %dma_start3A_677 = arith.constant 0 : i32
          %dma_start3A_678 = tpu.memref_slice %arg11[%run_scoped3A_675, %dma_start3A_677] : memref<2x128xi32, #tpu.memory_space<vmem>> -> memref<1x128xi32, #tpu.memory_space<vmem>>
          %dma_start3A_679 = tpu.memref_squeeze %dma_start3A_678 : memref<1x128xi32, #tpu.memory_space<vmem>> -> memref<128xi32, #tpu.memory_space<vmem>>
          %dma_start3A_680 = arith.constant 0 : i32
          %dma_start3A_681 = tpu.memref_slice %arg23[%dma_start3A_680] : memref<10112xf32, #tpu.memory_space<vmem_shared>> -> memref<10112xf32, #tpu.memory_space<vmem_shared>>
          tpu.enqueue_indirect_dma source(%arg20 : memref<128xf32, #tpu.memory_space<vmem>>) target(%dma_start3A_681 : memref<10112xf32, #tpu.memory_space<vmem_shared>>) offsets(%dma_start3A_679 : memref<128xi32, #tpu.memory_space<vmem>>) semaphore(%run_scoped3A_676 : memref<!tpu.dma_semaphore, #tpu.memory_space<semaphore_mem>>) {add = true}
          %dma_wait3A_682 = arith.constant 0 : i32
          %dma_wait3A_683 = tpu.memref_slice %arg11[%run_scoped3A_675, %dma_wait3A_682] : memref<2x128xi32, #tpu.memory_space<vmem>> -> memref<1x128xi32, #tpu.memory_space<vmem>>
          %dma_wait3A_684 = tpu.memref_squeeze %dma_wait3A_683 : memref<1x128xi32, #tpu.memory_space<vmem>> -> memref<128xi32, #tpu.memory_space<vmem>>
          %dma_wait3A_685 = arith.constant 0 : i32
          %dma_wait3A_686 = tpu.memref_slice %arg23[%dma_wait3A_685] : memref<10112xf32, #tpu.memory_space<vmem_shared>> -> memref<10112xf32, #tpu.memory_space<vmem_shared>>
          tpu.wait_indirect_dma semaphore(%run_scoped3A_676 : memref<!tpu.dma_semaphore, #tpu.memory_space<semaphore_mem>>) src(%arg20 : memref<128xf32, #tpu.memory_space<vmem>>) dst(%dma_wait3A_686 : memref<10112xf32, #tpu.memory_space<vmem_shared>>)
          tpu.yield
        }) : () -> ()
      } else {
      }
      %add3A_541 = arith.constant 0 : i32
      %add3A_542 = arith.addi %mul3A_530, %add3A_541 : i32
      %add3A_543 = arith.constant 4 : i32
      %add3A_544 = arith.addi %add3A_542, %add3A_543 : i32
      %mul3A_545 = arith.constant 32 : i32
      %mul3A_546 = arith.muli %add3A_544, %mul3A_545 : i32
      %add3A_547 = arith.addi %mul3A_546, %add3A : i32
      %lt3A_548 = arith.constant 2500 : i32
      %lt3A_549 = arith.cmpi slt, %add3A_547, %lt3A_548 : i32
      %convert_element_type3A_550 = arith.extui %lt3A_549 : i1 to i32
      %cond3A_551 = arith.constant 0 : i32
      %cond3A_552 = arith.cmpi ne, %convert_element_type3A_550, %cond3A_551 : i32
      scf.if %cond3A_552 {
        %mul3A_667 = arith.constant 128 : i32
        %mul3A_668 = arith.muli %add3A_547, %mul3A_667 : i32
        %dma_start3A_669 = arith.constant 0 : i32
        %dma_start3A_670 = tpu.memref_slice %arg3[%dma_start3A_669, %mul3A_668] : memref<2x320000xi32, #tpu.memory_space<hbm>> -> memref<2x128xi32, #tpu.memory_space<hbm>>
        %dma_start3A_671 = arith.constant 0 : i32
        %dma_start3A_672 = tpu.memref_slice %arg3[%dma_start3A_671, %mul3A_668] : memref<2x320000xi32, #tpu.memory_space<hbm>> -> memref<2x128xi32, #tpu.memory_space<hbm>>
        tpu.enqueue_dma source(%dma_start3A_672 : memref<2x128xi32, #tpu.memory_space<hbm>>) target(%arg11 : memref<2x128xi32, #tpu.memory_space<vmem>>) target_semaphore(%arg12 : memref<!tpu.dma_semaphore, #tpu.memory_space<semaphore_mem>>)
      } else {
      }
      %add3A_553 = arith.constant 0 : i32
      %add3A_554 = arith.addi %mul3A_530, %add3A_553 : i32
      %add3A_555 = arith.constant 2 : i32
      %add3A_556 = arith.addi %add3A_554, %add3A_555 : i32
      %mul3A_557 = arith.constant 32 : i32
      %mul3A_558 = arith.muli %add3A_556, %mul3A_557 : i32
      %add3A_559 = arith.addi %mul3A_558, %add3A : i32
      %lt3A_560 = arith.constant 2500 : i32
      %lt3A_561 = arith.cmpi slt, %add3A_559, %lt3A_560 : i32
      %convert_element_type3A_562 = arith.extui %lt3A_561 : i1 to i32
      %cond3A_563 = arith.constant 0 : i32
      %cond3A_564 = arith.cmpi ne, %convert_element_type3A_562, %cond3A_563 : i32
      scf.if %cond3A_564 {
        %mul3A_667 = arith.constant 128 : i32
        %mul3A_668 = arith.muli %add3A_559, %mul3A_667 : i32
        %dma_wait3A_669 = arith.constant 0 : i32
        %dma_wait3A_670 = tpu.memref_slice %arg3[%dma_wait3A_669, %mul3A_668] : memref<2x320000xi32, #tpu.memory_space<hbm>> -> memref<2x128xi32, #tpu.memory_space<hbm>>
        %dma_wait3A_671 = arith.constant 0 : i32
        %dma_wait3A_672 = tpu.memref_slice %arg3[%dma_wait3A_671, %mul3A_668] : memref<2x320000xi32, #tpu.memory_space<hbm>> -> memref<2x128xi32, #tpu.memory_space<hbm>>
        tpu.wait_dma2 semaphore(%arg16 : memref<!tpu.dma_semaphore, #tpu.memory_space<semaphore_mem>>) src(%dma_wait3A_672 : memref<2x128xi32, #tpu.memory_space<hbm>>) dst(%arg15 : memref<2x128xi32, #tpu.memory_space<vmem>>)
        %dma_start3A_673 = arith.constant 0 : i32
        %dma_start3A_674 = arith.constant 0 : i32
        %dma_start3A_675 = tpu.memref_slice %arg15[%dma_start3A_673, %dma_start3A_674] : memref<2x128xi32, #tpu.memory_space<vmem>> -> memref<1x128xi32, #tpu.memory_space<vmem>>
        %dma_start3A_676 = tpu.memref_squeeze %dma_start3A_675 : memref<1x128xi32, #tpu.memory_space<vmem>> -> memref<128xi32, #tpu.memory_space<vmem>>
        %dma_start3A_677 = arith.constant 0 : i32
        %dma_start3A_678 = arith.constant 0 : i32
        %dma_start3A_679 = tpu.memref_slice %arg2[%dma_start3A_677, %dma_start3A_678] : memref<10000x128xf32, #tpu.memory_space<hbm>> -> memref<10000x128xf32, #tpu.memory_space<hbm>>
        tpu.enqueue_indirect_dma source(%dma_start3A_679 : memref<10000x128xf32, #tpu.memory_space<hbm>>) target(%arg7 : memref<128x128xf32, #tpu.memory_space<vmem>>) offsets(%dma_start3A_676 : memref<128xi32, #tpu.memory_space<vmem>>) semaphore(%arg8 : memref<!tpu.dma_semaphore, #tpu.memory_space<semaphore_mem>>)
      } else {
      }
      %add3A_565 = arith.constant 1 : i32
      %add3A_566 = arith.addi %mul3A_530, %add3A_565 : i32
      %mul3A_567 = arith.constant 32 : i32
      %mul3A_568 = arith.muli %add3A_566, %mul3A_567 : i32
      %add3A_569 = arith.addi %mul3A_568, %add3A : i32
      %lt3A_570 = arith.constant 2500 : i32
      %lt3A_571 = arith.cmpi slt, %add3A_569, %lt3A_570 : i32
      %convert_element_type3A_572 = arith.extui %lt3A_571 : i1 to i32
      %cond3A_573 = arith.constant 0 : i32
      %cond3A_574 = arith.cmpi ne, %convert_element_type3A_572, %cond3A_573 : i32
      scf.if %cond3A_574 {
        %dma_wait3A_667 = arith.constant 0 : i32
        %dma_wait3A_668 = arith.constant 0 : i32
        %dma_wait3A_669 = tpu.memref_slice %arg13[%dma_wait3A_667, %dma_wait3A_668] : memref<2x128xi32, #tpu.memory_space<vmem>> -> memref<1x128xi32, #tpu.memory_space<vmem>>
        %dma_wait3A_670 = tpu.memref_squeeze %dma_wait3A_669 : memref<1x128xi32, #tpu.memory_space<vmem>> -> memref<128xi32, #tpu.memory_space<vmem>>
        %dma_wait3A_671 = arith.constant 0 : i32
        %dma_wait3A_672 = arith.constant 0 : i32
        %dma_wait3A_673 = tpu.memref_slice %arg2[%dma_wait3A_671, %dma_wait3A_672] : memref<10000x128xf32, #tpu.memory_space<hbm>> -> memref<10000x128xf32, #tpu.memory_space<hbm>>
        tpu.wait_indirect_dma semaphore(%arg10 : memref<!tpu.dma_semaphore, #tpu.memory_space<semaphore_mem>>) src(%dma_wait3A_673 : memref<10000x128xf32, #tpu.memory_space<hbm>>) dst(%arg9 : memref<128x128xf32, #tpu.memory_space<vmem>>)
        %run_scoped3A = arith.constant 1 : i32
        "tpu.region"() ({
          %run_scoped3A_676 = tpu.sem_alloc : memref<!tpu.dma_semaphore, #tpu.memory_space<semaphore_mem>>
          %dma_start3A_677 = arith.constant 0 : i32
          %dma_start3A_678 = tpu.memref_slice %arg13[%run_scoped3A, %dma_start3A_677] : memref<2x128xi32, #tpu.memory_space<vmem>> -> memref<1x128xi32, #tpu.memory_space<vmem>>
          %dma_start3A_679 = tpu.memref_squeeze %dma_start3A_678 : memref<1x128xi32, #tpu.memory_space<vmem>> -> memref<128xi32, #tpu.memory_space<vmem>>
          %dma_start3A_680 = arith.constant 0 : i32
          %dma_start3A_681 = arith.constant 0 : i32
          %dma_start3A_682 = tpu.memref_slice %arg19[%dma_start3A_680, %dma_start3A_681] : memref<10112x128xf32, #tpu.memory_space<vmem_shared>> -> memref<10112x128xf32, #tpu.memory_space<vmem_shared>>
          tpu.enqueue_indirect_dma source(%arg9 : memref<128x128xf32, #tpu.memory_space<vmem>>) target(%dma_start3A_682 : memref<10112x128xf32, #tpu.memory_space<vmem_shared>>) offsets(%dma_start3A_679 : memref<128xi32, #tpu.memory_space<vmem>>) semaphore(%run_scoped3A_676 : memref<!tpu.dma_semaphore, #tpu.memory_space<semaphore_mem>>) {add = true}
          %dma_wait3A_683 = arith.constant 0 : i32
          %dma_wait3A_684 = tpu.memref_slice %arg13[%run_scoped3A, %dma_wait3A_683] : memref<2x128xi32, #tpu.memory_space<vmem>> -> memref<1x128xi32, #tpu.memory_space<vmem>>
          %dma_wait3A_685 = tpu.memref_squeeze %dma_wait3A_684 : memref<1x128xi32, #tpu.memory_space<vmem>> -> memref<128xi32, #tpu.memory_space<vmem>>
          %dma_wait3A_686 = arith.constant 0 : i32
          %dma_wait3A_687 = arith.constant 0 : i32
          %dma_wait3A_688 = tpu.memref_slice %arg19[%dma_wait3A_686, %dma_wait3A_687] : memref<10112x128xf32, #tpu.memory_space<vmem_shared>> -> memref<10112x128xf32, #tpu.memory_space<vmem_shared>>
          tpu.wait_indirect_dma semaphore(%run_scoped3A_676 : memref<!tpu.dma_semaphore, #tpu.memory_space<semaphore_mem>>) src(%arg9 : memref<128x128xf32, #tpu.memory_space<vmem>>) dst(%dma_wait3A_688 : memref<10112x128xf32, #tpu.memory_space<vmem_shared>>)
          tpu.yield
        }) : () -> ()
        %run_scoped3A_674 = arith.constant 1 : i32
        "tpu.region"() ({
          %run_scoped3A_676 = tpu.sem_alloc : memref<!tpu.dma_semaphore, #tpu.memory_space<semaphore_mem>>
          %dma_start3A_677 = arith.constant 0 : i32
          %dma_start3A_678 = tpu.memref_slice %arg13[%run_scoped3A_674, %dma_start3A_677] : memref<2x128xi32, #tpu.memory_space<vmem>> -> memref<1x128xi32, #tpu.memory_space<vmem>>
          %dma_start3A_679 = tpu.memref_squeeze %dma_start3A_678 : memref<1x128xi32, #tpu.memory_space<vmem>> -> memref<128xi32, #tpu.memory_space<vmem>>
          %dma_start3A_680 = arith.constant 0 : i32
          %dma_start3A_681 = tpu.memref_slice %arg22[%dma_start3A_680] : memref<10112xf32, #tpu.memory_space<vmem_shared>> -> memref<10112xf32, #tpu.memory_space<vmem_shared>>
          tpu.enqueue_indirect_dma source(%arg20 : memref<128xf32, #tpu.memory_space<vmem>>) target(%dma_start3A_681 : memref<10112xf32, #tpu.memory_space<vmem_shared>>) offsets(%dma_start3A_679 : memref<128xi32, #tpu.memory_space<vmem>>) semaphore(%run_scoped3A_676 : memref<!tpu.dma_semaphore, #tpu.memory_space<semaphore_mem>>) {add = true}
          %dma_wait3A_682 = arith.constant 0 : i32
          %dma_wait3A_683 = tpu.memref_slice %arg13[%run_scoped3A_674, %dma_wait3A_682] : memref<2x128xi32, #tpu.memory_space<vmem>> -> memref<1x128xi32, #tpu.memory_space<vmem>>
          %dma_wait3A_684 = tpu.memref_squeeze %dma_wait3A_683 : memref<1x128xi32, #tpu.memory_space<vmem>> -> memref<128xi32, #tpu.memory_space<vmem>>
          %dma_wait3A_685 = arith.constant 0 : i32
          %dma_wait3A_686 = tpu.memref_slice %arg22[%dma_wait3A_685] : memref<10112xf32, #tpu.memory_space<vmem_shared>> -> memref<10112xf32, #tpu.memory_space<vmem_shared>>
          tpu.wait_indirect_dma semaphore(%run_scoped3A_676 : memref<!tpu.dma_semaphore, #tpu.memory_space<semaphore_mem>>) src(%arg20 : memref<128xf32, #tpu.memory_space<vmem>>) dst(%dma_wait3A_686 : memref<10112xf32, #tpu.memory_space<vmem_shared>>)
          tpu.yield
        }) : () -> ()
        %run_scoped3A_675 = arith.constant 0 : i32
        "tpu.region"() ({
          %run_scoped3A_676 = tpu.sem_alloc : memref<!tpu.dma_semaphore, #tpu.memory_space<semaphore_mem>>
          %dma_start3A_677 = arith.constant 0 : i32
          %dma_start3A_678 = tpu.memref_slice %arg13[%run_scoped3A_675, %dma_start3A_677] : memref<2x128xi32, #tpu.memory_space<vmem>> -> memref<1x128xi32, #tpu.memory_space<vmem>>
          %dma_start3A_679 = tpu.memref_squeeze %dma_start3A_678 : memref<1x128xi32, #tpu.memory_space<vmem>> -> memref<128xi32, #tpu.memory_space<vmem>>
          %dma_start3A_680 = arith.constant 0 : i32
          %dma_start3A_681 = tpu.memref_slice %arg23[%dma_start3A_680] : memref<10112xf32, #tpu.memory_space<vmem_shared>> -> memref<10112xf32, #tpu.memory_space<vmem_shared>>
          tpu.enqueue_indirect_dma source(%arg20 : memref<128xf32, #tpu.memory_space<vmem>>) target(%dma_start3A_681 : memref<10112xf32, #tpu.memory_space<vmem_shared>>) offsets(%dma_start3A_679 : memref<128xi32, #tpu.memory_space<vmem>>) semaphore(%run_scoped3A_676 : memref<!tpu.dma_semaphore, #tpu.memory_space<semaphore_mem>>) {add = true}
          %dma_wait3A_682 = arith.constant 0 : i32
          %dma_wait3A_683 = tpu.memref_slice %arg13[%run_scoped3A_675, %dma_wait3A_682] : memref<2x128xi32, #tpu.memory_space<vmem>> -> memref<1x128xi32, #tpu.memory_space<vmem>>
          %dma_wait3A_684 = tpu.memref_squeeze %dma_wait3A_683 : memref<1x128xi32, #tpu.memory_space<vmem>> -> memref<128xi32, #tpu.memory_space<vmem>>
          %dma_wait3A_685 = arith.constant 0 : i32
          %dma_wait3A_686 = tpu.memref_slice %arg23[%dma_wait3A_685] : memref<10112xf32, #tpu.memory_space<vmem_shared>> -> memref<10112xf32, #tpu.memory_space<vmem_shared>>
          tpu.wait_indirect_dma semaphore(%run_scoped3A_676 : memref<!tpu.dma_semaphore, #tpu.memory_space<semaphore_mem>>) src(%arg20 : memref<128xf32, #tpu.memory_space<vmem>>) dst(%dma_wait3A_686 : memref<10112xf32, #tpu.memory_space<vmem_shared>>)
          tpu.yield
        }) : () -> ()
      } else {
      }
      %add3A_575 = arith.constant 1 : i32
      %add3A_576 = arith.addi %mul3A_530, %add3A_575 : i32
      %add3A_577 = arith.constant 4 : i32
      %add3A_578 = arith.addi %add3A_576, %add3A_577 : i32
      %mul3A_579 = arith.constant 32 : i32
      %mul3A_580 = arith.muli %add3A_578, %mul3A_579 : i32
      %add3A_581 = arith.addi %mul3A_580, %add3A : i32
      %lt3A_582 = arith.constant 2500 : i32
      %lt3A_583 = arith.cmpi slt, %add3A_581, %lt3A_582 : i32
      %convert_element_type3A_584 = arith.extui %lt3A_583 : i1 to i32
      %cond3A_585 = arith.constant 0 : i32
      %cond3A_586 = arith.cmpi ne, %convert_element_type3A_584, %cond3A_585 : i32
      scf.if %cond3A_586 {
        %mul3A_667 = arith.constant 128 : i32
        %mul3A_668 = arith.muli %add3A_581, %mul3A_667 : i32
        %dma_start3A_669 = arith.constant 0 : i32
        %dma_start3A_670 = tpu.memref_slice %arg3[%dma_start3A_669, %mul3A_668] : memref<2x320000xi32, #tpu.memory_space<hbm>> -> memref<2x128xi32, #tpu.memory_space<hbm>>
        %dma_start3A_671 = arith.constant 0 : i32
        %dma_start3A_672 = tpu.memref_slice %arg3[%dma_start3A_671, %mul3A_668] : memref<2x320000xi32, #tpu.memory_space<hbm>> -> memref<2x128xi32, #tpu.memory_space<hbm>>
        tpu.enqueue_dma source(%dma_start3A_672 : memref<2x128xi32, #tpu.memory_space<hbm>>) target(%arg13 : memref<2x128xi32, #tpu.memory_space<vmem>>) target_semaphore(%arg14 : memref<!tpu.dma_semaphore, #tpu.memory_space<semaphore_mem>>)
      } else {
      }
      %add3A_587 = arith.constant 1 : i32
      %add3A_588 = arith.addi %mul3A_530, %add3A_587 : i32
      %add3A_589 = arith.constant 2 : i32
      %add3A_590 = arith.addi %add3A_588, %add3A_589 : i32
      %mul3A_591 = arith.constant 32 : i32
      %mul3A_592 = arith.muli %add3A_590, %mul3A_591 : i32
      %add3A_593 = arith.addi %mul3A_592, %add3A : i32
      %lt3A_594 = arith.constant 2500 : i32
      %lt3A_595 = arith.cmpi slt, %add3A_593, %lt3A_594 : i32
      %convert_element_type3A_596 = arith.extui %lt3A_595 : i1 to i32
      %cond3A_597 = arith.constant 0 : i32
      %cond3A_598 = arith.cmpi ne, %convert_element_type3A_596, %cond3A_597 : i32
      scf.if %cond3A_598 {
        %mul3A_667 = arith.constant 128 : i32
        %mul3A_668 = arith.muli %add3A_593, %mul3A_667 : i32
        %dma_wait3A_669 = arith.constant 0 : i32
        %dma_wait3A_670 = tpu.memref_slice %arg3[%dma_wait3A_669, %mul3A_668] : memref<2x320000xi32, #tpu.memory_space<hbm>> -> memref<2x128xi32, #tpu.memory_space<hbm>>
        %dma_wait3A_671 = arith.constant 0 : i32
        %dma_wait3A_672 = tpu.memref_slice %arg3[%dma_wait3A_671, %mul3A_668] : memref<2x320000xi32, #tpu.memory_space<hbm>> -> memref<2x128xi32, #tpu.memory_space<hbm>>
        tpu.wait_dma2 semaphore(%arg18 : memref<!tpu.dma_semaphore, #tpu.memory_space<semaphore_mem>>) src(%dma_wait3A_672 : memref<2x128xi32, #tpu.memory_space<hbm>>) dst(%arg17 : memref<2x128xi32, #tpu.memory_space<vmem>>)
        %dma_start3A_673 = arith.constant 0 : i32
        %dma_start3A_674 = arith.constant 0 : i32
        %dma_start3A_675 = tpu.memref_slice %arg17[%dma_start3A_673, %dma_start3A_674] : memref<2x128xi32, #tpu.memory_space<vmem>> -> memref<1x128xi32, #tpu.memory_space<vmem>>
        %dma_start3A_676 = tpu.memref_squeeze %dma_start3A_675 : memref<1x128xi32, #tpu.memory_space<vmem>> -> memref<128xi32, #tpu.memory_space<vmem>>
        %dma_start3A_677 = arith.constant 0 : i32
        %dma_start3A_678 = arith.constant 0 : i32
        %dma_start3A_679 = tpu.memref_slice %arg2[%dma_start3A_677, %dma_start3A_678] : memref<10000x128xf32, #tpu.memory_space<hbm>> -> memref<10000x128xf32, #tpu.memory_space<hbm>>
        tpu.enqueue_indirect_dma source(%dma_start3A_679 : memref<10000x128xf32, #tpu.memory_space<hbm>>) target(%arg9 : memref<128x128xf32, #tpu.memory_space<vmem>>) offsets(%dma_start3A_676 : memref<128xi32, #tpu.memory_space<vmem>>) semaphore(%arg10 : memref<!tpu.dma_semaphore, #tpu.memory_space<semaphore_mem>>)
      } else {
      }
      %add3A_599 = arith.constant 2 : i32
      %add3A_600 = arith.addi %mul3A_530, %add3A_599 : i32
      %mul3A_601 = arith.constant 32 : i32
      %mul3A_602 = arith.muli %add3A_600, %mul3A_601 : i32
      %add3A_603 = arith.addi %mul3A_602, %add3A : i32
      %lt3A_604 = arith.constant 2500 : i32
      %lt3A_605 = arith.cmpi slt, %add3A_603, %lt3A_604 : i32
      %convert_element_type3A_606 = arith.extui %lt3A_605 : i1 to i32
      %cond3A_607 = arith.constant 0 : i32
      %cond3A_608 = arith.cmpi ne, %convert_element_type3A_606, %cond3A_607 : i32
      scf.if %cond3A_608 {
        %dma_wait3A_667 = arith.constant 0 : i32
        %dma_wait3A_668 = arith.constant 0 : i32
        %dma_wait3A_669 = tpu.memref_slice %arg15[%dma_wait3A_667, %dma_wait3A_668] : memref<2x128xi32, #tpu.memory_space<vmem>> -> memref<1x128xi32, #tpu.memory_space<vmem>>
        %dma_wait3A_670 = tpu.memref_squeeze %dma_wait3A_669 : memref<1x128xi32, #tpu.memory_space<vmem>> -> memref<128xi32, #tpu.memory_space<vmem>>
        %dma_wait3A_671 = arith.constant 0 : i32
        %dma_wait3A_672 = arith.constant 0 : i32
        %dma_wait3A_673 = tpu.memref_slice %arg2[%dma_wait3A_671, %dma_wait3A_672] : memref<10000x128xf32, #tpu.memory_space<hbm>> -> memref<10000x128xf32, #tpu.memory_space<hbm>>
        tpu.wait_indirect_dma semaphore(%arg8 : memref<!tpu.dma_semaphore, #tpu.memory_space<semaphore_mem>>) src(%dma_wait3A_673 : memref<10000x128xf32, #tpu.memory_space<hbm>>) dst(%arg7 : memref<128x128xf32, #tpu.memory_space<vmem>>)
        %run_scoped3A = arith.constant 1 : i32
        "tpu.region"() ({
          %run_scoped3A_676 = tpu.sem_alloc : memref<!tpu.dma_semaphore, #tpu.memory_space<semaphore_mem>>
          %dma_start3A_677 = arith.constant 0 : i32
          %dma_start3A_678 = tpu.memref_slice %arg15[%run_scoped3A, %dma_start3A_677] : memref<2x128xi32, #tpu.memory_space<vmem>> -> memref<1x128xi32, #tpu.memory_space<vmem>>
          %dma_start3A_679 = tpu.memref_squeeze %dma_start3A_678 : memref<1x128xi32, #tpu.memory_space<vmem>> -> memref<128xi32, #tpu.memory_space<vmem>>
          %dma_start3A_680 = arith.constant 0 : i32
          %dma_start3A_681 = arith.constant 0 : i32
          %dma_start3A_682 = tpu.memref_slice %arg19[%dma_start3A_680, %dma_start3A_681] : memref<10112x128xf32, #tpu.memory_space<vmem_shared>> -> memref<10112x128xf32, #tpu.memory_space<vmem_shared>>
          tpu.enqueue_indirect_dma source(%arg7 : memref<128x128xf32, #tpu.memory_space<vmem>>) target(%dma_start3A_682 : memref<10112x128xf32, #tpu.memory_space<vmem_shared>>) offsets(%dma_start3A_679 : memref<128xi32, #tpu.memory_space<vmem>>) semaphore(%run_scoped3A_676 : memref<!tpu.dma_semaphore, #tpu.memory_space<semaphore_mem>>) {add = true}
          %dma_wait3A_683 = arith.constant 0 : i32
          %dma_wait3A_684 = tpu.memref_slice %arg15[%run_scoped3A, %dma_wait3A_683] : memref<2x128xi32, #tpu.memory_space<vmem>> -> memref<1x128xi32, #tpu.memory_space<vmem>>
          %dma_wait3A_685 = tpu.memref_squeeze %dma_wait3A_684 : memref<1x128xi32, #tpu.memory_space<vmem>> -> memref<128xi32, #tpu.memory_space<vmem>>
          %dma_wait3A_686 = arith.constant 0 : i32
          %dma_wait3A_687 = arith.constant 0 : i32
          %dma_wait3A_688 = tpu.memref_slice %arg19[%dma_wait3A_686, %dma_wait3A_687] : memref<10112x128xf32, #tpu.memory_space<vmem_shared>> -> memref<10112x128xf32, #tpu.memory_space<vmem_shared>>
          tpu.wait_indirect_dma semaphore(%run_scoped3A_676 : memref<!tpu.dma_semaphore, #tpu.memory_space<semaphore_mem>>) src(%arg7 : memref<128x128xf32, #tpu.memory_space<vmem>>) dst(%dma_wait3A_688 : memref<10112x128xf32, #tpu.memory_space<vmem_shared>>)
          tpu.yield
        }) : () -> ()
        %run_scoped3A_674 = arith.constant 1 : i32
        "tpu.region"() ({
          %run_scoped3A_676 = tpu.sem_alloc : memref<!tpu.dma_semaphore, #tpu.memory_space<semaphore_mem>>
          %dma_start3A_677 = arith.constant 0 : i32
          %dma_start3A_678 = tpu.memref_slice %arg15[%run_scoped3A_674, %dma_start3A_677] : memref<2x128xi32, #tpu.memory_space<vmem>> -> memref<1x128xi32, #tpu.memory_space<vmem>>
          %dma_start3A_679 = tpu.memref_squeeze %dma_start3A_678 : memref<1x128xi32, #tpu.memory_space<vmem>> -> memref<128xi32, #tpu.memory_space<vmem>>
          %dma_start3A_680 = arith.constant 0 : i32
          %dma_start3A_681 = tpu.memref_slice %arg22[%dma_start3A_680] : memref<10112xf32, #tpu.memory_space<vmem_shared>> -> memref<10112xf32, #tpu.memory_space<vmem_shared>>
          tpu.enqueue_indirect_dma source(%arg20 : memref<128xf32, #tpu.memory_space<vmem>>) target(%dma_start3A_681 : memref<10112xf32, #tpu.memory_space<vmem_shared>>) offsets(%dma_start3A_679 : memref<128xi32, #tpu.memory_space<vmem>>) semaphore(%run_scoped3A_676 : memref<!tpu.dma_semaphore, #tpu.memory_space<semaphore_mem>>) {add = true}
          %dma_wait3A_682 = arith.constant 0 : i32
          %dma_wait3A_683 = tpu.memref_slice %arg15[%run_scoped3A_674, %dma_wait3A_682] : memref<2x128xi32, #tpu.memory_space<vmem>> -> memref<1x128xi32, #tpu.memory_space<vmem>>
          %dma_wait3A_684 = tpu.memref_squeeze %dma_wait3A_683 : memref<1x128xi32, #tpu.memory_space<vmem>> -> memref<128xi32, #tpu.memory_space<vmem>>
          %dma_wait3A_685 = arith.constant 0 : i32
          %dma_wait3A_686 = tpu.memref_slice %arg22[%dma_wait3A_685] : memref<10112xf32, #tpu.memory_space<vmem_shared>> -> memref<10112xf32, #tpu.memory_space<vmem_shared>>
          tpu.wait_indirect_dma semaphore(%run_scoped3A_676 : memref<!tpu.dma_semaphore, #tpu.memory_space<semaphore_mem>>) src(%arg20 : memref<128xf32, #tpu.memory_space<vmem>>) dst(%dma_wait3A_686 : memref<10112xf32, #tpu.memory_space<vmem_shared>>)
          tpu.yield
        }) : () -> ()
        %run_scoped3A_675 = arith.constant 0 : i32
        "tpu.region"() ({
          %run_scoped3A_676 = tpu.sem_alloc : memref<!tpu.dma_semaphore, #tpu.memory_space<semaphore_mem>>
          %dma_start3A_677 = arith.constant 0 : i32
          %dma_start3A_678 = tpu.memref_slice %arg15[%run_scoped3A_675, %dma_start3A_677] : memref<2x128xi32, #tpu.memory_space<vmem>> -> memref<1x128xi32, #tpu.memory_space<vmem>>
          %dma_start3A_679 = tpu.memref_squeeze %dma_start3A_678 : memref<1x128xi32, #tpu.memory_space<vmem>> -> memref<128xi32, #tpu.memory_space<vmem>>
          %dma_start3A_680 = arith.constant 0 : i32
          %dma_start3A_681 = tpu.memref_slice %arg23[%dma_start3A_680] : memref<10112xf32, #tpu.memory_space<vmem_shared>> -> memref<10112xf32, #tpu.memory_space<vmem_shared>>
          tpu.enqueue_indirect_dma source(%arg20 : memref<128xf32, #tpu.memory_space<vmem>>) target(%dma_start3A_681 : memref<10112xf32, #tpu.memory_space<vmem_shared>>) offsets(%dma_start3A_679 : memref<128xi32, #tpu.memory_space<vmem>>) semaphore(%run_scoped3A_676 : memref<!tpu.dma_semaphore, #tpu.memory_space<semaphore_mem>>) {add = true}
          %dma_wait3A_682 = arith.constant 0 : i32
          %dma_wait3A_683 = tpu.memref_slice %arg15[%run_scoped3A_675, %dma_wait3A_682] : memref<2x128xi32, #tpu.memory_space<vmem>> -> memref<1x128xi32, #tpu.memory_space<vmem>>
          %dma_wait3A_684 = tpu.memref_squeeze %dma_wait3A_683 : memref<1x128xi32, #tpu.memory_space<vmem>> -> memref<128xi32, #tpu.memory_space<vmem>>
          %dma_wait3A_685 = arith.constant 0 : i32
          %dma_wait3A_686 = tpu.memref_slice %arg23[%dma_wait3A_685] : memref<10112xf32, #tpu.memory_space<vmem_shared>> -> memref<10112xf32, #tpu.memory_space<vmem_shared>>
          tpu.wait_indirect_dma semaphore(%run_scoped3A_676 : memref<!tpu.dma_semaphore, #tpu.memory_space<semaphore_mem>>) src(%arg20 : memref<128xf32, #tpu.memory_space<vmem>>) dst(%dma_wait3A_686 : memref<10112xf32, #tpu.memory_space<vmem_shared>>)
          tpu.yield
        }) : () -> ()
      } else {
      }
      %add3A_609 = arith.constant 2 : i32
      %add3A_610 = arith.addi %mul3A_530, %add3A_609 : i32
      %add3A_611 = arith.constant 4 : i32
      %add3A_612 = arith.addi %add3A_610, %add3A_611 : i32
      %mul3A_613 = arith.constant 32 : i32
      %mul3A_614 = arith.muli %add3A_612, %mul3A_613 : i32
      %add3A_615 = arith.addi %mul3A_614, %add3A : i32
      %lt3A_616 = arith.constant 2500 : i32
      %lt3A_617 = arith.cmpi slt, %add3A_615, %lt3A_616 : i32
      %convert_element_type3A_618 = arith.extui %lt3A_617 : i1 to i32
      %cond3A_619 = arith.constant 0 : i32
      %cond3A_620 = arith.cmpi ne, %convert_element_type3A_618, %cond3A_619 : i32
      scf.if %cond3A_620 {
        %mul3A_667 = arith.constant 128 : i32
        %mul3A_668 = arith.muli %add3A_615, %mul3A_667 : i32
        %dma_start3A_669 = arith.constant 0 : i32
        %dma_start3A_670 = tpu.memref_slice %arg3[%dma_start3A_669, %mul3A_668] : memref<2x320000xi32, #tpu.memory_space<hbm>> -> memref<2x128xi32, #tpu.memory_space<hbm>>
        %dma_start3A_671 = arith.constant 0 : i32
        %dma_start3A_672 = tpu.memref_slice %arg3[%dma_start3A_671, %mul3A_668] : memref<2x320000xi32, #tpu.memory_space<hbm>> -> memref<2x128xi32, #tpu.memory_space<hbm>>
        tpu.enqueue_dma source(%dma_start3A_672 : memref<2x128xi32, #tpu.memory_space<hbm>>) target(%arg15 : memref<2x128xi32, #tpu.memory_space<vmem>>) target_semaphore(%arg16 : memref<!tpu.dma_semaphore, #tpu.memory_space<semaphore_mem>>)
      } else {
      }
      %add3A_621 = arith.constant 2 : i32
      %add3A_622 = arith.addi %mul3A_530, %add3A_621 : i32
      %add3A_623 = arith.constant 2 : i32
      %add3A_624 = arith.addi %add3A_622, %add3A_623 : i32
      %mul3A_625 = arith.constant 32 : i32
      %mul3A_626 = arith.muli %add3A_624, %mul3A_625 : i32
      %add3A_627 = arith.addi %mul3A_626, %add3A : i32
      %lt3A_628 = arith.constant 2500 : i32
      %lt3A_629 = arith.cmpi slt, %add3A_627, %lt3A_628 : i32
      %convert_element_type3A_630 = arith.extui %lt3A_629 : i1 to i32
      %cond3A_631 = arith.constant 0 : i32
      %cond3A_632 = arith.cmpi ne, %convert_element_type3A_630, %cond3A_631 : i32
      scf.if %cond3A_632 {
        %mul3A_667 = arith.constant 128 : i32
        %mul3A_668 = arith.muli %add3A_627, %mul3A_667 : i32
        %dma_wait3A_669 = arith.constant 0 : i32
        %dma_wait3A_670 = tpu.memref_slice %arg3[%dma_wait3A_669, %mul3A_668] : memref<2x320000xi32, #tpu.memory_space<hbm>> -> memref<2x128xi32, #tpu.memory_space<hbm>>
        %dma_wait3A_671 = arith.constant 0 : i32
        %dma_wait3A_672 = tpu.memref_slice %arg3[%dma_wait3A_671, %mul3A_668] : memref<2x320000xi32, #tpu.memory_space<hbm>> -> memref<2x128xi32, #tpu.memory_space<hbm>>
        tpu.wait_dma2 semaphore(%arg12 : memref<!tpu.dma_semaphore, #tpu.memory_space<semaphore_mem>>) src(%dma_wait3A_672 : memref<2x128xi32, #tpu.memory_space<hbm>>) dst(%arg11 : memref<2x128xi32, #tpu.memory_space<vmem>>)
        %dma_start3A_673 = arith.constant 0 : i32
        %dma_start3A_674 = arith.constant 0 : i32
        %dma_start3A_675 = tpu.memref_slice %arg11[%dma_start3A_673, %dma_start3A_674] : memref<2x128xi32, #tpu.memory_space<vmem>> -> memref<1x128xi32, #tpu.memory_space<vmem>>
        %dma_start3A_676 = tpu.memref_squeeze %dma_start3A_675 : memref<1x128xi32, #tpu.memory_space<vmem>> -> memref<128xi32, #tpu.memory_space<vmem>>
        %dma_start3A_677 = arith.constant 0 : i32
        %dma_start3A_678 = arith.constant 0 : i32
        %dma_start3A_679 = tpu.memref_slice %arg2[%dma_start3A_677, %dma_start3A_678] : memref<10000x128xf32, #tpu.memory_space<hbm>> -> memref<10000x128xf32, #tpu.memory_space<hbm>>
        tpu.enqueue_indirect_dma source(%dma_start3A_679 : memref<10000x128xf32, #tpu.memory_space<hbm>>) target(%arg7 : memref<128x128xf32, #tpu.memory_space<vmem>>) offsets(%dma_start3A_676 : memref<128xi32, #tpu.memory_space<vmem>>) semaphore(%arg8 : memref<!tpu.dma_semaphore, #tpu.memory_space<semaphore_mem>>)
      } else {
      }
      %add3A_633 = arith.constant 3 : i32
      %add3A_634 = arith.addi %mul3A_530, %add3A_633 : i32
      %mul3A_635 = arith.constant 32 : i32
      %mul3A_636 = arith.muli %add3A_634, %mul3A_635 : i32
      %add3A_637 = arith.addi %mul3A_636, %add3A : i32
      %lt3A_638 = arith.constant 2500 : i32
      %lt3A_639 = arith.cmpi slt, %add3A_637, %lt3A_638 : i32
      %convert_element_type3A_640 = arith.extui %lt3A_639 : i1 to i32
      %cond3A_641 = arith.constant 0 : i32
      %cond3A_642 = arith.cmpi ne, %convert_element_type3A_640, %cond3A_641 : i32
      scf.if %cond3A_642 {
        %dma_wait3A_667 = arith.constant 0 : i32
        %dma_wait3A_668 = arith.constant 0 : i32
        %dma_wait3A_669 = tpu.memref_slice %arg17[%dma_wait3A_667, %dma_wait3A_668] : memref<2x128xi32, #tpu.memory_space<vmem>> -> memref<1x128xi32, #tpu.memory_space<vmem>>
        %dma_wait3A_670 = tpu.memref_squeeze %dma_wait3A_669 : memref<1x128xi32, #tpu.memory_space<vmem>> -> memref<128xi32, #tpu.memory_space<vmem>>
        %dma_wait3A_671 = arith.constant 0 : i32
        %dma_wait3A_672 = arith.constant 0 : i32
        %dma_wait3A_673 = tpu.memref_slice %arg2[%dma_wait3A_671, %dma_wait3A_672] : memref<10000x128xf32, #tpu.memory_space<hbm>> -> memref<10000x128xf32, #tpu.memory_space<hbm>>
        tpu.wait_indirect_dma semaphore(%arg10 : memref<!tpu.dma_semaphore, #tpu.memory_space<semaphore_mem>>) src(%dma_wait3A_673 : memref<10000x128xf32, #tpu.memory_space<hbm>>) dst(%arg9 : memref<128x128xf32, #tpu.memory_space<vmem>>)
        %run_scoped3A = arith.constant 1 : i32
        "tpu.region"() ({
          %run_scoped3A_676 = tpu.sem_alloc : memref<!tpu.dma_semaphore, #tpu.memory_space<semaphore_mem>>
          %dma_start3A_677 = arith.constant 0 : i32
          %dma_start3A_678 = tpu.memref_slice %arg17[%run_scoped3A, %dma_start3A_677] : memref<2x128xi32, #tpu.memory_space<vmem>> -> memref<1x128xi32, #tpu.memory_space<vmem>>
          %dma_start3A_679 = tpu.memref_squeeze %dma_start3A_678 : memref<1x128xi32, #tpu.memory_space<vmem>> -> memref<128xi32, #tpu.memory_space<vmem>>
          %dma_start3A_680 = arith.constant 0 : i32
          %dma_start3A_681 = arith.constant 0 : i32
          %dma_start3A_682 = tpu.memref_slice %arg19[%dma_start3A_680, %dma_start3A_681] : memref<10112x128xf32, #tpu.memory_space<vmem_shared>> -> memref<10112x128xf32, #tpu.memory_space<vmem_shared>>
          tpu.enqueue_indirect_dma source(%arg9 : memref<128x128xf32, #tpu.memory_space<vmem>>) target(%dma_start3A_682 : memref<10112x128xf32, #tpu.memory_space<vmem_shared>>) offsets(%dma_start3A_679 : memref<128xi32, #tpu.memory_space<vmem>>) semaphore(%run_scoped3A_676 : memref<!tpu.dma_semaphore, #tpu.memory_space<semaphore_mem>>) {add = true}
          %dma_wait3A_683 = arith.constant 0 : i32
          %dma_wait3A_684 = tpu.memref_slice %arg17[%run_scoped3A, %dma_wait3A_683] : memref<2x128xi32, #tpu.memory_space<vmem>> -> memref<1x128xi32, #tpu.memory_space<vmem>>
          %dma_wait3A_685 = tpu.memref_squeeze %dma_wait3A_684 : memref<1x128xi32, #tpu.memory_space<vmem>> -> memref<128xi32, #tpu.memory_space<vmem>>
          %dma_wait3A_686 = arith.constant 0 : i32
          %dma_wait3A_687 = arith.constant 0 : i32
          %dma_wait3A_688 = tpu.memref_slice %arg19[%dma_wait3A_686, %dma_wait3A_687] : memref<10112x128xf32, #tpu.memory_space<vmem_shared>> -> memref<10112x128xf32, #tpu.memory_space<vmem_shared>>
          tpu.wait_indirect_dma semaphore(%run_scoped3A_676 : memref<!tpu.dma_semaphore, #tpu.memory_space<semaphore_mem>>) src(%arg9 : memref<128x128xf32, #tpu.memory_space<vmem>>) dst(%dma_wait3A_688 : memref<10112x128xf32, #tpu.memory_space<vmem_shared>>)
          tpu.yield
        }) : () -> ()
        %run_scoped3A_674 = arith.constant 1 : i32
        "tpu.region"() ({
          %run_scoped3A_676 = tpu.sem_alloc : memref<!tpu.dma_semaphore, #tpu.memory_space<semaphore_mem>>
          %dma_start3A_677 = arith.constant 0 : i32
          %dma_start3A_678 = tpu.memref_slice %arg17[%run_scoped3A_674, %dma_start3A_677] : memref<2x128xi32, #tpu.memory_space<vmem>> -> memref<1x128xi32, #tpu.memory_space<vmem>>
          %dma_start3A_679 = tpu.memref_squeeze %dma_start3A_678 : memref<1x128xi32, #tpu.memory_space<vmem>> -> memref<128xi32, #tpu.memory_space<vmem>>
          %dma_start3A_680 = arith.constant 0 : i32
          %dma_start3A_681 = tpu.memref_slice %arg22[%dma_start3A_680] : memref<10112xf32, #tpu.memory_space<vmem_shared>> -> memref<10112xf32, #tpu.memory_space<vmem_shared>>
          tpu.enqueue_indirect_dma source(%arg20 : memref<128xf32, #tpu.memory_space<vmem>>) target(%dma_start3A_681 : memref<10112xf32, #tpu.memory_space<vmem_shared>>) offsets(%dma_start3A_679 : memref<128xi32, #tpu.memory_space<vmem>>) semaphore(%run_scoped3A_676 : memref<!tpu.dma_semaphore, #tpu.memory_space<semaphore_mem>>) {add = true}
          %dma_wait3A_682 = arith.constant 0 : i32
          %dma_wait3A_683 = tpu.memref_slice %arg17[%run_scoped3A_674, %dma_wait3A_682] : memref<2x128xi32, #tpu.memory_space<vmem>> -> memref<1x128xi32, #tpu.memory_space<vmem>>
          %dma_wait3A_684 = tpu.memref_squeeze %dma_wait3A_683 : memref<1x128xi32, #tpu.memory_space<vmem>> -> memref<128xi32, #tpu.memory_space<vmem>>
          %dma_wait3A_685 = arith.constant 0 : i32
          %dma_wait3A_686 = tpu.memref_slice %arg22[%dma_wait3A_685] : memref<10112xf32, #tpu.memory_space<vmem_shared>> -> memref<10112xf32, #tpu.memory_space<vmem_shared>>
          tpu.wait_indirect_dma semaphore(%run_scoped3A_676 : memref<!tpu.dma_semaphore, #tpu.memory_space<semaphore_mem>>) src(%arg20 : memref<128xf32, #tpu.memory_space<vmem>>) dst(%dma_wait3A_686 : memref<10112xf32, #tpu.memory_space<vmem_shared>>)
          tpu.yield
        }) : () -> ()
        %run_scoped3A_675 = arith.constant 0 : i32
        "tpu.region"() ({
          %run_scoped3A_676 = tpu.sem_alloc : memref<!tpu.dma_semaphore, #tpu.memory_space<semaphore_mem>>
          %dma_start3A_677 = arith.constant 0 : i32
          %dma_start3A_678 = tpu.memref_slice %arg17[%run_scoped3A_675, %dma_start3A_677] : memref<2x128xi32, #tpu.memory_space<vmem>> -> memref<1x128xi32, #tpu.memory_space<vmem>>
          %dma_start3A_679 = tpu.memref_squeeze %dma_start3A_678 : memref<1x128xi32, #tpu.memory_space<vmem>> -> memref<128xi32, #tpu.memory_space<vmem>>
          %dma_start3A_680 = arith.constant 0 : i32
          %dma_start3A_681 = tpu.memref_slice %arg23[%dma_start3A_680] : memref<10112xf32, #tpu.memory_space<vmem_shared>> -> memref<10112xf32, #tpu.memory_space<vmem_shared>>
          tpu.enqueue_indirect_dma source(%arg20 : memref<128xf32, #tpu.memory_space<vmem>>) target(%dma_start3A_681 : memref<10112xf32, #tpu.memory_space<vmem_shared>>) offsets(%dma_start3A_679 : memref<128xi32, #tpu.memory_space<vmem>>) semaphore(%run_scoped3A_676 : memref<!tpu.dma_semaphore, #tpu.memory_space<semaphore_mem>>) {add = true}
          %dma_wait3A_682 = arith.constant 0 : i32
          %dma_wait3A_683 = tpu.memref_slice %arg17[%run_scoped3A_675, %dma_wait3A_682] : memref<2x128xi32, #tpu.memory_space<vmem>> -> memref<1x128xi32, #tpu.memory_space<vmem>>
          %dma_wait3A_684 = tpu.memref_squeeze %dma_wait3A_683 : memref<1x128xi32, #tpu.memory_space<vmem>> -> memref<128xi32, #tpu.memory_space<vmem>>
          %dma_wait3A_685 = arith.constant 0 : i32
          %dma_wait3A_686 = tpu.memref_slice %arg23[%dma_wait3A_685] : memref<10112xf32, #tpu.memory_space<vmem_shared>> -> memref<10112xf32, #tpu.memory_space<vmem_shared>>
          tpu.wait_indirect_dma semaphore(%run_scoped3A_676 : memref<!tpu.dma_semaphore, #tpu.memory_space<semaphore_mem>>) src(%arg20 : memref<128xf32, #tpu.memory_space<vmem>>) dst(%dma_wait3A_686 : memref<10112xf32, #tpu.memory_space<vmem_shared>>)
          tpu.yield
        }) : () -> ()
      } else {
      }
      %add3A_643 = arith.constant 3 : i32
      %add3A_644 = arith.addi %mul3A_530, %add3A_643 : i32
      %add3A_645 = arith.constant 4 : i32
      %add3A_646 = arith.addi %add3A_644, %add3A_645 : i32
      %mul3A_647 = arith.constant 32 : i32
      %mul3A_648 = arith.muli %add3A_646, %mul3A_647 : i32
      %add3A_649 = arith.addi %mul3A_648, %add3A : i32
      %lt3A_650 = arith.constant 2500 : i32
      %lt3A_651 = arith.cmpi slt, %add3A_649, %lt3A_650 : i32
      %convert_element_type3A_652 = arith.extui %lt3A_651 : i1 to i32
      %cond3A_653 = arith.constant 0 : i32
      %cond3A_654 = arith.cmpi ne, %convert_element_type3A_652, %cond3A_653 : i32
      scf.if %cond3A_654 {
        %mul3A_667 = arith.constant 128 : i32
        %mul3A_668 = arith.muli %add3A_649, %mul3A_667 : i32
        %dma_start3A_669 = arith.constant 0 : i32
        %dma_start3A_670 = tpu.memref_slice %arg3[%dma_start3A_669, %mul3A_668] : memref<2x320000xi32, #tpu.memory_space<hbm>> -> memref<2x128xi32, #tpu.memory_space<hbm>>
        %dma_start3A_671 = arith.constant 0 : i32
        %dma_start3A_672 = tpu.memref_slice %arg3[%dma_start3A_671, %mul3A_668] : memref<2x320000xi32, #tpu.memory_space<hbm>> -> memref<2x128xi32, #tpu.memory_space<hbm>>
        tpu.enqueue_dma source(%dma_start3A_672 : memref<2x128xi32, #tpu.memory_space<hbm>>) target(%arg17 : memref<2x128xi32, #tpu.memory_space<vmem>>) target_semaphore(%arg18 : memref<!tpu.dma_semaphore, #tpu.memory_space<semaphore_mem>>)
      } else {
      }
      %add3A_655 = arith.constant 3 : i32
      %add3A_656 = arith.addi %mul3A_530, %add3A_655 : i32
      %add3A_657 = arith.constant 2 : i32
      %add3A_658 = arith.addi %add3A_656, %add3A_657 : i32
      %mul3A_659 = arith.constant 32 : i32
      %mul3A_660 = arith.muli %add3A_658, %mul3A_659 : i32
      %add3A_661 = arith.addi %mul3A_660, %add3A : i32
      %lt3A_662 = arith.constant 2500 : i32
      %lt3A_663 = arith.cmpi slt, %add3A_661, %lt3A_662 : i32
      %convert_element_type3A_664 = arith.extui %lt3A_663 : i1 to i32
      %cond3A_665 = arith.constant 0 : i32
      %cond3A_666 = arith.cmpi ne, %convert_element_type3A_664, %cond3A_665 : i32
      scf.if %cond3A_666 {
        %mul3A_667 = arith.constant 128 : i32
        %mul3A_668 = arith.muli %add3A_661, %mul3A_667 : i32
        %dma_wait3A_669 = arith.constant 0 : i32
        %dma_wait3A_670 = tpu.memref_slice %arg3[%dma_wait3A_669, %mul3A_668] : memref<2x320000xi32, #tpu.memory_space<hbm>> -> memref<2x128xi32, #tpu.memory_space<hbm>>
        %dma_wait3A_671 = arith.constant 0 : i32
        %dma_wait3A_672 = tpu.memref_slice %arg3[%dma_wait3A_671, %mul3A_668] : memref<2x320000xi32, #tpu.memory_space<hbm>> -> memref<2x128xi32, #tpu.memory_space<hbm>>
        tpu.wait_dma2 semaphore(%arg14 : memref<!tpu.dma_semaphore, #tpu.memory_space<semaphore_mem>>) src(%dma_wait3A_672 : memref<2x128xi32, #tpu.memory_space<hbm>>) dst(%arg13 : memref<2x128xi32, #tpu.memory_space<vmem>>)
        %dma_start3A_673 = arith.constant 0 : i32
        %dma_start3A_674 = arith.constant 0 : i32
        %dma_start3A_675 = tpu.memref_slice %arg13[%dma_start3A_673, %dma_start3A_674] : memref<2x128xi32, #tpu.memory_space<vmem>> -> memref<1x128xi32, #tpu.memory_space<vmem>>
        %dma_start3A_676 = tpu.memref_squeeze %dma_start3A_675 : memref<1x128xi32, #tpu.memory_space<vmem>> -> memref<128xi32, #tpu.memory_space<vmem>>
        %dma_start3A_677 = arith.constant 0 : i32
        %dma_start3A_678 = arith.constant 0 : i32
        %dma_start3A_679 = tpu.memref_slice %arg2[%dma_start3A_677, %dma_start3A_678] : memref<10000x128xf32, #tpu.memory_space<hbm>> -> memref<10000x128xf32, #tpu.memory_space<hbm>>
        tpu.enqueue_indirect_dma source(%dma_start3A_679 : memref<10000x128xf32, #tpu.memory_space<hbm>>) target(%arg9 : memref<128x128xf32, #tpu.memory_space<vmem>>) offsets(%dma_start3A_676 : memref<128xi32, #tpu.memory_space<vmem>>) semaphore(%arg10 : memref<!tpu.dma_semaphore, #tpu.memory_space<semaphore_mem>>)
      } else {
      }
    }
    %scan3A_354 = arith.constant 20 : i32
    %barrier3A_355 = arith.constant 0 : index
    tpu.barrier barrier_id(%barrier3A_355)
    %mul3A_356 = arith.constant 632 : i32
    %mul3A_357 = arith.muli %arg1, %mul3A_356 : i32
    %add3A_358 = arith.constant 0 : i32
    %add3A_359 = arith.addi %mul3A_357, %add3A_358 : i32
    %dma_start3A = arith.constant 0 : i32
    %dma_start3A_360 = arith.constant 0 : i32
    %dma_start3A_361 = tpu.memref_slice %arg7[%dma_start3A, %dma_start3A_360] : memref<128x128xf32, #tpu.memory_space<vmem>> -> memref<128x128xf32, #tpu.memory_space<vmem>>
    %dma_start3A_362 = arith.constant 0 : i32
    %dma_start3A_363 = tpu.memref_slice %arg19[%add3A_359, %dma_start3A_362] : memref<10112x128xf32, #tpu.memory_space<vmem_shared>> -> memref<128x128xf32, #tpu.memory_space<vmem_shared>>
    %dma_start3A_364 = arith.constant 0 : i32
    %dma_start3A_365 = arith.constant 0 : i32
    %dma_start3A_366 = tpu.memref_slice %arg7[%dma_start3A_364, %dma_start3A_365] : memref<128x128xf32, #tpu.memory_space<vmem>> -> memref<128x128xf32, #tpu.memory_space<vmem>>
    %dma_start3A_367 = arith.constant 0 : i32
    %dma_start3A_368 = tpu.memref_slice %arg19[%add3A_359, %dma_start3A_367] : memref<10112x128xf32, #tpu.memory_space<vmem_shared>> -> memref<128x128xf32, #tpu.memory_space<vmem_shared>>
    tpu.enqueue_dma source(%dma_start3A_368 : memref<128x128xf32, #tpu.memory_space<vmem_shared>>) target(%dma_start3A_366 : memref<128x128xf32, #tpu.memory_space<vmem>>) target_semaphore(%arg8 : memref<!tpu.dma_semaphore, #tpu.memory_space<semaphore_mem>>)
    %mul3A_369 = arith.constant 632 : i32
    %mul3A_370 = arith.muli %arg1, %mul3A_369 : i32
    %add3A_371 = arith.constant 128 : i32
    %add3A_372 = arith.addi %mul3A_370, %add3A_371 : i32
    %dma_start3A_373 = arith.constant 0 : i32
    %dma_start3A_374 = arith.constant 0 : i32
    %dma_start3A_375 = tpu.memref_slice %arg9[%dma_start3A_373, %dma_start3A_374] : memref<128x128xf32, #tpu.memory_space<vmem>> -> memref<128x128xf32, #tpu.memory_space<vmem>>
    %dma_start3A_376 = arith.constant 0 : i32
    %dma_start3A_377 = tpu.memref_slice %arg19[%add3A_372, %dma_start3A_376] : memref<10112x128xf32, #tpu.memory_space<vmem_shared>> -> memref<128x128xf32, #tpu.memory_space<vmem_shared>>
    %dma_start3A_378 = arith.constant 0 : i32
    %dma_start3A_379 = arith.constant 0 : i32
    %dma_start3A_380 = tpu.memref_slice %arg9[%dma_start3A_378, %dma_start3A_379] : memref<128x128xf32, #tpu.memory_space<vmem>> -> memref<128x128xf32, #tpu.memory_space<vmem>>
    %dma_start3A_381 = arith.constant 0 : i32
    %dma_start3A_382 = tpu.memref_slice %arg19[%add3A_372, %dma_start3A_381] : memref<10112x128xf32, #tpu.memory_space<vmem_shared>> -> memref<128x128xf32, #tpu.memory_space<vmem_shared>>
    tpu.enqueue_dma source(%dma_start3A_382 : memref<128x128xf32, #tpu.memory_space<vmem_shared>>) target(%dma_start3A_380 : memref<128x128xf32, #tpu.memory_space<vmem>>) target_semaphore(%arg10 : memref<!tpu.dma_semaphore, #tpu.memory_space<semaphore_mem>>)
    %mul3A_383 = arith.constant 632 : i32
    %mul3A_384 = arith.muli %arg1, %mul3A_383 : i32
    %add3A_385 = arith.constant 0 : i32
    %add3A_386 = arith.addi %mul3A_384, %add3A_385 : i32
    %dma_wait3A = arith.constant 0 : i32
    %dma_wait3A_387 = arith.constant 0 : i32
    %dma_wait3A_388 = tpu.memref_slice %arg7[%dma_wait3A, %dma_wait3A_387] : memref<128x128xf32, #tpu.memory_space<vmem>> -> memref<128x128xf32, #tpu.memory_space<vmem>>
    %dma_wait3A_389 = arith.constant 0 : i32
    %dma_wait3A_390 = tpu.memref_slice %arg19[%add3A_386, %dma_wait3A_389] : memref<10112x128xf32, #tpu.memory_space<vmem_shared>> -> memref<128x128xf32, #tpu.memory_space<vmem_shared>>
    %dma_wait3A_391 = arith.constant 0 : i32
    %dma_wait3A_392 = arith.constant 0 : i32
    %dma_wait3A_393 = tpu.memref_slice %arg7[%dma_wait3A_391, %dma_wait3A_392] : memref<128x128xf32, #tpu.memory_space<vmem>> -> memref<128x128xf32, #tpu.memory_space<vmem>>
    %dma_wait3A_394 = arith.constant 0 : i32
    %dma_wait3A_395 = tpu.memref_slice %arg19[%add3A_386, %dma_wait3A_394] : memref<10112x128xf32, #tpu.memory_space<vmem_shared>> -> memref<128x128xf32, #tpu.memory_space<vmem_shared>>
    tpu.wait_dma2 semaphore(%arg8 : memref<!tpu.dma_semaphore, #tpu.memory_space<semaphore_mem>>) src(%dma_wait3A_395 : memref<128x128xf32, #tpu.memory_space<vmem_shared>>) dst(%dma_wait3A_393 : memref<128x128xf32, #tpu.memory_space<vmem>>)
    %mul3A_396 = arith.constant 632 : i32
    %mul3A_397 = arith.muli %arg1, %mul3A_396 : i32
    %add3A_398 = arith.constant 0 : i32
    %add3A_399 = arith.addi %mul3A_397, %add3A_398 : i32
    "tpu.region"() ({
      %run_scoped3A = tpu.sem_alloc : memref<!tpu.dma_semaphore, #tpu.memory_space<semaphore_mem>>
      %dma_start3A_528 = arith.constant 0 : i32
      %dma_start3A_529 = arith.constant 0 : i32
      %dma_start3A_530 = tpu.memref_slice %arg7[%dma_start3A_528, %dma_start3A_529] : memref<128x128xf32, #tpu.memory_space<vmem>> -> memref<128x128xf32, #tpu.memory_space<vmem>>
      %dma_start3A_531 = arith.constant 0 : i32
      %dma_start3A_532 = tpu.memref_slice %arg5[%arg0, %add3A_399, %dma_start3A_531] : memref<2x10112x128xf32, #tpu.memory_space<hbm>> -> memref<1x128x128xf32, #tpu.memory_space<hbm>>
      %dma_start3A_533 = tpu.memref_squeeze %dma_start3A_532 : memref<1x128x128xf32, #tpu.memory_space<hbm>> -> memref<128x128xf32, #tpu.memory_space<hbm>>
      %dma_start3A_534 = arith.constant 0 : i32
      %dma_start3A_535 = tpu.memref_slice %arg5[%arg0, %add3A_399, %dma_start3A_534] : memref<2x10112x128xf32, #tpu.memory_space<hbm>> -> memref<1x128x128xf32, #tpu.memory_space<hbm>>
      %dma_start3A_536 = tpu.memref_squeeze %dma_start3A_535 : memref<1x128x128xf32, #tpu.memory_space<hbm>> -> memref<128x128xf32, #tpu.memory_space<hbm>>
      %dma_start3A_537 = arith.constant 0 : i32
      %dma_start3A_538 = arith.constant 0 : i32
      %dma_start3A_539 = tpu.memref_slice %arg7[%dma_start3A_537, %dma_start3A_538] : memref<128x128xf32, #tpu.memory_space<vmem>> -> memref<128x128xf32, #tpu.memory_space<vmem>>
      tpu.enqueue_dma source(%dma_start3A_539 : memref<128x128xf32, #tpu.memory_space<vmem>>) target(%dma_start3A_536 : memref<128x128xf32, #tpu.memory_space<hbm>>) target_semaphore(%run_scoped3A : memref<!tpu.dma_semaphore, #tpu.memory_space<semaphore_mem>>)
      %dma_wait3A_540 = arith.constant 0 : i32
      %dma_wait3A_541 = arith.constant 0 : i32
      %dma_wait3A_542 = tpu.memref_slice %arg7[%dma_wait3A_540, %dma_wait3A_541] : memref<128x128xf32, #tpu.memory_space<vmem>> -> memref<128x128xf32, #tpu.memory_space<vmem>>
      %dma_wait3A_543 = arith.constant 0 : i32
      %dma_wait3A_544 = tpu.memref_slice %arg5[%arg0, %add3A_399, %dma_wait3A_543] : memref<2x10112x128xf32, #tpu.memory_space<hbm>> -> memref<1x128x128xf32, #tpu.memory_space<hbm>>
      %dma_wait3A_545 = tpu.memref_squeeze %dma_wait3A_544 : memref<1x128x128xf32, #tpu.memory_space<hbm>> -> memref<128x128xf32, #tpu.memory_space<hbm>>
      %dma_wait3A_546 = arith.constant 0 : i32
      %dma_wait3A_547 = tpu.memref_slice %arg5[%arg0, %add3A_399, %dma_wait3A_546] : memref<2x10112x128xf32, #tpu.memory_space<hbm>> -> memref<1x128x128xf32, #tpu.memory_space<hbm>>
      %dma_wait3A_548 = tpu.memref_squeeze %dma_wait3A_547 : memref<1x128x128xf32, #tpu.memory_space<hbm>> -> memref<128x128xf32, #tpu.memory_space<hbm>>
      %dma_wait3A_549 = arith.constant 0 : i32
      %dma_wait3A_550 = arith.constant 0 : i32
      %dma_wait3A_551 = tpu.memref_slice %arg7[%dma_wait3A_549, %dma_wait3A_550] : memref<128x128xf32, #tpu.memory_space<vmem>> -> memref<128x128xf32, #tpu.memory_space<vmem>>
      tpu.wait_dma2 semaphore(%run_scoped3A : memref<!tpu.dma_semaphore, #tpu.memory_space<semaphore_mem>>) src(%dma_wait3A_551 : memref<128x128xf32, #tpu.memory_space<vmem>>) dst(%dma_wait3A_548 : memref<128x128xf32, #tpu.memory_space<hbm>>)
      tpu.yield
    }) : () -> ()
    %mul3A_400 = arith.constant 632 : i32
    %mul3A_401 = arith.muli %arg1, %mul3A_400 : i32
    %add3A_402 = arith.constant 256 : i32
    %add3A_403 = arith.addi %mul3A_401, %add3A_402 : i32
    %dma_start3A_404 = arith.constant 0 : i32
    %dma_start3A_405 = arith.constant 0 : i32
    %dma_start3A_406 = tpu.memref_slice %arg7[%dma_start3A_404, %dma_start3A_405] : memref<128x128xf32, #tpu.memory_space<vmem>> -> memref<128x128xf32, #tpu.memory_space<vmem>>
    %dma_start3A_407 = arith.constant 0 : i32
    %dma_start3A_408 = tpu.memref_slice %arg19[%add3A_403, %dma_start3A_407] : memref<10112x128xf32, #tpu.memory_space<vmem_shared>> -> memref<128x128xf32, #tpu.memory_space<vmem_shared>>
    %dma_start3A_409 = arith.constant 0 : i32
    %dma_start3A_410 = arith.constant 0 : i32
    %dma_start3A_411 = tpu.memref_slice %arg7[%dma_start3A_409, %dma_start3A_410] : memref<128x128xf32, #tpu.memory_space<vmem>> -> memref<128x128xf32, #tpu.memory_space<vmem>>
    %dma_start3A_412 = arith.constant 0 : i32
    %dma_start3A_413 = tpu.memref_slice %arg19[%add3A_403, %dma_start3A_412] : memref<10112x128xf32, #tpu.memory_space<vmem_shared>> -> memref<128x128xf32, #tpu.memory_space<vmem_shared>>
    tpu.enqueue_dma source(%dma_start3A_413 : memref<128x128xf32, #tpu.memory_space<vmem_shared>>) target(%dma_start3A_411 : memref<128x128xf32, #tpu.memory_space<vmem>>) target_semaphore(%arg8 : memref<!tpu.dma_semaphore, #tpu.memory_space<semaphore_mem>>)
    %mul3A_414 = arith.constant 632 : i32
    %mul3A_415 = arith.muli %arg1, %mul3A_414 : i32
    %add3A_416 = arith.constant 128 : i32
    %add3A_417 = arith.addi %mul3A_415, %add3A_416 : i32
    %dma_wait3A_418 = arith.constant 0 : i32
    %dma_wait3A_419 = arith.constant 0 : i32
    %dma_wait3A_420 = tpu.memref_slice %arg9[%dma_wait3A_418, %dma_wait3A_419] : memref<128x128xf32, #tpu.memory_space<vmem>> -> memref<128x128xf32, #tpu.memory_space<vmem>>
    %dma_wait3A_421 = arith.constant 0 : i32
    %dma_wait3A_422 = tpu.memref_slice %arg19[%add3A_417, %dma_wait3A_421] : memref<10112x128xf32, #tpu.memory_space<vmem_shared>> -> memref<128x128xf32, #tpu.memory_space<vmem_shared>>
    %dma_wait3A_423 = arith.constant 0 : i32
    %dma_wait3A_424 = arith.constant 0 : i32
    %dma_wait3A_425 = tpu.memref_slice %arg9[%dma_wait3A_423, %dma_wait3A_424] : memref<128x128xf32, #tpu.memory_space<vmem>> -> memref<128x128xf32, #tpu.memory_space<vmem>>
    %dma_wait3A_426 = arith.constant 0 : i32
    %dma_wait3A_427 = tpu.memref_slice %arg19[%add3A_417, %dma_wait3A_426] : memref<10112x128xf32, #tpu.memory_space<vmem_shared>> -> memref<128x128xf32, #tpu.memory_space<vmem_shared>>
    tpu.wait_dma2 semaphore(%arg10 : memref<!tpu.dma_semaphore, #tpu.memory_space<semaphore_mem>>) src(%dma_wait3A_427 : memref<128x128xf32, #tpu.memory_space<vmem_shared>>) dst(%dma_wait3A_425 : memref<128x128xf32, #tpu.memory_space<vmem>>)
    %mul3A_428 = arith.constant 632 : i32
    %mul3A_429 = arith.muli %arg1, %mul3A_428 : i32
    %add3A_430 = arith.constant 128 : i32
    %add3A_431 = arith.addi %mul3A_429, %add3A_430 : i32
    "tpu.region"() ({
      %run_scoped3A = tpu.sem_alloc : memref<!tpu.dma_semaphore, #tpu.memory_space<semaphore_mem>>
      %dma_start3A_528 = arith.constant 0 : i32
      %dma_start3A_529 = arith.constant 0 : i32
      %dma_start3A_530 = tpu.memref_slice %arg9[%dma_start3A_528, %dma_start3A_529] : memref<128x128xf32, #tpu.memory_space<vmem>> -> memref<128x128xf32, #tpu.memory_space<vmem>>
      %dma_start3A_531 = arith.constant 0 : i32
      %dma_start3A_532 = tpu.memref_slice %arg5[%arg0, %add3A_431, %dma_start3A_531] : memref<2x10112x128xf32, #tpu.memory_space<hbm>> -> memref<1x128x128xf32, #tpu.memory_space<hbm>>
      %dma_start3A_533 = tpu.memref_squeeze %dma_start3A_532 : memref<1x128x128xf32, #tpu.memory_space<hbm>> -> memref<128x128xf32, #tpu.memory_space<hbm>>
      %dma_start3A_534 = arith.constant 0 : i32
      %dma_start3A_535 = tpu.memref_slice %arg5[%arg0, %add3A_431, %dma_start3A_534] : memref<2x10112x128xf32, #tpu.memory_space<hbm>> -> memref<1x128x128xf32, #tpu.memory_space<hbm>>
      %dma_start3A_536 = tpu.memref_squeeze %dma_start3A_535 : memref<1x128x128xf32, #tpu.memory_space<hbm>> -> memref<128x128xf32, #tpu.memory_space<hbm>>
      %dma_start3A_537 = arith.constant 0 : i32
      %dma_start3A_538 = arith.constant 0 : i32
      %dma_start3A_539 = tpu.memref_slice %arg9[%dma_start3A_537, %dma_start3A_538] : memref<128x128xf32, #tpu.memory_space<vmem>> -> memref<128x128xf32, #tpu.memory_space<vmem>>
      tpu.enqueue_dma source(%dma_start3A_539 : memref<128x128xf32, #tpu.memory_space<vmem>>) target(%dma_start3A_536 : memref<128x128xf32, #tpu.memory_space<hbm>>) target_semaphore(%run_scoped3A : memref<!tpu.dma_semaphore, #tpu.memory_space<semaphore_mem>>)
      %dma_wait3A_540 = arith.constant 0 : i32
      %dma_wait3A_541 = arith.constant 0 : i32
      %dma_wait3A_542 = tpu.memref_slice %arg9[%dma_wait3A_540, %dma_wait3A_541] : memref<128x128xf32, #tpu.memory_space<vmem>> -> memref<128x128xf32, #tpu.memory_space<vmem>>
      %dma_wait3A_543 = arith.constant 0 : i32
      %dma_wait3A_544 = tpu.memref_slice %arg5[%arg0, %add3A_431, %dma_wait3A_543] : memref<2x10112x128xf32, #tpu.memory_space<hbm>> -> memref<1x128x128xf32, #tpu.memory_space<hbm>>
      %dma_wait3A_545 = tpu.memref_squeeze %dma_wait3A_544 : memref<1x128x128xf32, #tpu.memory_space<hbm>> -> memref<128x128xf32, #tpu.memory_space<hbm>>
      %dma_wait3A_546 = arith.constant 0 : i32
      %dma_wait3A_547 = tpu.memref_slice %arg5[%arg0, %add3A_431, %dma_wait3A_546] : memref<2x10112x128xf32, #tpu.memory_space<hbm>> -> memref<1x128x128xf32, #tpu.memory_space<hbm>>
      %dma_wait3A_548 = tpu.memref_squeeze %dma_wait3A_547 : memref<1x128x128xf32, #tpu.memory_space<hbm>> -> memref<128x128xf32, #tpu.memory_space<hbm>>
      %dma_wait3A_549 = arith.constant 0 : i32
      %dma_wait3A_550 = arith.constant 0 : i32
      %dma_wait3A_551 = tpu.memref_slice %arg9[%dma_wait3A_549, %dma_wait3A_550] : memref<128x128xf32, #tpu.memory_space<vmem>> -> memref<128x128xf32, #tpu.memory_space<vmem>>
      tpu.wait_dma2 semaphore(%run_scoped3A : memref<!tpu.dma_semaphore, #tpu.memory_space<semaphore_mem>>) src(%dma_wait3A_551 : memref<128x128xf32, #tpu.memory_space<vmem>>) dst(%dma_wait3A_548 : memref<128x128xf32, #tpu.memory_space<hbm>>)
      tpu.yield
    }) : () -> ()
    %mul3A_432 = arith.constant 632 : i32
    %mul3A_433 = arith.muli %arg1, %mul3A_432 : i32
    %add3A_434 = arith.constant 384 : i32
    %add3A_435 = arith.addi %mul3A_433, %add3A_434 : i32
    %dma_start3A_436 = arith.constant 0 : i32
    %dma_start3A_437 = arith.constant 0 : i32
    %dma_start3A_438 = tpu.memref_slice %arg9[%dma_start3A_436, %dma_start3A_437] : memref<128x128xf32, #tpu.memory_space<vmem>> -> memref<128x128xf32, #tpu.memory_space<vmem>>
    %dma_start3A_439 = arith.constant 0 : i32
    %dma_start3A_440 = tpu.memref_slice %arg19[%add3A_435, %dma_start3A_439] : memref<10112x128xf32, #tpu.memory_space<vmem_shared>> -> memref<128x128xf32, #tpu.memory_space<vmem_shared>>
    %dma_start3A_441 = arith.constant 0 : i32
    %dma_start3A_442 = arith.constant 0 : i32
    %dma_start3A_443 = tpu.memref_slice %arg9[%dma_start3A_441, %dma_start3A_442] : memref<128x128xf32, #tpu.memory_space<vmem>> -> memref<128x128xf32, #tpu.memory_space<vmem>>
    %dma_start3A_444 = arith.constant 0 : i32
    %dma_start3A_445 = tpu.memref_slice %arg19[%add3A_435, %dma_start3A_444] : memref<10112x128xf32, #tpu.memory_space<vmem_shared>> -> memref<128x128xf32, #tpu.memory_space<vmem_shared>>
    tpu.enqueue_dma source(%dma_start3A_445 : memref<128x128xf32, #tpu.memory_space<vmem_shared>>) target(%dma_start3A_443 : memref<128x128xf32, #tpu.memory_space<vmem>>) target_semaphore(%arg10 : memref<!tpu.dma_semaphore, #tpu.memory_space<semaphore_mem>>)
    %mul3A_446 = arith.constant 632 : i32
    %mul3A_447 = arith.muli %arg1, %mul3A_446 : i32
    %add3A_448 = arith.constant 256 : i32
    %add3A_449 = arith.addi %mul3A_447, %add3A_448 : i32
    %dma_wait3A_450 = arith.constant 0 : i32
    %dma_wait3A_451 = arith.constant 0 : i32
    %dma_wait3A_452 = tpu.memref_slice %arg7[%dma_wait3A_450, %dma_wait3A_451] : memref<128x128xf32, #tpu.memory_space<vmem>> -> memref<128x128xf32, #tpu.memory_space<vmem>>
    %dma_wait3A_453 = arith.constant 0 : i32
    %dma_wait3A_454 = tpu.memref_slice %arg19[%add3A_449, %dma_wait3A_453] : memref<10112x128xf32, #tpu.memory_space<vmem_shared>> -> memref<128x128xf32, #tpu.memory_space<vmem_shared>>
    %dma_wait3A_455 = arith.constant 0 : i32
    %dma_wait3A_456 = arith.constant 0 : i32
    %dma_wait3A_457 = tpu.memref_slice %arg7[%dma_wait3A_455, %dma_wait3A_456] : memref<128x128xf32, #tpu.memory_space<vmem>> -> memref<128x128xf32, #tpu.memory_space<vmem>>
    %dma_wait3A_458 = arith.constant 0 : i32
    %dma_wait3A_459 = tpu.memref_slice %arg19[%add3A_449, %dma_wait3A_458] : memref<10112x128xf32, #tpu.memory_space<vmem_shared>> -> memref<128x128xf32, #tpu.memory_space<vmem_shared>>
    tpu.wait_dma2 semaphore(%arg8 : memref<!tpu.dma_semaphore, #tpu.memory_space<semaphore_mem>>) src(%dma_wait3A_459 : memref<128x128xf32, #tpu.memory_space<vmem_shared>>) dst(%dma_wait3A_457 : memref<128x128xf32, #tpu.memory_space<vmem>>)
    %mul3A_460 = arith.constant 632 : i32
    %mul3A_461 = arith.muli %arg1, %mul3A_460 : i32
    %add3A_462 = arith.constant 256 : i32
    %add3A_463 = arith.addi %mul3A_461, %add3A_462 : i32
    "tpu.region"() ({
      %run_scoped3A = tpu.sem_alloc : memref<!tpu.dma_semaphore, #tpu.memory_space<semaphore_mem>>
      %dma_start3A_528 = arith.constant 0 : i32
      %dma_start3A_529 = arith.constant 0 : i32
      %dma_start3A_530 = tpu.memref_slice %arg7[%dma_start3A_528, %dma_start3A_529] : memref<128x128xf32, #tpu.memory_space<vmem>> -> memref<128x128xf32, #tpu.memory_space<vmem>>
      %dma_start3A_531 = arith.constant 0 : i32
      %dma_start3A_532 = tpu.memref_slice %arg5[%arg0, %add3A_463, %dma_start3A_531] : memref<2x10112x128xf32, #tpu.memory_space<hbm>> -> memref<1x128x128xf32, #tpu.memory_space<hbm>>
      %dma_start3A_533 = tpu.memref_squeeze %dma_start3A_532 : memref<1x128x128xf32, #tpu.memory_space<hbm>> -> memref<128x128xf32, #tpu.memory_space<hbm>>
      %dma_start3A_534 = arith.constant 0 : i32
      %dma_start3A_535 = tpu.memref_slice %arg5[%arg0, %add3A_463, %dma_start3A_534] : memref<2x10112x128xf32, #tpu.memory_space<hbm>> -> memref<1x128x128xf32, #tpu.memory_space<hbm>>
      %dma_start3A_536 = tpu.memref_squeeze %dma_start3A_535 : memref<1x128x128xf32, #tpu.memory_space<hbm>> -> memref<128x128xf32, #tpu.memory_space<hbm>>
      %dma_start3A_537 = arith.constant 0 : i32
      %dma_start3A_538 = arith.constant 0 : i32
      %dma_start3A_539 = tpu.memref_slice %arg7[%dma_start3A_537, %dma_start3A_538] : memref<128x128xf32, #tpu.memory_space<vmem>> -> memref<128x128xf32, #tpu.memory_space<vmem>>
      tpu.enqueue_dma source(%dma_start3A_539 : memref<128x128xf32, #tpu.memory_space<vmem>>) target(%dma_start3A_536 : memref<128x128xf32, #tpu.memory_space<hbm>>) target_semaphore(%run_scoped3A : memref<!tpu.dma_semaphore, #tpu.memory_space<semaphore_mem>>)
      %dma_wait3A_540 = arith.constant 0 : i32
      %dma_wait3A_541 = arith.constant 0 : i32
      %dma_wait3A_542 = tpu.memref_slice %arg7[%dma_wait3A_540, %dma_wait3A_541] : memref<128x128xf32, #tpu.memory_space<vmem>> -> memref<128x128xf32, #tpu.memory_space<vmem>>
      %dma_wait3A_543 = arith.constant 0 : i32
      %dma_wait3A_544 = tpu.memref_slice %arg5[%arg0, %add3A_463, %dma_wait3A_543] : memref<2x10112x128xf32, #tpu.memory_space<hbm>> -> memref<1x128x128xf32, #tpu.memory_space<hbm>>
      %dma_wait3A_545 = tpu.memref_squeeze %dma_wait3A_544 : memref<1x128x128xf32, #tpu.memory_space<hbm>> -> memref<128x128xf32, #tpu.memory_space<hbm>>
      %dma_wait3A_546 = arith.constant 0 : i32
      %dma_wait3A_547 = tpu.memref_slice %arg5[%arg0, %add3A_463, %dma_wait3A_546] : memref<2x10112x128xf32, #tpu.memory_space<hbm>> -> memref<1x128x128xf32, #tpu.memory_space<hbm>>
      %dma_wait3A_548 = tpu.memref_squeeze %dma_wait3A_547 : memref<1x128x128xf32, #tpu.memory_space<hbm>> -> memref<128x128xf32, #tpu.memory_space<hbm>>
      %dma_wait3A_549 = arith.constant 0 : i32
      %dma_wait3A_550 = arith.constant 0 : i32
      %dma_wait3A_551 = tpu.memref_slice %arg7[%dma_wait3A_549, %dma_wait3A_550] : memref<128x128xf32, #tpu.memory_space<vmem>> -> memref<128x128xf32, #tpu.memory_space<vmem>>
      tpu.wait_dma2 semaphore(%run_scoped3A : memref<!tpu.dma_semaphore, #tpu.memory_space<semaphore_mem>>) src(%dma_wait3A_551 : memref<128x128xf32, #tpu.memory_space<vmem>>) dst(%dma_wait3A_548 : memref<128x128xf32, #tpu.memory_space<hbm>>)
      tpu.yield
    }) : () -> ()
    %mul3A_464 = arith.constant 632 : i32
    %mul3A_465 = arith.muli %arg1, %mul3A_464 : i32
    %add3A_466 = arith.constant 512 : i32
    %add3A_467 = arith.addi %mul3A_465, %add3A_466 : i32
    %dma_start3A_468 = arith.constant 0 : i32
    %dma_start3A_469 = arith.constant 0 : i32
    %dma_start3A_470 = tpu.memref_slice %arg7[%dma_start3A_468, %dma_start3A_469] : memref<128x128xf32, #tpu.memory_space<vmem>> -> memref<120x128xf32, #tpu.memory_space<vmem>>
    %dma_start3A_471 = arith.constant 0 : i32
    %dma_start3A_472 = tpu.memref_slice %arg19[%add3A_467, %dma_start3A_471] : memref<10112x128xf32, #tpu.memory_space<vmem_shared>> -> memref<120x128xf32, #tpu.memory_space<vmem_shared>>
    %dma_start3A_473 = arith.constant 0 : i32
    %dma_start3A_474 = arith.constant 0 : i32
    %dma_start3A_475 = tpu.memref_slice %arg7[%dma_start3A_473, %dma_start3A_474] : memref<128x128xf32, #tpu.memory_space<vmem>> -> memref<120x128xf32, #tpu.memory_space<vmem>>
    %dma_start3A_476 = arith.constant 0 : i32
    %dma_start3A_477 = tpu.memref_slice %arg19[%add3A_467, %dma_start3A_476] : memref<10112x128xf32, #tpu.memory_space<vmem_shared>> -> memref<120x128xf32, #tpu.memory_space<vmem_shared>>
    tpu.enqueue_dma source(%dma_start3A_477 : memref<120x128xf32, #tpu.memory_space<vmem_shared>>) target(%dma_start3A_475 : memref<120x128xf32, #tpu.memory_space<vmem>>) target_semaphore(%arg8 : memref<!tpu.dma_semaphore, #tpu.memory_space<semaphore_mem>>)
    %mul3A_478 = arith.constant 632 : i32
    %mul3A_479 = arith.muli %arg1, %mul3A_478 : i32
    %add3A_480 = arith.constant 384 : i32
    %add3A_481 = arith.addi %mul3A_479, %add3A_480 : i32
    %dma_wait3A_482 = arith.constant 0 : i32
    %dma_wait3A_483 = arith.constant 0 : i32
    %dma_wait3A_484 = tpu.memref_slice %arg9[%dma_wait3A_482, %dma_wait3A_483] : memref<128x128xf32, #tpu.memory_space<vmem>> -> memref<128x128xf32, #tpu.memory_space<vmem>>
    %dma_wait3A_485 = arith.constant 0 : i32
    %dma_wait3A_486 = tpu.memref_slice %arg19[%add3A_481, %dma_wait3A_485] : memref<10112x128xf32, #tpu.memory_space<vmem_shared>> -> memref<128x128xf32, #tpu.memory_space<vmem_shared>>
    %dma_wait3A_487 = arith.constant 0 : i32
    %dma_wait3A_488 = arith.constant 0 : i32
    %dma_wait3A_489 = tpu.memref_slice %arg9[%dma_wait3A_487, %dma_wait3A_488] : memref<128x128xf32, #tpu.memory_space<vmem>> -> memref<128x128xf32, #tpu.memory_space<vmem>>
    %dma_wait3A_490 = arith.constant 0 : i32
    %dma_wait3A_491 = tpu.memref_slice %arg19[%add3A_481, %dma_wait3A_490] : memref<10112x128xf32, #tpu.memory_space<vmem_shared>> -> memref<128x128xf32, #tpu.memory_space<vmem_shared>>
    tpu.wait_dma2 semaphore(%arg10 : memref<!tpu.dma_semaphore, #tpu.memory_space<semaphore_mem>>) src(%dma_wait3A_491 : memref<128x128xf32, #tpu.memory_space<vmem_shared>>) dst(%dma_wait3A_489 : memref<128x128xf32, #tpu.memory_space<vmem>>)
    %mul3A_492 = arith.constant 632 : i32
    %mul3A_493 = arith.muli %arg1, %mul3A_492 : i32
    %add3A_494 = arith.constant 384 : i32
    %add3A_495 = arith.addi %mul3A_493, %add3A_494 : i32
    "tpu.region"() ({
      %run_scoped3A = tpu.sem_alloc : memref<!tpu.dma_semaphore, #tpu.memory_space<semaphore_mem>>
      %dma_start3A_528 = arith.constant 0 : i32
      %dma_start3A_529 = arith.constant 0 : i32
      %dma_start3A_530 = tpu.memref_slice %arg9[%dma_start3A_528, %dma_start3A_529] : memref<128x128xf32, #tpu.memory_space<vmem>> -> memref<128x128xf32, #tpu.memory_space<vmem>>
      %dma_start3A_531 = arith.constant 0 : i32
      %dma_start3A_532 = tpu.memref_slice %arg5[%arg0, %add3A_495, %dma_start3A_531] : memref<2x10112x128xf32, #tpu.memory_space<hbm>> -> memref<1x128x128xf32, #tpu.memory_space<hbm>>
      %dma_start3A_533 = tpu.memref_squeeze %dma_start3A_532 : memref<1x128x128xf32, #tpu.memory_space<hbm>> -> memref<128x128xf32, #tpu.memory_space<hbm>>
      %dma_start3A_534 = arith.constant 0 : i32
      %dma_start3A_535 = tpu.memref_slice %arg5[%arg0, %add3A_495, %dma_start3A_534] : memref<2x10112x128xf32, #tpu.memory_space<hbm>> -> memref<1x128x128xf32, #tpu.memory_space<hbm>>
      %dma_start3A_536 = tpu.memref_squeeze %dma_start3A_535 : memref<1x128x128xf32, #tpu.memory_space<hbm>> -> memref<128x128xf32, #tpu.memory_space<hbm>>
      %dma_start3A_537 = arith.constant 0 : i32
      %dma_start3A_538 = arith.constant 0 : i32
      %dma_start3A_539 = tpu.memref_slice %arg9[%dma_start3A_537, %dma_start3A_538] : memref<128x128xf32, #tpu.memory_space<vmem>> -> memref<128x128xf32, #tpu.memory_space<vmem>>
      tpu.enqueue_dma source(%dma_start3A_539 : memref<128x128xf32, #tpu.memory_space<vmem>>) target(%dma_start3A_536 : memref<128x128xf32, #tpu.memory_space<hbm>>) target_semaphore(%run_scoped3A : memref<!tpu.dma_semaphore, #tpu.memory_space<semaphore_mem>>)
      %dma_wait3A_540 = arith.constant 0 : i32
      %dma_wait3A_541 = arith.constant 0 : i32
      %dma_wait3A_542 = tpu.memref_slice %arg9[%dma_wait3A_540, %dma_wait3A_541] : memref<128x128xf32, #tpu.memory_space<vmem>> -> memref<128x128xf32, #tpu.memory_space<vmem>>
      %dma_wait3A_543 = arith.constant 0 : i32
      %dma_wait3A_544 = tpu.memref_slice %arg5[%arg0, %add3A_495, %dma_wait3A_543] : memref<2x10112x128xf32, #tpu.memory_space<hbm>> -> memref<1x128x128xf32, #tpu.memory_space<hbm>>
      %dma_wait3A_545 = tpu.memref_squeeze %dma_wait3A_544 : memref<1x128x128xf32, #tpu.memory_space<hbm>> -> memref<128x128xf32, #tpu.memory_space<hbm>>
      %dma_wait3A_546 = arith.constant 0 : i32
      %dma_wait3A_547 = tpu.memref_slice %arg5[%arg0, %add3A_495, %dma_wait3A_546] : memref<2x10112x128xf32, #tpu.memory_space<hbm>> -> memref<1x128x128xf32, #tpu.memory_space<hbm>>
      %dma_wait3A_548 = tpu.memref_squeeze %dma_wait3A_547 : memref<1x128x128xf32, #tpu.memory_space<hbm>> -> memref<128x128xf32, #tpu.memory_space<hbm>>
      %dma_wait3A_549 = arith.constant 0 : i32
      %dma_wait3A_550 = arith.constant 0 : i32
      %dma_wait3A_551 = tpu.memref_slice %arg9[%dma_wait3A_549, %dma_wait3A_550] : memref<128x128xf32, #tpu.memory_space<vmem>> -> memref<128x128xf32, #tpu.memory_space<vmem>>
      tpu.wait_dma2 semaphore(%run_scoped3A : memref<!tpu.dma_semaphore, #tpu.memory_space<semaphore_mem>>) src(%dma_wait3A_551 : memref<128x128xf32, #tpu.memory_space<vmem>>) dst(%dma_wait3A_548 : memref<128x128xf32, #tpu.memory_space<hbm>>)
      tpu.yield
    }) : () -> ()
    %mul3A_496 = arith.constant 632 : i32
    %mul3A_497 = arith.muli %arg1, %mul3A_496 : i32
    %add3A_498 = arith.constant 512 : i32
    %add3A_499 = arith.addi %mul3A_497, %add3A_498 : i32
    %dma_wait3A_500 = arith.constant 0 : i32
    %dma_wait3A_501 = arith.constant 0 : i32
    %dma_wait3A_502 = tpu.memref_slice %arg7[%dma_wait3A_500, %dma_wait3A_501] : memref<128x128xf32, #tpu.memory_space<vmem>> -> memref<120x128xf32, #tpu.memory_space<vmem>>
    %dma_wait3A_503 = arith.constant 0 : i32
    %dma_wait3A_504 = tpu.memref_slice %arg19[%add3A_499, %dma_wait3A_503] : memref<10112x128xf32, #tpu.memory_space<vmem_shared>> -> memref<120x128xf32, #tpu.memory_space<vmem_shared>>
    %dma_wait3A_505 = arith.constant 0 : i32
    %dma_wait3A_506 = arith.constant 0 : i32
    %dma_wait3A_507 = tpu.memref_slice %arg7[%dma_wait3A_505, %dma_wait3A_506] : memref<128x128xf32, #tpu.memory_space<vmem>> -> memref<120x128xf32, #tpu.memory_space<vmem>>
    %dma_wait3A_508 = arith.constant 0 : i32
    %dma_wait3A_509 = tpu.memref_slice %arg19[%add3A_499, %dma_wait3A_508] : memref<10112x128xf32, #tpu.memory_space<vmem_shared>> -> memref<120x128xf32, #tpu.memory_space<vmem_shared>>
    tpu.wait_dma2 semaphore(%arg8 : memref<!tpu.dma_semaphore, #tpu.memory_space<semaphore_mem>>) src(%dma_wait3A_509 : memref<120x128xf32, #tpu.memory_space<vmem_shared>>) dst(%dma_wait3A_507 : memref<120x128xf32, #tpu.memory_space<vmem>>)
    %mul3A_510 = arith.constant 632 : i32
    %mul3A_511 = arith.muli %arg1, %mul3A_510 : i32
    %add3A_512 = arith.constant 512 : i32
    %add3A_513 = arith.addi %mul3A_511, %add3A_512 : i32
    "tpu.region"() ({
      %run_scoped3A = tpu.sem_alloc : memref<!tpu.dma_semaphore, #tpu.memory_space<semaphore_mem>>
      %dma_start3A_528 = arith.constant 0 : i32
      %dma_start3A_529 = arith.constant 0 : i32
      %dma_start3A_530 = tpu.memref_slice %arg7[%dma_start3A_528, %dma_start3A_529] : memref<128x128xf32, #tpu.memory_space<vmem>> -> memref<120x128xf32, #tpu.memory_space<vmem>>
      %dma_start3A_531 = arith.constant 0 : i32
      %dma_start3A_532 = tpu.memref_slice %arg5[%arg0, %add3A_513, %dma_start3A_531] : memref<2x10112x128xf32, #tpu.memory_space<hbm>> -> memref<1x120x128xf32, #tpu.memory_space<hbm>>
      %dma_start3A_533 = tpu.memref_squeeze %dma_start3A_532 : memref<1x120x128xf32, #tpu.memory_space<hbm>> -> memref<120x128xf32, #tpu.memory_space<hbm>>
      %dma_start3A_534 = arith.constant 0 : i32
      %dma_start3A_535 = tpu.memref_slice %arg5[%arg0, %add3A_513, %dma_start3A_534] : memref<2x10112x128xf32, #tpu.memory_space<hbm>> -> memref<1x120x128xf32, #tpu.memory_space<hbm>>
      %dma_start3A_536 = tpu.memref_squeeze %dma_start3A_535 : memref<1x120x128xf32, #tpu.memory_space<hbm>> -> memref<120x128xf32, #tpu.memory_space<hbm>>
      %dma_start3A_537 = arith.constant 0 : i32
      %dma_start3A_538 = arith.constant 0 : i32
      %dma_start3A_539 = tpu.memref_slice %arg7[%dma_start3A_537, %dma_start3A_538] : memref<128x128xf32, #tpu.memory_space<vmem>> -> memref<120x128xf32, #tpu.memory_space<vmem>>
      tpu.enqueue_dma source(%dma_start3A_539 : memref<120x128xf32, #tpu.memory_space<vmem>>) target(%dma_start3A_536 : memref<120x128xf32, #tpu.memory_space<hbm>>) target_semaphore(%run_scoped3A : memref<!tpu.dma_semaphore, #tpu.memory_space<semaphore_mem>>)
      %dma_wait3A_540 = arith.constant 0 : i32
      %dma_wait3A_541 = arith.constant 0 : i32
      %dma_wait3A_542 = tpu.memref_slice %arg7[%dma_wait3A_540, %dma_wait3A_541] : memref<128x128xf32, #tpu.memory_space<vmem>> -> memref<120x128xf32, #tpu.memory_space<vmem>>
      %dma_wait3A_543 = arith.constant 0 : i32
      %dma_wait3A_544 = tpu.memref_slice %arg5[%arg0, %add3A_513, %dma_wait3A_543] : memref<2x10112x128xf32, #tpu.memory_space<hbm>> -> memref<1x120x128xf32, #tpu.memory_space<hbm>>
      %dma_wait3A_545 = tpu.memref_squeeze %dma_wait3A_544 : memref<1x120x128xf32, #tpu.memory_space<hbm>> -> memref<120x128xf32, #tpu.memory_space<hbm>>
      %dma_wait3A_546 = arith.constant 0 : i32
      %dma_wait3A_547 = tpu.memref_slice %arg5[%arg0, %add3A_513, %dma_wait3A_546] : memref<2x10112x128xf32, #tpu.memory_space<hbm>> -> memref<1x120x128xf32, #tpu.memory_space<hbm>>
      %dma_wait3A_548 = tpu.memref_squeeze %dma_wait3A_547 : memref<1x120x128xf32, #tpu.memory_space<hbm>> -> memref<120x128xf32, #tpu.memory_space<hbm>>
      %dma_wait3A_549 = arith.constant 0 : i32
      %dma_wait3A_550 = arith.constant 0 : i32
      %dma_wait3A_551 = tpu.memref_slice %arg7[%dma_wait3A_549, %dma_wait3A_550] : memref<128x128xf32, #tpu.memory_space<vmem>> -> memref<120x128xf32, #tpu.memory_space<vmem>>
      tpu.wait_dma2 semaphore(%run_scoped3A : memref<!tpu.dma_semaphore, #tpu.memory_space<semaphore_mem>>) src(%dma_wait3A_551 : memref<120x128xf32, #tpu.memory_space<vmem>>) dst(%dma_wait3A_548 : memref<120x128xf32, #tpu.memory_space<hbm>>)
      tpu.yield
    }) : () -> ()
    %mul3A_514 = arith.constant 20224 : i32
    %mul3A_515 = arith.muli %arg0, %mul3A_514 : i32
    %mul3A_516 = arith.constant 632 : i32
    %mul3A_517 = arith.muli %arg1, %mul3A_516 : i32
    "tpu.region"() ({
      %run_scoped3A = tpu.sem_alloc : memref<!tpu.dma_semaphore, #tpu.memory_space<semaphore_mem>>
      %dma_start3A_528 = arith.constant 0 : i32
      %dma_start3A_529 = tpu.memref_slice %arg21[%dma_start3A_528] : memref<640xf32, #tpu.memory_space<vmem>> -> memref<632xf32, #tpu.memory_space<vmem>>
      %dma_start3A_530 = tpu.memref_slice %arg22[%mul3A_517] : memref<10112xf32, #tpu.memory_space<vmem_shared>> -> memref<632xf32, #tpu.memory_space<vmem_shared>>
      %dma_start3A_531 = arith.constant 0 : i32
      %dma_start3A_532 = tpu.memref_slice %arg21[%dma_start3A_531] : memref<640xf32, #tpu.memory_space<vmem>> -> memref<632xf32, #tpu.memory_space<vmem>>
      %dma_start3A_533 = tpu.memref_slice %arg22[%mul3A_517] : memref<10112xf32, #tpu.memory_space<vmem_shared>> -> memref<632xf32, #tpu.memory_space<vmem_shared>>
      tpu.enqueue_dma source(%dma_start3A_533 : memref<632xf32, #tpu.memory_space<vmem_shared>>) target(%dma_start3A_532 : memref<632xf32, #tpu.memory_space<vmem>>) target_semaphore(%run_scoped3A : memref<!tpu.dma_semaphore, #tpu.memory_space<semaphore_mem>>)
      %dma_wait3A_534 = arith.constant 0 : i32
      %dma_wait3A_535 = tpu.memref_slice %arg21[%dma_wait3A_534] : memref<640xf32, #tpu.memory_space<vmem>> -> memref<632xf32, #tpu.memory_space<vmem>>
      %dma_wait3A_536 = tpu.memref_slice %arg22[%mul3A_517] : memref<10112xf32, #tpu.memory_space<vmem_shared>> -> memref<632xf32, #tpu.memory_space<vmem_shared>>
      %dma_wait3A_537 = arith.constant 0 : i32
      %dma_wait3A_538 = tpu.memref_slice %arg21[%dma_wait3A_537] : memref<640xf32, #tpu.memory_space<vmem>> -> memref<632xf32, #tpu.memory_space<vmem>>
      %dma_wait3A_539 = tpu.memref_slice %arg22[%mul3A_517] : memref<10112xf32, #tpu.memory_space<vmem_shared>> -> memref<632xf32, #tpu.memory_space<vmem_shared>>
      tpu.wait_dma2 semaphore(%run_scoped3A : memref<!tpu.dma_semaphore, #tpu.memory_space<semaphore_mem>>) src(%dma_wait3A_539 : memref<632xf32, #tpu.memory_space<vmem_shared>>) dst(%dma_wait3A_538 : memref<632xf32, #tpu.memory_space<vmem>>)
      tpu.yield
    }) : () -> ()
    %mul3A_518 = arith.constant 632 : i32
    %mul3A_519 = arith.muli %arg1, %mul3A_518 : i32
    %add3A_520 = arith.addi %mul3A_515, %mul3A_519 : i32
    "tpu.region"() ({
      %run_scoped3A = tpu.sem_alloc : memref<!tpu.dma_semaphore, #tpu.memory_space<semaphore_mem>>
      %dma_start3A_528 = arith.constant 0 : i32
      %dma_start3A_529 = tpu.memref_slice %arg21[%dma_start3A_528] : memref<640xf32, #tpu.memory_space<vmem>> -> memref<632xf32, #tpu.memory_space<vmem>>
      %dma_start3A_530 = tpu.memref_slice %arg6[%add3A_520] : memref<40448xf32, #tpu.memory_space<hbm>> -> memref<632xf32, #tpu.memory_space<hbm>>
      %dma_start3A_531 = tpu.memref_slice %arg6[%add3A_520] : memref<40448xf32, #tpu.memory_space<hbm>> -> memref<632xf32, #tpu.memory_space<hbm>>
      %dma_start3A_532 = arith.constant 0 : i32
      %dma_start3A_533 = tpu.memref_slice %arg21[%dma_start3A_532] : memref<640xf32, #tpu.memory_space<vmem>> -> memref<632xf32, #tpu.memory_space<vmem>>
      tpu.enqueue_dma source(%dma_start3A_533 : memref<632xf32, #tpu.memory_space<vmem>>) target(%dma_start3A_531 : memref<632xf32, #tpu.memory_space<hbm>>) target_semaphore(%run_scoped3A : memref<!tpu.dma_semaphore, #tpu.memory_space<semaphore_mem>>)
      %dma_wait3A_534 = arith.constant 0 : i32
      %dma_wait3A_535 = tpu.memref_slice %arg21[%dma_wait3A_534] : memref<640xf32, #tpu.memory_space<vmem>> -> memref<632xf32, #tpu.memory_space<vmem>>
      %dma_wait3A_536 = tpu.memref_slice %arg6[%add3A_520] : memref<40448xf32, #tpu.memory_space<hbm>> -> memref<632xf32, #tpu.memory_space<hbm>>
      %dma_wait3A_537 = tpu.memref_slice %arg6[%add3A_520] : memref<40448xf32, #tpu.memory_space<hbm>> -> memref<632xf32, #tpu.memory_space<hbm>>
      %dma_wait3A_538 = arith.constant 0 : i32
      %dma_wait3A_539 = tpu.memref_slice %arg21[%dma_wait3A_538] : memref<640xf32, #tpu.memory_space<vmem>> -> memref<632xf32, #tpu.memory_space<vmem>>
      tpu.wait_dma2 semaphore(%run_scoped3A : memref<!tpu.dma_semaphore, #tpu.memory_space<semaphore_mem>>) src(%dma_wait3A_539 : memref<632xf32, #tpu.memory_space<vmem>>) dst(%dma_wait3A_537 : memref<632xf32, #tpu.memory_space<hbm>>)
      tpu.yield
    }) : () -> ()
    %mul3A_521 = arith.constant 632 : i32
    %mul3A_522 = arith.muli %arg1, %mul3A_521 : i32
    "tpu.region"() ({
      %run_scoped3A = tpu.sem_alloc : memref<!tpu.dma_semaphore, #tpu.memory_space<semaphore_mem>>
      %dma_start3A_528 = arith.constant 0 : i32
      %dma_start3A_529 = tpu.memref_slice %arg21[%dma_start3A_528] : memref<640xf32, #tpu.memory_space<vmem>> -> memref<632xf32, #tpu.memory_space<vmem>>
      %dma_start3A_530 = tpu.memref_slice %arg23[%mul3A_522] : memref<10112xf32, #tpu.memory_space<vmem_shared>> -> memref<632xf32, #tpu.memory_space<vmem_shared>>
      %dma_start3A_531 = arith.constant 0 : i32
      %dma_start3A_532 = tpu.memref_slice %arg21[%dma_start3A_531] : memref<640xf32, #tpu.memory_space<vmem>> -> memref<632xf32, #tpu.memory_space<vmem>>
      %dma_start3A_533 = tpu.memref_slice %arg23[%mul3A_522] : memref<10112xf32, #tpu.memory_space<vmem_shared>> -> memref<632xf32, #tpu.memory_space<vmem_shared>>
      tpu.enqueue_dma source(%dma_start3A_533 : memref<632xf32, #tpu.memory_space<vmem_shared>>) target(%dma_start3A_532 : memref<632xf32, #tpu.memory_space<vmem>>) target_semaphore(%run_scoped3A : memref<!tpu.dma_semaphore, #tpu.memory_space<semaphore_mem>>)
      %dma_wait3A_534 = arith.constant 0 : i32
      %dma_wait3A_535 = tpu.memref_slice %arg21[%dma_wait3A_534] : memref<640xf32, #tpu.memory_space<vmem>> -> memref<632xf32, #tpu.memory_space<vmem>>
      %dma_wait3A_536 = tpu.memref_slice %arg23[%mul3A_522] : memref<10112xf32, #tpu.memory_space<vmem_shared>> -> memref<632xf32, #tpu.memory_space<vmem_shared>>
      %dma_wait3A_537 = arith.constant 0 : i32
      %dma_wait3A_538 = tpu.memref_slice %arg21[%dma_wait3A_537] : memref<640xf32, #tpu.memory_space<vmem>> -> memref<632xf32, #tpu.memory_space<vmem>>
      %dma_wait3A_539 = tpu.memref_slice %arg23[%mul3A_522] : memref<10112xf32, #tpu.memory_space<vmem_shared>> -> memref<632xf32, #tpu.memory_space<vmem_shared>>
      tpu.wait_dma2 semaphore(%run_scoped3A : memref<!tpu.dma_semaphore, #tpu.memory_space<semaphore_mem>>) src(%dma_wait3A_539 : memref<632xf32, #tpu.memory_space<vmem_shared>>) dst(%dma_wait3A_538 : memref<632xf32, #tpu.memory_space<vmem>>)
      tpu.yield
    }) : () -> ()
    %add3A_523 = arith.constant 10112 : i32
    %add3A_524 = arith.addi %mul3A_515, %add3A_523 : i32
    %mul3A_525 = arith.constant 632 : i32
    %mul3A_526 = arith.muli %arg1, %mul3A_525 : i32
    %add3A_527 = arith.addi %add3A_524, %mul3A_526 : i32
    "tpu.region"() ({
      %run_scoped3A = tpu.sem_alloc : memref<!tpu.dma_semaphore, #tpu.memory_space<semaphore_mem>>
      %dma_start3A_528 = arith.constant 0 : i32
      %dma_start3A_529 = tpu.memref_slice %arg21[%dma_start3A_528] : memref<640xf32, #tpu.memory_space<vmem>> -> memref<632xf32, #tpu.memory_space<vmem>>
      %dma_start3A_530 = tpu.memref_slice %arg6[%add3A_527] : memref<40448xf32, #tpu.memory_space<hbm>> -> memref<632xf32, #tpu.memory_space<hbm>>
      %dma_start3A_531 = tpu.memref_slice %arg6[%add3A_527] : memref<40448xf32, #tpu.memory_space<hbm>> -> memref<632xf32, #tpu.memory_space<hbm>>
      %dma_start3A_532 = arith.constant 0 : i32
      %dma_start3A_533 = tpu.memref_slice %arg21[%dma_start3A_532] : memref<640xf32, #tpu.memory_space<vmem>> -> memref<632xf32, #tpu.memory_space<vmem>>
      tpu.enqueue_dma source(%dma_start3A_533 : memref<632xf32, #tpu.memory_space<vmem>>) target(%dma_start3A_531 : memref<632xf32, #tpu.memory_space<hbm>>) target_semaphore(%run_scoped3A : memref<!tpu.dma_semaphore, #tpu.memory_space<semaphore_mem>>)
      %dma_wait3A_534 = arith.constant 0 : i32
      %dma_wait3A_535 = tpu.memref_slice %arg21[%dma_wait3A_534] : memref<640xf32, #tpu.memory_space<vmem>> -> memref<632xf32, #tpu.memory_space<vmem>>
      %dma_wait3A_536 = tpu.memref_slice %arg6[%add3A_527] : memref<40448xf32, #tpu.memory_space<hbm>> -> memref<632xf32, #tpu.memory_space<hbm>>
      %dma_wait3A_537 = tpu.memref_slice %arg6[%add3A_527] : memref<40448xf32, #tpu.memory_space<hbm>> -> memref<632xf32, #tpu.memory_space<hbm>>
      %dma_wait3A_538 = arith.constant 0 : i32
      %dma_wait3A_539 = tpu.memref_slice %arg21[%dma_wait3A_538] : memref<640xf32, #tpu.memory_space<vmem>> -> memref<632xf32, #tpu.memory_space<vmem>>
      tpu.wait_dma2 semaphore(%run_scoped3A : memref<!tpu.dma_semaphore, #tpu.memory_space<semaphore_mem>>) src(%dma_wait3A_539 : memref<632xf32, #tpu.memory_space<vmem>>) dst(%dma_wait3A_537 : memref<632xf32, #tpu.memory_space<hbm>>)
      tpu.yield
    }) : () -> ()
    return
  }
}

#map = affine_map<(d0, d1) -> (0, 0)>
#map1 = affine_map<(d0, d1) -> (0, 0, 0)>
module attributes {stable_mosaic.version = 14 : i64} {
  func.func @_msg3_body(%arg0: i32, %arg1: i32, %arg2: memref<10000x128xf32, #tpu.memory_space<hbm>>, %arg3: memref<2x320000xi32, #tpu.memory_space<hbm>>, %arg4: memref<10112x128xf32, #tpu.memory_space<hbm>>, %arg5: memref<2x10112x128xf32, #tpu.memory_space<hbm>>, %arg6: memref<128x128xf32, #tpu.memory_space<vmem>>, %arg7: memref<!tpu.dma_semaphore, #tpu.memory_space<semaphore_mem>>, %arg8: memref<128x128xf32, #tpu.memory_space<vmem>>, %arg9: memref<!tpu.dma_semaphore, #tpu.memory_space<semaphore_mem>>, %arg10: memref<128x128xf32, #tpu.memory_space<vmem>>, %arg11: memref<!tpu.dma_semaphore, #tpu.memory_space<semaphore_mem>>, %arg12: memref<2x128xi32, #tpu.memory_space<vmem>>, %arg13: memref<!tpu.dma_semaphore, #tpu.memory_space<semaphore_mem>>, %arg14: memref<2x128xi32, #tpu.memory_space<vmem>>, %arg15: memref<!tpu.dma_semaphore, #tpu.memory_space<semaphore_mem>>, %arg16: memref<2x128xi32, #tpu.memory_space<vmem>>, %arg17: memref<!tpu.dma_semaphore, #tpu.memory_space<semaphore_mem>>, %arg18: memref<10112x128xf32, #tpu.memory_space<vmem_shared>>) attributes {dimension_semantics = [#tpu.dimension_semantics<core_parallel>, #tpu.dimension_semantics<subcore_parallel>], iteration_bounds = array<i64: 2, 16>, scalar_prefetch = 0 : i64, scratch_operands = 13 : i64, tpu.core_type = #tpu.core_type<sc_vector_subcore>, window_params = [{transform_indices = #map}, {transform_indices = #map}, {transform_indices = #map}, {transform_indices = #map1}]} {
    %mul3A = arith.constant 2 : i32
    %mul3A_0 = arith.muli %arg1, %mul3A : i32
    %add3A = arith.addi %mul3A_0, %arg0 : i32
    %add3A_1 = arith.constant 0 : i32
    %add3A_2 = arith.addi %add3A_1, %add3A : i32
    %lt3A = arith.constant 2500 : i32
    %lt3A_3 = arith.cmpi slt, %add3A_2, %lt3A : i32
    %convert_element_type3A = arith.extui %lt3A_3 : i1 to i32
    %cond3A = arith.constant 0 : i32
    %cond3A_4 = arith.cmpi ne, %convert_element_type3A, %cond3A : i32
    scf.if %cond3A_4 {
      %mul3A_217 = arith.constant 128 : i32
      %mul3A_218 = arith.muli %add3A_2, %mul3A_217 : i32
      %dma_start3A_219 = arith.constant 0 : i32
      %dma_start3A_220 = tpu.memref_slice %arg3[%dma_start3A_219, %mul3A_218] : memref<2x320000xi32, #tpu.memory_space<hbm>> -> memref<2x128xi32, #tpu.memory_space<hbm>>
      %dma_start3A_221 = arith.constant 0 : i32
      %dma_start3A_222 = tpu.memref_slice %arg3[%dma_start3A_221, %mul3A_218] : memref<2x320000xi32, #tpu.memory_space<hbm>> -> memref<2x128xi32, #tpu.memory_space<hbm>>
      tpu.enqueue_dma source(%dma_start3A_222 : memref<2x128xi32, #tpu.memory_space<hbm>>) target(%arg12 : memref<2x128xi32, #tpu.memory_space<vmem>>) target_semaphore(%arg13 : memref<!tpu.dma_semaphore, #tpu.memory_space<semaphore_mem>>)
    } else {
    }
    %add3A_5 = arith.constant 32 : i32
    %add3A_6 = arith.addi %add3A_5, %add3A : i32
    %lt3A_7 = arith.constant 2500 : i32
    %lt3A_8 = arith.cmpi slt, %add3A_6, %lt3A_7 : i32
    %convert_element_type3A_9 = arith.extui %lt3A_8 : i1 to i32
    %cond3A_10 = arith.constant 0 : i32
    %cond3A_11 = arith.cmpi ne, %convert_element_type3A_9, %cond3A_10 : i32
    scf.if %cond3A_11 {
      %mul3A_217 = arith.constant 128 : i32
      %mul3A_218 = arith.muli %add3A_6, %mul3A_217 : i32
      %dma_start3A_219 = arith.constant 0 : i32
      %dma_start3A_220 = tpu.memref_slice %arg3[%dma_start3A_219, %mul3A_218] : memref<2x320000xi32, #tpu.memory_space<hbm>> -> memref<2x128xi32, #tpu.memory_space<hbm>>
      %dma_start3A_221 = arith.constant 0 : i32
      %dma_start3A_222 = tpu.memref_slice %arg3[%dma_start3A_221, %mul3A_218] : memref<2x320000xi32, #tpu.memory_space<hbm>> -> memref<2x128xi32, #tpu.memory_space<hbm>>
      tpu.enqueue_dma source(%dma_start3A_222 : memref<2x128xi32, #tpu.memory_space<hbm>>) target(%arg14 : memref<2x128xi32, #tpu.memory_space<vmem>>) target_semaphore(%arg15 : memref<!tpu.dma_semaphore, #tpu.memory_space<semaphore_mem>>)
    } else {
    }
    %add3A_12 = arith.constant 64 : i32
    %add3A_13 = arith.addi %add3A_12, %add3A : i32
    %lt3A_14 = arith.constant 2500 : i32
    %lt3A_15 = arith.cmpi slt, %add3A_13, %lt3A_14 : i32
    %convert_element_type3A_16 = arith.extui %lt3A_15 : i1 to i32
    %cond3A_17 = arith.constant 0 : i32
    %cond3A_18 = arith.cmpi ne, %convert_element_type3A_16, %cond3A_17 : i32
    scf.if %cond3A_18 {
      %mul3A_217 = arith.constant 128 : i32
      %mul3A_218 = arith.muli %add3A_13, %mul3A_217 : i32
      %dma_start3A_219 = arith.constant 0 : i32
      %dma_start3A_220 = tpu.memref_slice %arg3[%dma_start3A_219, %mul3A_218] : memref<2x320000xi32, #tpu.memory_space<hbm>> -> memref<2x128xi32, #tpu.memory_space<hbm>>
      %dma_start3A_221 = arith.constant 0 : i32
      %dma_start3A_222 = tpu.memref_slice %arg3[%dma_start3A_221, %mul3A_218] : memref<2x320000xi32, #tpu.memory_space<hbm>> -> memref<2x128xi32, #tpu.memory_space<hbm>>
      tpu.enqueue_dma source(%dma_start3A_222 : memref<2x128xi32, #tpu.memory_space<hbm>>) target(%arg16 : memref<2x128xi32, #tpu.memory_space<vmem>>) target_semaphore(%arg17 : memref<!tpu.dma_semaphore, #tpu.memory_space<semaphore_mem>>)
    } else {
    }
    "tpu.region"() ({
      %run_scoped3A = tpu.sem_alloc : memref<!tpu.dma_semaphore, #tpu.memory_space<semaphore_mem>>
      %dma_start3A_217 = arith.constant 0 : i32
      %dma_start3A_218 = arith.constant 0 : i32
      %dma_start3A_219 = tpu.memref_slice %arg4[%dma_start3A_217, %dma_start3A_218] : memref<10112x128xf32, #tpu.memory_space<hbm>> -> memref<128x128xf32, #tpu.memory_space<hbm>>
      %dma_start3A_220 = arith.constant 0 : i32
      %dma_start3A_221 = arith.constant 0 : i32
      %dma_start3A_222 = tpu.memref_slice %arg4[%dma_start3A_220, %dma_start3A_221] : memref<10112x128xf32, #tpu.memory_space<hbm>> -> memref<128x128xf32, #tpu.memory_space<hbm>>
      tpu.enqueue_dma source(%dma_start3A_222 : memref<128x128xf32, #tpu.memory_space<hbm>>) target(%arg10 : memref<128x128xf32, #tpu.memory_space<vmem>>) target_semaphore(%run_scoped3A : memref<!tpu.dma_semaphore, #tpu.memory_space<semaphore_mem>>)
      %dma_wait3A_223 = arith.constant 0 : i32
      %dma_wait3A_224 = arith.constant 0 : i32
      %dma_wait3A_225 = tpu.memref_slice %arg4[%dma_wait3A_223, %dma_wait3A_224] : memref<10112x128xf32, #tpu.memory_space<hbm>> -> memref<128x128xf32, #tpu.memory_space<hbm>>
      %dma_wait3A_226 = arith.constant 0 : i32
      %dma_wait3A_227 = arith.constant 0 : i32
      %dma_wait3A_228 = tpu.memref_slice %arg4[%dma_wait3A_226, %dma_wait3A_227] : memref<10112x128xf32, #tpu.memory_space<hbm>> -> memref<128x128xf32, #tpu.memory_space<hbm>>
      tpu.wait_dma2 semaphore(%run_scoped3A : memref<!tpu.dma_semaphore, #tpu.memory_space<semaphore_mem>>) src(%dma_wait3A_228 : memref<128x128xf32, #tpu.memory_space<hbm>>) dst(%arg10 : memref<128x128xf32, #tpu.memory_space<vmem>>)
      tpu.yield
    }) : () -> ()
    %mul3A_19 = arith.constant 632 : i32
    %mul3A_20 = arith.muli %arg1, %mul3A_19 : i32
    %add3A_21 = arith.constant 0 : i32
    %add3A_22 = arith.addi %mul3A_20, %add3A_21 : i32
    "tpu.region"() ({
      %run_scoped3A = tpu.sem_alloc : memref<!tpu.dma_semaphore, #tpu.memory_space<semaphore_mem>>
      %dma_start3A_217 = arith.constant 0 : i32
      %dma_start3A_218 = arith.constant 0 : i32
      %dma_start3A_219 = tpu.memref_slice %arg10[%dma_start3A_217, %dma_start3A_218] : memref<128x128xf32, #tpu.memory_space<vmem>> -> memref<128x128xf32, #tpu.memory_space<vmem>>
      %dma_start3A_220 = arith.constant 0 : i32
      %dma_start3A_221 = tpu.memref_slice %arg18[%add3A_22, %dma_start3A_220] : memref<10112x128xf32, #tpu.memory_space<vmem_shared>> -> memref<128x128xf32, #tpu.memory_space<vmem_shared>>
      %dma_start3A_222 = arith.constant 0 : i32
      %dma_start3A_223 = tpu.memref_slice %arg18[%add3A_22, %dma_start3A_222] : memref<10112x128xf32, #tpu.memory_space<vmem_shared>> -> memref<128x128xf32, #tpu.memory_space<vmem_shared>>
      %dma_start3A_224 = arith.constant 0 : i32
      %dma_start3A_225 = arith.constant 0 : i32
      %dma_start3A_226 = tpu.memref_slice %arg10[%dma_start3A_224, %dma_start3A_225] : memref<128x128xf32, #tpu.memory_space<vmem>> -> memref<128x128xf32, #tpu.memory_space<vmem>>
      tpu.enqueue_dma source(%dma_start3A_226 : memref<128x128xf32, #tpu.memory_space<vmem>>) target(%dma_start3A_223 : memref<128x128xf32, #tpu.memory_space<vmem_shared>>) target_semaphore(%run_scoped3A : memref<!tpu.dma_semaphore, #tpu.memory_space<semaphore_mem>>)
      %dma_wait3A_227 = arith.constant 0 : i32
      %dma_wait3A_228 = arith.constant 0 : i32
      %dma_wait3A_229 = tpu.memref_slice %arg10[%dma_wait3A_227, %dma_wait3A_228] : memref<128x128xf32, #tpu.memory_space<vmem>> -> memref<128x128xf32, #tpu.memory_space<vmem>>
      %dma_wait3A_230 = arith.constant 0 : i32
      %dma_wait3A_231 = tpu.memref_slice %arg18[%add3A_22, %dma_wait3A_230] : memref<10112x128xf32, #tpu.memory_space<vmem_shared>> -> memref<128x128xf32, #tpu.memory_space<vmem_shared>>
      %dma_wait3A_232 = arith.constant 0 : i32
      %dma_wait3A_233 = tpu.memref_slice %arg18[%add3A_22, %dma_wait3A_232] : memref<10112x128xf32, #tpu.memory_space<vmem_shared>> -> memref<128x128xf32, #tpu.memory_space<vmem_shared>>
      %dma_wait3A_234 = arith.constant 0 : i32
      %dma_wait3A_235 = arith.constant 0 : i32
      %dma_wait3A_236 = tpu.memref_slice %arg10[%dma_wait3A_234, %dma_wait3A_235] : memref<128x128xf32, #tpu.memory_space<vmem>> -> memref<128x128xf32, #tpu.memory_space<vmem>>
      tpu.wait_dma2 semaphore(%run_scoped3A : memref<!tpu.dma_semaphore, #tpu.memory_space<semaphore_mem>>) src(%dma_wait3A_236 : memref<128x128xf32, #tpu.memory_space<vmem>>) dst(%dma_wait3A_233 : memref<128x128xf32, #tpu.memory_space<vmem_shared>>)
      tpu.yield
    }) : () -> ()
    %mul3A_23 = arith.constant 632 : i32
    %mul3A_24 = arith.muli %arg1, %mul3A_23 : i32
    %add3A_25 = arith.constant 128 : i32
    %add3A_26 = arith.addi %mul3A_24, %add3A_25 : i32
    "tpu.region"() ({
      %run_scoped3A = tpu.sem_alloc : memref<!tpu.dma_semaphore, #tpu.memory_space<semaphore_mem>>
      %dma_start3A_217 = arith.constant 0 : i32
      %dma_start3A_218 = arith.constant 0 : i32
      %dma_start3A_219 = tpu.memref_slice %arg10[%dma_start3A_217, %dma_start3A_218] : memref<128x128xf32, #tpu.memory_space<vmem>> -> memref<128x128xf32, #tpu.memory_space<vmem>>
      %dma_start3A_220 = arith.constant 0 : i32
      %dma_start3A_221 = tpu.memref_slice %arg18[%add3A_26, %dma_start3A_220] : memref<10112x128xf32, #tpu.memory_space<vmem_shared>> -> memref<128x128xf32, #tpu.memory_space<vmem_shared>>
      %dma_start3A_222 = arith.constant 0 : i32
      %dma_start3A_223 = tpu.memref_slice %arg18[%add3A_26, %dma_start3A_222] : memref<10112x128xf32, #tpu.memory_space<vmem_shared>> -> memref<128x128xf32, #tpu.memory_space<vmem_shared>>
      %dma_start3A_224 = arith.constant 0 : i32
      %dma_start3A_225 = arith.constant 0 : i32
      %dma_start3A_226 = tpu.memref_slice %arg10[%dma_start3A_224, %dma_start3A_225] : memref<128x128xf32, #tpu.memory_space<vmem>> -> memref<128x128xf32, #tpu.memory_space<vmem>>
      tpu.enqueue_dma source(%dma_start3A_226 : memref<128x128xf32, #tpu.memory_space<vmem>>) target(%dma_start3A_223 : memref<128x128xf32, #tpu.memory_space<vmem_shared>>) target_semaphore(%run_scoped3A : memref<!tpu.dma_semaphore, #tpu.memory_space<semaphore_mem>>)
      %dma_wait3A_227 = arith.constant 0 : i32
      %dma_wait3A_228 = arith.constant 0 : i32
      %dma_wait3A_229 = tpu.memref_slice %arg10[%dma_wait3A_227, %dma_wait3A_228] : memref<128x128xf32, #tpu.memory_space<vmem>> -> memref<128x128xf32, #tpu.memory_space<vmem>>
      %dma_wait3A_230 = arith.constant 0 : i32
      %dma_wait3A_231 = tpu.memref_slice %arg18[%add3A_26, %dma_wait3A_230] : memref<10112x128xf32, #tpu.memory_space<vmem_shared>> -> memref<128x128xf32, #tpu.memory_space<vmem_shared>>
      %dma_wait3A_232 = arith.constant 0 : i32
      %dma_wait3A_233 = tpu.memref_slice %arg18[%add3A_26, %dma_wait3A_232] : memref<10112x128xf32, #tpu.memory_space<vmem_shared>> -> memref<128x128xf32, #tpu.memory_space<vmem_shared>>
      %dma_wait3A_234 = arith.constant 0 : i32
      %dma_wait3A_235 = arith.constant 0 : i32
      %dma_wait3A_236 = tpu.memref_slice %arg10[%dma_wait3A_234, %dma_wait3A_235] : memref<128x128xf32, #tpu.memory_space<vmem>> -> memref<128x128xf32, #tpu.memory_space<vmem>>
      tpu.wait_dma2 semaphore(%run_scoped3A : memref<!tpu.dma_semaphore, #tpu.memory_space<semaphore_mem>>) src(%dma_wait3A_236 : memref<128x128xf32, #tpu.memory_space<vmem>>) dst(%dma_wait3A_233 : memref<128x128xf32, #tpu.memory_space<vmem_shared>>)
      tpu.yield
    }) : () -> ()
    %mul3A_27 = arith.constant 632 : i32
    %mul3A_28 = arith.muli %arg1, %mul3A_27 : i32
    %add3A_29 = arith.constant 256 : i32
    %add3A_30 = arith.addi %mul3A_28, %add3A_29 : i32
    "tpu.region"() ({
      %run_scoped3A = tpu.sem_alloc : memref<!tpu.dma_semaphore, #tpu.memory_space<semaphore_mem>>
      %dma_start3A_217 = arith.constant 0 : i32
      %dma_start3A_218 = arith.constant 0 : i32
      %dma_start3A_219 = tpu.memref_slice %arg10[%dma_start3A_217, %dma_start3A_218] : memref<128x128xf32, #tpu.memory_space<vmem>> -> memref<128x128xf32, #tpu.memory_space<vmem>>
      %dma_start3A_220 = arith.constant 0 : i32
      %dma_start3A_221 = tpu.memref_slice %arg18[%add3A_30, %dma_start3A_220] : memref<10112x128xf32, #tpu.memory_space<vmem_shared>> -> memref<128x128xf32, #tpu.memory_space<vmem_shared>>
      %dma_start3A_222 = arith.constant 0 : i32
      %dma_start3A_223 = tpu.memref_slice %arg18[%add3A_30, %dma_start3A_222] : memref<10112x128xf32, #tpu.memory_space<vmem_shared>> -> memref<128x128xf32, #tpu.memory_space<vmem_shared>>
      %dma_start3A_224 = arith.constant 0 : i32
      %dma_start3A_225 = arith.constant 0 : i32
      %dma_start3A_226 = tpu.memref_slice %arg10[%dma_start3A_224, %dma_start3A_225] : memref<128x128xf32, #tpu.memory_space<vmem>> -> memref<128x128xf32, #tpu.memory_space<vmem>>
      tpu.enqueue_dma source(%dma_start3A_226 : memref<128x128xf32, #tpu.memory_space<vmem>>) target(%dma_start3A_223 : memref<128x128xf32, #tpu.memory_space<vmem_shared>>) target_semaphore(%run_scoped3A : memref<!tpu.dma_semaphore, #tpu.memory_space<semaphore_mem>>)
      %dma_wait3A_227 = arith.constant 0 : i32
      %dma_wait3A_228 = arith.constant 0 : i32
      %dma_wait3A_229 = tpu.memref_slice %arg10[%dma_wait3A_227, %dma_wait3A_228] : memref<128x128xf32, #tpu.memory_space<vmem>> -> memref<128x128xf32, #tpu.memory_space<vmem>>
      %dma_wait3A_230 = arith.constant 0 : i32
      %dma_wait3A_231 = tpu.memref_slice %arg18[%add3A_30, %dma_wait3A_230] : memref<10112x128xf32, #tpu.memory_space<vmem_shared>> -> memref<128x128xf32, #tpu.memory_space<vmem_shared>>
      %dma_wait3A_232 = arith.constant 0 : i32
      %dma_wait3A_233 = tpu.memref_slice %arg18[%add3A_30, %dma_wait3A_232] : memref<10112x128xf32, #tpu.memory_space<vmem_shared>> -> memref<128x128xf32, #tpu.memory_space<vmem_shared>>
      %dma_wait3A_234 = arith.constant 0 : i32
      %dma_wait3A_235 = arith.constant 0 : i32
      %dma_wait3A_236 = tpu.memref_slice %arg10[%dma_wait3A_234, %dma_wait3A_235] : memref<128x128xf32, #tpu.memory_space<vmem>> -> memref<128x128xf32, #tpu.memory_space<vmem>>
      tpu.wait_dma2 semaphore(%run_scoped3A : memref<!tpu.dma_semaphore, #tpu.memory_space<semaphore_mem>>) src(%dma_wait3A_236 : memref<128x128xf32, #tpu.memory_space<vmem>>) dst(%dma_wait3A_233 : memref<128x128xf32, #tpu.memory_space<vmem_shared>>)
      tpu.yield
    }) : () -> ()
    %mul3A_31 = arith.constant 632 : i32
    %mul3A_32 = arith.muli %arg1, %mul3A_31 : i32
    %add3A_33 = arith.constant 384 : i32
    %add3A_34 = arith.addi %mul3A_32, %add3A_33 : i32
    "tpu.region"() ({
      %run_scoped3A = tpu.sem_alloc : memref<!tpu.dma_semaphore, #tpu.memory_space<semaphore_mem>>
      %dma_start3A_217 = arith.constant 0 : i32
      %dma_start3A_218 = arith.constant 0 : i32
      %dma_start3A_219 = tpu.memref_slice %arg10[%dma_start3A_217, %dma_start3A_218] : memref<128x128xf32, #tpu.memory_space<vmem>> -> memref<128x128xf32, #tpu.memory_space<vmem>>
      %dma_start3A_220 = arith.constant 0 : i32
      %dma_start3A_221 = tpu.memref_slice %arg18[%add3A_34, %dma_start3A_220] : memref<10112x128xf32, #tpu.memory_space<vmem_shared>> -> memref<128x128xf32, #tpu.memory_space<vmem_shared>>
      %dma_start3A_222 = arith.constant 0 : i32
      %dma_start3A_223 = tpu.memref_slice %arg18[%add3A_34, %dma_start3A_222] : memref<10112x128xf32, #tpu.memory_space<vmem_shared>> -> memref<128x128xf32, #tpu.memory_space<vmem_shared>>
      %dma_start3A_224 = arith.constant 0 : i32
      %dma_start3A_225 = arith.constant 0 : i32
      %dma_start3A_226 = tpu.memref_slice %arg10[%dma_start3A_224, %dma_start3A_225] : memref<128x128xf32, #tpu.memory_space<vmem>> -> memref<128x128xf32, #tpu.memory_space<vmem>>
      tpu.enqueue_dma source(%dma_start3A_226 : memref<128x128xf32, #tpu.memory_space<vmem>>) target(%dma_start3A_223 : memref<128x128xf32, #tpu.memory_space<vmem_shared>>) target_semaphore(%run_scoped3A : memref<!tpu.dma_semaphore, #tpu.memory_space<semaphore_mem>>)
      %dma_wait3A_227 = arith.constant 0 : i32
      %dma_wait3A_228 = arith.constant 0 : i32
      %dma_wait3A_229 = tpu.memref_slice %arg10[%dma_wait3A_227, %dma_wait3A_228] : memref<128x128xf32, #tpu.memory_space<vmem>> -> memref<128x128xf32, #tpu.memory_space<vmem>>
      %dma_wait3A_230 = arith.constant 0 : i32
      %dma_wait3A_231 = tpu.memref_slice %arg18[%add3A_34, %dma_wait3A_230] : memref<10112x128xf32, #tpu.memory_space<vmem_shared>> -> memref<128x128xf32, #tpu.memory_space<vmem_shared>>
      %dma_wait3A_232 = arith.constant 0 : i32
      %dma_wait3A_233 = tpu.memref_slice %arg18[%add3A_34, %dma_wait3A_232] : memref<10112x128xf32, #tpu.memory_space<vmem_shared>> -> memref<128x128xf32, #tpu.memory_space<vmem_shared>>
      %dma_wait3A_234 = arith.constant 0 : i32
      %dma_wait3A_235 = arith.constant 0 : i32
      %dma_wait3A_236 = tpu.memref_slice %arg10[%dma_wait3A_234, %dma_wait3A_235] : memref<128x128xf32, #tpu.memory_space<vmem>> -> memref<128x128xf32, #tpu.memory_space<vmem>>
      tpu.wait_dma2 semaphore(%run_scoped3A : memref<!tpu.dma_semaphore, #tpu.memory_space<semaphore_mem>>) src(%dma_wait3A_236 : memref<128x128xf32, #tpu.memory_space<vmem>>) dst(%dma_wait3A_233 : memref<128x128xf32, #tpu.memory_space<vmem_shared>>)
      tpu.yield
    }) : () -> ()
    %mul3A_35 = arith.constant 632 : i32
    %mul3A_36 = arith.muli %arg1, %mul3A_35 : i32
    %add3A_37 = arith.constant 512 : i32
    %add3A_38 = arith.addi %mul3A_36, %add3A_37 : i32
    "tpu.region"() ({
      %run_scoped3A = tpu.sem_alloc : memref<!tpu.dma_semaphore, #tpu.memory_space<semaphore_mem>>
      %dma_start3A_217 = arith.constant 0 : i32
      %dma_start3A_218 = arith.constant 0 : i32
      %dma_start3A_219 = tpu.memref_slice %arg10[%dma_start3A_217, %dma_start3A_218] : memref<128x128xf32, #tpu.memory_space<vmem>> -> memref<120x128xf32, #tpu.memory_space<vmem>>
      %dma_start3A_220 = arith.constant 0 : i32
      %dma_start3A_221 = tpu.memref_slice %arg18[%add3A_38, %dma_start3A_220] : memref<10112x128xf32, #tpu.memory_space<vmem_shared>> -> memref<120x128xf32, #tpu.memory_space<vmem_shared>>
      %dma_start3A_222 = arith.constant 0 : i32
      %dma_start3A_223 = tpu.memref_slice %arg18[%add3A_38, %dma_start3A_222] : memref<10112x128xf32, #tpu.memory_space<vmem_shared>> -> memref<120x128xf32, #tpu.memory_space<vmem_shared>>
      %dma_start3A_224 = arith.constant 0 : i32
      %dma_start3A_225 = arith.constant 0 : i32
      %dma_start3A_226 = tpu.memref_slice %arg10[%dma_start3A_224, %dma_start3A_225] : memref<128x128xf32, #tpu.memory_space<vmem>> -> memref<120x128xf32, #tpu.memory_space<vmem>>
      tpu.enqueue_dma source(%dma_start3A_226 : memref<120x128xf32, #tpu.memory_space<vmem>>) target(%dma_start3A_223 : memref<120x128xf32, #tpu.memory_space<vmem_shared>>) target_semaphore(%run_scoped3A : memref<!tpu.dma_semaphore, #tpu.memory_space<semaphore_mem>>)
      %dma_wait3A_227 = arith.constant 0 : i32
      %dma_wait3A_228 = arith.constant 0 : i32
      %dma_wait3A_229 = tpu.memref_slice %arg10[%dma_wait3A_227, %dma_wait3A_228] : memref<128x128xf32, #tpu.memory_space<vmem>> -> memref<120x128xf32, #tpu.memory_space<vmem>>
      %dma_wait3A_230 = arith.constant 0 : i32
      %dma_wait3A_231 = tpu.memref_slice %arg18[%add3A_38, %dma_wait3A_230] : memref<10112x128xf32, #tpu.memory_space<vmem_shared>> -> memref<120x128xf32, #tpu.memory_space<vmem_shared>>
      %dma_wait3A_232 = arith.constant 0 : i32
      %dma_wait3A_233 = tpu.memref_slice %arg18[%add3A_38, %dma_wait3A_232] : memref<10112x128xf32, #tpu.memory_space<vmem_shared>> -> memref<120x128xf32, #tpu.memory_space<vmem_shared>>
      %dma_wait3A_234 = arith.constant 0 : i32
      %dma_wait3A_235 = arith.constant 0 : i32
      %dma_wait3A_236 = tpu.memref_slice %arg10[%dma_wait3A_234, %dma_wait3A_235] : memref<128x128xf32, #tpu.memory_space<vmem>> -> memref<120x128xf32, #tpu.memory_space<vmem>>
      tpu.wait_dma2 semaphore(%run_scoped3A : memref<!tpu.dma_semaphore, #tpu.memory_space<semaphore_mem>>) src(%dma_wait3A_236 : memref<120x128xf32, #tpu.memory_space<vmem>>) dst(%dma_wait3A_233 : memref<120x128xf32, #tpu.memory_space<vmem_shared>>)
      tpu.yield
    }) : () -> ()
    %barrier3A = arith.constant 0 : index
    tpu.barrier barrier_id(%barrier3A)
    %add3A_39 = arith.constant 0 : i32
    %add3A_40 = arith.addi %add3A_39, %add3A : i32
    %lt3A_41 = arith.constant 2500 : i32
    %lt3A_42 = arith.cmpi slt, %add3A_40, %lt3A_41 : i32
    %convert_element_type3A_43 = arith.extui %lt3A_42 : i1 to i32
    %cond3A_44 = arith.constant 0 : i32
    %cond3A_45 = arith.cmpi ne, %convert_element_type3A_43, %cond3A_44 : i32
    scf.if %cond3A_45 {
      %mul3A_217 = arith.constant 128 : i32
      %mul3A_218 = arith.muli %add3A_40, %mul3A_217 : i32
      %dma_wait3A_219 = arith.constant 0 : i32
      %dma_wait3A_220 = tpu.memref_slice %arg3[%dma_wait3A_219, %mul3A_218] : memref<2x320000xi32, #tpu.memory_space<hbm>> -> memref<2x128xi32, #tpu.memory_space<hbm>>
      %dma_wait3A_221 = arith.constant 0 : i32
      %dma_wait3A_222 = tpu.memref_slice %arg3[%dma_wait3A_221, %mul3A_218] : memref<2x320000xi32, #tpu.memory_space<hbm>> -> memref<2x128xi32, #tpu.memory_space<hbm>>
      tpu.wait_dma2 semaphore(%arg13 : memref<!tpu.dma_semaphore, #tpu.memory_space<semaphore_mem>>) src(%dma_wait3A_222 : memref<2x128xi32, #tpu.memory_space<hbm>>) dst(%arg12 : memref<2x128xi32, #tpu.memory_space<vmem>>)
      %dma_start3A_223 = arith.constant 0 : i32
      %dma_start3A_224 = arith.constant 0 : i32
      %dma_start3A_225 = tpu.memref_slice %arg12[%dma_start3A_223, %dma_start3A_224] : memref<2x128xi32, #tpu.memory_space<vmem>> -> memref<1x128xi32, #tpu.memory_space<vmem>>
      %dma_start3A_226 = tpu.memref_squeeze %dma_start3A_225 : memref<1x128xi32, #tpu.memory_space<vmem>> -> memref<128xi32, #tpu.memory_space<vmem>>
      %dma_start3A_227 = arith.constant 0 : i32
      %dma_start3A_228 = arith.constant 0 : i32
      %dma_start3A_229 = tpu.memref_slice %arg2[%dma_start3A_227, %dma_start3A_228] : memref<10000x128xf32, #tpu.memory_space<hbm>> -> memref<10000x128xf32, #tpu.memory_space<hbm>>
      tpu.enqueue_indirect_dma source(%dma_start3A_229 : memref<10000x128xf32, #tpu.memory_space<hbm>>) target(%arg6 : memref<128x128xf32, #tpu.memory_space<vmem>>) offsets(%dma_start3A_226 : memref<128xi32, #tpu.memory_space<vmem>>) semaphore(%arg7 : memref<!tpu.dma_semaphore, #tpu.memory_space<semaphore_mem>>)
    } else {
    }
    %add3A_46 = arith.constant 32 : i32
    %add3A_47 = arith.addi %add3A_46, %add3A : i32
    %lt3A_48 = arith.constant 2500 : i32
    %lt3A_49 = arith.cmpi slt, %add3A_47, %lt3A_48 : i32
    %convert_element_type3A_50 = arith.extui %lt3A_49 : i1 to i32
    %cond3A_51 = arith.constant 0 : i32
    %cond3A_52 = arith.cmpi ne, %convert_element_type3A_50, %cond3A_51 : i32
    scf.if %cond3A_52 {
      %mul3A_217 = arith.constant 128 : i32
      %mul3A_218 = arith.muli %add3A_47, %mul3A_217 : i32
      %dma_wait3A_219 = arith.constant 0 : i32
      %dma_wait3A_220 = tpu.memref_slice %arg3[%dma_wait3A_219, %mul3A_218] : memref<2x320000xi32, #tpu.memory_space<hbm>> -> memref<2x128xi32, #tpu.memory_space<hbm>>
      %dma_wait3A_221 = arith.constant 0 : i32
      %dma_wait3A_222 = tpu.memref_slice %arg3[%dma_wait3A_221, %mul3A_218] : memref<2x320000xi32, #tpu.memory_space<hbm>> -> memref<2x128xi32, #tpu.memory_space<hbm>>
      tpu.wait_dma2 semaphore(%arg15 : memref<!tpu.dma_semaphore, #tpu.memory_space<semaphore_mem>>) src(%dma_wait3A_222 : memref<2x128xi32, #tpu.memory_space<hbm>>) dst(%arg14 : memref<2x128xi32, #tpu.memory_space<vmem>>)
      %dma_start3A_223 = arith.constant 0 : i32
      %dma_start3A_224 = arith.constant 0 : i32
      %dma_start3A_225 = tpu.memref_slice %arg14[%dma_start3A_223, %dma_start3A_224] : memref<2x128xi32, #tpu.memory_space<vmem>> -> memref<1x128xi32, #tpu.memory_space<vmem>>
      %dma_start3A_226 = tpu.memref_squeeze %dma_start3A_225 : memref<1x128xi32, #tpu.memory_space<vmem>> -> memref<128xi32, #tpu.memory_space<vmem>>
      %dma_start3A_227 = arith.constant 0 : i32
      %dma_start3A_228 = arith.constant 0 : i32
      %dma_start3A_229 = tpu.memref_slice %arg2[%dma_start3A_227, %dma_start3A_228] : memref<10000x128xf32, #tpu.memory_space<hbm>> -> memref<10000x128xf32, #tpu.memory_space<hbm>>
      tpu.enqueue_indirect_dma source(%dma_start3A_229 : memref<10000x128xf32, #tpu.memory_space<hbm>>) target(%arg8 : memref<128x128xf32, #tpu.memory_space<vmem>>) offsets(%dma_start3A_226 : memref<128xi32, #tpu.memory_space<vmem>>) semaphore(%arg9 : memref<!tpu.dma_semaphore, #tpu.memory_space<semaphore_mem>>)
    } else {
    }
    %scan3A = arith.constant 0 : i32
    %scan3A_53 = arith.constant 0 : i32
    %scan3A_54 = arith.constant 27 : i32
    %scan3A_55 = arith.addi %scan3A_53, %scan3A_54 : i32
    %scan3A_56 = arith.constant 1 : i32
    scf.for %scan3A_217 = %scan3A_53 to %scan3A_55 step %scan3A_56  : i32 {
      %mul3A_218 = arith.constant 3 : i32
      %mul3A_219 = arith.muli %scan3A_217, %mul3A_218 : i32
      %add3A_220 = arith.constant 0 : i32
      %add3A_221 = arith.addi %mul3A_219, %add3A_220 : i32
      %mul3A_222 = arith.constant 32 : i32
      %mul3A_223 = arith.muli %add3A_221, %mul3A_222 : i32
      %add3A_224 = arith.addi %mul3A_223, %add3A : i32
      %lt3A_225 = arith.constant 2500 : i32
      %lt3A_226 = arith.cmpi slt, %add3A_224, %lt3A_225 : i32
      %convert_element_type3A_227 = arith.extui %lt3A_226 : i1 to i32
      %cond3A_228 = arith.constant 0 : i32
      %cond3A_229 = arith.cmpi ne, %convert_element_type3A_227, %cond3A_228 : i32
      scf.if %cond3A_229 {
        %dma_wait3A_322 = arith.constant 0 : i32
        %dma_wait3A_323 = arith.constant 0 : i32
        %dma_wait3A_324 = tpu.memref_slice %arg12[%dma_wait3A_322, %dma_wait3A_323] : memref<2x128xi32, #tpu.memory_space<vmem>> -> memref<1x128xi32, #tpu.memory_space<vmem>>
        %dma_wait3A_325 = tpu.memref_squeeze %dma_wait3A_324 : memref<1x128xi32, #tpu.memory_space<vmem>> -> memref<128xi32, #tpu.memory_space<vmem>>
        %dma_wait3A_326 = arith.constant 0 : i32
        %dma_wait3A_327 = arith.constant 0 : i32
        %dma_wait3A_328 = tpu.memref_slice %arg2[%dma_wait3A_326, %dma_wait3A_327] : memref<10000x128xf32, #tpu.memory_space<hbm>> -> memref<10000x128xf32, #tpu.memory_space<hbm>>
        tpu.wait_indirect_dma semaphore(%arg7 : memref<!tpu.dma_semaphore, #tpu.memory_space<semaphore_mem>>) src(%dma_wait3A_328 : memref<10000x128xf32, #tpu.memory_space<hbm>>) dst(%arg6 : memref<128x128xf32, #tpu.memory_space<vmem>>)
        %run_scoped3A = arith.constant 1 : i32
        "tpu.region"() ({
          %run_scoped3A_329 = tpu.sem_alloc : memref<!tpu.dma_semaphore, #tpu.memory_space<semaphore_mem>>
          %dma_start3A_330 = arith.constant 0 : i32
          %dma_start3A_331 = tpu.memref_slice %arg12[%run_scoped3A, %dma_start3A_330] : memref<2x128xi32, #tpu.memory_space<vmem>> -> memref<1x128xi32, #tpu.memory_space<vmem>>
          %dma_start3A_332 = tpu.memref_squeeze %dma_start3A_331 : memref<1x128xi32, #tpu.memory_space<vmem>> -> memref<128xi32, #tpu.memory_space<vmem>>
          %dma_start3A_333 = arith.constant 0 : i32
          %dma_start3A_334 = arith.constant 0 : i32
          %dma_start3A_335 = tpu.memref_slice %arg18[%dma_start3A_333, %dma_start3A_334] : memref<10112x128xf32, #tpu.memory_space<vmem_shared>> -> memref<10112x128xf32, #tpu.memory_space<vmem_shared>>
          tpu.enqueue_indirect_dma source(%arg6 : memref<128x128xf32, #tpu.memory_space<vmem>>) target(%dma_start3A_335 : memref<10112x128xf32, #tpu.memory_space<vmem_shared>>) offsets(%dma_start3A_332 : memref<128xi32, #tpu.memory_space<vmem>>) semaphore(%run_scoped3A_329 : memref<!tpu.dma_semaphore, #tpu.memory_space<semaphore_mem>>) {add = true}
          %dma_wait3A_336 = arith.constant 0 : i32
          %dma_wait3A_337 = tpu.memref_slice %arg12[%run_scoped3A, %dma_wait3A_336] : memref<2x128xi32, #tpu.memory_space<vmem>> -> memref<1x128xi32, #tpu.memory_space<vmem>>
          %dma_wait3A_338 = tpu.memref_squeeze %dma_wait3A_337 : memref<1x128xi32, #tpu.memory_space<vmem>> -> memref<128xi32, #tpu.memory_space<vmem>>
          %dma_wait3A_339 = arith.constant 0 : i32
          %dma_wait3A_340 = arith.constant 0 : i32
          %dma_wait3A_341 = tpu.memref_slice %arg18[%dma_wait3A_339, %dma_wait3A_340] : memref<10112x128xf32, #tpu.memory_space<vmem_shared>> -> memref<10112x128xf32, #tpu.memory_space<vmem_shared>>
          tpu.wait_indirect_dma semaphore(%run_scoped3A_329 : memref<!tpu.dma_semaphore, #tpu.memory_space<semaphore_mem>>) src(%arg6 : memref<128x128xf32, #tpu.memory_space<vmem>>) dst(%dma_wait3A_341 : memref<10112x128xf32, #tpu.memory_space<vmem_shared>>)
          tpu.yield
        }) : () -> ()
      } else {
      }
      %add3A_230 = arith.constant 0 : i32
      %add3A_231 = arith.addi %mul3A_219, %add3A_230 : i32
      %add3A_232 = arith.constant 3 : i32
      %add3A_233 = arith.addi %add3A_231, %add3A_232 : i32
      %mul3A_234 = arith.constant 32 : i32
      %mul3A_235 = arith.muli %add3A_233, %mul3A_234 : i32
      %add3A_236 = arith.addi %mul3A_235, %add3A : i32
      %lt3A_237 = arith.constant 2500 : i32
      %lt3A_238 = arith.cmpi slt, %add3A_236, %lt3A_237 : i32
      %convert_element_type3A_239 = arith.extui %lt3A_238 : i1 to i32
      %cond3A_240 = arith.constant 0 : i32
      %cond3A_241 = arith.cmpi ne, %convert_element_type3A_239, %cond3A_240 : i32
      scf.if %cond3A_241 {
        %mul3A_322 = arith.constant 128 : i32
        %mul3A_323 = arith.muli %add3A_236, %mul3A_322 : i32
        %dma_start3A_324 = arith.constant 0 : i32
        %dma_start3A_325 = tpu.memref_slice %arg3[%dma_start3A_324, %mul3A_323] : memref<2x320000xi32, #tpu.memory_space<hbm>> -> memref<2x128xi32, #tpu.memory_space<hbm>>
        %dma_start3A_326 = arith.constant 0 : i32
        %dma_start3A_327 = tpu.memref_slice %arg3[%dma_start3A_326, %mul3A_323] : memref<2x320000xi32, #tpu.memory_space<hbm>> -> memref<2x128xi32, #tpu.memory_space<hbm>>
        tpu.enqueue_dma source(%dma_start3A_327 : memref<2x128xi32, #tpu.memory_space<hbm>>) target(%arg12 : memref<2x128xi32, #tpu.memory_space<vmem>>) target_semaphore(%arg13 : memref<!tpu.dma_semaphore, #tpu.memory_space<semaphore_mem>>)
      } else {
      }
      %add3A_242 = arith.constant 0 : i32
      %add3A_243 = arith.addi %mul3A_219, %add3A_242 : i32
      %add3A_244 = arith.constant 2 : i32
      %add3A_245 = arith.addi %add3A_243, %add3A_244 : i32
      %mul3A_246 = arith.constant 32 : i32
      %mul3A_247 = arith.muli %add3A_245, %mul3A_246 : i32
      %add3A_248 = arith.addi %mul3A_247, %add3A : i32
      %lt3A_249 = arith.constant 2500 : i32
      %lt3A_250 = arith.cmpi slt, %add3A_248, %lt3A_249 : i32
      %convert_element_type3A_251 = arith.extui %lt3A_250 : i1 to i32
      %cond3A_252 = arith.constant 0 : i32
      %cond3A_253 = arith.cmpi ne, %convert_element_type3A_251, %cond3A_252 : i32
      scf.if %cond3A_253 {
        %mul3A_322 = arith.constant 128 : i32
        %mul3A_323 = arith.muli %add3A_248, %mul3A_322 : i32
        %dma_wait3A_324 = arith.constant 0 : i32
        %dma_wait3A_325 = tpu.memref_slice %arg3[%dma_wait3A_324, %mul3A_323] : memref<2x320000xi32, #tpu.memory_space<hbm>> -> memref<2x128xi32, #tpu.memory_space<hbm>>
        %dma_wait3A_326 = arith.constant 0 : i32
        %dma_wait3A_327 = tpu.memref_slice %arg3[%dma_wait3A_326, %mul3A_323] : memref<2x320000xi32, #tpu.memory_space<hbm>> -> memref<2x128xi32, #tpu.memory_space<hbm>>
        tpu.wait_dma2 semaphore(%arg17 : memref<!tpu.dma_semaphore, #tpu.memory_space<semaphore_mem>>) src(%dma_wait3A_327 : memref<2x128xi32, #tpu.memory_space<hbm>>) dst(%arg16 : memref<2x128xi32, #tpu.memory_space<vmem>>)
        %dma_start3A_328 = arith.constant 0 : i32
        %dma_start3A_329 = arith.constant 0 : i32
        %dma_start3A_330 = tpu.memref_slice %arg16[%dma_start3A_328, %dma_start3A_329] : memref<2x128xi32, #tpu.memory_space<vmem>> -> memref<1x128xi32, #tpu.memory_space<vmem>>
        %dma_start3A_331 = tpu.memref_squeeze %dma_start3A_330 : memref<1x128xi32, #tpu.memory_space<vmem>> -> memref<128xi32, #tpu.memory_space<vmem>>
        %dma_start3A_332 = arith.constant 0 : i32
        %dma_start3A_333 = arith.constant 0 : i32
        %dma_start3A_334 = tpu.memref_slice %arg2[%dma_start3A_332, %dma_start3A_333] : memref<10000x128xf32, #tpu.memory_space<hbm>> -> memref<10000x128xf32, #tpu.memory_space<hbm>>
        tpu.enqueue_indirect_dma source(%dma_start3A_334 : memref<10000x128xf32, #tpu.memory_space<hbm>>) target(%arg10 : memref<128x128xf32, #tpu.memory_space<vmem>>) offsets(%dma_start3A_331 : memref<128xi32, #tpu.memory_space<vmem>>) semaphore(%arg11 : memref<!tpu.dma_semaphore, #tpu.memory_space<semaphore_mem>>)
      } else {
      }
      %add3A_254 = arith.constant 1 : i32
      %add3A_255 = arith.addi %mul3A_219, %add3A_254 : i32
      %mul3A_256 = arith.constant 32 : i32
      %mul3A_257 = arith.muli %add3A_255, %mul3A_256 : i32
      %add3A_258 = arith.addi %mul3A_257, %add3A : i32
      %lt3A_259 = arith.constant 2500 : i32
      %lt3A_260 = arith.cmpi slt, %add3A_258, %lt3A_259 : i32
      %convert_element_type3A_261 = arith.extui %lt3A_260 : i1 to i32
      %cond3A_262 = arith.constant 0 : i32
      %cond3A_263 = arith.cmpi ne, %convert_element_type3A_261, %cond3A_262 : i32
      scf.if %cond3A_263 {
        %dma_wait3A_322 = arith.constant 0 : i32
        %dma_wait3A_323 = arith.constant 0 : i32
        %dma_wait3A_324 = tpu.memref_slice %arg14[%dma_wait3A_322, %dma_wait3A_323] : memref<2x128xi32, #tpu.memory_space<vmem>> -> memref<1x128xi32, #tpu.memory_space<vmem>>
        %dma_wait3A_325 = tpu.memref_squeeze %dma_wait3A_324 : memref<1x128xi32, #tpu.memory_space<vmem>> -> memref<128xi32, #tpu.memory_space<vmem>>
        %dma_wait3A_326 = arith.constant 0 : i32
        %dma_wait3A_327 = arith.constant 0 : i32
        %dma_wait3A_328 = tpu.memref_slice %arg2[%dma_wait3A_326, %dma_wait3A_327] : memref<10000x128xf32, #tpu.memory_space<hbm>> -> memref<10000x128xf32, #tpu.memory_space<hbm>>
        tpu.wait_indirect_dma semaphore(%arg9 : memref<!tpu.dma_semaphore, #tpu.memory_space<semaphore_mem>>) src(%dma_wait3A_328 : memref<10000x128xf32, #tpu.memory_space<hbm>>) dst(%arg8 : memref<128x128xf32, #tpu.memory_space<vmem>>)
        %run_scoped3A = arith.constant 1 : i32
        "tpu.region"() ({
          %run_scoped3A_329 = tpu.sem_alloc : memref<!tpu.dma_semaphore, #tpu.memory_space<semaphore_mem>>
          %dma_start3A_330 = arith.constant 0 : i32
          %dma_start3A_331 = tpu.memref_slice %arg14[%run_scoped3A, %dma_start3A_330] : memref<2x128xi32, #tpu.memory_space<vmem>> -> memref<1x128xi32, #tpu.memory_space<vmem>>
          %dma_start3A_332 = tpu.memref_squeeze %dma_start3A_331 : memref<1x128xi32, #tpu.memory_space<vmem>> -> memref<128xi32, #tpu.memory_space<vmem>>
          %dma_start3A_333 = arith.constant 0 : i32
          %dma_start3A_334 = arith.constant 0 : i32
          %dma_start3A_335 = tpu.memref_slice %arg18[%dma_start3A_333, %dma_start3A_334] : memref<10112x128xf32, #tpu.memory_space<vmem_shared>> -> memref<10112x128xf32, #tpu.memory_space<vmem_shared>>
          tpu.enqueue_indirect_dma source(%arg8 : memref<128x128xf32, #tpu.memory_space<vmem>>) target(%dma_start3A_335 : memref<10112x128xf32, #tpu.memory_space<vmem_shared>>) offsets(%dma_start3A_332 : memref<128xi32, #tpu.memory_space<vmem>>) semaphore(%run_scoped3A_329 : memref<!tpu.dma_semaphore, #tpu.memory_space<semaphore_mem>>) {add = true}
          %dma_wait3A_336 = arith.constant 0 : i32
          %dma_wait3A_337 = tpu.memref_slice %arg14[%run_scoped3A, %dma_wait3A_336] : memref<2x128xi32, #tpu.memory_space<vmem>> -> memref<1x128xi32, #tpu.memory_space<vmem>>
          %dma_wait3A_338 = tpu.memref_squeeze %dma_wait3A_337 : memref<1x128xi32, #tpu.memory_space<vmem>> -> memref<128xi32, #tpu.memory_space<vmem>>
          %dma_wait3A_339 = arith.constant 0 : i32
          %dma_wait3A_340 = arith.constant 0 : i32
          %dma_wait3A_341 = tpu.memref_slice %arg18[%dma_wait3A_339, %dma_wait3A_340] : memref<10112x128xf32, #tpu.memory_space<vmem_shared>> -> memref<10112x128xf32, #tpu.memory_space<vmem_shared>>
          tpu.wait_indirect_dma semaphore(%run_scoped3A_329 : memref<!tpu.dma_semaphore, #tpu.memory_space<semaphore_mem>>) src(%arg8 : memref<128x128xf32, #tpu.memory_space<vmem>>) dst(%dma_wait3A_341 : memref<10112x128xf32, #tpu.memory_space<vmem_shared>>)
          tpu.yield
        }) : () -> ()
      } else {
      }
      %add3A_264 = arith.constant 1 : i32
      %add3A_265 = arith.addi %mul3A_219, %add3A_264 : i32
      %add3A_266 = arith.constant 3 : i32
      %add3A_267 = arith.addi %add3A_265, %add3A_266 : i32
      %mul3A_268 = arith.constant 32 : i32
      %mul3A_269 = arith.muli %add3A_267, %mul3A_268 : i32
      %add3A_270 = arith.addi %mul3A_269, %add3A : i32
      %lt3A_271 = arith.constant 2500 : i32
      %lt3A_272 = arith.cmpi slt, %add3A_270, %lt3A_271 : i32
      %convert_element_type3A_273 = arith.extui %lt3A_272 : i1 to i32
      %cond3A_274 = arith.constant 0 : i32
      %cond3A_275 = arith.cmpi ne, %convert_element_type3A_273, %cond3A_274 : i32
      scf.if %cond3A_275 {
        %mul3A_322 = arith.constant 128 : i32
        %mul3A_323 = arith.muli %add3A_270, %mul3A_322 : i32
        %dma_start3A_324 = arith.constant 0 : i32
        %dma_start3A_325 = tpu.memref_slice %arg3[%dma_start3A_324, %mul3A_323] : memref<2x320000xi32, #tpu.memory_space<hbm>> -> memref<2x128xi32, #tpu.memory_space<hbm>>
        %dma_start3A_326 = arith.constant 0 : i32
        %dma_start3A_327 = tpu.memref_slice %arg3[%dma_start3A_326, %mul3A_323] : memref<2x320000xi32, #tpu.memory_space<hbm>> -> memref<2x128xi32, #tpu.memory_space<hbm>>
        tpu.enqueue_dma source(%dma_start3A_327 : memref<2x128xi32, #tpu.memory_space<hbm>>) target(%arg14 : memref<2x128xi32, #tpu.memory_space<vmem>>) target_semaphore(%arg15 : memref<!tpu.dma_semaphore, #tpu.memory_space<semaphore_mem>>)
      } else {
      }
      %add3A_276 = arith.constant 1 : i32
      %add3A_277 = arith.addi %mul3A_219, %add3A_276 : i32
      %add3A_278 = arith.constant 2 : i32
      %add3A_279 = arith.addi %add3A_277, %add3A_278 : i32
      %mul3A_280 = arith.constant 32 : i32
      %mul3A_281 = arith.muli %add3A_279, %mul3A_280 : i32
      %add3A_282 = arith.addi %mul3A_281, %add3A : i32
      %lt3A_283 = arith.constant 2500 : i32
      %lt3A_284 = arith.cmpi slt, %add3A_282, %lt3A_283 : i32
      %convert_element_type3A_285 = arith.extui %lt3A_284 : i1 to i32
      %cond3A_286 = arith.constant 0 : i32
      %cond3A_287 = arith.cmpi ne, %convert_element_type3A_285, %cond3A_286 : i32
      scf.if %cond3A_287 {
        %mul3A_322 = arith.constant 128 : i32
        %mul3A_323 = arith.muli %add3A_282, %mul3A_322 : i32
        %dma_wait3A_324 = arith.constant 0 : i32
        %dma_wait3A_325 = tpu.memref_slice %arg3[%dma_wait3A_324, %mul3A_323] : memref<2x320000xi32, #tpu.memory_space<hbm>> -> memref<2x128xi32, #tpu.memory_space<hbm>>
        %dma_wait3A_326 = arith.constant 0 : i32
        %dma_wait3A_327 = tpu.memref_slice %arg3[%dma_wait3A_326, %mul3A_323] : memref<2x320000xi32, #tpu.memory_space<hbm>> -> memref<2x128xi32, #tpu.memory_space<hbm>>
        tpu.wait_dma2 semaphore(%arg13 : memref<!tpu.dma_semaphore, #tpu.memory_space<semaphore_mem>>) src(%dma_wait3A_327 : memref<2x128xi32, #tpu.memory_space<hbm>>) dst(%arg12 : memref<2x128xi32, #tpu.memory_space<vmem>>)
        %dma_start3A_328 = arith.constant 0 : i32
        %dma_start3A_329 = arith.constant 0 : i32
        %dma_start3A_330 = tpu.memref_slice %arg12[%dma_start3A_328, %dma_start3A_329] : memref<2x128xi32, #tpu.memory_space<vmem>> -> memref<1x128xi32, #tpu.memory_space<vmem>>
        %dma_start3A_331 = tpu.memref_squeeze %dma_start3A_330 : memref<1x128xi32, #tpu.memory_space<vmem>> -> memref<128xi32, #tpu.memory_space<vmem>>
        %dma_start3A_332 = arith.constant 0 : i32
        %dma_start3A_333 = arith.constant 0 : i32
        %dma_start3A_334 = tpu.memref_slice %arg2[%dma_start3A_332, %dma_start3A_333] : memref<10000x128xf32, #tpu.memory_space<hbm>> -> memref<10000x128xf32, #tpu.memory_space<hbm>>
        tpu.enqueue_indirect_dma source(%dma_start3A_334 : memref<10000x128xf32, #tpu.memory_space<hbm>>) target(%arg6 : memref<128x128xf32, #tpu.memory_space<vmem>>) offsets(%dma_start3A_331 : memref<128xi32, #tpu.memory_space<vmem>>) semaphore(%arg7 : memref<!tpu.dma_semaphore, #tpu.memory_space<semaphore_mem>>)
      } else {
      }
      %add3A_288 = arith.constant 2 : i32
      %add3A_289 = arith.addi %mul3A_219, %add3A_288 : i32
      %mul3A_290 = arith.constant 32 : i32
      %mul3A_291 = arith.muli %add3A_289, %mul3A_290 : i32
      %add3A_292 = arith.addi %mul3A_291, %add3A : i32
      %lt3A_293 = arith.constant 2500 : i32
      %lt3A_294 = arith.cmpi slt, %add3A_292, %lt3A_293 : i32
      %convert_element_type3A_295 = arith.extui %lt3A_294 : i1 to i32
      %cond3A_296 = arith.constant 0 : i32
      %cond3A_297 = arith.cmpi ne, %convert_element_type3A_295, %cond3A_296 : i32
      scf.if %cond3A_297 {
        %dma_wait3A_322 = arith.constant 0 : i32
        %dma_wait3A_323 = arith.constant 0 : i32
        %dma_wait3A_324 = tpu.memref_slice %arg16[%dma_wait3A_322, %dma_wait3A_323] : memref<2x128xi32, #tpu.memory_space<vmem>> -> memref<1x128xi32, #tpu.memory_space<vmem>>
        %dma_wait3A_325 = tpu.memref_squeeze %dma_wait3A_324 : memref<1x128xi32, #tpu.memory_space<vmem>> -> memref<128xi32, #tpu.memory_space<vmem>>
        %dma_wait3A_326 = arith.constant 0 : i32
        %dma_wait3A_327 = arith.constant 0 : i32
        %dma_wait3A_328 = tpu.memref_slice %arg2[%dma_wait3A_326, %dma_wait3A_327] : memref<10000x128xf32, #tpu.memory_space<hbm>> -> memref<10000x128xf32, #tpu.memory_space<hbm>>
        tpu.wait_indirect_dma semaphore(%arg11 : memref<!tpu.dma_semaphore, #tpu.memory_space<semaphore_mem>>) src(%dma_wait3A_328 : memref<10000x128xf32, #tpu.memory_space<hbm>>) dst(%arg10 : memref<128x128xf32, #tpu.memory_space<vmem>>)
        %run_scoped3A = arith.constant 1 : i32
        "tpu.region"() ({
          %run_scoped3A_329 = tpu.sem_alloc : memref<!tpu.dma_semaphore, #tpu.memory_space<semaphore_mem>>
          %dma_start3A_330 = arith.constant 0 : i32
          %dma_start3A_331 = tpu.memref_slice %arg16[%run_scoped3A, %dma_start3A_330] : memref<2x128xi32, #tpu.memory_space<vmem>> -> memref<1x128xi32, #tpu.memory_space<vmem>>
          %dma_start3A_332 = tpu.memref_squeeze %dma_start3A_331 : memref<1x128xi32, #tpu.memory_space<vmem>> -> memref<128xi32, #tpu.memory_space<vmem>>
          %dma_start3A_333 = arith.constant 0 : i32
          %dma_start3A_334 = arith.constant 0 : i32
          %dma_start3A_335 = tpu.memref_slice %arg18[%dma_start3A_333, %dma_start3A_334] : memref<10112x128xf32, #tpu.memory_space<vmem_shared>> -> memref<10112x128xf32, #tpu.memory_space<vmem_shared>>
          tpu.enqueue_indirect_dma source(%arg10 : memref<128x128xf32, #tpu.memory_space<vmem>>) target(%dma_start3A_335 : memref<10112x128xf32, #tpu.memory_space<vmem_shared>>) offsets(%dma_start3A_332 : memref<128xi32, #tpu.memory_space<vmem>>) semaphore(%run_scoped3A_329 : memref<!tpu.dma_semaphore, #tpu.memory_space<semaphore_mem>>) {add = true}
          %dma_wait3A_336 = arith.constant 0 : i32
          %dma_wait3A_337 = tpu.memref_slice %arg16[%run_scoped3A, %dma_wait3A_336] : memref<2x128xi32, #tpu.memory_space<vmem>> -> memref<1x128xi32, #tpu.memory_space<vmem>>
          %dma_wait3A_338 = tpu.memref_squeeze %dma_wait3A_337 : memref<1x128xi32, #tpu.memory_space<vmem>> -> memref<128xi32, #tpu.memory_space<vmem>>
          %dma_wait3A_339 = arith.constant 0 : i32
          %dma_wait3A_340 = arith.constant 0 : i32
          %dma_wait3A_341 = tpu.memref_slice %arg18[%dma_wait3A_339, %dma_wait3A_340] : memref<10112x128xf32, #tpu.memory_space<vmem_shared>> -> memref<10112x128xf32, #tpu.memory_space<vmem_shared>>
          tpu.wait_indirect_dma semaphore(%run_scoped3A_329 : memref<!tpu.dma_semaphore, #tpu.memory_space<semaphore_mem>>) src(%arg10 : memref<128x128xf32, #tpu.memory_space<vmem>>) dst(%dma_wait3A_341 : memref<10112x128xf32, #tpu.memory_space<vmem_shared>>)
          tpu.yield
        }) : () -> ()
      } else {
      }
      %add3A_298 = arith.constant 2 : i32
      %add3A_299 = arith.addi %mul3A_219, %add3A_298 : i32
      %add3A_300 = arith.constant 3 : i32
      %add3A_301 = arith.addi %add3A_299, %add3A_300 : i32
      %mul3A_302 = arith.constant 32 : i32
      %mul3A_303 = arith.muli %add3A_301, %mul3A_302 : i32
      %add3A_304 = arith.addi %mul3A_303, %add3A : i32
      %lt3A_305 = arith.constant 2500 : i32
      %lt3A_306 = arith.cmpi slt, %add3A_304, %lt3A_305 : i32
      %convert_element_type3A_307 = arith.extui %lt3A_306 : i1 to i32
      %cond3A_308 = arith.constant 0 : i32
      %cond3A_309 = arith.cmpi ne, %convert_element_type3A_307, %cond3A_308 : i32
      scf.if %cond3A_309 {
        %mul3A_322 = arith.constant 128 : i32
        %mul3A_323 = arith.muli %add3A_304, %mul3A_322 : i32
        %dma_start3A_324 = arith.constant 0 : i32
        %dma_start3A_325 = tpu.memref_slice %arg3[%dma_start3A_324, %mul3A_323] : memref<2x320000xi32, #tpu.memory_space<hbm>> -> memref<2x128xi32, #tpu.memory_space<hbm>>
        %dma_start3A_326 = arith.constant 0 : i32
        %dma_start3A_327 = tpu.memref_slice %arg3[%dma_start3A_326, %mul3A_323] : memref<2x320000xi32, #tpu.memory_space<hbm>> -> memref<2x128xi32, #tpu.memory_space<hbm>>
        tpu.enqueue_dma source(%dma_start3A_327 : memref<2x128xi32, #tpu.memory_space<hbm>>) target(%arg16 : memref<2x128xi32, #tpu.memory_space<vmem>>) target_semaphore(%arg17 : memref<!tpu.dma_semaphore, #tpu.memory_space<semaphore_mem>>)
      } else {
      }
      %add3A_310 = arith.constant 2 : i32
      %add3A_311 = arith.addi %mul3A_219, %add3A_310 : i32
      %add3A_312 = arith.constant 2 : i32
      %add3A_313 = arith.addi %add3A_311, %add3A_312 : i32
      %mul3A_314 = arith.constant 32 : i32
      %mul3A_315 = arith.muli %add3A_313, %mul3A_314 : i32
      %add3A_316 = arith.addi %mul3A_315, %add3A : i32
      %lt3A_317 = arith.constant 2500 : i32
      %lt3A_318 = arith.cmpi slt, %add3A_316, %lt3A_317 : i32
      %convert_element_type3A_319 = arith.extui %lt3A_318 : i1 to i32
      %cond3A_320 = arith.constant 0 : i32
      %cond3A_321 = arith.cmpi ne, %convert_element_type3A_319, %cond3A_320 : i32
      scf.if %cond3A_321 {
        %mul3A_322 = arith.constant 128 : i32
        %mul3A_323 = arith.muli %add3A_316, %mul3A_322 : i32
        %dma_wait3A_324 = arith.constant 0 : i32
        %dma_wait3A_325 = tpu.memref_slice %arg3[%dma_wait3A_324, %mul3A_323] : memref<2x320000xi32, #tpu.memory_space<hbm>> -> memref<2x128xi32, #tpu.memory_space<hbm>>
        %dma_wait3A_326 = arith.constant 0 : i32
        %dma_wait3A_327 = tpu.memref_slice %arg3[%dma_wait3A_326, %mul3A_323] : memref<2x320000xi32, #tpu.memory_space<hbm>> -> memref<2x128xi32, #tpu.memory_space<hbm>>
        tpu.wait_dma2 semaphore(%arg15 : memref<!tpu.dma_semaphore, #tpu.memory_space<semaphore_mem>>) src(%dma_wait3A_327 : memref<2x128xi32, #tpu.memory_space<hbm>>) dst(%arg14 : memref<2x128xi32, #tpu.memory_space<vmem>>)
        %dma_start3A_328 = arith.constant 0 : i32
        %dma_start3A_329 = arith.constant 0 : i32
        %dma_start3A_330 = tpu.memref_slice %arg14[%dma_start3A_328, %dma_start3A_329] : memref<2x128xi32, #tpu.memory_space<vmem>> -> memref<1x128xi32, #tpu.memory_space<vmem>>
        %dma_start3A_331 = tpu.memref_squeeze %dma_start3A_330 : memref<1x128xi32, #tpu.memory_space<vmem>> -> memref<128xi32, #tpu.memory_space<vmem>>
        %dma_start3A_332 = arith.constant 0 : i32
        %dma_start3A_333 = arith.constant 0 : i32
        %dma_start3A_334 = tpu.memref_slice %arg2[%dma_start3A_332, %dma_start3A_333] : memref<10000x128xf32, #tpu.memory_space<hbm>> -> memref<10000x128xf32, #tpu.memory_space<hbm>>
        tpu.enqueue_indirect_dma source(%dma_start3A_334 : memref<10000x128xf32, #tpu.memory_space<hbm>>) target(%arg8 : memref<128x128xf32, #tpu.memory_space<vmem>>) offsets(%dma_start3A_331 : memref<128xi32, #tpu.memory_space<vmem>>) semaphore(%arg9 : memref<!tpu.dma_semaphore, #tpu.memory_space<semaphore_mem>>)
      } else {
      }
    }
    %scan3A_57 = arith.constant 27 : i32
    %barrier3A_58 = arith.constant 0 : index
    tpu.barrier barrier_id(%barrier3A_58)
    %mul3A_59 = arith.constant 632 : i32
    %mul3A_60 = arith.muli %arg1, %mul3A_59 : i32
    %add3A_61 = arith.constant 0 : i32
    %add3A_62 = arith.addi %mul3A_60, %add3A_61 : i32
    %dma_start3A = arith.constant 0 : i32
    %dma_start3A_63 = arith.constant 0 : i32
    %dma_start3A_64 = tpu.memref_slice %arg6[%dma_start3A, %dma_start3A_63] : memref<128x128xf32, #tpu.memory_space<vmem>> -> memref<128x128xf32, #tpu.memory_space<vmem>>
    %dma_start3A_65 = arith.constant 0 : i32
    %dma_start3A_66 = tpu.memref_slice %arg18[%add3A_62, %dma_start3A_65] : memref<10112x128xf32, #tpu.memory_space<vmem_shared>> -> memref<128x128xf32, #tpu.memory_space<vmem_shared>>
    %dma_start3A_67 = arith.constant 0 : i32
    %dma_start3A_68 = arith.constant 0 : i32
    %dma_start3A_69 = tpu.memref_slice %arg6[%dma_start3A_67, %dma_start3A_68] : memref<128x128xf32, #tpu.memory_space<vmem>> -> memref<128x128xf32, #tpu.memory_space<vmem>>
    %dma_start3A_70 = arith.constant 0 : i32
    %dma_start3A_71 = tpu.memref_slice %arg18[%add3A_62, %dma_start3A_70] : memref<10112x128xf32, #tpu.memory_space<vmem_shared>> -> memref<128x128xf32, #tpu.memory_space<vmem_shared>>
    tpu.enqueue_dma source(%dma_start3A_71 : memref<128x128xf32, #tpu.memory_space<vmem_shared>>) target(%dma_start3A_69 : memref<128x128xf32, #tpu.memory_space<vmem>>) target_semaphore(%arg7 : memref<!tpu.dma_semaphore, #tpu.memory_space<semaphore_mem>>)
    %mul3A_72 = arith.constant 632 : i32
    %mul3A_73 = arith.muli %arg1, %mul3A_72 : i32
    %add3A_74 = arith.constant 128 : i32
    %add3A_75 = arith.addi %mul3A_73, %add3A_74 : i32
    %dma_start3A_76 = arith.constant 0 : i32
    %dma_start3A_77 = arith.constant 0 : i32
    %dma_start3A_78 = tpu.memref_slice %arg8[%dma_start3A_76, %dma_start3A_77] : memref<128x128xf32, #tpu.memory_space<vmem>> -> memref<128x128xf32, #tpu.memory_space<vmem>>
    %dma_start3A_79 = arith.constant 0 : i32
    %dma_start3A_80 = tpu.memref_slice %arg18[%add3A_75, %dma_start3A_79] : memref<10112x128xf32, #tpu.memory_space<vmem_shared>> -> memref<128x128xf32, #tpu.memory_space<vmem_shared>>
    %dma_start3A_81 = arith.constant 0 : i32
    %dma_start3A_82 = arith.constant 0 : i32
    %dma_start3A_83 = tpu.memref_slice %arg8[%dma_start3A_81, %dma_start3A_82] : memref<128x128xf32, #tpu.memory_space<vmem>> -> memref<128x128xf32, #tpu.memory_space<vmem>>
    %dma_start3A_84 = arith.constant 0 : i32
    %dma_start3A_85 = tpu.memref_slice %arg18[%add3A_75, %dma_start3A_84] : memref<10112x128xf32, #tpu.memory_space<vmem_shared>> -> memref<128x128xf32, #tpu.memory_space<vmem_shared>>
    tpu.enqueue_dma source(%dma_start3A_85 : memref<128x128xf32, #tpu.memory_space<vmem_shared>>) target(%dma_start3A_83 : memref<128x128xf32, #tpu.memory_space<vmem>>) target_semaphore(%arg9 : memref<!tpu.dma_semaphore, #tpu.memory_space<semaphore_mem>>)
    %mul3A_86 = arith.constant 632 : i32
    %mul3A_87 = arith.muli %arg1, %mul3A_86 : i32
    %add3A_88 = arith.constant 0 : i32
    %add3A_89 = arith.addi %mul3A_87, %add3A_88 : i32
    %dma_wait3A = arith.constant 0 : i32
    %dma_wait3A_90 = arith.constant 0 : i32
    %dma_wait3A_91 = tpu.memref_slice %arg6[%dma_wait3A, %dma_wait3A_90] : memref<128x128xf32, #tpu.memory_space<vmem>> -> memref<128x128xf32, #tpu.memory_space<vmem>>
    %dma_wait3A_92 = arith.constant 0 : i32
    %dma_wait3A_93 = tpu.memref_slice %arg18[%add3A_89, %dma_wait3A_92] : memref<10112x128xf32, #tpu.memory_space<vmem_shared>> -> memref<128x128xf32, #tpu.memory_space<vmem_shared>>
    %dma_wait3A_94 = arith.constant 0 : i32
    %dma_wait3A_95 = arith.constant 0 : i32
    %dma_wait3A_96 = tpu.memref_slice %arg6[%dma_wait3A_94, %dma_wait3A_95] : memref<128x128xf32, #tpu.memory_space<vmem>> -> memref<128x128xf32, #tpu.memory_space<vmem>>
    %dma_wait3A_97 = arith.constant 0 : i32
    %dma_wait3A_98 = tpu.memref_slice %arg18[%add3A_89, %dma_wait3A_97] : memref<10112x128xf32, #tpu.memory_space<vmem_shared>> -> memref<128x128xf32, #tpu.memory_space<vmem_shared>>
    tpu.wait_dma2 semaphore(%arg7 : memref<!tpu.dma_semaphore, #tpu.memory_space<semaphore_mem>>) src(%dma_wait3A_98 : memref<128x128xf32, #tpu.memory_space<vmem_shared>>) dst(%dma_wait3A_96 : memref<128x128xf32, #tpu.memory_space<vmem>>)
    %mul3A_99 = arith.constant 632 : i32
    %mul3A_100 = arith.muli %arg1, %mul3A_99 : i32
    %add3A_101 = arith.constant 0 : i32
    %add3A_102 = arith.addi %mul3A_100, %add3A_101 : i32
    "tpu.region"() ({
      %run_scoped3A = tpu.sem_alloc : memref<!tpu.dma_semaphore, #tpu.memory_space<semaphore_mem>>
      %dma_start3A_217 = arith.constant 0 : i32
      %dma_start3A_218 = arith.constant 0 : i32
      %dma_start3A_219 = tpu.memref_slice %arg6[%dma_start3A_217, %dma_start3A_218] : memref<128x128xf32, #tpu.memory_space<vmem>> -> memref<128x128xf32, #tpu.memory_space<vmem>>
      %dma_start3A_220 = arith.constant 0 : i32
      %dma_start3A_221 = tpu.memref_slice %arg5[%arg0, %add3A_102, %dma_start3A_220] : memref<2x10112x128xf32, #tpu.memory_space<hbm>> -> memref<1x128x128xf32, #tpu.memory_space<hbm>>
      %dma_start3A_222 = tpu.memref_squeeze %dma_start3A_221 : memref<1x128x128xf32, #tpu.memory_space<hbm>> -> memref<128x128xf32, #tpu.memory_space<hbm>>
      %dma_start3A_223 = arith.constant 0 : i32
      %dma_start3A_224 = tpu.memref_slice %arg5[%arg0, %add3A_102, %dma_start3A_223] : memref<2x10112x128xf32, #tpu.memory_space<hbm>> -> memref<1x128x128xf32, #tpu.memory_space<hbm>>
      %dma_start3A_225 = tpu.memref_squeeze %dma_start3A_224 : memref<1x128x128xf32, #tpu.memory_space<hbm>> -> memref<128x128xf32, #tpu.memory_space<hbm>>
      %dma_start3A_226 = arith.constant 0 : i32
      %dma_start3A_227 = arith.constant 0 : i32
      %dma_start3A_228 = tpu.memref_slice %arg6[%dma_start3A_226, %dma_start3A_227] : memref<128x128xf32, #tpu.memory_space<vmem>> -> memref<128x128xf32, #tpu.memory_space<vmem>>
      tpu.enqueue_dma source(%dma_start3A_228 : memref<128x128xf32, #tpu.memory_space<vmem>>) target(%dma_start3A_225 : memref<128x128xf32, #tpu.memory_space<hbm>>) target_semaphore(%run_scoped3A : memref<!tpu.dma_semaphore, #tpu.memory_space<semaphore_mem>>)
      %dma_wait3A_229 = arith.constant 0 : i32
      %dma_wait3A_230 = arith.constant 0 : i32
      %dma_wait3A_231 = tpu.memref_slice %arg6[%dma_wait3A_229, %dma_wait3A_230] : memref<128x128xf32, #tpu.memory_space<vmem>> -> memref<128x128xf32, #tpu.memory_space<vmem>>
      %dma_wait3A_232 = arith.constant 0 : i32
      %dma_wait3A_233 = tpu.memref_slice %arg5[%arg0, %add3A_102, %dma_wait3A_232] : memref<2x10112x128xf32, #tpu.memory_space<hbm>> -> memref<1x128x128xf32, #tpu.memory_space<hbm>>
      %dma_wait3A_234 = tpu.memref_squeeze %dma_wait3A_233 : memref<1x128x128xf32, #tpu.memory_space<hbm>> -> memref<128x128xf32, #tpu.memory_space<hbm>>
      %dma_wait3A_235 = arith.constant 0 : i32
      %dma_wait3A_236 = tpu.memref_slice %arg5[%arg0, %add3A_102, %dma_wait3A_235] : memref<2x10112x128xf32, #tpu.memory_space<hbm>> -> memref<1x128x128xf32, #tpu.memory_space<hbm>>
      %dma_wait3A_237 = tpu.memref_squeeze %dma_wait3A_236 : memref<1x128x128xf32, #tpu.memory_space<hbm>> -> memref<128x128xf32, #tpu.memory_space<hbm>>
      %dma_wait3A_238 = arith.constant 0 : i32
      %dma_wait3A_239 = arith.constant 0 : i32
      %dma_wait3A_240 = tpu.memref_slice %arg6[%dma_wait3A_238, %dma_wait3A_239] : memref<128x128xf32, #tpu.memory_space<vmem>> -> memref<128x128xf32, #tpu.memory_space<vmem>>
      tpu.wait_dma2 semaphore(%run_scoped3A : memref<!tpu.dma_semaphore, #tpu.memory_space<semaphore_mem>>) src(%dma_wait3A_240 : memref<128x128xf32, #tpu.memory_space<vmem>>) dst(%dma_wait3A_237 : memref<128x128xf32, #tpu.memory_space<hbm>>)
      tpu.yield
    }) : () -> ()
    %mul3A_103 = arith.constant 632 : i32
    %mul3A_104 = arith.muli %arg1, %mul3A_103 : i32
    %add3A_105 = arith.constant 256 : i32
    %add3A_106 = arith.addi %mul3A_104, %add3A_105 : i32
    %dma_start3A_107 = arith.constant 0 : i32
    %dma_start3A_108 = arith.constant 0 : i32
    %dma_start3A_109 = tpu.memref_slice %arg6[%dma_start3A_107, %dma_start3A_108] : memref<128x128xf32, #tpu.memory_space<vmem>> -> memref<128x128xf32, #tpu.memory_space<vmem>>
    %dma_start3A_110 = arith.constant 0 : i32
    %dma_start3A_111 = tpu.memref_slice %arg18[%add3A_106, %dma_start3A_110] : memref<10112x128xf32, #tpu.memory_space<vmem_shared>> -> memref<128x128xf32, #tpu.memory_space<vmem_shared>>
    %dma_start3A_112 = arith.constant 0 : i32
    %dma_start3A_113 = arith.constant 0 : i32
    %dma_start3A_114 = tpu.memref_slice %arg6[%dma_start3A_112, %dma_start3A_113] : memref<128x128xf32, #tpu.memory_space<vmem>> -> memref<128x128xf32, #tpu.memory_space<vmem>>
    %dma_start3A_115 = arith.constant 0 : i32
    %dma_start3A_116 = tpu.memref_slice %arg18[%add3A_106, %dma_start3A_115] : memref<10112x128xf32, #tpu.memory_space<vmem_shared>> -> memref<128x128xf32, #tpu.memory_space<vmem_shared>>
    tpu.enqueue_dma source(%dma_start3A_116 : memref<128x128xf32, #tpu.memory_space<vmem_shared>>) target(%dma_start3A_114 : memref<128x128xf32, #tpu.memory_space<vmem>>) target_semaphore(%arg7 : memref<!tpu.dma_semaphore, #tpu.memory_space<semaphore_mem>>)
    %mul3A_117 = arith.constant 632 : i32
    %mul3A_118 = arith.muli %arg1, %mul3A_117 : i32
    %add3A_119 = arith.constant 128 : i32
    %add3A_120 = arith.addi %mul3A_118, %add3A_119 : i32
    %dma_wait3A_121 = arith.constant 0 : i32
    %dma_wait3A_122 = arith.constant 0 : i32
    %dma_wait3A_123 = tpu.memref_slice %arg8[%dma_wait3A_121, %dma_wait3A_122] : memref<128x128xf32, #tpu.memory_space<vmem>> -> memref<128x128xf32, #tpu.memory_space<vmem>>
    %dma_wait3A_124 = arith.constant 0 : i32
    %dma_wait3A_125 = tpu.memref_slice %arg18[%add3A_120, %dma_wait3A_124] : memref<10112x128xf32, #tpu.memory_space<vmem_shared>> -> memref<128x128xf32, #tpu.memory_space<vmem_shared>>
    %dma_wait3A_126 = arith.constant 0 : i32
    %dma_wait3A_127 = arith.constant 0 : i32
    %dma_wait3A_128 = tpu.memref_slice %arg8[%dma_wait3A_126, %dma_wait3A_127] : memref<128x128xf32, #tpu.memory_space<vmem>> -> memref<128x128xf32, #tpu.memory_space<vmem>>
    %dma_wait3A_129 = arith.constant 0 : i32
    %dma_wait3A_130 = tpu.memref_slice %arg18[%add3A_120, %dma_wait3A_129] : memref<10112x128xf32, #tpu.memory_space<vmem_shared>> -> memref<128x128xf32, #tpu.memory_space<vmem_shared>>
    tpu.wait_dma2 semaphore(%arg9 : memref<!tpu.dma_semaphore, #tpu.memory_space<semaphore_mem>>) src(%dma_wait3A_130 : memref<128x128xf32, #tpu.memory_space<vmem_shared>>) dst(%dma_wait3A_128 : memref<128x128xf32, #tpu.memory_space<vmem>>)
    %mul3A_131 = arith.constant 632 : i32
    %mul3A_132 = arith.muli %arg1, %mul3A_131 : i32
    %add3A_133 = arith.constant 128 : i32
    %add3A_134 = arith.addi %mul3A_132, %add3A_133 : i32
    "tpu.region"() ({
      %run_scoped3A = tpu.sem_alloc : memref<!tpu.dma_semaphore, #tpu.memory_space<semaphore_mem>>
      %dma_start3A_217 = arith.constant 0 : i32
      %dma_start3A_218 = arith.constant 0 : i32
      %dma_start3A_219 = tpu.memref_slice %arg8[%dma_start3A_217, %dma_start3A_218] : memref<128x128xf32, #tpu.memory_space<vmem>> -> memref<128x128xf32, #tpu.memory_space<vmem>>
      %dma_start3A_220 = arith.constant 0 : i32
      %dma_start3A_221 = tpu.memref_slice %arg5[%arg0, %add3A_134, %dma_start3A_220] : memref<2x10112x128xf32, #tpu.memory_space<hbm>> -> memref<1x128x128xf32, #tpu.memory_space<hbm>>
      %dma_start3A_222 = tpu.memref_squeeze %dma_start3A_221 : memref<1x128x128xf32, #tpu.memory_space<hbm>> -> memref<128x128xf32, #tpu.memory_space<hbm>>
      %dma_start3A_223 = arith.constant 0 : i32
      %dma_start3A_224 = tpu.memref_slice %arg5[%arg0, %add3A_134, %dma_start3A_223] : memref<2x10112x128xf32, #tpu.memory_space<hbm>> -> memref<1x128x128xf32, #tpu.memory_space<hbm>>
      %dma_start3A_225 = tpu.memref_squeeze %dma_start3A_224 : memref<1x128x128xf32, #tpu.memory_space<hbm>> -> memref<128x128xf32, #tpu.memory_space<hbm>>
      %dma_start3A_226 = arith.constant 0 : i32
      %dma_start3A_227 = arith.constant 0 : i32
      %dma_start3A_228 = tpu.memref_slice %arg8[%dma_start3A_226, %dma_start3A_227] : memref<128x128xf32, #tpu.memory_space<vmem>> -> memref<128x128xf32, #tpu.memory_space<vmem>>
      tpu.enqueue_dma source(%dma_start3A_228 : memref<128x128xf32, #tpu.memory_space<vmem>>) target(%dma_start3A_225 : memref<128x128xf32, #tpu.memory_space<hbm>>) target_semaphore(%run_scoped3A : memref<!tpu.dma_semaphore, #tpu.memory_space<semaphore_mem>>)
      %dma_wait3A_229 = arith.constant 0 : i32
      %dma_wait3A_230 = arith.constant 0 : i32
      %dma_wait3A_231 = tpu.memref_slice %arg8[%dma_wait3A_229, %dma_wait3A_230] : memref<128x128xf32, #tpu.memory_space<vmem>> -> memref<128x128xf32, #tpu.memory_space<vmem>>
      %dma_wait3A_232 = arith.constant 0 : i32
      %dma_wait3A_233 = tpu.memref_slice %arg5[%arg0, %add3A_134, %dma_wait3A_232] : memref<2x10112x128xf32, #tpu.memory_space<hbm>> -> memref<1x128x128xf32, #tpu.memory_space<hbm>>
      %dma_wait3A_234 = tpu.memref_squeeze %dma_wait3A_233 : memref<1x128x128xf32, #tpu.memory_space<hbm>> -> memref<128x128xf32, #tpu.memory_space<hbm>>
      %dma_wait3A_235 = arith.constant 0 : i32
      %dma_wait3A_236 = tpu.memref_slice %arg5[%arg0, %add3A_134, %dma_wait3A_235] : memref<2x10112x128xf32, #tpu.memory_space<hbm>> -> memref<1x128x128xf32, #tpu.memory_space<hbm>>
      %dma_wait3A_237 = tpu.memref_squeeze %dma_wait3A_236 : memref<1x128x128xf32, #tpu.memory_space<hbm>> -> memref<128x128xf32, #tpu.memory_space<hbm>>
      %dma_wait3A_238 = arith.constant 0 : i32
      %dma_wait3A_239 = arith.constant 0 : i32
      %dma_wait3A_240 = tpu.memref_slice %arg8[%dma_wait3A_238, %dma_wait3A_239] : memref<128x128xf32, #tpu.memory_space<vmem>> -> memref<128x128xf32, #tpu.memory_space<vmem>>
      tpu.wait_dma2 semaphore(%run_scoped3A : memref<!tpu.dma_semaphore, #tpu.memory_space<semaphore_mem>>) src(%dma_wait3A_240 : memref<128x128xf32, #tpu.memory_space<vmem>>) dst(%dma_wait3A_237 : memref<128x128xf32, #tpu.memory_space<hbm>>)
      tpu.yield
    }) : () -> ()
    %mul3A_135 = arith.constant 632 : i32
    %mul3A_136 = arith.muli %arg1, %mul3A_135 : i32
    %add3A_137 = arith.constant 384 : i32
    %add3A_138 = arith.addi %mul3A_136, %add3A_137 : i32
    %dma_start3A_139 = arith.constant 0 : i32
    %dma_start3A_140 = arith.constant 0 : i32
    %dma_start3A_141 = tpu.memref_slice %arg8[%dma_start3A_139, %dma_start3A_140] : memref<128x128xf32, #tpu.memory_space<vmem>> -> memref<128x128xf32, #tpu.memory_space<vmem>>
    %dma_start3A_142 = arith.constant 0 : i32
    %dma_start3A_143 = tpu.memref_slice %arg18[%add3A_138, %dma_start3A_142] : memref<10112x128xf32, #tpu.memory_space<vmem_shared>> -> memref<128x128xf32, #tpu.memory_space<vmem_shared>>
    %dma_start3A_144 = arith.constant 0 : i32
    %dma_start3A_145 = arith.constant 0 : i32
    %dma_start3A_146 = tpu.memref_slice %arg8[%dma_start3A_144, %dma_start3A_145] : memref<128x128xf32, #tpu.memory_space<vmem>> -> memref<128x128xf32, #tpu.memory_space<vmem>>
    %dma_start3A_147 = arith.constant 0 : i32
    %dma_start3A_148 = tpu.memref_slice %arg18[%add3A_138, %dma_start3A_147] : memref<10112x128xf32, #tpu.memory_space<vmem_shared>> -> memref<128x128xf32, #tpu.memory_space<vmem_shared>>
    tpu.enqueue_dma source(%dma_start3A_148 : memref<128x128xf32, #tpu.memory_space<vmem_shared>>) target(%dma_start3A_146 : memref<128x128xf32, #tpu.memory_space<vmem>>) target_semaphore(%arg9 : memref<!tpu.dma_semaphore, #tpu.memory_space<semaphore_mem>>)
    %mul3A_149 = arith.constant 632 : i32
    %mul3A_150 = arith.muli %arg1, %mul3A_149 : i32
    %add3A_151 = arith.constant 256 : i32
    %add3A_152 = arith.addi %mul3A_150, %add3A_151 : i32
    %dma_wait3A_153 = arith.constant 0 : i32
    %dma_wait3A_154 = arith.constant 0 : i32
    %dma_wait3A_155 = tpu.memref_slice %arg6[%dma_wait3A_153, %dma_wait3A_154] : memref<128x128xf32, #tpu.memory_space<vmem>> -> memref<128x128xf32, #tpu.memory_space<vmem>>
    %dma_wait3A_156 = arith.constant 0 : i32
    %dma_wait3A_157 = tpu.memref_slice %arg18[%add3A_152, %dma_wait3A_156] : memref<10112x128xf32, #tpu.memory_space<vmem_shared>> -> memref<128x128xf32, #tpu.memory_space<vmem_shared>>
    %dma_wait3A_158 = arith.constant 0 : i32
    %dma_wait3A_159 = arith.constant 0 : i32
    %dma_wait3A_160 = tpu.memref_slice %arg6[%dma_wait3A_158, %dma_wait3A_159] : memref<128x128xf32, #tpu.memory_space<vmem>> -> memref<128x128xf32, #tpu.memory_space<vmem>>
    %dma_wait3A_161 = arith.constant 0 : i32
    %dma_wait3A_162 = tpu.memref_slice %arg18[%add3A_152, %dma_wait3A_161] : memref<10112x128xf32, #tpu.memory_space<vmem_shared>> -> memref<128x128xf32, #tpu.memory_space<vmem_shared>>
    tpu.wait_dma2 semaphore(%arg7 : memref<!tpu.dma_semaphore, #tpu.memory_space<semaphore_mem>>) src(%dma_wait3A_162 : memref<128x128xf32, #tpu.memory_space<vmem_shared>>) dst(%dma_wait3A_160 : memref<128x128xf32, #tpu.memory_space<vmem>>)
    %mul3A_163 = arith.constant 632 : i32
    %mul3A_164 = arith.muli %arg1, %mul3A_163 : i32
    %add3A_165 = arith.constant 256 : i32
    %add3A_166 = arith.addi %mul3A_164, %add3A_165 : i32
    "tpu.region"() ({
      %run_scoped3A = tpu.sem_alloc : memref<!tpu.dma_semaphore, #tpu.memory_space<semaphore_mem>>
      %dma_start3A_217 = arith.constant 0 : i32
      %dma_start3A_218 = arith.constant 0 : i32
      %dma_start3A_219 = tpu.memref_slice %arg6[%dma_start3A_217, %dma_start3A_218] : memref<128x128xf32, #tpu.memory_space<vmem>> -> memref<128x128xf32, #tpu.memory_space<vmem>>
      %dma_start3A_220 = arith.constant 0 : i32
      %dma_start3A_221 = tpu.memref_slice %arg5[%arg0, %add3A_166, %dma_start3A_220] : memref<2x10112x128xf32, #tpu.memory_space<hbm>> -> memref<1x128x128xf32, #tpu.memory_space<hbm>>
      %dma_start3A_222 = tpu.memref_squeeze %dma_start3A_221 : memref<1x128x128xf32, #tpu.memory_space<hbm>> -> memref<128x128xf32, #tpu.memory_space<hbm>>
      %dma_start3A_223 = arith.constant 0 : i32
      %dma_start3A_224 = tpu.memref_slice %arg5[%arg0, %add3A_166, %dma_start3A_223] : memref<2x10112x128xf32, #tpu.memory_space<hbm>> -> memref<1x128x128xf32, #tpu.memory_space<hbm>>
      %dma_start3A_225 = tpu.memref_squeeze %dma_start3A_224 : memref<1x128x128xf32, #tpu.memory_space<hbm>> -> memref<128x128xf32, #tpu.memory_space<hbm>>
      %dma_start3A_226 = arith.constant 0 : i32
      %dma_start3A_227 = arith.constant 0 : i32
      %dma_start3A_228 = tpu.memref_slice %arg6[%dma_start3A_226, %dma_start3A_227] : memref<128x128xf32, #tpu.memory_space<vmem>> -> memref<128x128xf32, #tpu.memory_space<vmem>>
      tpu.enqueue_dma source(%dma_start3A_228 : memref<128x128xf32, #tpu.memory_space<vmem>>) target(%dma_start3A_225 : memref<128x128xf32, #tpu.memory_space<hbm>>) target_semaphore(%run_scoped3A : memref<!tpu.dma_semaphore, #tpu.memory_space<semaphore_mem>>)
      %dma_wait3A_229 = arith.constant 0 : i32
      %dma_wait3A_230 = arith.constant 0 : i32
      %dma_wait3A_231 = tpu.memref_slice %arg6[%dma_wait3A_229, %dma_wait3A_230] : memref<128x128xf32, #tpu.memory_space<vmem>> -> memref<128x128xf32, #tpu.memory_space<vmem>>
      %dma_wait3A_232 = arith.constant 0 : i32
      %dma_wait3A_233 = tpu.memref_slice %arg5[%arg0, %add3A_166, %dma_wait3A_232] : memref<2x10112x128xf32, #tpu.memory_space<hbm>> -> memref<1x128x128xf32, #tpu.memory_space<hbm>>
      %dma_wait3A_234 = tpu.memref_squeeze %dma_wait3A_233 : memref<1x128x128xf32, #tpu.memory_space<hbm>> -> memref<128x128xf32, #tpu.memory_space<hbm>>
      %dma_wait3A_235 = arith.constant 0 : i32
      %dma_wait3A_236 = tpu.memref_slice %arg5[%arg0, %add3A_166, %dma_wait3A_235] : memref<2x10112x128xf32, #tpu.memory_space<hbm>> -> memref<1x128x128xf32, #tpu.memory_space<hbm>>
      %dma_wait3A_237 = tpu.memref_squeeze %dma_wait3A_236 : memref<1x128x128xf32, #tpu.memory_space<hbm>> -> memref<128x128xf32, #tpu.memory_space<hbm>>
      %dma_wait3A_238 = arith.constant 0 : i32
      %dma_wait3A_239 = arith.constant 0 : i32
      %dma_wait3A_240 = tpu.memref_slice %arg6[%dma_wait3A_238, %dma_wait3A_239] : memref<128x128xf32, #tpu.memory_space<vmem>> -> memref<128x128xf32, #tpu.memory_space<vmem>>
      tpu.wait_dma2 semaphore(%run_scoped3A : memref<!tpu.dma_semaphore, #tpu.memory_space<semaphore_mem>>) src(%dma_wait3A_240 : memref<128x128xf32, #tpu.memory_space<vmem>>) dst(%dma_wait3A_237 : memref<128x128xf32, #tpu.memory_space<hbm>>)
      tpu.yield
    }) : () -> ()
    %mul3A_167 = arith.constant 632 : i32
    %mul3A_168 = arith.muli %arg1, %mul3A_167 : i32
    %add3A_169 = arith.constant 512 : i32
    %add3A_170 = arith.addi %mul3A_168, %add3A_169 : i32
    %dma_start3A_171 = arith.constant 0 : i32
    %dma_start3A_172 = arith.constant 0 : i32
    %dma_start3A_173 = tpu.memref_slice %arg6[%dma_start3A_171, %dma_start3A_172] : memref<128x128xf32, #tpu.memory_space<vmem>> -> memref<120x128xf32, #tpu.memory_space<vmem>>
    %dma_start3A_174 = arith.constant 0 : i32
    %dma_start3A_175 = tpu.memref_slice %arg18[%add3A_170, %dma_start3A_174] : memref<10112x128xf32, #tpu.memory_space<vmem_shared>> -> memref<120x128xf32, #tpu.memory_space<vmem_shared>>
    %dma_start3A_176 = arith.constant 0 : i32
    %dma_start3A_177 = arith.constant 0 : i32
    %dma_start3A_178 = tpu.memref_slice %arg6[%dma_start3A_176, %dma_start3A_177] : memref<128x128xf32, #tpu.memory_space<vmem>> -> memref<120x128xf32, #tpu.memory_space<vmem>>
    %dma_start3A_179 = arith.constant 0 : i32
    %dma_start3A_180 = tpu.memref_slice %arg18[%add3A_170, %dma_start3A_179] : memref<10112x128xf32, #tpu.memory_space<vmem_shared>> -> memref<120x128xf32, #tpu.memory_space<vmem_shared>>
    tpu.enqueue_dma source(%dma_start3A_180 : memref<120x128xf32, #tpu.memory_space<vmem_shared>>) target(%dma_start3A_178 : memref<120x128xf32, #tpu.memory_space<vmem>>) target_semaphore(%arg7 : memref<!tpu.dma_semaphore, #tpu.memory_space<semaphore_mem>>)
    %mul3A_181 = arith.constant 632 : i32
    %mul3A_182 = arith.muli %arg1, %mul3A_181 : i32
    %add3A_183 = arith.constant 384 : i32
    %add3A_184 = arith.addi %mul3A_182, %add3A_183 : i32
    %dma_wait3A_185 = arith.constant 0 : i32
    %dma_wait3A_186 = arith.constant 0 : i32
    %dma_wait3A_187 = tpu.memref_slice %arg8[%dma_wait3A_185, %dma_wait3A_186] : memref<128x128xf32, #tpu.memory_space<vmem>> -> memref<128x128xf32, #tpu.memory_space<vmem>>
    %dma_wait3A_188 = arith.constant 0 : i32
    %dma_wait3A_189 = tpu.memref_slice %arg18[%add3A_184, %dma_wait3A_188] : memref<10112x128xf32, #tpu.memory_space<vmem_shared>> -> memref<128x128xf32, #tpu.memory_space<vmem_shared>>
    %dma_wait3A_190 = arith.constant 0 : i32
    %dma_wait3A_191 = arith.constant 0 : i32
    %dma_wait3A_192 = tpu.memref_slice %arg8[%dma_wait3A_190, %dma_wait3A_191] : memref<128x128xf32, #tpu.memory_space<vmem>> -> memref<128x128xf32, #tpu.memory_space<vmem>>
    %dma_wait3A_193 = arith.constant 0 : i32
    %dma_wait3A_194 = tpu.memref_slice %arg18[%add3A_184, %dma_wait3A_193] : memref<10112x128xf32, #tpu.memory_space<vmem_shared>> -> memref<128x128xf32, #tpu.memory_space<vmem_shared>>
    tpu.wait_dma2 semaphore(%arg9 : memref<!tpu.dma_semaphore, #tpu.memory_space<semaphore_mem>>) src(%dma_wait3A_194 : memref<128x128xf32, #tpu.memory_space<vmem_shared>>) dst(%dma_wait3A_192 : memref<128x128xf32, #tpu.memory_space<vmem>>)
    %mul3A_195 = arith.constant 632 : i32
    %mul3A_196 = arith.muli %arg1, %mul3A_195 : i32
    %add3A_197 = arith.constant 384 : i32
    %add3A_198 = arith.addi %mul3A_196, %add3A_197 : i32
    "tpu.region"() ({
      %run_scoped3A = tpu.sem_alloc : memref<!tpu.dma_semaphore, #tpu.memory_space<semaphore_mem>>
      %dma_start3A_217 = arith.constant 0 : i32
      %dma_start3A_218 = arith.constant 0 : i32
      %dma_start3A_219 = tpu.memref_slice %arg8[%dma_start3A_217, %dma_start3A_218] : memref<128x128xf32, #tpu.memory_space<vmem>> -> memref<128x128xf32, #tpu.memory_space<vmem>>
      %dma_start3A_220 = arith.constant 0 : i32
      %dma_start3A_221 = tpu.memref_slice %arg5[%arg0, %add3A_198, %dma_start3A_220] : memref<2x10112x128xf32, #tpu.memory_space<hbm>> -> memref<1x128x128xf32, #tpu.memory_space<hbm>>
      %dma_start3A_222 = tpu.memref_squeeze %dma_start3A_221 : memref<1x128x128xf32, #tpu.memory_space<hbm>> -> memref<128x128xf32, #tpu.memory_space<hbm>>
      %dma_start3A_223 = arith.constant 0 : i32
      %dma_start3A_224 = tpu.memref_slice %arg5[%arg0, %add3A_198, %dma_start3A_223] : memref<2x10112x128xf32, #tpu.memory_space<hbm>> -> memref<1x128x128xf32, #tpu.memory_space<hbm>>
      %dma_start3A_225 = tpu.memref_squeeze %dma_start3A_224 : memref<1x128x128xf32, #tpu.memory_space<hbm>> -> memref<128x128xf32, #tpu.memory_space<hbm>>
      %dma_start3A_226 = arith.constant 0 : i32
      %dma_start3A_227 = arith.constant 0 : i32
      %dma_start3A_228 = tpu.memref_slice %arg8[%dma_start3A_226, %dma_start3A_227] : memref<128x128xf32, #tpu.memory_space<vmem>> -> memref<128x128xf32, #tpu.memory_space<vmem>>
      tpu.enqueue_dma source(%dma_start3A_228 : memref<128x128xf32, #tpu.memory_space<vmem>>) target(%dma_start3A_225 : memref<128x128xf32, #tpu.memory_space<hbm>>) target_semaphore(%run_scoped3A : memref<!tpu.dma_semaphore, #tpu.memory_space<semaphore_mem>>)
      %dma_wait3A_229 = arith.constant 0 : i32
      %dma_wait3A_230 = arith.constant 0 : i32
      %dma_wait3A_231 = tpu.memref_slice %arg8[%dma_wait3A_229, %dma_wait3A_230] : memref<128x128xf32, #tpu.memory_space<vmem>> -> memref<128x128xf32, #tpu.memory_space<vmem>>
      %dma_wait3A_232 = arith.constant 0 : i32
      %dma_wait3A_233 = tpu.memref_slice %arg5[%arg0, %add3A_198, %dma_wait3A_232] : memref<2x10112x128xf32, #tpu.memory_space<hbm>> -> memref<1x128x128xf32, #tpu.memory_space<hbm>>
      %dma_wait3A_234 = tpu.memref_squeeze %dma_wait3A_233 : memref<1x128x128xf32, #tpu.memory_space<hbm>> -> memref<128x128xf32, #tpu.memory_space<hbm>>
      %dma_wait3A_235 = arith.constant 0 : i32
      %dma_wait3A_236 = tpu.memref_slice %arg5[%arg0, %add3A_198, %dma_wait3A_235] : memref<2x10112x128xf32, #tpu.memory_space<hbm>> -> memref<1x128x128xf32, #tpu.memory_space<hbm>>
      %dma_wait3A_237 = tpu.memref_squeeze %dma_wait3A_236 : memref<1x128x128xf32, #tpu.memory_space<hbm>> -> memref<128x128xf32, #tpu.memory_space<hbm>>
      %dma_wait3A_238 = arith.constant 0 : i32
      %dma_wait3A_239 = arith.constant 0 : i32
      %dma_wait3A_240 = tpu.memref_slice %arg8[%dma_wait3A_238, %dma_wait3A_239] : memref<128x128xf32, #tpu.memory_space<vmem>> -> memref<128x128xf32, #tpu.memory_space<vmem>>
      tpu.wait_dma2 semaphore(%run_scoped3A : memref<!tpu.dma_semaphore, #tpu.memory_space<semaphore_mem>>) src(%dma_wait3A_240 : memref<128x128xf32, #tpu.memory_space<vmem>>) dst(%dma_wait3A_237 : memref<128x128xf32, #tpu.memory_space<hbm>>)
      tpu.yield
    }) : () -> ()
    %mul3A_199 = arith.constant 632 : i32
    %mul3A_200 = arith.muli %arg1, %mul3A_199 : i32
    %add3A_201 = arith.constant 512 : i32
    %add3A_202 = arith.addi %mul3A_200, %add3A_201 : i32
    %dma_wait3A_203 = arith.constant 0 : i32
    %dma_wait3A_204 = arith.constant 0 : i32
    %dma_wait3A_205 = tpu.memref_slice %arg6[%dma_wait3A_203, %dma_wait3A_204] : memref<128x128xf32, #tpu.memory_space<vmem>> -> memref<120x128xf32, #tpu.memory_space<vmem>>
    %dma_wait3A_206 = arith.constant 0 : i32
    %dma_wait3A_207 = tpu.memref_slice %arg18[%add3A_202, %dma_wait3A_206] : memref<10112x128xf32, #tpu.memory_space<vmem_shared>> -> memref<120x128xf32, #tpu.memory_space<vmem_shared>>
    %dma_wait3A_208 = arith.constant 0 : i32
    %dma_wait3A_209 = arith.constant 0 : i32
    %dma_wait3A_210 = tpu.memref_slice %arg6[%dma_wait3A_208, %dma_wait3A_209] : memref<128x128xf32, #tpu.memory_space<vmem>> -> memref<120x128xf32, #tpu.memory_space<vmem>>
    %dma_wait3A_211 = arith.constant 0 : i32
    %dma_wait3A_212 = tpu.memref_slice %arg18[%add3A_202, %dma_wait3A_211] : memref<10112x128xf32, #tpu.memory_space<vmem_shared>> -> memref<120x128xf32, #tpu.memory_space<vmem_shared>>
    tpu.wait_dma2 semaphore(%arg7 : memref<!tpu.dma_semaphore, #tpu.memory_space<semaphore_mem>>) src(%dma_wait3A_212 : memref<120x128xf32, #tpu.memory_space<vmem_shared>>) dst(%dma_wait3A_210 : memref<120x128xf32, #tpu.memory_space<vmem>>)
    %mul3A_213 = arith.constant 632 : i32
    %mul3A_214 = arith.muli %arg1, %mul3A_213 : i32
    %add3A_215 = arith.constant 512 : i32
    %add3A_216 = arith.addi %mul3A_214, %add3A_215 : i32
    "tpu.region"() ({
      %run_scoped3A = tpu.sem_alloc : memref<!tpu.dma_semaphore, #tpu.memory_space<semaphore_mem>>
      %dma_start3A_217 = arith.constant 0 : i32
      %dma_start3A_218 = arith.constant 0 : i32
      %dma_start3A_219 = tpu.memref_slice %arg6[%dma_start3A_217, %dma_start3A_218] : memref<128x128xf32, #tpu.memory_space<vmem>> -> memref<120x128xf32, #tpu.memory_space<vmem>>
      %dma_start3A_220 = arith.constant 0 : i32
      %dma_start3A_221 = tpu.memref_slice %arg5[%arg0, %add3A_216, %dma_start3A_220] : memref<2x10112x128xf32, #tpu.memory_space<hbm>> -> memref<1x120x128xf32, #tpu.memory_space<hbm>>
      %dma_start3A_222 = tpu.memref_squeeze %dma_start3A_221 : memref<1x120x128xf32, #tpu.memory_space<hbm>> -> memref<120x128xf32, #tpu.memory_space<hbm>>
      %dma_start3A_223 = arith.constant 0 : i32
      %dma_start3A_224 = tpu.memref_slice %arg5[%arg0, %add3A_216, %dma_start3A_223] : memref<2x10112x128xf32, #tpu.memory_space<hbm>> -> memref<1x120x128xf32, #tpu.memory_space<hbm>>
      %dma_start3A_225 = tpu.memref_squeeze %dma_start3A_224 : memref<1x120x128xf32, #tpu.memory_space<hbm>> -> memref<120x128xf32, #tpu.memory_space<hbm>>
      %dma_start3A_226 = arith.constant 0 : i32
      %dma_start3A_227 = arith.constant 0 : i32
      %dma_start3A_228 = tpu.memref_slice %arg6[%dma_start3A_226, %dma_start3A_227] : memref<128x128xf32, #tpu.memory_space<vmem>> -> memref<120x128xf32, #tpu.memory_space<vmem>>
      tpu.enqueue_dma source(%dma_start3A_228 : memref<120x128xf32, #tpu.memory_space<vmem>>) target(%dma_start3A_225 : memref<120x128xf32, #tpu.memory_space<hbm>>) target_semaphore(%run_scoped3A : memref<!tpu.dma_semaphore, #tpu.memory_space<semaphore_mem>>)
      %dma_wait3A_229 = arith.constant 0 : i32
      %dma_wait3A_230 = arith.constant 0 : i32
      %dma_wait3A_231 = tpu.memref_slice %arg6[%dma_wait3A_229, %dma_wait3A_230] : memref<128x128xf32, #tpu.memory_space<vmem>> -> memref<120x128xf32, #tpu.memory_space<vmem>>
      %dma_wait3A_232 = arith.constant 0 : i32
      %dma_wait3A_233 = tpu.memref_slice %arg5[%arg0, %add3A_216, %dma_wait3A_232] : memref<2x10112x128xf32, #tpu.memory_space<hbm>> -> memref<1x120x128xf32, #tpu.memory_space<hbm>>
      %dma_wait3A_234 = tpu.memref_squeeze %dma_wait3A_233 : memref<1x120x128xf32, #tpu.memory_space<hbm>> -> memref<120x128xf32, #tpu.memory_space<hbm>>
      %dma_wait3A_235 = arith.constant 0 : i32
      %dma_wait3A_236 = tpu.memref_slice %arg5[%arg0, %add3A_216, %dma_wait3A_235] : memref<2x10112x128xf32, #tpu.memory_space<hbm>> -> memref<1x120x128xf32, #tpu.memory_space<hbm>>
      %dma_wait3A_237 = tpu.memref_squeeze %dma_wait3A_236 : memref<1x120x128xf32, #tpu.memory_space<hbm>> -> memref<120x128xf32, #tpu.memory_space<hbm>>
      %dma_wait3A_238 = arith.constant 0 : i32
      %dma_wait3A_239 = arith.constant 0 : i32
      %dma_wait3A_240 = tpu.memref_slice %arg6[%dma_wait3A_238, %dma_wait3A_239] : memref<128x128xf32, #tpu.memory_space<vmem>> -> memref<120x128xf32, #tpu.memory_space<vmem>>
      tpu.wait_dma2 semaphore(%run_scoped3A : memref<!tpu.dma_semaphore, #tpu.memory_space<semaphore_mem>>) src(%dma_wait3A_240 : memref<120x128xf32, #tpu.memory_space<vmem>>) dst(%dma_wait3A_237 : memref<120x128xf32, #tpu.memory_space<hbm>>)
      tpu.yield
    }) : () -> ()
    return
  }
}

#map = affine_map<(d0, d1) -> (0, 0)>
#map1 = affine_map<(d0, d1) -> (0, 0, 0)>
module attributes {stable_mosaic.version = 14 : i64} {
  func.func @_msg3_body(%arg0: i32, %arg1: i32, %arg2: memref<10000x128xf32, #tpu.memory_space<hbm>>, %arg3: memref<2x320000xi32, #tpu.memory_space<hbm>>, %arg4: memref<10112x128xf32, #tpu.memory_space<hbm>>, %arg5: memref<2x10112x128xf32, #tpu.memory_space<hbm>>, %arg6: memref<128x128xf32, #tpu.memory_space<vmem>>, %arg7: memref<!tpu.dma_semaphore, #tpu.memory_space<semaphore_mem>>, %arg8: memref<128x128xf32, #tpu.memory_space<vmem>>, %arg9: memref<!tpu.dma_semaphore, #tpu.memory_space<semaphore_mem>>, %arg10: memref<128x128xf32, #tpu.memory_space<vmem>>, %arg11: memref<!tpu.dma_semaphore, #tpu.memory_space<semaphore_mem>>, %arg12: memref<2x128xi32, #tpu.memory_space<vmem>>, %arg13: memref<!tpu.dma_semaphore, #tpu.memory_space<semaphore_mem>>, %arg14: memref<2x128xi32, #tpu.memory_space<vmem>>, %arg15: memref<!tpu.dma_semaphore, #tpu.memory_space<semaphore_mem>>, %arg16: memref<2x128xi32, #tpu.memory_space<vmem>>, %arg17: memref<!tpu.dma_semaphore, #tpu.memory_space<semaphore_mem>>, %arg18: memref<10112x128xf32, #tpu.memory_space<vmem_shared>>) attributes {dimension_semantics = [#tpu.dimension_semantics<core_parallel>, #tpu.dimension_semantics<subcore_parallel>], iteration_bounds = array<i64: 2, 16>, scalar_prefetch = 0 : i64, scratch_operands = 13 : i64, tpu.core_type = #tpu.core_type<sc_vector_subcore>, window_params = [{transform_indices = #map}, {transform_indices = #map}, {transform_indices = #map}, {transform_indices = #map1}]} {
    %mul3A = arith.constant 2 : i32
    %mul3A_0 = arith.muli %arg1, %mul3A : i32
    %add3A = arith.addi %mul3A_0, %arg0 : i32
    %add3A_1 = arith.constant 0 : i32
    %add3A_2 = arith.addi %add3A_1, %add3A : i32
    %lt3A = arith.constant 2500 : i32
    %lt3A_3 = arith.cmpi slt, %add3A_2, %lt3A : i32
    %convert_element_type3A = arith.extui %lt3A_3 : i1 to i32
    %cond3A = arith.constant 0 : i32
    %cond3A_4 = arith.cmpi ne, %convert_element_type3A, %cond3A : i32
    scf.if %cond3A_4 {
      %mul3A_217 = arith.constant 128 : i32
      %mul3A_218 = arith.muli %add3A_2, %mul3A_217 : i32
      %dma_start3A_219 = arith.constant 0 : i32
      %dma_start3A_220 = tpu.memref_slice %arg3[%dma_start3A_219, %mul3A_218] : memref<2x320000xi32, #tpu.memory_space<hbm>> -> memref<2x128xi32, #tpu.memory_space<hbm>>
      %dma_start3A_221 = arith.constant 0 : i32
      %dma_start3A_222 = tpu.memref_slice %arg3[%dma_start3A_221, %mul3A_218] : memref<2x320000xi32, #tpu.memory_space<hbm>> -> memref<2x128xi32, #tpu.memory_space<hbm>>
      tpu.enqueue_dma source(%dma_start3A_222 : memref<2x128xi32, #tpu.memory_space<hbm>>) target(%arg12 : memref<2x128xi32, #tpu.memory_space<vmem>>) target_semaphore(%arg13 : memref<!tpu.dma_semaphore, #tpu.memory_space<semaphore_mem>>)
    } else {
    }
    %add3A_5 = arith.constant 32 : i32
    %add3A_6 = arith.addi %add3A_5, %add3A : i32
    %lt3A_7 = arith.constant 2500 : i32
    %lt3A_8 = arith.cmpi slt, %add3A_6, %lt3A_7 : i32
    %convert_element_type3A_9 = arith.extui %lt3A_8 : i1 to i32
    %cond3A_10 = arith.constant 0 : i32
    %cond3A_11 = arith.cmpi ne, %convert_element_type3A_9, %cond3A_10 : i32
    scf.if %cond3A_11 {
      %mul3A_217 = arith.constant 128 : i32
      %mul3A_218 = arith.muli %add3A_6, %mul3A_217 : i32
      %dma_start3A_219 = arith.constant 0 : i32
      %dma_start3A_220 = tpu.memref_slice %arg3[%dma_start3A_219, %mul3A_218] : memref<2x320000xi32, #tpu.memory_space<hbm>> -> memref<2x128xi32, #tpu.memory_space<hbm>>
      %dma_start3A_221 = arith.constant 0 : i32
      %dma_start3A_222 = tpu.memref_slice %arg3[%dma_start3A_221, %mul3A_218] : memref<2x320000xi32, #tpu.memory_space<hbm>> -> memref<2x128xi32, #tpu.memory_space<hbm>>
      tpu.enqueue_dma source(%dma_start3A_222 : memref<2x128xi32, #tpu.memory_space<hbm>>) target(%arg14 : memref<2x128xi32, #tpu.memory_space<vmem>>) target_semaphore(%arg15 : memref<!tpu.dma_semaphore, #tpu.memory_space<semaphore_mem>>)
    } else {
    }
    %add3A_12 = arith.constant 64 : i32
    %add3A_13 = arith.addi %add3A_12, %add3A : i32
    %lt3A_14 = arith.constant 2500 : i32
    %lt3A_15 = arith.cmpi slt, %add3A_13, %lt3A_14 : i32
    %convert_element_type3A_16 = arith.extui %lt3A_15 : i1 to i32
    %cond3A_17 = arith.constant 0 : i32
    %cond3A_18 = arith.cmpi ne, %convert_element_type3A_16, %cond3A_17 : i32
    scf.if %cond3A_18 {
      %mul3A_217 = arith.constant 128 : i32
      %mul3A_218 = arith.muli %add3A_13, %mul3A_217 : i32
      %dma_start3A_219 = arith.constant 0 : i32
      %dma_start3A_220 = tpu.memref_slice %arg3[%dma_start3A_219, %mul3A_218] : memref<2x320000xi32, #tpu.memory_space<hbm>> -> memref<2x128xi32, #tpu.memory_space<hbm>>
      %dma_start3A_221 = arith.constant 0 : i32
      %dma_start3A_222 = tpu.memref_slice %arg3[%dma_start3A_221, %mul3A_218] : memref<2x320000xi32, #tpu.memory_space<hbm>> -> memref<2x128xi32, #tpu.memory_space<hbm>>
      tpu.enqueue_dma source(%dma_start3A_222 : memref<2x128xi32, #tpu.memory_space<hbm>>) target(%arg16 : memref<2x128xi32, #tpu.memory_space<vmem>>) target_semaphore(%arg17 : memref<!tpu.dma_semaphore, #tpu.memory_space<semaphore_mem>>)
    } else {
    }
    "tpu.region"() ({
      %run_scoped3A = tpu.sem_alloc : memref<!tpu.dma_semaphore, #tpu.memory_space<semaphore_mem>>
      %dma_start3A_217 = arith.constant 0 : i32
      %dma_start3A_218 = arith.constant 0 : i32
      %dma_start3A_219 = tpu.memref_slice %arg4[%dma_start3A_217, %dma_start3A_218] : memref<10112x128xf32, #tpu.memory_space<hbm>> -> memref<128x128xf32, #tpu.memory_space<hbm>>
      %dma_start3A_220 = arith.constant 0 : i32
      %dma_start3A_221 = arith.constant 0 : i32
      %dma_start3A_222 = tpu.memref_slice %arg4[%dma_start3A_220, %dma_start3A_221] : memref<10112x128xf32, #tpu.memory_space<hbm>> -> memref<128x128xf32, #tpu.memory_space<hbm>>
      tpu.enqueue_dma source(%dma_start3A_222 : memref<128x128xf32, #tpu.memory_space<hbm>>) target(%arg10 : memref<128x128xf32, #tpu.memory_space<vmem>>) target_semaphore(%run_scoped3A : memref<!tpu.dma_semaphore, #tpu.memory_space<semaphore_mem>>)
      %dma_wait3A_223 = arith.constant 0 : i32
      %dma_wait3A_224 = arith.constant 0 : i32
      %dma_wait3A_225 = tpu.memref_slice %arg4[%dma_wait3A_223, %dma_wait3A_224] : memref<10112x128xf32, #tpu.memory_space<hbm>> -> memref<128x128xf32, #tpu.memory_space<hbm>>
      %dma_wait3A_226 = arith.constant 0 : i32
      %dma_wait3A_227 = arith.constant 0 : i32
      %dma_wait3A_228 = tpu.memref_slice %arg4[%dma_wait3A_226, %dma_wait3A_227] : memref<10112x128xf32, #tpu.memory_space<hbm>> -> memref<128x128xf32, #tpu.memory_space<hbm>>
      tpu.wait_dma2 semaphore(%run_scoped3A : memref<!tpu.dma_semaphore, #tpu.memory_space<semaphore_mem>>) src(%dma_wait3A_228 : memref<128x128xf32, #tpu.memory_space<hbm>>) dst(%arg10 : memref<128x128xf32, #tpu.memory_space<vmem>>)
      tpu.yield
    }) : () -> ()
    %mul3A_19 = arith.constant 632 : i32
    %mul3A_20 = arith.muli %arg1, %mul3A_19 : i32
    %add3A_21 = arith.constant 0 : i32
    %add3A_22 = arith.addi %mul3A_20, %add3A_21 : i32
    "tpu.region"() ({
      %run_scoped3A = tpu.sem_alloc : memref<!tpu.dma_semaphore, #tpu.memory_space<semaphore_mem>>
      %dma_start3A_217 = arith.constant 0 : i32
      %dma_start3A_218 = arith.constant 0 : i32
      %dma_start3A_219 = tpu.memref_slice %arg10[%dma_start3A_217, %dma_start3A_218] : memref<128x128xf32, #tpu.memory_space<vmem>> -> memref<128x128xf32, #tpu.memory_space<vmem>>
      %dma_start3A_220 = arith.constant 0 : i32
      %dma_start3A_221 = tpu.memref_slice %arg18[%add3A_22, %dma_start3A_220] : memref<10112x128xf32, #tpu.memory_space<vmem_shared>> -> memref<128x128xf32, #tpu.memory_space<vmem_shared>>
      %dma_start3A_222 = arith.constant 0 : i32
      %dma_start3A_223 = tpu.memref_slice %arg18[%add3A_22, %dma_start3A_222] : memref<10112x128xf32, #tpu.memory_space<vmem_shared>> -> memref<128x128xf32, #tpu.memory_space<vmem_shared>>
      %dma_start3A_224 = arith.constant 0 : i32
      %dma_start3A_225 = arith.constant 0 : i32
      %dma_start3A_226 = tpu.memref_slice %arg10[%dma_start3A_224, %dma_start3A_225] : memref<128x128xf32, #tpu.memory_space<vmem>> -> memref<128x128xf32, #tpu.memory_space<vmem>>
      tpu.enqueue_dma source(%dma_start3A_226 : memref<128x128xf32, #tpu.memory_space<vmem>>) target(%dma_start3A_223 : memref<128x128xf32, #tpu.memory_space<vmem_shared>>) target_semaphore(%run_scoped3A : memref<!tpu.dma_semaphore, #tpu.memory_space<semaphore_mem>>)
      %dma_wait3A_227 = arith.constant 0 : i32
      %dma_wait3A_228 = arith.constant 0 : i32
      %dma_wait3A_229 = tpu.memref_slice %arg10[%dma_wait3A_227, %dma_wait3A_228] : memref<128x128xf32, #tpu.memory_space<vmem>> -> memref<128x128xf32, #tpu.memory_space<vmem>>
      %dma_wait3A_230 = arith.constant 0 : i32
      %dma_wait3A_231 = tpu.memref_slice %arg18[%add3A_22, %dma_wait3A_230] : memref<10112x128xf32, #tpu.memory_space<vmem_shared>> -> memref<128x128xf32, #tpu.memory_space<vmem_shared>>
      %dma_wait3A_232 = arith.constant 0 : i32
      %dma_wait3A_233 = tpu.memref_slice %arg18[%add3A_22, %dma_wait3A_232] : memref<10112x128xf32, #tpu.memory_space<vmem_shared>> -> memref<128x128xf32, #tpu.memory_space<vmem_shared>>
      %dma_wait3A_234 = arith.constant 0 : i32
      %dma_wait3A_235 = arith.constant 0 : i32
      %dma_wait3A_236 = tpu.memref_slice %arg10[%dma_wait3A_234, %dma_wait3A_235] : memref<128x128xf32, #tpu.memory_space<vmem>> -> memref<128x128xf32, #tpu.memory_space<vmem>>
      tpu.wait_dma2 semaphore(%run_scoped3A : memref<!tpu.dma_semaphore, #tpu.memory_space<semaphore_mem>>) src(%dma_wait3A_236 : memref<128x128xf32, #tpu.memory_space<vmem>>) dst(%dma_wait3A_233 : memref<128x128xf32, #tpu.memory_space<vmem_shared>>)
      tpu.yield
    }) : () -> ()
    %mul3A_23 = arith.constant 632 : i32
    %mul3A_24 = arith.muli %arg1, %mul3A_23 : i32
    %add3A_25 = arith.constant 128 : i32
    %add3A_26 = arith.addi %mul3A_24, %add3A_25 : i32
    "tpu.region"() ({
      %run_scoped3A = tpu.sem_alloc : memref<!tpu.dma_semaphore, #tpu.memory_space<semaphore_mem>>
      %dma_start3A_217 = arith.constant 0 : i32
      %dma_start3A_218 = arith.constant 0 : i32
      %dma_start3A_219 = tpu.memref_slice %arg10[%dma_start3A_217, %dma_start3A_218] : memref<128x128xf32, #tpu.memory_space<vmem>> -> memref<128x128xf32, #tpu.memory_space<vmem>>
      %dma_start3A_220 = arith.constant 0 : i32
      %dma_start3A_221 = tpu.memref_slice %arg18[%add3A_26, %dma_start3A_220] : memref<10112x128xf32, #tpu.memory_space<vmem_shared>> -> memref<128x128xf32, #tpu.memory_space<vmem_shared>>
      %dma_start3A_222 = arith.constant 0 : i32
      %dma_start3A_223 = tpu.memref_slice %arg18[%add3A_26, %dma_start3A_222] : memref<10112x128xf32, #tpu.memory_space<vmem_shared>> -> memref<128x128xf32, #tpu.memory_space<vmem_shared>>
      %dma_start3A_224 = arith.constant 0 : i32
      %dma_start3A_225 = arith.constant 0 : i32
      %dma_start3A_226 = tpu.memref_slice %arg10[%dma_start3A_224, %dma_start3A_225] : memref<128x128xf32, #tpu.memory_space<vmem>> -> memref<128x128xf32, #tpu.memory_space<vmem>>
      tpu.enqueue_dma source(%dma_start3A_226 : memref<128x128xf32, #tpu.memory_space<vmem>>) target(%dma_start3A_223 : memref<128x128xf32, #tpu.memory_space<vmem_shared>>) target_semaphore(%run_scoped3A : memref<!tpu.dma_semaphore, #tpu.memory_space<semaphore_mem>>)
      %dma_wait3A_227 = arith.constant 0 : i32
      %dma_wait3A_228 = arith.constant 0 : i32
      %dma_wait3A_229 = tpu.memref_slice %arg10[%dma_wait3A_227, %dma_wait3A_228] : memref<128x128xf32, #tpu.memory_space<vmem>> -> memref<128x128xf32, #tpu.memory_space<vmem>>
      %dma_wait3A_230 = arith.constant 0 : i32
      %dma_wait3A_231 = tpu.memref_slice %arg18[%add3A_26, %dma_wait3A_230] : memref<10112x128xf32, #tpu.memory_space<vmem_shared>> -> memref<128x128xf32, #tpu.memory_space<vmem_shared>>
      %dma_wait3A_232 = arith.constant 0 : i32
      %dma_wait3A_233 = tpu.memref_slice %arg18[%add3A_26, %dma_wait3A_232] : memref<10112x128xf32, #tpu.memory_space<vmem_shared>> -> memref<128x128xf32, #tpu.memory_space<vmem_shared>>
      %dma_wait3A_234 = arith.constant 0 : i32
      %dma_wait3A_235 = arith.constant 0 : i32
      %dma_wait3A_236 = tpu.memref_slice %arg10[%dma_wait3A_234, %dma_wait3A_235] : memref<128x128xf32, #tpu.memory_space<vmem>> -> memref<128x128xf32, #tpu.memory_space<vmem>>
      tpu.wait_dma2 semaphore(%run_scoped3A : memref<!tpu.dma_semaphore, #tpu.memory_space<semaphore_mem>>) src(%dma_wait3A_236 : memref<128x128xf32, #tpu.memory_space<vmem>>) dst(%dma_wait3A_233 : memref<128x128xf32, #tpu.memory_space<vmem_shared>>)
      tpu.yield
    }) : () -> ()
    %mul3A_27 = arith.constant 632 : i32
    %mul3A_28 = arith.muli %arg1, %mul3A_27 : i32
    %add3A_29 = arith.constant 256 : i32
    %add3A_30 = arith.addi %mul3A_28, %add3A_29 : i32
    "tpu.region"() ({
      %run_scoped3A = tpu.sem_alloc : memref<!tpu.dma_semaphore, #tpu.memory_space<semaphore_mem>>
      %dma_start3A_217 = arith.constant 0 : i32
      %dma_start3A_218 = arith.constant 0 : i32
      %dma_start3A_219 = tpu.memref_slice %arg10[%dma_start3A_217, %dma_start3A_218] : memref<128x128xf32, #tpu.memory_space<vmem>> -> memref<128x128xf32, #tpu.memory_space<vmem>>
      %dma_start3A_220 = arith.constant 0 : i32
      %dma_start3A_221 = tpu.memref_slice %arg18[%add3A_30, %dma_start3A_220] : memref<10112x128xf32, #tpu.memory_space<vmem_shared>> -> memref<128x128xf32, #tpu.memory_space<vmem_shared>>
      %dma_start3A_222 = arith.constant 0 : i32
      %dma_start3A_223 = tpu.memref_slice %arg18[%add3A_30, %dma_start3A_222] : memref<10112x128xf32, #tpu.memory_space<vmem_shared>> -> memref<128x128xf32, #tpu.memory_space<vmem_shared>>
      %dma_start3A_224 = arith.constant 0 : i32
      %dma_start3A_225 = arith.constant 0 : i32
      %dma_start3A_226 = tpu.memref_slice %arg10[%dma_start3A_224, %dma_start3A_225] : memref<128x128xf32, #tpu.memory_space<vmem>> -> memref<128x128xf32, #tpu.memory_space<vmem>>
      tpu.enqueue_dma source(%dma_start3A_226 : memref<128x128xf32, #tpu.memory_space<vmem>>) target(%dma_start3A_223 : memref<128x128xf32, #tpu.memory_space<vmem_shared>>) target_semaphore(%run_scoped3A : memref<!tpu.dma_semaphore, #tpu.memory_space<semaphore_mem>>)
      %dma_wait3A_227 = arith.constant 0 : i32
      %dma_wait3A_228 = arith.constant 0 : i32
      %dma_wait3A_229 = tpu.memref_slice %arg10[%dma_wait3A_227, %dma_wait3A_228] : memref<128x128xf32, #tpu.memory_space<vmem>> -> memref<128x128xf32, #tpu.memory_space<vmem>>
      %dma_wait3A_230 = arith.constant 0 : i32
      %dma_wait3A_231 = tpu.memref_slice %arg18[%add3A_30, %dma_wait3A_230] : memref<10112x128xf32, #tpu.memory_space<vmem_shared>> -> memref<128x128xf32, #tpu.memory_space<vmem_shared>>
      %dma_wait3A_232 = arith.constant 0 : i32
      %dma_wait3A_233 = tpu.memref_slice %arg18[%add3A_30, %dma_wait3A_232] : memref<10112x128xf32, #tpu.memory_space<vmem_shared>> -> memref<128x128xf32, #tpu.memory_space<vmem_shared>>
      %dma_wait3A_234 = arith.constant 0 : i32
      %dma_wait3A_235 = arith.constant 0 : i32
      %dma_wait3A_236 = tpu.memref_slice %arg10[%dma_wait3A_234, %dma_wait3A_235] : memref<128x128xf32, #tpu.memory_space<vmem>> -> memref<128x128xf32, #tpu.memory_space<vmem>>
      tpu.wait_dma2 semaphore(%run_scoped3A : memref<!tpu.dma_semaphore, #tpu.memory_space<semaphore_mem>>) src(%dma_wait3A_236 : memref<128x128xf32, #tpu.memory_space<vmem>>) dst(%dma_wait3A_233 : memref<128x128xf32, #tpu.memory_space<vmem_shared>>)
      tpu.yield
    }) : () -> ()
    %mul3A_31 = arith.constant 632 : i32
    %mul3A_32 = arith.muli %arg1, %mul3A_31 : i32
    %add3A_33 = arith.constant 384 : i32
    %add3A_34 = arith.addi %mul3A_32, %add3A_33 : i32
    "tpu.region"() ({
      %run_scoped3A = tpu.sem_alloc : memref<!tpu.dma_semaphore, #tpu.memory_space<semaphore_mem>>
      %dma_start3A_217 = arith.constant 0 : i32
      %dma_start3A_218 = arith.constant 0 : i32
      %dma_start3A_219 = tpu.memref_slice %arg10[%dma_start3A_217, %dma_start3A_218] : memref<128x128xf32, #tpu.memory_space<vmem>> -> memref<128x128xf32, #tpu.memory_space<vmem>>
      %dma_start3A_220 = arith.constant 0 : i32
      %dma_start3A_221 = tpu.memref_slice %arg18[%add3A_34, %dma_start3A_220] : memref<10112x128xf32, #tpu.memory_space<vmem_shared>> -> memref<128x128xf32, #tpu.memory_space<vmem_shared>>
      %dma_start3A_222 = arith.constant 0 : i32
      %dma_start3A_223 = tpu.memref_slice %arg18[%add3A_34, %dma_start3A_222] : memref<10112x128xf32, #tpu.memory_space<vmem_shared>> -> memref<128x128xf32, #tpu.memory_space<vmem_shared>>
      %dma_start3A_224 = arith.constant 0 : i32
      %dma_start3A_225 = arith.constant 0 : i32
      %dma_start3A_226 = tpu.memref_slice %arg10[%dma_start3A_224, %dma_start3A_225] : memref<128x128xf32, #tpu.memory_space<vmem>> -> memref<128x128xf32, #tpu.memory_space<vmem>>
      tpu.enqueue_dma source(%dma_start3A_226 : memref<128x128xf32, #tpu.memory_space<vmem>>) target(%dma_start3A_223 : memref<128x128xf32, #tpu.memory_space<vmem_shared>>) target_semaphore(%run_scoped3A : memref<!tpu.dma_semaphore, #tpu.memory_space<semaphore_mem>>)
      %dma_wait3A_227 = arith.constant 0 : i32
      %dma_wait3A_228 = arith.constant 0 : i32
      %dma_wait3A_229 = tpu.memref_slice %arg10[%dma_wait3A_227, %dma_wait3A_228] : memref<128x128xf32, #tpu.memory_space<vmem>> -> memref<128x128xf32, #tpu.memory_space<vmem>>
      %dma_wait3A_230 = arith.constant 0 : i32
      %dma_wait3A_231 = tpu.memref_slice %arg18[%add3A_34, %dma_wait3A_230] : memref<10112x128xf32, #tpu.memory_space<vmem_shared>> -> memref<128x128xf32, #tpu.memory_space<vmem_shared>>
      %dma_wait3A_232 = arith.constant 0 : i32
      %dma_wait3A_233 = tpu.memref_slice %arg18[%add3A_34, %dma_wait3A_232] : memref<10112x128xf32, #tpu.memory_space<vmem_shared>> -> memref<128x128xf32, #tpu.memory_space<vmem_shared>>
      %dma_wait3A_234 = arith.constant 0 : i32
      %dma_wait3A_235 = arith.constant 0 : i32
      %dma_wait3A_236 = tpu.memref_slice %arg10[%dma_wait3A_234, %dma_wait3A_235] : memref<128x128xf32, #tpu.memory_space<vmem>> -> memref<128x128xf32, #tpu.memory_space<vmem>>
      tpu.wait_dma2 semaphore(%run_scoped3A : memref<!tpu.dma_semaphore, #tpu.memory_space<semaphore_mem>>) src(%dma_wait3A_236 : memref<128x128xf32, #tpu.memory_space<vmem>>) dst(%dma_wait3A_233 : memref<128x128xf32, #tpu.memory_space<vmem_shared>>)
      tpu.yield
    }) : () -> ()
    %mul3A_35 = arith.constant 632 : i32
    %mul3A_36 = arith.muli %arg1, %mul3A_35 : i32
    %add3A_37 = arith.constant 512 : i32
    %add3A_38 = arith.addi %mul3A_36, %add3A_37 : i32
    "tpu.region"() ({
      %run_scoped3A = tpu.sem_alloc : memref<!tpu.dma_semaphore, #tpu.memory_space<semaphore_mem>>
      %dma_start3A_217 = arith.constant 0 : i32
      %dma_start3A_218 = arith.constant 0 : i32
      %dma_start3A_219 = tpu.memref_slice %arg10[%dma_start3A_217, %dma_start3A_218] : memref<128x128xf32, #tpu.memory_space<vmem>> -> memref<120x128xf32, #tpu.memory_space<vmem>>
      %dma_start3A_220 = arith.constant 0 : i32
      %dma_start3A_221 = tpu.memref_slice %arg18[%add3A_38, %dma_start3A_220] : memref<10112x128xf32, #tpu.memory_space<vmem_shared>> -> memref<120x128xf32, #tpu.memory_space<vmem_shared>>
      %dma_start3A_222 = arith.constant 0 : i32
      %dma_start3A_223 = tpu.memref_slice %arg18[%add3A_38, %dma_start3A_222] : memref<10112x128xf32, #tpu.memory_space<vmem_shared>> -> memref<120x128xf32, #tpu.memory_space<vmem_shared>>
      %dma_start3A_224 = arith.constant 0 : i32
      %dma_start3A_225 = arith.constant 0 : i32
      %dma_start3A_226 = tpu.memref_slice %arg10[%dma_start3A_224, %dma_start3A_225] : memref<128x128xf32, #tpu.memory_space<vmem>> -> memref<120x128xf32, #tpu.memory_space<vmem>>
      tpu.enqueue_dma source(%dma_start3A_226 : memref<120x128xf32, #tpu.memory_space<vmem>>) target(%dma_start3A_223 : memref<120x128xf32, #tpu.memory_space<vmem_shared>>) target_semaphore(%run_scoped3A : memref<!tpu.dma_semaphore, #tpu.memory_space<semaphore_mem>>)
      %dma_wait3A_227 = arith.constant 0 : i32
      %dma_wait3A_228 = arith.constant 0 : i32
      %dma_wait3A_229 = tpu.memref_slice %arg10[%dma_wait3A_227, %dma_wait3A_228] : memref<128x128xf32, #tpu.memory_space<vmem>> -> memref<120x128xf32, #tpu.memory_space<vmem>>
      %dma_wait3A_230 = arith.constant 0 : i32
      %dma_wait3A_231 = tpu.memref_slice %arg18[%add3A_38, %dma_wait3A_230] : memref<10112x128xf32, #tpu.memory_space<vmem_shared>> -> memref<120x128xf32, #tpu.memory_space<vmem_shared>>
      %dma_wait3A_232 = arith.constant 0 : i32
      %dma_wait3A_233 = tpu.memref_slice %arg18[%add3A_38, %dma_wait3A_232] : memref<10112x128xf32, #tpu.memory_space<vmem_shared>> -> memref<120x128xf32, #tpu.memory_space<vmem_shared>>
      %dma_wait3A_234 = arith.constant 0 : i32
      %dma_wait3A_235 = arith.constant 0 : i32
      %dma_wait3A_236 = tpu.memref_slice %arg10[%dma_wait3A_234, %dma_wait3A_235] : memref<128x128xf32, #tpu.memory_space<vmem>> -> memref<120x128xf32, #tpu.memory_space<vmem>>
      tpu.wait_dma2 semaphore(%run_scoped3A : memref<!tpu.dma_semaphore, #tpu.memory_space<semaphore_mem>>) src(%dma_wait3A_236 : memref<120x128xf32, #tpu.memory_space<vmem>>) dst(%dma_wait3A_233 : memref<120x128xf32, #tpu.memory_space<vmem_shared>>)
      tpu.yield
    }) : () -> ()
    %barrier3A = arith.constant 0 : index
    tpu.barrier barrier_id(%barrier3A)
    %add3A_39 = arith.constant 0 : i32
    %add3A_40 = arith.addi %add3A_39, %add3A : i32
    %lt3A_41 = arith.constant 2500 : i32
    %lt3A_42 = arith.cmpi slt, %add3A_40, %lt3A_41 : i32
    %convert_element_type3A_43 = arith.extui %lt3A_42 : i1 to i32
    %cond3A_44 = arith.constant 0 : i32
    %cond3A_45 = arith.cmpi ne, %convert_element_type3A_43, %cond3A_44 : i32
    scf.if %cond3A_45 {
      %mul3A_217 = arith.constant 128 : i32
      %mul3A_218 = arith.muli %add3A_40, %mul3A_217 : i32
      %dma_wait3A_219 = arith.constant 0 : i32
      %dma_wait3A_220 = tpu.memref_slice %arg3[%dma_wait3A_219, %mul3A_218] : memref<2x320000xi32, #tpu.memory_space<hbm>> -> memref<2x128xi32, #tpu.memory_space<hbm>>
      %dma_wait3A_221 = arith.constant 0 : i32
      %dma_wait3A_222 = tpu.memref_slice %arg3[%dma_wait3A_221, %mul3A_218] : memref<2x320000xi32, #tpu.memory_space<hbm>> -> memref<2x128xi32, #tpu.memory_space<hbm>>
      tpu.wait_dma2 semaphore(%arg13 : memref<!tpu.dma_semaphore, #tpu.memory_space<semaphore_mem>>) src(%dma_wait3A_222 : memref<2x128xi32, #tpu.memory_space<hbm>>) dst(%arg12 : memref<2x128xi32, #tpu.memory_space<vmem>>)
      %dma_start3A_223 = arith.constant 0 : i32
      %dma_start3A_224 = arith.constant 0 : i32
      %dma_start3A_225 = tpu.memref_slice %arg12[%dma_start3A_223, %dma_start3A_224] : memref<2x128xi32, #tpu.memory_space<vmem>> -> memref<1x128xi32, #tpu.memory_space<vmem>>
      %dma_start3A_226 = tpu.memref_squeeze %dma_start3A_225 : memref<1x128xi32, #tpu.memory_space<vmem>> -> memref<128xi32, #tpu.memory_space<vmem>>
      %dma_start3A_227 = arith.constant 0 : i32
      %dma_start3A_228 = arith.constant 0 : i32
      %dma_start3A_229 = tpu.memref_slice %arg2[%dma_start3A_227, %dma_start3A_228] : memref<10000x128xf32, #tpu.memory_space<hbm>> -> memref<10000x128xf32, #tpu.memory_space<hbm>>
      tpu.enqueue_indirect_dma source(%dma_start3A_229 : memref<10000x128xf32, #tpu.memory_space<hbm>>) target(%arg6 : memref<128x128xf32, #tpu.memory_space<vmem>>) offsets(%dma_start3A_226 : memref<128xi32, #tpu.memory_space<vmem>>) semaphore(%arg7 : memref<!tpu.dma_semaphore, #tpu.memory_space<semaphore_mem>>)
    } else {
    }
    %add3A_46 = arith.constant 32 : i32
    %add3A_47 = arith.addi %add3A_46, %add3A : i32
    %lt3A_48 = arith.constant 2500 : i32
    %lt3A_49 = arith.cmpi slt, %add3A_47, %lt3A_48 : i32
    %convert_element_type3A_50 = arith.extui %lt3A_49 : i1 to i32
    %cond3A_51 = arith.constant 0 : i32
    %cond3A_52 = arith.cmpi ne, %convert_element_type3A_50, %cond3A_51 : i32
    scf.if %cond3A_52 {
      %mul3A_217 = arith.constant 128 : i32
      %mul3A_218 = arith.muli %add3A_47, %mul3A_217 : i32
      %dma_wait3A_219 = arith.constant 0 : i32
      %dma_wait3A_220 = tpu.memref_slice %arg3[%dma_wait3A_219, %mul3A_218] : memref<2x320000xi32, #tpu.memory_space<hbm>> -> memref<2x128xi32, #tpu.memory_space<hbm>>
      %dma_wait3A_221 = arith.constant 0 : i32
      %dma_wait3A_222 = tpu.memref_slice %arg3[%dma_wait3A_221, %mul3A_218] : memref<2x320000xi32, #tpu.memory_space<hbm>> -> memref<2x128xi32, #tpu.memory_space<hbm>>
      tpu.wait_dma2 semaphore(%arg15 : memref<!tpu.dma_semaphore, #tpu.memory_space<semaphore_mem>>) src(%dma_wait3A_222 : memref<2x128xi32, #tpu.memory_space<hbm>>) dst(%arg14 : memref<2x128xi32, #tpu.memory_space<vmem>>)
      %dma_start3A_223 = arith.constant 0 : i32
      %dma_start3A_224 = arith.constant 0 : i32
      %dma_start3A_225 = tpu.memref_slice %arg14[%dma_start3A_223, %dma_start3A_224] : memref<2x128xi32, #tpu.memory_space<vmem>> -> memref<1x128xi32, #tpu.memory_space<vmem>>
      %dma_start3A_226 = tpu.memref_squeeze %dma_start3A_225 : memref<1x128xi32, #tpu.memory_space<vmem>> -> memref<128xi32, #tpu.memory_space<vmem>>
      %dma_start3A_227 = arith.constant 0 : i32
      %dma_start3A_228 = arith.constant 0 : i32
      %dma_start3A_229 = tpu.memref_slice %arg2[%dma_start3A_227, %dma_start3A_228] : memref<10000x128xf32, #tpu.memory_space<hbm>> -> memref<10000x128xf32, #tpu.memory_space<hbm>>
      tpu.enqueue_indirect_dma source(%dma_start3A_229 : memref<10000x128xf32, #tpu.memory_space<hbm>>) target(%arg8 : memref<128x128xf32, #tpu.memory_space<vmem>>) offsets(%dma_start3A_226 : memref<128xi32, #tpu.memory_space<vmem>>) semaphore(%arg9 : memref<!tpu.dma_semaphore, #tpu.memory_space<semaphore_mem>>)
    } else {
    }
    %scan3A = arith.constant 0 : i32
    %scan3A_53 = arith.constant 0 : i32
    %scan3A_54 = arith.constant 27 : i32
    %scan3A_55 = arith.addi %scan3A_53, %scan3A_54 : i32
    %scan3A_56 = arith.constant 1 : i32
    scf.for %scan3A_217 = %scan3A_53 to %scan3A_55 step %scan3A_56  : i32 {
      %mul3A_218 = arith.constant 3 : i32
      %mul3A_219 = arith.muli %scan3A_217, %mul3A_218 : i32
      %add3A_220 = arith.constant 0 : i32
      %add3A_221 = arith.addi %mul3A_219, %add3A_220 : i32
      %mul3A_222 = arith.constant 32 : i32
      %mul3A_223 = arith.muli %add3A_221, %mul3A_222 : i32
      %add3A_224 = arith.addi %mul3A_223, %add3A : i32
      %lt3A_225 = arith.constant 2500 : i32
      %lt3A_226 = arith.cmpi slt, %add3A_224, %lt3A_225 : i32
      %convert_element_type3A_227 = arith.extui %lt3A_226 : i1 to i32
      %cond3A_228 = arith.constant 0 : i32
      %cond3A_229 = arith.cmpi ne, %convert_element_type3A_227, %cond3A_228 : i32
      scf.if %cond3A_229 {
        %dma_wait3A_322 = arith.constant 0 : i32
        %dma_wait3A_323 = arith.constant 0 : i32
        %dma_wait3A_324 = tpu.memref_slice %arg12[%dma_wait3A_322, %dma_wait3A_323] : memref<2x128xi32, #tpu.memory_space<vmem>> -> memref<1x128xi32, #tpu.memory_space<vmem>>
        %dma_wait3A_325 = tpu.memref_squeeze %dma_wait3A_324 : memref<1x128xi32, #tpu.memory_space<vmem>> -> memref<128xi32, #tpu.memory_space<vmem>>
        %dma_wait3A_326 = arith.constant 0 : i32
        %dma_wait3A_327 = arith.constant 0 : i32
        %dma_wait3A_328 = tpu.memref_slice %arg2[%dma_wait3A_326, %dma_wait3A_327] : memref<10000x128xf32, #tpu.memory_space<hbm>> -> memref<10000x128xf32, #tpu.memory_space<hbm>>
        tpu.wait_indirect_dma semaphore(%arg7 : memref<!tpu.dma_semaphore, #tpu.memory_space<semaphore_mem>>) src(%dma_wait3A_328 : memref<10000x128xf32, #tpu.memory_space<hbm>>) dst(%arg6 : memref<128x128xf32, #tpu.memory_space<vmem>>)
        %run_scoped3A = arith.constant 1 : i32
        "tpu.region"() ({
          %run_scoped3A_329 = tpu.sem_alloc : memref<!tpu.dma_semaphore, #tpu.memory_space<semaphore_mem>>
          %dma_start3A_330 = arith.constant 0 : i32
          %dma_start3A_331 = tpu.memref_slice %arg12[%run_scoped3A, %dma_start3A_330] : memref<2x128xi32, #tpu.memory_space<vmem>> -> memref<1x128xi32, #tpu.memory_space<vmem>>
          %dma_start3A_332 = tpu.memref_squeeze %dma_start3A_331 : memref<1x128xi32, #tpu.memory_space<vmem>> -> memref<128xi32, #tpu.memory_space<vmem>>
          %dma_start3A_333 = arith.constant 0 : i32
          %dma_start3A_334 = arith.constant 0 : i32
          %dma_start3A_335 = tpu.memref_slice %arg18[%dma_start3A_333, %dma_start3A_334] : memref<10112x128xf32, #tpu.memory_space<vmem_shared>> -> memref<10112x128xf32, #tpu.memory_space<vmem_shared>>
          tpu.enqueue_indirect_dma source(%arg6 : memref<128x128xf32, #tpu.memory_space<vmem>>) target(%dma_start3A_335 : memref<10112x128xf32, #tpu.memory_space<vmem_shared>>) offsets(%dma_start3A_332 : memref<128xi32, #tpu.memory_space<vmem>>) semaphore(%run_scoped3A_329 : memref<!tpu.dma_semaphore, #tpu.memory_space<semaphore_mem>>) {add = true}
          %dma_wait3A_336 = arith.constant 0 : i32
          %dma_wait3A_337 = tpu.memref_slice %arg12[%run_scoped3A, %dma_wait3A_336] : memref<2x128xi32, #tpu.memory_space<vmem>> -> memref<1x128xi32, #tpu.memory_space<vmem>>
          %dma_wait3A_338 = tpu.memref_squeeze %dma_wait3A_337 : memref<1x128xi32, #tpu.memory_space<vmem>> -> memref<128xi32, #tpu.memory_space<vmem>>
          %dma_wait3A_339 = arith.constant 0 : i32
          %dma_wait3A_340 = arith.constant 0 : i32
          %dma_wait3A_341 = tpu.memref_slice %arg18[%dma_wait3A_339, %dma_wait3A_340] : memref<10112x128xf32, #tpu.memory_space<vmem_shared>> -> memref<10112x128xf32, #tpu.memory_space<vmem_shared>>
          tpu.wait_indirect_dma semaphore(%run_scoped3A_329 : memref<!tpu.dma_semaphore, #tpu.memory_space<semaphore_mem>>) src(%arg6 : memref<128x128xf32, #tpu.memory_space<vmem>>) dst(%dma_wait3A_341 : memref<10112x128xf32, #tpu.memory_space<vmem_shared>>)
          tpu.yield
        }) : () -> ()
      } else {
      }
      %add3A_230 = arith.constant 0 : i32
      %add3A_231 = arith.addi %mul3A_219, %add3A_230 : i32
      %add3A_232 = arith.constant 3 : i32
      %add3A_233 = arith.addi %add3A_231, %add3A_232 : i32
      %mul3A_234 = arith.constant 32 : i32
      %mul3A_235 = arith.muli %add3A_233, %mul3A_234 : i32
      %add3A_236 = arith.addi %mul3A_235, %add3A : i32
      %lt3A_237 = arith.constant 2500 : i32
      %lt3A_238 = arith.cmpi slt, %add3A_236, %lt3A_237 : i32
      %convert_element_type3A_239 = arith.extui %lt3A_238 : i1 to i32
      %cond3A_240 = arith.constant 0 : i32
      %cond3A_241 = arith.cmpi ne, %convert_element_type3A_239, %cond3A_240 : i32
      scf.if %cond3A_241 {
        %mul3A_322 = arith.constant 128 : i32
        %mul3A_323 = arith.muli %add3A_236, %mul3A_322 : i32
        %dma_start3A_324 = arith.constant 0 : i32
        %dma_start3A_325 = tpu.memref_slice %arg3[%dma_start3A_324, %mul3A_323] : memref<2x320000xi32, #tpu.memory_space<hbm>> -> memref<2x128xi32, #tpu.memory_space<hbm>>
        %dma_start3A_326 = arith.constant 0 : i32
        %dma_start3A_327 = tpu.memref_slice %arg3[%dma_start3A_326, %mul3A_323] : memref<2x320000xi32, #tpu.memory_space<hbm>> -> memref<2x128xi32, #tpu.memory_space<hbm>>
        tpu.enqueue_dma source(%dma_start3A_327 : memref<2x128xi32, #tpu.memory_space<hbm>>) target(%arg12 : memref<2x128xi32, #tpu.memory_space<vmem>>) target_semaphore(%arg13 : memref<!tpu.dma_semaphore, #tpu.memory_space<semaphore_mem>>)
      } else {
      }
      %add3A_242 = arith.constant 0 : i32
      %add3A_243 = arith.addi %mul3A_219, %add3A_242 : i32
      %add3A_244 = arith.constant 2 : i32
      %add3A_245 = arith.addi %add3A_243, %add3A_244 : i32
      %mul3A_246 = arith.constant 32 : i32
      %mul3A_247 = arith.muli %add3A_245, %mul3A_246 : i32
      %add3A_248 = arith.addi %mul3A_247, %add3A : i32
      %lt3A_249 = arith.constant 2500 : i32
      %lt3A_250 = arith.cmpi slt, %add3A_248, %lt3A_249 : i32
      %convert_element_type3A_251 = arith.extui %lt3A_250 : i1 to i32
      %cond3A_252 = arith.constant 0 : i32
      %cond3A_253 = arith.cmpi ne, %convert_element_type3A_251, %cond3A_252 : i32
      scf.if %cond3A_253 {
        %mul3A_322 = arith.constant 128 : i32
        %mul3A_323 = arith.muli %add3A_248, %mul3A_322 : i32
        %dma_wait3A_324 = arith.constant 0 : i32
        %dma_wait3A_325 = tpu.memref_slice %arg3[%dma_wait3A_324, %mul3A_323] : memref<2x320000xi32, #tpu.memory_space<hbm>> -> memref<2x128xi32, #tpu.memory_space<hbm>>
        %dma_wait3A_326 = arith.constant 0 : i32
        %dma_wait3A_327 = tpu.memref_slice %arg3[%dma_wait3A_326, %mul3A_323] : memref<2x320000xi32, #tpu.memory_space<hbm>> -> memref<2x128xi32, #tpu.memory_space<hbm>>
        tpu.wait_dma2 semaphore(%arg17 : memref<!tpu.dma_semaphore, #tpu.memory_space<semaphore_mem>>) src(%dma_wait3A_327 : memref<2x128xi32, #tpu.memory_space<hbm>>) dst(%arg16 : memref<2x128xi32, #tpu.memory_space<vmem>>)
        %dma_start3A_328 = arith.constant 0 : i32
        %dma_start3A_329 = arith.constant 0 : i32
        %dma_start3A_330 = tpu.memref_slice %arg16[%dma_start3A_328, %dma_start3A_329] : memref<2x128xi32, #tpu.memory_space<vmem>> -> memref<1x128xi32, #tpu.memory_space<vmem>>
        %dma_start3A_331 = tpu.memref_squeeze %dma_start3A_330 : memref<1x128xi32, #tpu.memory_space<vmem>> -> memref<128xi32, #tpu.memory_space<vmem>>
        %dma_start3A_332 = arith.constant 0 : i32
        %dma_start3A_333 = arith.constant 0 : i32
        %dma_start3A_334 = tpu.memref_slice %arg2[%dma_start3A_332, %dma_start3A_333] : memref<10000x128xf32, #tpu.memory_space<hbm>> -> memref<10000x128xf32, #tpu.memory_space<hbm>>
        tpu.enqueue_indirect_dma source(%dma_start3A_334 : memref<10000x128xf32, #tpu.memory_space<hbm>>) target(%arg10 : memref<128x128xf32, #tpu.memory_space<vmem>>) offsets(%dma_start3A_331 : memref<128xi32, #tpu.memory_space<vmem>>) semaphore(%arg11 : memref<!tpu.dma_semaphore, #tpu.memory_space<semaphore_mem>>)
      } else {
      }
      %add3A_254 = arith.constant 1 : i32
      %add3A_255 = arith.addi %mul3A_219, %add3A_254 : i32
      %mul3A_256 = arith.constant 32 : i32
      %mul3A_257 = arith.muli %add3A_255, %mul3A_256 : i32
      %add3A_258 = arith.addi %mul3A_257, %add3A : i32
      %lt3A_259 = arith.constant 2500 : i32
      %lt3A_260 = arith.cmpi slt, %add3A_258, %lt3A_259 : i32
      %convert_element_type3A_261 = arith.extui %lt3A_260 : i1 to i32
      %cond3A_262 = arith.constant 0 : i32
      %cond3A_263 = arith.cmpi ne, %convert_element_type3A_261, %cond3A_262 : i32
      scf.if %cond3A_263 {
        %dma_wait3A_322 = arith.constant 0 : i32
        %dma_wait3A_323 = arith.constant 0 : i32
        %dma_wait3A_324 = tpu.memref_slice %arg14[%dma_wait3A_322, %dma_wait3A_323] : memref<2x128xi32, #tpu.memory_space<vmem>> -> memref<1x128xi32, #tpu.memory_space<vmem>>
        %dma_wait3A_325 = tpu.memref_squeeze %dma_wait3A_324 : memref<1x128xi32, #tpu.memory_space<vmem>> -> memref<128xi32, #tpu.memory_space<vmem>>
        %dma_wait3A_326 = arith.constant 0 : i32
        %dma_wait3A_327 = arith.constant 0 : i32
        %dma_wait3A_328 = tpu.memref_slice %arg2[%dma_wait3A_326, %dma_wait3A_327] : memref<10000x128xf32, #tpu.memory_space<hbm>> -> memref<10000x128xf32, #tpu.memory_space<hbm>>
        tpu.wait_indirect_dma semaphore(%arg9 : memref<!tpu.dma_semaphore, #tpu.memory_space<semaphore_mem>>) src(%dma_wait3A_328 : memref<10000x128xf32, #tpu.memory_space<hbm>>) dst(%arg8 : memref<128x128xf32, #tpu.memory_space<vmem>>)
        %run_scoped3A = arith.constant 1 : i32
        "tpu.region"() ({
          %run_scoped3A_329 = tpu.sem_alloc : memref<!tpu.dma_semaphore, #tpu.memory_space<semaphore_mem>>
          %dma_start3A_330 = arith.constant 0 : i32
          %dma_start3A_331 = tpu.memref_slice %arg14[%run_scoped3A, %dma_start3A_330] : memref<2x128xi32, #tpu.memory_space<vmem>> -> memref<1x128xi32, #tpu.memory_space<vmem>>
          %dma_start3A_332 = tpu.memref_squeeze %dma_start3A_331 : memref<1x128xi32, #tpu.memory_space<vmem>> -> memref<128xi32, #tpu.memory_space<vmem>>
          %dma_start3A_333 = arith.constant 0 : i32
          %dma_start3A_334 = arith.constant 0 : i32
          %dma_start3A_335 = tpu.memref_slice %arg18[%dma_start3A_333, %dma_start3A_334] : memref<10112x128xf32, #tpu.memory_space<vmem_shared>> -> memref<10112x128xf32, #tpu.memory_space<vmem_shared>>
          tpu.enqueue_indirect_dma source(%arg8 : memref<128x128xf32, #tpu.memory_space<vmem>>) target(%dma_start3A_335 : memref<10112x128xf32, #tpu.memory_space<vmem_shared>>) offsets(%dma_start3A_332 : memref<128xi32, #tpu.memory_space<vmem>>) semaphore(%run_scoped3A_329 : memref<!tpu.dma_semaphore, #tpu.memory_space<semaphore_mem>>) {add = true}
          %dma_wait3A_336 = arith.constant 0 : i32
          %dma_wait3A_337 = tpu.memref_slice %arg14[%run_scoped3A, %dma_wait3A_336] : memref<2x128xi32, #tpu.memory_space<vmem>> -> memref<1x128xi32, #tpu.memory_space<vmem>>
          %dma_wait3A_338 = tpu.memref_squeeze %dma_wait3A_337 : memref<1x128xi32, #tpu.memory_space<vmem>> -> memref<128xi32, #tpu.memory_space<vmem>>
          %dma_wait3A_339 = arith.constant 0 : i32
          %dma_wait3A_340 = arith.constant 0 : i32
          %dma_wait3A_341 = tpu.memref_slice %arg18[%dma_wait3A_339, %dma_wait3A_340] : memref<10112x128xf32, #tpu.memory_space<vmem_shared>> -> memref<10112x128xf32, #tpu.memory_space<vmem_shared>>
          tpu.wait_indirect_dma semaphore(%run_scoped3A_329 : memref<!tpu.dma_semaphore, #tpu.memory_space<semaphore_mem>>) src(%arg8 : memref<128x128xf32, #tpu.memory_space<vmem>>) dst(%dma_wait3A_341 : memref<10112x128xf32, #tpu.memory_space<vmem_shared>>)
          tpu.yield
        }) : () -> ()
      } else {
      }
      %add3A_264 = arith.constant 1 : i32
      %add3A_265 = arith.addi %mul3A_219, %add3A_264 : i32
      %add3A_266 = arith.constant 3 : i32
      %add3A_267 = arith.addi %add3A_265, %add3A_266 : i32
      %mul3A_268 = arith.constant 32 : i32
      %mul3A_269 = arith.muli %add3A_267, %mul3A_268 : i32
      %add3A_270 = arith.addi %mul3A_269, %add3A : i32
      %lt3A_271 = arith.constant 2500 : i32
      %lt3A_272 = arith.cmpi slt, %add3A_270, %lt3A_271 : i32
      %convert_element_type3A_273 = arith.extui %lt3A_272 : i1 to i32
      %cond3A_274 = arith.constant 0 : i32
      %cond3A_275 = arith.cmpi ne, %convert_element_type3A_273, %cond3A_274 : i32
      scf.if %cond3A_275 {
        %mul3A_322 = arith.constant 128 : i32
        %mul3A_323 = arith.muli %add3A_270, %mul3A_322 : i32
        %dma_start3A_324 = arith.constant 0 : i32
        %dma_start3A_325 = tpu.memref_slice %arg3[%dma_start3A_324, %mul3A_323] : memref<2x320000xi32, #tpu.memory_space<hbm>> -> memref<2x128xi32, #tpu.memory_space<hbm>>
        %dma_start3A_326 = arith.constant 0 : i32
        %dma_start3A_327 = tpu.memref_slice %arg3[%dma_start3A_326, %mul3A_323] : memref<2x320000xi32, #tpu.memory_space<hbm>> -> memref<2x128xi32, #tpu.memory_space<hbm>>
        tpu.enqueue_dma source(%dma_start3A_327 : memref<2x128xi32, #tpu.memory_space<hbm>>) target(%arg14 : memref<2x128xi32, #tpu.memory_space<vmem>>) target_semaphore(%arg15 : memref<!tpu.dma_semaphore, #tpu.memory_space<semaphore_mem>>)
      } else {
      }
      %add3A_276 = arith.constant 1 : i32
      %add3A_277 = arith.addi %mul3A_219, %add3A_276 : i32
      %add3A_278 = arith.constant 2 : i32
      %add3A_279 = arith.addi %add3A_277, %add3A_278 : i32
      %mul3A_280 = arith.constant 32 : i32
      %mul3A_281 = arith.muli %add3A_279, %mul3A_280 : i32
      %add3A_282 = arith.addi %mul3A_281, %add3A : i32
      %lt3A_283 = arith.constant 2500 : i32
      %lt3A_284 = arith.cmpi slt, %add3A_282, %lt3A_283 : i32
      %convert_element_type3A_285 = arith.extui %lt3A_284 : i1 to i32
      %cond3A_286 = arith.constant 0 : i32
      %cond3A_287 = arith.cmpi ne, %convert_element_type3A_285, %cond3A_286 : i32
      scf.if %cond3A_287 {
        %mul3A_322 = arith.constant 128 : i32
        %mul3A_323 = arith.muli %add3A_282, %mul3A_322 : i32
        %dma_wait3A_324 = arith.constant 0 : i32
        %dma_wait3A_325 = tpu.memref_slice %arg3[%dma_wait3A_324, %mul3A_323] : memref<2x320000xi32, #tpu.memory_space<hbm>> -> memref<2x128xi32, #tpu.memory_space<hbm>>
        %dma_wait3A_326 = arith.constant 0 : i32
        %dma_wait3A_327 = tpu.memref_slice %arg3[%dma_wait3A_326, %mul3A_323] : memref<2x320000xi32, #tpu.memory_space<hbm>> -> memref<2x128xi32, #tpu.memory_space<hbm>>
        tpu.wait_dma2 semaphore(%arg13 : memref<!tpu.dma_semaphore, #tpu.memory_space<semaphore_mem>>) src(%dma_wait3A_327 : memref<2x128xi32, #tpu.memory_space<hbm>>) dst(%arg12 : memref<2x128xi32, #tpu.memory_space<vmem>>)
        %dma_start3A_328 = arith.constant 0 : i32
        %dma_start3A_329 = arith.constant 0 : i32
        %dma_start3A_330 = tpu.memref_slice %arg12[%dma_start3A_328, %dma_start3A_329] : memref<2x128xi32, #tpu.memory_space<vmem>> -> memref<1x128xi32, #tpu.memory_space<vmem>>
        %dma_start3A_331 = tpu.memref_squeeze %dma_start3A_330 : memref<1x128xi32, #tpu.memory_space<vmem>> -> memref<128xi32, #tpu.memory_space<vmem>>
        %dma_start3A_332 = arith.constant 0 : i32
        %dma_start3A_333 = arith.constant 0 : i32
        %dma_start3A_334 = tpu.memref_slice %arg2[%dma_start3A_332, %dma_start3A_333] : memref<10000x128xf32, #tpu.memory_space<hbm>> -> memref<10000x128xf32, #tpu.memory_space<hbm>>
        tpu.enqueue_indirect_dma source(%dma_start3A_334 : memref<10000x128xf32, #tpu.memory_space<hbm>>) target(%arg6 : memref<128x128xf32, #tpu.memory_space<vmem>>) offsets(%dma_start3A_331 : memref<128xi32, #tpu.memory_space<vmem>>) semaphore(%arg7 : memref<!tpu.dma_semaphore, #tpu.memory_space<semaphore_mem>>)
      } else {
      }
      %add3A_288 = arith.constant 2 : i32
      %add3A_289 = arith.addi %mul3A_219, %add3A_288 : i32
      %mul3A_290 = arith.constant 32 : i32
      %mul3A_291 = arith.muli %add3A_289, %mul3A_290 : i32
      %add3A_292 = arith.addi %mul3A_291, %add3A : i32
      %lt3A_293 = arith.constant 2500 : i32
      %lt3A_294 = arith.cmpi slt, %add3A_292, %lt3A_293 : i32
      %convert_element_type3A_295 = arith.extui %lt3A_294 : i1 to i32
      %cond3A_296 = arith.constant 0 : i32
      %cond3A_297 = arith.cmpi ne, %convert_element_type3A_295, %cond3A_296 : i32
      scf.if %cond3A_297 {
        %dma_wait3A_322 = arith.constant 0 : i32
        %dma_wait3A_323 = arith.constant 0 : i32
        %dma_wait3A_324 = tpu.memref_slice %arg16[%dma_wait3A_322, %dma_wait3A_323] : memref<2x128xi32, #tpu.memory_space<vmem>> -> memref<1x128xi32, #tpu.memory_space<vmem>>
        %dma_wait3A_325 = tpu.memref_squeeze %dma_wait3A_324 : memref<1x128xi32, #tpu.memory_space<vmem>> -> memref<128xi32, #tpu.memory_space<vmem>>
        %dma_wait3A_326 = arith.constant 0 : i32
        %dma_wait3A_327 = arith.constant 0 : i32
        %dma_wait3A_328 = tpu.memref_slice %arg2[%dma_wait3A_326, %dma_wait3A_327] : memref<10000x128xf32, #tpu.memory_space<hbm>> -> memref<10000x128xf32, #tpu.memory_space<hbm>>
        tpu.wait_indirect_dma semaphore(%arg11 : memref<!tpu.dma_semaphore, #tpu.memory_space<semaphore_mem>>) src(%dma_wait3A_328 : memref<10000x128xf32, #tpu.memory_space<hbm>>) dst(%arg10 : memref<128x128xf32, #tpu.memory_space<vmem>>)
        %run_scoped3A = arith.constant 1 : i32
        "tpu.region"() ({
          %run_scoped3A_329 = tpu.sem_alloc : memref<!tpu.dma_semaphore, #tpu.memory_space<semaphore_mem>>
          %dma_start3A_330 = arith.constant 0 : i32
          %dma_start3A_331 = tpu.memref_slice %arg16[%run_scoped3A, %dma_start3A_330] : memref<2x128xi32, #tpu.memory_space<vmem>> -> memref<1x128xi32, #tpu.memory_space<vmem>>
          %dma_start3A_332 = tpu.memref_squeeze %dma_start3A_331 : memref<1x128xi32, #tpu.memory_space<vmem>> -> memref<128xi32, #tpu.memory_space<vmem>>
          %dma_start3A_333 = arith.constant 0 : i32
          %dma_start3A_334 = arith.constant 0 : i32
          %dma_start3A_335 = tpu.memref_slice %arg18[%dma_start3A_333, %dma_start3A_334] : memref<10112x128xf32, #tpu.memory_space<vmem_shared>> -> memref<10112x128xf32, #tpu.memory_space<vmem_shared>>
          tpu.enqueue_indirect_dma source(%arg10 : memref<128x128xf32, #tpu.memory_space<vmem>>) target(%dma_start3A_335 : memref<10112x128xf32, #tpu.memory_space<vmem_shared>>) offsets(%dma_start3A_332 : memref<128xi32, #tpu.memory_space<vmem>>) semaphore(%run_scoped3A_329 : memref<!tpu.dma_semaphore, #tpu.memory_space<semaphore_mem>>) {add = true}
          %dma_wait3A_336 = arith.constant 0 : i32
          %dma_wait3A_337 = tpu.memref_slice %arg16[%run_scoped3A, %dma_wait3A_336] : memref<2x128xi32, #tpu.memory_space<vmem>> -> memref<1x128xi32, #tpu.memory_space<vmem>>
          %dma_wait3A_338 = tpu.memref_squeeze %dma_wait3A_337 : memref<1x128xi32, #tpu.memory_space<vmem>> -> memref<128xi32, #tpu.memory_space<vmem>>
          %dma_wait3A_339 = arith.constant 0 : i32
          %dma_wait3A_340 = arith.constant 0 : i32
          %dma_wait3A_341 = tpu.memref_slice %arg18[%dma_wait3A_339, %dma_wait3A_340] : memref<10112x128xf32, #tpu.memory_space<vmem_shared>> -> memref<10112x128xf32, #tpu.memory_space<vmem_shared>>
          tpu.wait_indirect_dma semaphore(%run_scoped3A_329 : memref<!tpu.dma_semaphore, #tpu.memory_space<semaphore_mem>>) src(%arg10 : memref<128x128xf32, #tpu.memory_space<vmem>>) dst(%dma_wait3A_341 : memref<10112x128xf32, #tpu.memory_space<vmem_shared>>)
          tpu.yield
        }) : () -> ()
      } else {
      }
      %add3A_298 = arith.constant 2 : i32
      %add3A_299 = arith.addi %mul3A_219, %add3A_298 : i32
      %add3A_300 = arith.constant 3 : i32
      %add3A_301 = arith.addi %add3A_299, %add3A_300 : i32
      %mul3A_302 = arith.constant 32 : i32
      %mul3A_303 = arith.muli %add3A_301, %mul3A_302 : i32
      %add3A_304 = arith.addi %mul3A_303, %add3A : i32
      %lt3A_305 = arith.constant 2500 : i32
      %lt3A_306 = arith.cmpi slt, %add3A_304, %lt3A_305 : i32
      %convert_element_type3A_307 = arith.extui %lt3A_306 : i1 to i32
      %cond3A_308 = arith.constant 0 : i32
      %cond3A_309 = arith.cmpi ne, %convert_element_type3A_307, %cond3A_308 : i32
      scf.if %cond3A_309 {
        %mul3A_322 = arith.constant 128 : i32
        %mul3A_323 = arith.muli %add3A_304, %mul3A_322 : i32
        %dma_start3A_324 = arith.constant 0 : i32
        %dma_start3A_325 = tpu.memref_slice %arg3[%dma_start3A_324, %mul3A_323] : memref<2x320000xi32, #tpu.memory_space<hbm>> -> memref<2x128xi32, #tpu.memory_space<hbm>>
        %dma_start3A_326 = arith.constant 0 : i32
        %dma_start3A_327 = tpu.memref_slice %arg3[%dma_start3A_326, %mul3A_323] : memref<2x320000xi32, #tpu.memory_space<hbm>> -> memref<2x128xi32, #tpu.memory_space<hbm>>
        tpu.enqueue_dma source(%dma_start3A_327 : memref<2x128xi32, #tpu.memory_space<hbm>>) target(%arg16 : memref<2x128xi32, #tpu.memory_space<vmem>>) target_semaphore(%arg17 : memref<!tpu.dma_semaphore, #tpu.memory_space<semaphore_mem>>)
      } else {
      }
      %add3A_310 = arith.constant 2 : i32
      %add3A_311 = arith.addi %mul3A_219, %add3A_310 : i32
      %add3A_312 = arith.constant 2 : i32
      %add3A_313 = arith.addi %add3A_311, %add3A_312 : i32
      %mul3A_314 = arith.constant 32 : i32
      %mul3A_315 = arith.muli %add3A_313, %mul3A_314 : i32
      %add3A_316 = arith.addi %mul3A_315, %add3A : i32
      %lt3A_317 = arith.constant 2500 : i32
      %lt3A_318 = arith.cmpi slt, %add3A_316, %lt3A_317 : i32
      %convert_element_type3A_319 = arith.extui %lt3A_318 : i1 to i32
      %cond3A_320 = arith.constant 0 : i32
      %cond3A_321 = arith.cmpi ne, %convert_element_type3A_319, %cond3A_320 : i32
      scf.if %cond3A_321 {
        %mul3A_322 = arith.constant 128 : i32
        %mul3A_323 = arith.muli %add3A_316, %mul3A_322 : i32
        %dma_wait3A_324 = arith.constant 0 : i32
        %dma_wait3A_325 = tpu.memref_slice %arg3[%dma_wait3A_324, %mul3A_323] : memref<2x320000xi32, #tpu.memory_space<hbm>> -> memref<2x128xi32, #tpu.memory_space<hbm>>
        %dma_wait3A_326 = arith.constant 0 : i32
        %dma_wait3A_327 = tpu.memref_slice %arg3[%dma_wait3A_326, %mul3A_323] : memref<2x320000xi32, #tpu.memory_space<hbm>> -> memref<2x128xi32, #tpu.memory_space<hbm>>
        tpu.wait_dma2 semaphore(%arg15 : memref<!tpu.dma_semaphore, #tpu.memory_space<semaphore_mem>>) src(%dma_wait3A_327 : memref<2x128xi32, #tpu.memory_space<hbm>>) dst(%arg14 : memref<2x128xi32, #tpu.memory_space<vmem>>)
        %dma_start3A_328 = arith.constant 0 : i32
        %dma_start3A_329 = arith.constant 0 : i32
        %dma_start3A_330 = tpu.memref_slice %arg14[%dma_start3A_328, %dma_start3A_329] : memref<2x128xi32, #tpu.memory_space<vmem>> -> memref<1x128xi32, #tpu.memory_space<vmem>>
        %dma_start3A_331 = tpu.memref_squeeze %dma_start3A_330 : memref<1x128xi32, #tpu.memory_space<vmem>> -> memref<128xi32, #tpu.memory_space<vmem>>
        %dma_start3A_332 = arith.constant 0 : i32
        %dma_start3A_333 = arith.constant 0 : i32
        %dma_start3A_334 = tpu.memref_slice %arg2[%dma_start3A_332, %dma_start3A_333] : memref<10000x128xf32, #tpu.memory_space<hbm>> -> memref<10000x128xf32, #tpu.memory_space<hbm>>
        tpu.enqueue_indirect_dma source(%dma_start3A_334 : memref<10000x128xf32, #tpu.memory_space<hbm>>) target(%arg8 : memref<128x128xf32, #tpu.memory_space<vmem>>) offsets(%dma_start3A_331 : memref<128xi32, #tpu.memory_space<vmem>>) semaphore(%arg9 : memref<!tpu.dma_semaphore, #tpu.memory_space<semaphore_mem>>)
      } else {
      }
    }
    %scan3A_57 = arith.constant 27 : i32
    %barrier3A_58 = arith.constant 0 : index
    tpu.barrier barrier_id(%barrier3A_58)
    %mul3A_59 = arith.constant 632 : i32
    %mul3A_60 = arith.muli %arg1, %mul3A_59 : i32
    %add3A_61 = arith.constant 0 : i32
    %add3A_62 = arith.addi %mul3A_60, %add3A_61 : i32
    %dma_start3A = arith.constant 0 : i32
    %dma_start3A_63 = arith.constant 0 : i32
    %dma_start3A_64 = tpu.memref_slice %arg6[%dma_start3A, %dma_start3A_63] : memref<128x128xf32, #tpu.memory_space<vmem>> -> memref<128x128xf32, #tpu.memory_space<vmem>>
    %dma_start3A_65 = arith.constant 0 : i32
    %dma_start3A_66 = tpu.memref_slice %arg18[%add3A_62, %dma_start3A_65] : memref<10112x128xf32, #tpu.memory_space<vmem_shared>> -> memref<128x128xf32, #tpu.memory_space<vmem_shared>>
    %dma_start3A_67 = arith.constant 0 : i32
    %dma_start3A_68 = arith.constant 0 : i32
    %dma_start3A_69 = tpu.memref_slice %arg6[%dma_start3A_67, %dma_start3A_68] : memref<128x128xf32, #tpu.memory_space<vmem>> -> memref<128x128xf32, #tpu.memory_space<vmem>>
    %dma_start3A_70 = arith.constant 0 : i32
    %dma_start3A_71 = tpu.memref_slice %arg18[%add3A_62, %dma_start3A_70] : memref<10112x128xf32, #tpu.memory_space<vmem_shared>> -> memref<128x128xf32, #tpu.memory_space<vmem_shared>>
    tpu.enqueue_dma source(%dma_start3A_71 : memref<128x128xf32, #tpu.memory_space<vmem_shared>>) target(%dma_start3A_69 : memref<128x128xf32, #tpu.memory_space<vmem>>) target_semaphore(%arg7 : memref<!tpu.dma_semaphore, #tpu.memory_space<semaphore_mem>>)
    %mul3A_72 = arith.constant 632 : i32
    %mul3A_73 = arith.muli %arg1, %mul3A_72 : i32
    %add3A_74 = arith.constant 128 : i32
    %add3A_75 = arith.addi %mul3A_73, %add3A_74 : i32
    %dma_start3A_76 = arith.constant 0 : i32
    %dma_start3A_77 = arith.constant 0 : i32
    %dma_start3A_78 = tpu.memref_slice %arg8[%dma_start3A_76, %dma_start3A_77] : memref<128x128xf32, #tpu.memory_space<vmem>> -> memref<128x128xf32, #tpu.memory_space<vmem>>
    %dma_start3A_79 = arith.constant 0 : i32
    %dma_start3A_80 = tpu.memref_slice %arg18[%add3A_75, %dma_start3A_79] : memref<10112x128xf32, #tpu.memory_space<vmem_shared>> -> memref<128x128xf32, #tpu.memory_space<vmem_shared>>
    %dma_start3A_81 = arith.constant 0 : i32
    %dma_start3A_82 = arith.constant 0 : i32
    %dma_start3A_83 = tpu.memref_slice %arg8[%dma_start3A_81, %dma_start3A_82] : memref<128x128xf32, #tpu.memory_space<vmem>> -> memref<128x128xf32, #tpu.memory_space<vmem>>
    %dma_start3A_84 = arith.constant 0 : i32
    %dma_start3A_85 = tpu.memref_slice %arg18[%add3A_75, %dma_start3A_84] : memref<10112x128xf32, #tpu.memory_space<vmem_shared>> -> memref<128x128xf32, #tpu.memory_space<vmem_shared>>
    tpu.enqueue_dma source(%dma_start3A_85 : memref<128x128xf32, #tpu.memory_space<vmem_shared>>) target(%dma_start3A_83 : memref<128x128xf32, #tpu.memory_space<vmem>>) target_semaphore(%arg9 : memref<!tpu.dma_semaphore, #tpu.memory_space<semaphore_mem>>)
    %mul3A_86 = arith.constant 632 : i32
    %mul3A_87 = arith.muli %arg1, %mul3A_86 : i32
    %add3A_88 = arith.constant 0 : i32
    %add3A_89 = arith.addi %mul3A_87, %add3A_88 : i32
    %dma_wait3A = arith.constant 0 : i32
    %dma_wait3A_90 = arith.constant 0 : i32
    %dma_wait3A_91 = tpu.memref_slice %arg6[%dma_wait3A, %dma_wait3A_90] : memref<128x128xf32, #tpu.memory_space<vmem>> -> memref<128x128xf32, #tpu.memory_space<vmem>>
    %dma_wait3A_92 = arith.constant 0 : i32
    %dma_wait3A_93 = tpu.memref_slice %arg18[%add3A_89, %dma_wait3A_92] : memref<10112x128xf32, #tpu.memory_space<vmem_shared>> -> memref<128x128xf32, #tpu.memory_space<vmem_shared>>
    %dma_wait3A_94 = arith.constant 0 : i32
    %dma_wait3A_95 = arith.constant 0 : i32
    %dma_wait3A_96 = tpu.memref_slice %arg6[%dma_wait3A_94, %dma_wait3A_95] : memref<128x128xf32, #tpu.memory_space<vmem>> -> memref<128x128xf32, #tpu.memory_space<vmem>>
    %dma_wait3A_97 = arith.constant 0 : i32
    %dma_wait3A_98 = tpu.memref_slice %arg18[%add3A_89, %dma_wait3A_97] : memref<10112x128xf32, #tpu.memory_space<vmem_shared>> -> memref<128x128xf32, #tpu.memory_space<vmem_shared>>
    tpu.wait_dma2 semaphore(%arg7 : memref<!tpu.dma_semaphore, #tpu.memory_space<semaphore_mem>>) src(%dma_wait3A_98 : memref<128x128xf32, #tpu.memory_space<vmem_shared>>) dst(%dma_wait3A_96 : memref<128x128xf32, #tpu.memory_space<vmem>>)
    %mul3A_99 = arith.constant 632 : i32
    %mul3A_100 = arith.muli %arg1, %mul3A_99 : i32
    %add3A_101 = arith.constant 0 : i32
    %add3A_102 = arith.addi %mul3A_100, %add3A_101 : i32
    "tpu.region"() ({
      %run_scoped3A = tpu.sem_alloc : memref<!tpu.dma_semaphore, #tpu.memory_space<semaphore_mem>>
      %dma_start3A_217 = arith.constant 0 : i32
      %dma_start3A_218 = arith.constant 0 : i32
      %dma_start3A_219 = tpu.memref_slice %arg6[%dma_start3A_217, %dma_start3A_218] : memref<128x128xf32, #tpu.memory_space<vmem>> -> memref<128x128xf32, #tpu.memory_space<vmem>>
      %dma_start3A_220 = arith.constant 0 : i32
      %dma_start3A_221 = tpu.memref_slice %arg5[%arg0, %add3A_102, %dma_start3A_220] : memref<2x10112x128xf32, #tpu.memory_space<hbm>> -> memref<1x128x128xf32, #tpu.memory_space<hbm>>
      %dma_start3A_222 = tpu.memref_squeeze %dma_start3A_221 : memref<1x128x128xf32, #tpu.memory_space<hbm>> -> memref<128x128xf32, #tpu.memory_space<hbm>>
      %dma_start3A_223 = arith.constant 0 : i32
      %dma_start3A_224 = tpu.memref_slice %arg5[%arg0, %add3A_102, %dma_start3A_223] : memref<2x10112x128xf32, #tpu.memory_space<hbm>> -> memref<1x128x128xf32, #tpu.memory_space<hbm>>
      %dma_start3A_225 = tpu.memref_squeeze %dma_start3A_224 : memref<1x128x128xf32, #tpu.memory_space<hbm>> -> memref<128x128xf32, #tpu.memory_space<hbm>>
      %dma_start3A_226 = arith.constant 0 : i32
      %dma_start3A_227 = arith.constant 0 : i32
      %dma_start3A_228 = tpu.memref_slice %arg6[%dma_start3A_226, %dma_start3A_227] : memref<128x128xf32, #tpu.memory_space<vmem>> -> memref<128x128xf32, #tpu.memory_space<vmem>>
      tpu.enqueue_dma source(%dma_start3A_228 : memref<128x128xf32, #tpu.memory_space<vmem>>) target(%dma_start3A_225 : memref<128x128xf32, #tpu.memory_space<hbm>>) target_semaphore(%run_scoped3A : memref<!tpu.dma_semaphore, #tpu.memory_space<semaphore_mem>>)
      %dma_wait3A_229 = arith.constant 0 : i32
      %dma_wait3A_230 = arith.constant 0 : i32
      %dma_wait3A_231 = tpu.memref_slice %arg6[%dma_wait3A_229, %dma_wait3A_230] : memref<128x128xf32, #tpu.memory_space<vmem>> -> memref<128x128xf32, #tpu.memory_space<vmem>>
      %dma_wait3A_232 = arith.constant 0 : i32
      %dma_wait3A_233 = tpu.memref_slice %arg5[%arg0, %add3A_102, %dma_wait3A_232] : memref<2x10112x128xf32, #tpu.memory_space<hbm>> -> memref<1x128x128xf32, #tpu.memory_space<hbm>>
      %dma_wait3A_234 = tpu.memref_squeeze %dma_wait3A_233 : memref<1x128x128xf32, #tpu.memory_space<hbm>> -> memref<128x128xf32, #tpu.memory_space<hbm>>
      %dma_wait3A_235 = arith.constant 0 : i32
      %dma_wait3A_236 = tpu.memref_slice %arg5[%arg0, %add3A_102, %dma_wait3A_235] : memref<2x10112x128xf32, #tpu.memory_space<hbm>> -> memref<1x128x128xf32, #tpu.memory_space<hbm>>
      %dma_wait3A_237 = tpu.memref_squeeze %dma_wait3A_236 : memref<1x128x128xf32, #tpu.memory_space<hbm>> -> memref<128x128xf32, #tpu.memory_space<hbm>>
      %dma_wait3A_238 = arith.constant 0 : i32
      %dma_wait3A_239 = arith.constant 0 : i32
      %dma_wait3A_240 = tpu.memref_slice %arg6[%dma_wait3A_238, %dma_wait3A_239] : memref<128x128xf32, #tpu.memory_space<vmem>> -> memref<128x128xf32, #tpu.memory_space<vmem>>
      tpu.wait_dma2 semaphore(%run_scoped3A : memref<!tpu.dma_semaphore, #tpu.memory_space<semaphore_mem>>) src(%dma_wait3A_240 : memref<128x128xf32, #tpu.memory_space<vmem>>) dst(%dma_wait3A_237 : memref<128x128xf32, #tpu.memory_space<hbm>>)
      tpu.yield
    }) : () -> ()
    %mul3A_103 = arith.constant 632 : i32
    %mul3A_104 = arith.muli %arg1, %mul3A_103 : i32
    %add3A_105 = arith.constant 256 : i32
    %add3A_106 = arith.addi %mul3A_104, %add3A_105 : i32
    %dma_start3A_107 = arith.constant 0 : i32
    %dma_start3A_108 = arith.constant 0 : i32
    %dma_start3A_109 = tpu.memref_slice %arg6[%dma_start3A_107, %dma_start3A_108] : memref<128x128xf32, #tpu.memory_space<vmem>> -> memref<128x128xf32, #tpu.memory_space<vmem>>
    %dma_start3A_110 = arith.constant 0 : i32
    %dma_start3A_111 = tpu.memref_slice %arg18[%add3A_106, %dma_start3A_110] : memref<10112x128xf32, #tpu.memory_space<vmem_shared>> -> memref<128x128xf32, #tpu.memory_space<vmem_shared>>
    %dma_start3A_112 = arith.constant 0 : i32
    %dma_start3A_113 = arith.constant 0 : i32
    %dma_start3A_114 = tpu.memref_slice %arg6[%dma_start3A_112, %dma_start3A_113] : memref<128x128xf32, #tpu.memory_space<vmem>> -> memref<128x128xf32, #tpu.memory_space<vmem>>
    %dma_start3A_115 = arith.constant 0 : i32
    %dma_start3A_116 = tpu.memref_slice %arg18[%add3A_106, %dma_start3A_115] : memref<10112x128xf32, #tpu.memory_space<vmem_shared>> -> memref<128x128xf32, #tpu.memory_space<vmem_shared>>
    tpu.enqueue_dma source(%dma_start3A_116 : memref<128x128xf32, #tpu.memory_space<vmem_shared>>) target(%dma_start3A_114 : memref<128x128xf32, #tpu.memory_space<vmem>>) target_semaphore(%arg7 : memref<!tpu.dma_semaphore, #tpu.memory_space<semaphore_mem>>)
    %mul3A_117 = arith.constant 632 : i32
    %mul3A_118 = arith.muli %arg1, %mul3A_117 : i32
    %add3A_119 = arith.constant 128 : i32
    %add3A_120 = arith.addi %mul3A_118, %add3A_119 : i32
    %dma_wait3A_121 = arith.constant 0 : i32
    %dma_wait3A_122 = arith.constant 0 : i32
    %dma_wait3A_123 = tpu.memref_slice %arg8[%dma_wait3A_121, %dma_wait3A_122] : memref<128x128xf32, #tpu.memory_space<vmem>> -> memref<128x128xf32, #tpu.memory_space<vmem>>
    %dma_wait3A_124 = arith.constant 0 : i32
    %dma_wait3A_125 = tpu.memref_slice %arg18[%add3A_120, %dma_wait3A_124] : memref<10112x128xf32, #tpu.memory_space<vmem_shared>> -> memref<128x128xf32, #tpu.memory_space<vmem_shared>>
    %dma_wait3A_126 = arith.constant 0 : i32
    %dma_wait3A_127 = arith.constant 0 : i32
    %dma_wait3A_128 = tpu.memref_slice %arg8[%dma_wait3A_126, %dma_wait3A_127] : memref<128x128xf32, #tpu.memory_space<vmem>> -> memref<128x128xf32, #tpu.memory_space<vmem>>
    %dma_wait3A_129 = arith.constant 0 : i32
    %dma_wait3A_130 = tpu.memref_slice %arg18[%add3A_120, %dma_wait3A_129] : memref<10112x128xf32, #tpu.memory_space<vmem_shared>> -> memref<128x128xf32, #tpu.memory_space<vmem_shared>>
    tpu.wait_dma2 semaphore(%arg9 : memref<!tpu.dma_semaphore, #tpu.memory_space<semaphore_mem>>) src(%dma_wait3A_130 : memref<128x128xf32, #tpu.memory_space<vmem_shared>>) dst(%dma_wait3A_128 : memref<128x128xf32, #tpu.memory_space<vmem>>)
    %mul3A_131 = arith.constant 632 : i32
    %mul3A_132 = arith.muli %arg1, %mul3A_131 : i32
    %add3A_133 = arith.constant 128 : i32
    %add3A_134 = arith.addi %mul3A_132, %add3A_133 : i32
    "tpu.region"() ({
      %run_scoped3A = tpu.sem_alloc : memref<!tpu.dma_semaphore, #tpu.memory_space<semaphore_mem>>
      %dma_start3A_217 = arith.constant 0 : i32
      %dma_start3A_218 = arith.constant 0 : i32
      %dma_start3A_219 = tpu.memref_slice %arg8[%dma_start3A_217, %dma_start3A_218] : memref<128x128xf32, #tpu.memory_space<vmem>> -> memref<128x128xf32, #tpu.memory_space<vmem>>
      %dma_start3A_220 = arith.constant 0 : i32
      %dma_start3A_221 = tpu.memref_slice %arg5[%arg0, %add3A_134, %dma_start3A_220] : memref<2x10112x128xf32, #tpu.memory_space<hbm>> -> memref<1x128x128xf32, #tpu.memory_space<hbm>>
      %dma_start3A_222 = tpu.memref_squeeze %dma_start3A_221 : memref<1x128x128xf32, #tpu.memory_space<hbm>> -> memref<128x128xf32, #tpu.memory_space<hbm>>
      %dma_start3A_223 = arith.constant 0 : i32
      %dma_start3A_224 = tpu.memref_slice %arg5[%arg0, %add3A_134, %dma_start3A_223] : memref<2x10112x128xf32, #tpu.memory_space<hbm>> -> memref<1x128x128xf32, #tpu.memory_space<hbm>>
      %dma_start3A_225 = tpu.memref_squeeze %dma_start3A_224 : memref<1x128x128xf32, #tpu.memory_space<hbm>> -> memref<128x128xf32, #tpu.memory_space<hbm>>
      %dma_start3A_226 = arith.constant 0 : i32
      %dma_start3A_227 = arith.constant 0 : i32
      %dma_start3A_228 = tpu.memref_slice %arg8[%dma_start3A_226, %dma_start3A_227] : memref<128x128xf32, #tpu.memory_space<vmem>> -> memref<128x128xf32, #tpu.memory_space<vmem>>
      tpu.enqueue_dma source(%dma_start3A_228 : memref<128x128xf32, #tpu.memory_space<vmem>>) target(%dma_start3A_225 : memref<128x128xf32, #tpu.memory_space<hbm>>) target_semaphore(%run_scoped3A : memref<!tpu.dma_semaphore, #tpu.memory_space<semaphore_mem>>)
      %dma_wait3A_229 = arith.constant 0 : i32
      %dma_wait3A_230 = arith.constant 0 : i32
      %dma_wait3A_231 = tpu.memref_slice %arg8[%dma_wait3A_229, %dma_wait3A_230] : memref<128x128xf32, #tpu.memory_space<vmem>> -> memref<128x128xf32, #tpu.memory_space<vmem>>
      %dma_wait3A_232 = arith.constant 0 : i32
      %dma_wait3A_233 = tpu.memref_slice %arg5[%arg0, %add3A_134, %dma_wait3A_232] : memref<2x10112x128xf32, #tpu.memory_space<hbm>> -> memref<1x128x128xf32, #tpu.memory_space<hbm>>
      %dma_wait3A_234 = tpu.memref_squeeze %dma_wait3A_233 : memref<1x128x128xf32, #tpu.memory_space<hbm>> -> memref<128x128xf32, #tpu.memory_space<hbm>>
      %dma_wait3A_235 = arith.constant 0 : i32
      %dma_wait3A_236 = tpu.memref_slice %arg5[%arg0, %add3A_134, %dma_wait3A_235] : memref<2x10112x128xf32, #tpu.memory_space<hbm>> -> memref<1x128x128xf32, #tpu.memory_space<hbm>>
      %dma_wait3A_237 = tpu.memref_squeeze %dma_wait3A_236 : memref<1x128x128xf32, #tpu.memory_space<hbm>> -> memref<128x128xf32, #tpu.memory_space<hbm>>
      %dma_wait3A_238 = arith.constant 0 : i32
      %dma_wait3A_239 = arith.constant 0 : i32
      %dma_wait3A_240 = tpu.memref_slice %arg8[%dma_wait3A_238, %dma_wait3A_239] : memref<128x128xf32, #tpu.memory_space<vmem>> -> memref<128x128xf32, #tpu.memory_space<vmem>>
      tpu.wait_dma2 semaphore(%run_scoped3A : memref<!tpu.dma_semaphore, #tpu.memory_space<semaphore_mem>>) src(%dma_wait3A_240 : memref<128x128xf32, #tpu.memory_space<vmem>>) dst(%dma_wait3A_237 : memref<128x128xf32, #tpu.memory_space<hbm>>)
      tpu.yield
    }) : () -> ()
    %mul3A_135 = arith.constant 632 : i32
    %mul3A_136 = arith.muli %arg1, %mul3A_135 : i32
    %add3A_137 = arith.constant 384 : i32
    %add3A_138 = arith.addi %mul3A_136, %add3A_137 : i32
    %dma_start3A_139 = arith.constant 0 : i32
    %dma_start3A_140 = arith.constant 0 : i32
    %dma_start3A_141 = tpu.memref_slice %arg8[%dma_start3A_139, %dma_start3A_140] : memref<128x128xf32, #tpu.memory_space<vmem>> -> memref<128x128xf32, #tpu.memory_space<vmem>>
    %dma_start3A_142 = arith.constant 0 : i32
    %dma_start3A_143 = tpu.memref_slice %arg18[%add3A_138, %dma_start3A_142] : memref<10112x128xf32, #tpu.memory_space<vmem_shared>> -> memref<128x128xf32, #tpu.memory_space<vmem_shared>>
    %dma_start3A_144 = arith.constant 0 : i32
    %dma_start3A_145 = arith.constant 0 : i32
    %dma_start3A_146 = tpu.memref_slice %arg8[%dma_start3A_144, %dma_start3A_145] : memref<128x128xf32, #tpu.memory_space<vmem>> -> memref<128x128xf32, #tpu.memory_space<vmem>>
    %dma_start3A_147 = arith.constant 0 : i32
    %dma_start3A_148 = tpu.memref_slice %arg18[%add3A_138, %dma_start3A_147] : memref<10112x128xf32, #tpu.memory_space<vmem_shared>> -> memref<128x128xf32, #tpu.memory_space<vmem_shared>>
    tpu.enqueue_dma source(%dma_start3A_148 : memref<128x128xf32, #tpu.memory_space<vmem_shared>>) target(%dma_start3A_146 : memref<128x128xf32, #tpu.memory_space<vmem>>) target_semaphore(%arg9 : memref<!tpu.dma_semaphore, #tpu.memory_space<semaphore_mem>>)
    %mul3A_149 = arith.constant 632 : i32
    %mul3A_150 = arith.muli %arg1, %mul3A_149 : i32
    %add3A_151 = arith.constant 256 : i32
    %add3A_152 = arith.addi %mul3A_150, %add3A_151 : i32
    %dma_wait3A_153 = arith.constant 0 : i32
    %dma_wait3A_154 = arith.constant 0 : i32
    %dma_wait3A_155 = tpu.memref_slice %arg6[%dma_wait3A_153, %dma_wait3A_154] : memref<128x128xf32, #tpu.memory_space<vmem>> -> memref<128x128xf32, #tpu.memory_space<vmem>>
    %dma_wait3A_156 = arith.constant 0 : i32
    %dma_wait3A_157 = tpu.memref_slice %arg18[%add3A_152, %dma_wait3A_156] : memref<10112x128xf32, #tpu.memory_space<vmem_shared>> -> memref<128x128xf32, #tpu.memory_space<vmem_shared>>
    %dma_wait3A_158 = arith.constant 0 : i32
    %dma_wait3A_159 = arith.constant 0 : i32
    %dma_wait3A_160 = tpu.memref_slice %arg6[%dma_wait3A_158, %dma_wait3A_159] : memref<128x128xf32, #tpu.memory_space<vmem>> -> memref<128x128xf32, #tpu.memory_space<vmem>>
    %dma_wait3A_161 = arith.constant 0 : i32
    %dma_wait3A_162 = tpu.memref_slice %arg18[%add3A_152, %dma_wait3A_161] : memref<10112x128xf32, #tpu.memory_space<vmem_shared>> -> memref<128x128xf32, #tpu.memory_space<vmem_shared>>
    tpu.wait_dma2 semaphore(%arg7 : memref<!tpu.dma_semaphore, #tpu.memory_space<semaphore_mem>>) src(%dma_wait3A_162 : memref<128x128xf32, #tpu.memory_space<vmem_shared>>) dst(%dma_wait3A_160 : memref<128x128xf32, #tpu.memory_space<vmem>>)
    %mul3A_163 = arith.constant 632 : i32
    %mul3A_164 = arith.muli %arg1, %mul3A_163 : i32
    %add3A_165 = arith.constant 256 : i32
    %add3A_166 = arith.addi %mul3A_164, %add3A_165 : i32
    "tpu.region"() ({
      %run_scoped3A = tpu.sem_alloc : memref<!tpu.dma_semaphore, #tpu.memory_space<semaphore_mem>>
      %dma_start3A_217 = arith.constant 0 : i32
      %dma_start3A_218 = arith.constant 0 : i32
      %dma_start3A_219 = tpu.memref_slice %arg6[%dma_start3A_217, %dma_start3A_218] : memref<128x128xf32, #tpu.memory_space<vmem>> -> memref<128x128xf32, #tpu.memory_space<vmem>>
      %dma_start3A_220 = arith.constant 0 : i32
      %dma_start3A_221 = tpu.memref_slice %arg5[%arg0, %add3A_166, %dma_start3A_220] : memref<2x10112x128xf32, #tpu.memory_space<hbm>> -> memref<1x128x128xf32, #tpu.memory_space<hbm>>
      %dma_start3A_222 = tpu.memref_squeeze %dma_start3A_221 : memref<1x128x128xf32, #tpu.memory_space<hbm>> -> memref<128x128xf32, #tpu.memory_space<hbm>>
      %dma_start3A_223 = arith.constant 0 : i32
      %dma_start3A_224 = tpu.memref_slice %arg5[%arg0, %add3A_166, %dma_start3A_223] : memref<2x10112x128xf32, #tpu.memory_space<hbm>> -> memref<1x128x128xf32, #tpu.memory_space<hbm>>
      %dma_start3A_225 = tpu.memref_squeeze %dma_start3A_224 : memref<1x128x128xf32, #tpu.memory_space<hbm>> -> memref<128x128xf32, #tpu.memory_space<hbm>>
      %dma_start3A_226 = arith.constant 0 : i32
      %dma_start3A_227 = arith.constant 0 : i32
      %dma_start3A_228 = tpu.memref_slice %arg6[%dma_start3A_226, %dma_start3A_227] : memref<128x128xf32, #tpu.memory_space<vmem>> -> memref<128x128xf32, #tpu.memory_space<vmem>>
      tpu.enqueue_dma source(%dma_start3A_228 : memref<128x128xf32, #tpu.memory_space<vmem>>) target(%dma_start3A_225 : memref<128x128xf32, #tpu.memory_space<hbm>>) target_semaphore(%run_scoped3A : memref<!tpu.dma_semaphore, #tpu.memory_space<semaphore_mem>>)
      %dma_wait3A_229 = arith.constant 0 : i32
      %dma_wait3A_230 = arith.constant 0 : i32
      %dma_wait3A_231 = tpu.memref_slice %arg6[%dma_wait3A_229, %dma_wait3A_230] : memref<128x128xf32, #tpu.memory_space<vmem>> -> memref<128x128xf32, #tpu.memory_space<vmem>>
      %dma_wait3A_232 = arith.constant 0 : i32
      %dma_wait3A_233 = tpu.memref_slice %arg5[%arg0, %add3A_166, %dma_wait3A_232] : memref<2x10112x128xf32, #tpu.memory_space<hbm>> -> memref<1x128x128xf32, #tpu.memory_space<hbm>>
      %dma_wait3A_234 = tpu.memref_squeeze %dma_wait3A_233 : memref<1x128x128xf32, #tpu.memory_space<hbm>> -> memref<128x128xf32, #tpu.memory_space<hbm>>
      %dma_wait3A_235 = arith.constant 0 : i32
      %dma_wait3A_236 = tpu.memref_slice %arg5[%arg0, %add3A_166, %dma_wait3A_235] : memref<2x10112x128xf32, #tpu.memory_space<hbm>> -> memref<1x128x128xf32, #tpu.memory_space<hbm>>
      %dma_wait3A_237 = tpu.memref_squeeze %dma_wait3A_236 : memref<1x128x128xf32, #tpu.memory_space<hbm>> -> memref<128x128xf32, #tpu.memory_space<hbm>>
      %dma_wait3A_238 = arith.constant 0 : i32
      %dma_wait3A_239 = arith.constant 0 : i32
      %dma_wait3A_240 = tpu.memref_slice %arg6[%dma_wait3A_238, %dma_wait3A_239] : memref<128x128xf32, #tpu.memory_space<vmem>> -> memref<128x128xf32, #tpu.memory_space<vmem>>
      tpu.wait_dma2 semaphore(%run_scoped3A : memref<!tpu.dma_semaphore, #tpu.memory_space<semaphore_mem>>) src(%dma_wait3A_240 : memref<128x128xf32, #tpu.memory_space<vmem>>) dst(%dma_wait3A_237 : memref<128x128xf32, #tpu.memory_space<hbm>>)
      tpu.yield
    }) : () -> ()
    %mul3A_167 = arith.constant 632 : i32
    %mul3A_168 = arith.muli %arg1, %mul3A_167 : i32
    %add3A_169 = arith.constant 512 : i32
    %add3A_170 = arith.addi %mul3A_168, %add3A_169 : i32
    %dma_start3A_171 = arith.constant 0 : i32
    %dma_start3A_172 = arith.constant 0 : i32
    %dma_start3A_173 = tpu.memref_slice %arg6[%dma_start3A_171, %dma_start3A_172] : memref<128x128xf32, #tpu.memory_space<vmem>> -> memref<120x128xf32, #tpu.memory_space<vmem>>
    %dma_start3A_174 = arith.constant 0 : i32
    %dma_start3A_175 = tpu.memref_slice %arg18[%add3A_170, %dma_start3A_174] : memref<10112x128xf32, #tpu.memory_space<vmem_shared>> -> memref<120x128xf32, #tpu.memory_space<vmem_shared>>
    %dma_start3A_176 = arith.constant 0 : i32
    %dma_start3A_177 = arith.constant 0 : i32
    %dma_start3A_178 = tpu.memref_slice %arg6[%dma_start3A_176, %dma_start3A_177] : memref<128x128xf32, #tpu.memory_space<vmem>> -> memref<120x128xf32, #tpu.memory_space<vmem>>
    %dma_start3A_179 = arith.constant 0 : i32
    %dma_start3A_180 = tpu.memref_slice %arg18[%add3A_170, %dma_start3A_179] : memref<10112x128xf32, #tpu.memory_space<vmem_shared>> -> memref<120x128xf32, #tpu.memory_space<vmem_shared>>
    tpu.enqueue_dma source(%dma_start3A_180 : memref<120x128xf32, #tpu.memory_space<vmem_shared>>) target(%dma_start3A_178 : memref<120x128xf32, #tpu.memory_space<vmem>>) target_semaphore(%arg7 : memref<!tpu.dma_semaphore, #tpu.memory_space<semaphore_mem>>)
    %mul3A_181 = arith.constant 632 : i32
    %mul3A_182 = arith.muli %arg1, %mul3A_181 : i32
    %add3A_183 = arith.constant 384 : i32
    %add3A_184 = arith.addi %mul3A_182, %add3A_183 : i32
    %dma_wait3A_185 = arith.constant 0 : i32
    %dma_wait3A_186 = arith.constant 0 : i32
    %dma_wait3A_187 = tpu.memref_slice %arg8[%dma_wait3A_185, %dma_wait3A_186] : memref<128x128xf32, #tpu.memory_space<vmem>> -> memref<128x128xf32, #tpu.memory_space<vmem>>
    %dma_wait3A_188 = arith.constant 0 : i32
    %dma_wait3A_189 = tpu.memref_slice %arg18[%add3A_184, %dma_wait3A_188] : memref<10112x128xf32, #tpu.memory_space<vmem_shared>> -> memref<128x128xf32, #tpu.memory_space<vmem_shared>>
    %dma_wait3A_190 = arith.constant 0 : i32
    %dma_wait3A_191 = arith.constant 0 : i32
    %dma_wait3A_192 = tpu.memref_slice %arg8[%dma_wait3A_190, %dma_wait3A_191] : memref<128x128xf32, #tpu.memory_space<vmem>> -> memref<128x128xf32, #tpu.memory_space<vmem>>
    %dma_wait3A_193 = arith.constant 0 : i32
    %dma_wait3A_194 = tpu.memref_slice %arg18[%add3A_184, %dma_wait3A_193] : memref<10112x128xf32, #tpu.memory_space<vmem_shared>> -> memref<128x128xf32, #tpu.memory_space<vmem_shared>>
    tpu.wait_dma2 semaphore(%arg9 : memref<!tpu.dma_semaphore, #tpu.memory_space<semaphore_mem>>) src(%dma_wait3A_194 : memref<128x128xf32, #tpu.memory_space<vmem_shared>>) dst(%dma_wait3A_192 : memref<128x128xf32, #tpu.memory_space<vmem>>)
    %mul3A_195 = arith.constant 632 : i32
    %mul3A_196 = arith.muli %arg1, %mul3A_195 : i32
    %add3A_197 = arith.constant 384 : i32
    %add3A_198 = arith.addi %mul3A_196, %add3A_197 : i32
    "tpu.region"() ({
      %run_scoped3A = tpu.sem_alloc : memref<!tpu.dma_semaphore, #tpu.memory_space<semaphore_mem>>
      %dma_start3A_217 = arith.constant 0 : i32
      %dma_start3A_218 = arith.constant 0 : i32
      %dma_start3A_219 = tpu.memref_slice %arg8[%dma_start3A_217, %dma_start3A_218] : memref<128x128xf32, #tpu.memory_space<vmem>> -> memref<128x128xf32, #tpu.memory_space<vmem>>
      %dma_start3A_220 = arith.constant 0 : i32
      %dma_start3A_221 = tpu.memref_slice %arg5[%arg0, %add3A_198, %dma_start3A_220] : memref<2x10112x128xf32, #tpu.memory_space<hbm>> -> memref<1x128x128xf32, #tpu.memory_space<hbm>>
      %dma_start3A_222 = tpu.memref_squeeze %dma_start3A_221 : memref<1x128x128xf32, #tpu.memory_space<hbm>> -> memref<128x128xf32, #tpu.memory_space<hbm>>
      %dma_start3A_223 = arith.constant 0 : i32
      %dma_start3A_224 = tpu.memref_slice %arg5[%arg0, %add3A_198, %dma_start3A_223] : memref<2x10112x128xf32, #tpu.memory_space<hbm>> -> memref<1x128x128xf32, #tpu.memory_space<hbm>>
      %dma_start3A_225 = tpu.memref_squeeze %dma_start3A_224 : memref<1x128x128xf32, #tpu.memory_space<hbm>> -> memref<128x128xf32, #tpu.memory_space<hbm>>
      %dma_start3A_226 = arith.constant 0 : i32
      %dma_start3A_227 = arith.constant 0 : i32
      %dma_start3A_228 = tpu.memref_slice %arg8[%dma_start3A_226, %dma_start3A_227] : memref<128x128xf32, #tpu.memory_space<vmem>> -> memref<128x128xf32, #tpu.memory_space<vmem>>
      tpu.enqueue_dma source(%dma_start3A_228 : memref<128x128xf32, #tpu.memory_space<vmem>>) target(%dma_start3A_225 : memref<128x128xf32, #tpu.memory_space<hbm>>) target_semaphore(%run_scoped3A : memref<!tpu.dma_semaphore, #tpu.memory_space<semaphore_mem>>)
      %dma_wait3A_229 = arith.constant 0 : i32
      %dma_wait3A_230 = arith.constant 0 : i32
      %dma_wait3A_231 = tpu.memref_slice %arg8[%dma_wait3A_229, %dma_wait3A_230] : memref<128x128xf32, #tpu.memory_space<vmem>> -> memref<128x128xf32, #tpu.memory_space<vmem>>
      %dma_wait3A_232 = arith.constant 0 : i32
      %dma_wait3A_233 = tpu.memref_slice %arg5[%arg0, %add3A_198, %dma_wait3A_232] : memref<2x10112x128xf32, #tpu.memory_space<hbm>> -> memref<1x128x128xf32, #tpu.memory_space<hbm>>
      %dma_wait3A_234 = tpu.memref_squeeze %dma_wait3A_233 : memref<1x128x128xf32, #tpu.memory_space<hbm>> -> memref<128x128xf32, #tpu.memory_space<hbm>>
      %dma_wait3A_235 = arith.constant 0 : i32
      %dma_wait3A_236 = tpu.memref_slice %arg5[%arg0, %add3A_198, %dma_wait3A_235] : memref<2x10112x128xf32, #tpu.memory_space<hbm>> -> memref<1x128x128xf32, #tpu.memory_space<hbm>>
      %dma_wait3A_237 = tpu.memref_squeeze %dma_wait3A_236 : memref<1x128x128xf32, #tpu.memory_space<hbm>> -> memref<128x128xf32, #tpu.memory_space<hbm>>
      %dma_wait3A_238 = arith.constant 0 : i32
      %dma_wait3A_239 = arith.constant 0 : i32
      %dma_wait3A_240 = tpu.memref_slice %arg8[%dma_wait3A_238, %dma_wait3A_239] : memref<128x128xf32, #tpu.memory_space<vmem>> -> memref<128x128xf32, #tpu.memory_space<vmem>>
      tpu.wait_dma2 semaphore(%run_scoped3A : memref<!tpu.dma_semaphore, #tpu.memory_space<semaphore_mem>>) src(%dma_wait3A_240 : memref<128x128xf32, #tpu.memory_space<vmem>>) dst(%dma_wait3A_237 : memref<128x128xf32, #tpu.memory_space<hbm>>)
      tpu.yield
    }) : () -> ()
    %mul3A_199 = arith.constant 632 : i32
    %mul3A_200 = arith.muli %arg1, %mul3A_199 : i32
    %add3A_201 = arith.constant 512 : i32
    %add3A_202 = arith.addi %mul3A_200, %add3A_201 : i32
    %dma_wait3A_203 = arith.constant 0 : i32
    %dma_wait3A_204 = arith.constant 0 : i32
    %dma_wait3A_205 = tpu.memref_slice %arg6[%dma_wait3A_203, %dma_wait3A_204] : memref<128x128xf32, #tpu.memory_space<vmem>> -> memref<120x128xf32, #tpu.memory_space<vmem>>
    %dma_wait3A_206 = arith.constant 0 : i32
    %dma_wait3A_207 = tpu.memref_slice %arg18[%add3A_202, %dma_wait3A_206] : memref<10112x128xf32, #tpu.memory_space<vmem_shared>> -> memref<120x128xf32, #tpu.memory_space<vmem_shared>>
    %dma_wait3A_208 = arith.constant 0 : i32
    %dma_wait3A_209 = arith.constant 0 : i32
    %dma_wait3A_210 = tpu.memref_slice %arg6[%dma_wait3A_208, %dma_wait3A_209] : memref<128x128xf32, #tpu.memory_space<vmem>> -> memref<120x128xf32, #tpu.memory_space<vmem>>
    %dma_wait3A_211 = arith.constant 0 : i32
    %dma_wait3A_212 = tpu.memref_slice %arg18[%add3A_202, %dma_wait3A_211] : memref<10112x128xf32, #tpu.memory_space<vmem_shared>> -> memref<120x128xf32, #tpu.memory_space<vmem_shared>>
    tpu.wait_dma2 semaphore(%arg7 : memref<!tpu.dma_semaphore, #tpu.memory_space<semaphore_mem>>) src(%dma_wait3A_212 : memref<120x128xf32, #tpu.memory_space<vmem_shared>>) dst(%dma_wait3A_210 : memref<120x128xf32, #tpu.memory_space<vmem>>)
    %mul3A_213 = arith.constant 632 : i32
    %mul3A_214 = arith.muli %arg1, %mul3A_213 : i32
    %add3A_215 = arith.constant 512 : i32
    %add3A_216 = arith.addi %mul3A_214, %add3A_215 : i32
    "tpu.region"() ({
      %run_scoped3A = tpu.sem_alloc : memref<!tpu.dma_semaphore, #tpu.memory_space<semaphore_mem>>
      %dma_start3A_217 = arith.constant 0 : i32
      %dma_start3A_218 = arith.constant 0 : i32
      %dma_start3A_219 = tpu.memref_slice %arg6[%dma_start3A_217, %dma_start3A_218] : memref<128x128xf32, #tpu.memory_space<vmem>> -> memref<120x128xf32, #tpu.memory_space<vmem>>
      %dma_start3A_220 = arith.constant 0 : i32
      %dma_start3A_221 = tpu.memref_slice %arg5[%arg0, %add3A_216, %dma_start3A_220] : memref<2x10112x128xf32, #tpu.memory_space<hbm>> -> memref<1x120x128xf32, #tpu.memory_space<hbm>>
      %dma_start3A_222 = tpu.memref_squeeze %dma_start3A_221 : memref<1x120x128xf32, #tpu.memory_space<hbm>> -> memref<120x128xf32, #tpu.memory_space<hbm>>
      %dma_start3A_223 = arith.constant 0 : i32
      %dma_start3A_224 = tpu.memref_slice %arg5[%arg0, %add3A_216, %dma_start3A_223] : memref<2x10112x128xf32, #tpu.memory_space<hbm>> -> memref<1x120x128xf32, #tpu.memory_space<hbm>>
      %dma_start3A_225 = tpu.memref_squeeze %dma_start3A_224 : memref<1x120x128xf32, #tpu.memory_space<hbm>> -> memref<120x128xf32, #tpu.memory_space<hbm>>
      %dma_start3A_226 = arith.constant 0 : i32
      %dma_start3A_227 = arith.constant 0 : i32
      %dma_start3A_228 = tpu.memref_slice %arg6[%dma_start3A_226, %dma_start3A_227] : memref<128x128xf32, #tpu.memory_space<vmem>> -> memref<120x128xf32, #tpu.memory_space<vmem>>
      tpu.enqueue_dma source(%dma_start3A_228 : memref<120x128xf32, #tpu.memory_space<vmem>>) target(%dma_start3A_225 : memref<120x128xf32, #tpu.memory_space<hbm>>) target_semaphore(%run_scoped3A : memref<!tpu.dma_semaphore, #tpu.memory_space<semaphore_mem>>)
      %dma_wait3A_229 = arith.constant 0 : i32
      %dma_wait3A_230 = arith.constant 0 : i32
      %dma_wait3A_231 = tpu.memref_slice %arg6[%dma_wait3A_229, %dma_wait3A_230] : memref<128x128xf32, #tpu.memory_space<vmem>> -> memref<120x128xf32, #tpu.memory_space<vmem>>
      %dma_wait3A_232 = arith.constant 0 : i32
      %dma_wait3A_233 = tpu.memref_slice %arg5[%arg0, %add3A_216, %dma_wait3A_232] : memref<2x10112x128xf32, #tpu.memory_space<hbm>> -> memref<1x120x128xf32, #tpu.memory_space<hbm>>
      %dma_wait3A_234 = tpu.memref_squeeze %dma_wait3A_233 : memref<1x120x128xf32, #tpu.memory_space<hbm>> -> memref<120x128xf32, #tpu.memory_space<hbm>>
      %dma_wait3A_235 = arith.constant 0 : i32
      %dma_wait3A_236 = tpu.memref_slice %arg5[%arg0, %add3A_216, %dma_wait3A_235] : memref<2x10112x128xf32, #tpu.memory_space<hbm>> -> memref<1x120x128xf32, #tpu.memory_space<hbm>>
      %dma_wait3A_237 = tpu.memref_squeeze %dma_wait3A_236 : memref<1x120x128xf32, #tpu.memory_space<hbm>> -> memref<120x128xf32, #tpu.memory_space<hbm>>
      %dma_wait3A_238 = arith.constant 0 : i32
      %dma_wait3A_239 = arith.constant 0 : i32
      %dma_wait3A_240 = tpu.memref_slice %arg6[%dma_wait3A_238, %dma_wait3A_239] : memref<128x128xf32, #tpu.memory_space<vmem>> -> memref<120x128xf32, #tpu.memory_space<vmem>>
      tpu.wait_dma2 semaphore(%run_scoped3A : memref<!tpu.dma_semaphore, #tpu.memory_space<semaphore_mem>>) src(%dma_wait3A_240 : memref<120x128xf32, #tpu.memory_space<vmem>>) dst(%dma_wait3A_237 : memref<120x128xf32, #tpu.memory_space<hbm>>)
      tpu.yield
    }) : () -> ()
    return
  }
}

module attributes {stable_mosaic.version = 14 : i64} {
  func.func @_feats_body(%arg0: memref<2x2x10112xf32, #tpu.memory_space<vmem>>, %arg1: memref<64x4xf32, #tpu.memory_space<vmem>>, %arg2: memref<64x1xf32, #tpu.memory_space<vmem>>, %arg3: memref<32x64xf32, #tpu.memory_space<vmem>>, %arg4: memref<32x1xf32, #tpu.memory_space<vmem>>, %arg5: memref<3x32xf32, #tpu.memory_space<vmem>>, %arg6: memref<3x1xf32, #tpu.memory_space<vmem>>, %arg7: memref<3x10112xf32, #tpu.memory_space<vmem>>, %arg8: memref<1x10112xf32, #tpu.memory_space<vmem>>) attributes {dimension_semantics = [], scalar_prefetch = 0 : i64, scratch_operands = 0 : i64, tpu.core_type = #tpu.core_type<tc>} {
    %get3A = arith.constant 0 : index
    %get3A_0 = arith.constant 0 : index
    %get3A_1 = arith.constant 0 : index
    %get3A_2 = vector.load %arg0[%get3A, %get3A_0, %get3A_1] : memref<2x2x10112xf32, #tpu.memory_space<vmem>>, vector<1x2x10112xf32>
    %get3A_3 = vector.shape_cast %get3A_2 : vector<1x2x10112xf32> to vector<2x10112xf32>
    %get3A_4 = arith.constant 1 : index
    %get3A_5 = arith.constant 0 : index
    %get3A_6 = arith.constant 0 : index
    %get3A_7 = vector.load %arg0[%get3A_4, %get3A_5, %get3A_6] : memref<2x2x10112xf32, #tpu.memory_space<vmem>>, vector<1x2x10112xf32>
    %get3A_8 = vector.shape_cast %get3A_7 : vector<1x2x10112xf32> to vector<2x10112xf32>
    %add3A = arith.addf %get3A_3, %get3A_8 : vector<2x10112xf32>
    %slice3A = vector.extract_strided_slice %add3A {offsets = [0, 0], sizes = [1, 10112], strides = [1, 1]} : vector<2x10112xf32> to vector<1x10112xf32>
    %slice3A_9 = vector.extract_strided_slice %add3A {offsets = [1, 0], sizes = [1, 10112], strides = [1, 1]} : vector<2x10112xf32> to vector<1x10112xf32>
    %add3A_10 = arith.constant 1.000000e+00 : f32
    %add3A_11 = vector.broadcast %add3A_10 : f32 to vector<1x10112xf32>
    %add3A_12 = arith.addf %add3A_11, %slice3A : vector<1x10112xf32>
    %log3A = math.log %add3A_12 : vector<1x10112xf32>
    %add3A_13 = arith.constant 1.000000e+00 : f32
    %add3A_14 = vector.broadcast %add3A_13 : f32 to vector<1x10112xf32>
    %add3A_15 = arith.addf %add3A_14, %slice3A_9 : vector<1x10112xf32>
    %log3A_16 = math.log %add3A_15 : vector<1x10112xf32>
    %concatenate3A = tpu.concatenate %slice3A, %slice3A_9, %log3A, %log3A_16 in 0 : vector<1x10112xf32>, vector<1x10112xf32>, vector<1x10112xf32>, vector<1x10112xf32> -> vector<4x10112xf32>
    %iota3A = tpu.iota {dimensions = array<i32: 1>} : vector<1x10112xi32>
    %lt3A = arith.constant 10000 : i32
    %lt3A_17 = vector.broadcast %lt3A : i32 to vector<1x10112xi32>
    %lt3A_18 = arith.cmpi slt, %iota3A, %lt3A_17 : vector<1x10112xi32>
    %convert_element_type3A = arith.extui %lt3A_18 : vector<1x10112xi1> to vector<1x10112xi32>
    %convert_element_type3A_19 = arith.sitofp %convert_element_type3A : vector<1x10112xi32> to vector<1x10112xf32>
    %mul3A = vector.broadcast %convert_element_type3A_19 : vector<1x10112xf32> to vector<4x10112xf32>
    %mul3A_20 = arith.mulf %concatenate3A, %mul3A : vector<4x10112xf32>
    %reduce_sum3A = arith.constant dense<0.000000e+00> : vector<4xf32>
    %reduce_sum3A_21 = vector.multi_reduction <add>, %mul3A_20, %reduce_sum3A [1] : vector<4x10112xf32> to vector<4xf32>
    %broadcast_in_dim3A = vector.shape_cast %reduce_sum3A_21 : vector<4xf32> to vector<4x1xf32>
    %mul3A_22 = arith.constant 9.99999974E-5 : f32
    %mul3A_23 = vector.broadcast %mul3A_22 : f32 to vector<4x1xf32>
    %mul3A_24 = arith.mulf %broadcast_in_dim3A, %mul3A_23 : vector<4x1xf32>
    %sub3A = vector.broadcast %mul3A_24 : vector<4x1xf32> to vector<4x10112xf32>
    %sub3A_25 = arith.subf %concatenate3A, %sub3A : vector<4x10112xf32>
    %mul3A_26 = vector.broadcast %convert_element_type3A_19 : vector<1x10112xf32> to vector<4x10112xf32>
    %mul3A_27 = arith.mulf %sub3A_25, %mul3A_26 : vector<4x10112xf32>
    %integer_pow3A = arith.mulf %mul3A_27, %mul3A_27 : vector<4x10112xf32>
    %reduce_sum3A_28 = arith.constant dense<0.000000e+00> : vector<4xf32>
    %reduce_sum3A_29 = vector.multi_reduction <add>, %integer_pow3A, %reduce_sum3A_28 [1] : vector<4x10112xf32> to vector<4xf32>
    %broadcast_in_dim3A_30 = vector.shape_cast %reduce_sum3A_29 : vector<4xf32> to vector<4x1xf32>
    %mul3A_31 = arith.constant 9.99999974E-5 : f32
    %mul3A_32 = vector.broadcast %mul3A_31 : f32 to vector<4x1xf32>
    %mul3A_33 = arith.mulf %broadcast_in_dim3A_30, %mul3A_32 : vector<4x1xf32>
    %sub3A_34 = vector.broadcast %mul3A_24 : vector<4x1xf32> to vector<4x10112xf32>
    %sub3A_35 = arith.subf %concatenate3A, %sub3A_34 : vector<4x10112xf32>
    %sqrt3A = math.sqrt %mul3A_33 : vector<4x1xf32>
    %add3A_36 = arith.constant 9.99999997E-7 : f32
    %add3A_37 = vector.broadcast %add3A_36 : f32 to vector<4x1xf32>
    %add3A_38 = arith.addf %sqrt3A, %add3A_37 : vector<4x1xf32>
    %div3A = vector.broadcast %add3A_38 : vector<4x1xf32> to vector<4x10112xf32>
    %div3A_39 = arith.divf %sub3A_35, %div3A : vector<4x10112xf32>
    %get3A_40 = arith.constant 0 : index
    %get3A_41 = arith.constant 0 : index
    %get3A_42 = vector.load %arg1[%get3A_40, %get3A_41] : memref<64x4xf32, #tpu.memory_space<vmem>>, vector<64x4xf32>
    %dot_general3A = arith.constant dense<0.000000e+00> : vector<64x10112xf32>
    %dot_general3A_43 = tpu.matmul %get3A_42, %div3A_39, %dot_general3A {dimension_numbers = #tpu.dot_dimension_numbers<[1], [0], [0], [1], [0, 0, 1, 1], [], []>, transpose_lhs_hint = false} : vector<64x4xf32>, vector<4x10112xf32>, vector<64x10112xf32> -> vector<64x10112xf32>
    %get3A_44 = arith.constant 0 : index
    %get3A_45 = arith.constant 0 : index
    %get3A_46 = vector.load %arg2[%get3A_44, %get3A_45] : memref<64x1xf32, #tpu.memory_space<vmem>>, vector<64x1xf32>
    %add3A_47 = vector.broadcast %get3A_46 : vector<64x1xf32> to vector<64x10112xf32>
    %add3A_48 = arith.addf %dot_general3A_43, %add3A_47 : vector<64x10112xf32>
    %max3A = arith.constant 0.000000e+00 : f32
    %max3A_49 = vector.broadcast %max3A : f32 to vector<64x10112xf32>
    %max3A_50 = arith.maximumf %add3A_48, %max3A_49 : vector<64x10112xf32>
    %get3A_51 = arith.constant 0 : index
    %get3A_52 = arith.constant 0 : index
    %get3A_53 = vector.load %arg3[%get3A_51, %get3A_52] : memref<32x64xf32, #tpu.memory_space<vmem>>, vector<32x64xf32>
    %dot_general3A_54 = arith.constant dense<0.000000e+00> : vector<32x10112xf32>
    %dot_general3A_55 = tpu.matmul %get3A_53, %max3A_50, %dot_general3A_54 {dimension_numbers = #tpu.dot_dimension_numbers<[1], [0], [0], [1], [0, 0, 1, 1], [], []>, transpose_lhs_hint = false} : vector<32x64xf32>, vector<64x10112xf32>, vector<32x10112xf32> -> vector<32x10112xf32>
    %get3A_56 = arith.constant 0 : index
    %get3A_57 = arith.constant 0 : index
    %get3A_58 = vector.load %arg4[%get3A_56, %get3A_57] : memref<32x1xf32, #tpu.memory_space<vmem>>, vector<32x1xf32>
    %add3A_59 = vector.broadcast %get3A_58 : vector<32x1xf32> to vector<32x10112xf32>
    %add3A_60 = arith.addf %dot_general3A_55, %add3A_59 : vector<32x10112xf32>
    %max3A_61 = arith.constant 0.000000e+00 : f32
    %max3A_62 = vector.broadcast %max3A_61 : f32 to vector<32x10112xf32>
    %max3A_63 = arith.maximumf %add3A_60, %max3A_62 : vector<32x10112xf32>
    %get3A_64 = arith.constant 0 : index
    %get3A_65 = arith.constant 0 : index
    %get3A_66 = vector.load %arg5[%get3A_64, %get3A_65] : memref<3x32xf32, #tpu.memory_space<vmem>>, vector<3x32xf32>
    %dot_general3A_67 = arith.constant dense<0.000000e+00> : vector<3x10112xf32>
    %dot_general3A_68 = tpu.matmul %get3A_66, %max3A_63, %dot_general3A_67 {dimension_numbers = #tpu.dot_dimension_numbers<[1], [0], [0], [1], [0, 0, 1, 1], [], []>, transpose_lhs_hint = false} : vector<3x32xf32>, vector<32x10112xf32>, vector<3x10112xf32> -> vector<3x10112xf32>
    %get3A_69 = arith.constant 0 : index
    %get3A_70 = arith.constant 0 : index
    %get3A_71 = vector.load %arg6[%get3A_69, %get3A_70] : memref<3x1xf32, #tpu.memory_space<vmem>>, vector<3x1xf32>
    %add3A_72 = vector.broadcast %get3A_71 : vector<3x1xf32> to vector<3x10112xf32>
    %add3A_73 = arith.addf %dot_general3A_68, %add3A_72 : vector<3x10112xf32>
    %reduce_max3A = arith.constant dense<0xFF800000> : vector<10112xf32>
    %reduce_max3A_74 = vector.multi_reduction <maximumf>, %add3A_73, %reduce_max3A [0] : vector<3x10112xf32> to vector<10112xf32>
    %broadcast_in_dim3A_75 = vector.shape_cast %reduce_max3A_74 : vector<10112xf32> to vector<1x10112xf32>
    %sub3A_76 = vector.broadcast %broadcast_in_dim3A_75 : vector<1x10112xf32> to vector<3x10112xf32>
    %sub3A_77 = arith.subf %add3A_73, %sub3A_76 : vector<3x10112xf32>
    %exp3A = math.exp %sub3A_77 : vector<3x10112xf32>
    %reduce_sum3A_78 = arith.constant dense<0.000000e+00> : vector<10112xf32>
    %reduce_sum3A_79 = vector.multi_reduction <add>, %exp3A, %reduce_sum3A_78 [0] : vector<3x10112xf32> to vector<10112xf32>
    %broadcast_in_dim3A_80 = vector.shape_cast %reduce_sum3A_79 : vector<10112xf32> to vector<1x10112xf32>
    %div3A_81 = vector.broadcast %broadcast_in_dim3A_80 : vector<1x10112xf32> to vector<3x10112xf32>
    %div3A_82 = arith.divf %exp3A, %div3A_81 : vector<3x10112xf32>
    %swap3A = arith.constant 0 : index
    %swap3A_83 = arith.constant 0 : index
    %swap3A_84 = vector.load %arg7[%swap3A, %swap3A_83] : memref<3x10112xf32, #tpu.memory_space<vmem>>, vector<3x10112xf32>
    tpu.vector_store %arg7[%swap3A, %swap3A_83], %div3A_82 {strides = array<i32>} : memref<3x10112xf32, #tpu.memory_space<vmem>>, vector<3x10112xf32>,
    %max3A_85 = arith.constant 1.000000e+00 : f32
    %max3A_86 = vector.broadcast %max3A_85 : f32 to vector<1x10112xf32>
    %max3A_87 = arith.maximumf %slice3A, %max3A_86 : vector<1x10112xf32>
    %div3A_88 = arith.constant 1.000000e+00 : f32
    %div3A_89 = vector.broadcast %div3A_88 : f32 to vector<1x10112xf32>
    %div3A_90 = arith.divf %div3A_89, %max3A_87 : vector<1x10112xf32>
    %swap3A_91 = arith.constant 0 : index
    %swap3A_92 = arith.constant 0 : index
    %swap3A_93 = vector.load %arg8[%swap3A_91, %swap3A_92] : memref<1x10112xf32, #tpu.memory_space<vmem>>, vector<1x10112xf32>
    tpu.vector_store %arg8[%swap3A_91, %swap3A_92], %div3A_90 {strides = array<i32>} : memref<1x10112xf32, #tpu.memory_space<vmem>>, vector<1x10112xf32>,
    return
  }
}

module attributes {stable_mosaic.version = 14 : i64} {
  func.func @_hop_body(%arg0: i32, %arg1: memref<2x2000x128xf32, #tpu.memory_space<vmem>>, %arg2: memref<2000x1xf32, #tpu.memory_space<vmem>>, %arg3: memref<2000x128xf32, #tpu.memory_space<vmem>>, %arg4: memref<2000x128xf32, #tpu.memory_space<vmem>>, %arg5: memref<2000x1xf32, #tpu.memory_space<vmem>>, %arg6: memref<2000x128xf32, #tpu.memory_space<vmem>>, %arg7: memref<128x128xf32, #tpu.memory_space<vmem>>, %arg8: memref<128x384xf32, #tpu.memory_space<vmem>>, %arg9: memref<128x384xf32, #tpu.memory_space<vmem>>, %arg10: memref<1x384xf32, #tpu.memory_space<vmem>>, %arg11: memref<1x384xf32, #tpu.memory_space<vmem>>, %arg12: memref<2000x128xf32, #tpu.memory_space<vmem>>, %arg13: memref<2000x128xf32, #tpu.memory_space<vmem>>) attributes {dimension_semantics = [#tpu.dimension_semantics<arbitrary>], iteration_bounds = array<i64: 5>, scalar_prefetch = 0 : i64, scratch_operands = 0 : i64, tpu.core_type = #tpu.core_type<tc>, window_params = [{transform_indices = @transform_0, window_bounds = array<i64: 2, 2000, 128>}, {transform_indices = @transform_1, window_bounds = array<i64: 2000, 1>}, {transform_indices = @transform_2, window_bounds = array<i64: 2000, 128>}, {transform_indices = @transform_3, window_bounds = array<i64: 2000, 128>}, {transform_indices = @transform_4, window_bounds = array<i64: 2000, 1>}, {transform_indices = @transform_5, window_bounds = array<i64: 2000, 128>}, {pipeline_mode = #tpu.pipeline_mode<synchronous>, transform_indices = @transform_6, window_bounds = array<i64: 128, 128>}, {pipeline_mode = #tpu.pipeline_mode<synchronous>, transform_indices = @transform_7, window_bounds = array<i64: 128, 384>}, {pipeline_mode = #tpu.pipeline_mode<synchronous>, transform_indices = @transform_8, window_bounds = array<i64: 128, 384>}, {pipeline_mode = #tpu.pipeline_mode<synchronous>, transform_indices = @transform_9, window_bounds = array<i64: 1, 384>}, {pipeline_mode = #tpu.pipeline_mode<synchronous>, transform_indices = @transform_10, window_bounds = array<i64: 1, 384>}, {transform_indices = @transform_11, window_bounds = array<i64: 2000, 128>}, {transform_indices = @transform_12, window_bounds = array<i64: 2000, 128>}]} {
    %get3A = arith.constant 0 : index
    %get3A_0 = arith.constant 0 : index
    %get3A_1 = arith.constant 0 : index
    %get3A_2 = vector.load %arg1[%get3A, %get3A_0, %get3A_1] : memref<2x2000x128xf32, #tpu.memory_space<vmem>>, vector<1x2000x128xf32>
    %get3A_3 = vector.shape_cast %get3A_2 : vector<1x2000x128xf32> to vector<2000x128xf32>
    %get3A_4 = arith.constant 1 : index
    %get3A_5 = arith.constant 0 : index
    %get3A_6 = arith.constant 0 : index
    %get3A_7 = vector.load %arg1[%get3A_4, %get3A_5, %get3A_6] : memref<2x2000x128xf32, #tpu.memory_space<vmem>>, vector<1x2000x128xf32>
    %get3A_8 = vector.shape_cast %get3A_7 : vector<1x2000x128xf32> to vector<2000x128xf32>
    %add3A = arith.addf %get3A_3, %get3A_8 : vector<2000x128xf32>
    %get3A_9 = arith.constant 0 : index
    %get3A_10 = arith.constant 0 : index
    %get3A_11 = vector.load %arg2[%get3A_9, %get3A_10] : memref<2000x1xf32, #tpu.memory_space<vmem>>, vector<2000x1xf32>
    %mul3A = vector.broadcast %get3A_11 : vector<2000x1xf32> to vector<2000x128xf32>
    %mul3A_12 = arith.mulf %add3A, %mul3A : vector<2000x128xf32>
    %get3A_13 = arith.constant 0 : index
    %get3A_14 = arith.constant 0 : index
    %get3A_15 = vector.load %arg7[%get3A_13, %get3A_14] : memref<128x128xf32, #tpu.memory_space<vmem>>, vector<128x128xf32>
    %dot_general3A = arith.constant dense<0.000000e+00> : vector<2000x128xf32>
    %dot_general3A_16 = tpu.matmul %mul3A_12, %get3A_15, %dot_general3A {dimension_numbers = #tpu.dot_dimension_numbers<[1], [0], [0], [1], [0, 0, 1, 1], [], []>, transpose_lhs_hint = false} : vector<2000x128xf32>, vector<128x128xf32>, vector<2000x128xf32> -> vector<2000x128xf32>
    %max3A = arith.constant 0.000000e+00 : f32
    %max3A_17 = vector.broadcast %max3A : f32 to vector<2000x128xf32>
    %max3A_18 = arith.maximumf %dot_general3A_16, %max3A_17 : vector<2000x128xf32>
    %get3A_19 = arith.constant 0 : index
    %get3A_20 = arith.constant 0 : index
    %get3A_21 = vector.load %arg8[%get3A_19, %get3A_20] : memref<128x384xf32, #tpu.memory_space<vmem>>, vector<128x384xf32>
    %dot_general3A_22 = arith.constant dense<0.000000e+00> : vector<2000x384xf32>
    %dot_general3A_23 = tpu.matmul %max3A_18, %get3A_21, %dot_general3A_22 {dimension_numbers = #tpu.dot_dimension_numbers<[1], [0], [0], [1], [0, 0, 1, 1], [], []>, transpose_lhs_hint = false} : vector<2000x128xf32>, vector<128x384xf32>, vector<2000x384xf32> -> vector<2000x384xf32>
    %get3A_24 = arith.constant 0 : index
    %get3A_25 = arith.constant 0 : index
    %get3A_26 = vector.load %arg10[%get3A_24, %get3A_25] : memref<1x384xf32, #tpu.memory_space<vmem>>, vector<1x384xf32>
    %add3A_27 = vector.broadcast %get3A_26 : vector<1x384xf32> to vector<2000x384xf32>
    %add3A_28 = arith.addf %dot_general3A_23, %add3A_27 : vector<2000x384xf32>
    %get3A_29 = arith.constant 0 : index
    %get3A_30 = arith.constant 0 : index
    %get3A_31 = vector.load %arg3[%get3A_29, %get3A_30] : memref<2000x128xf32, #tpu.memory_space<vmem>>, vector<2000x128xf32>
    %get3A_32 = arith.constant 0 : index
    %get3A_33 = arith.constant 0 : index
    %get3A_34 = vector.load %arg9[%get3A_32, %get3A_33] : memref<128x384xf32, #tpu.memory_space<vmem>>, vector<128x384xf32>
    %dot_general3A_35 = arith.constant dense<0.000000e+00> : vector<2000x384xf32>
    %dot_general3A_36 = tpu.matmul %get3A_31, %get3A_34, %dot_general3A_35 {dimension_numbers = #tpu.dot_dimension_numbers<[1], [0], [0], [1], [0, 0, 1, 1], [], []>, transpose_lhs_hint = false} : vector<2000x128xf32>, vector<128x384xf32>, vector<2000x384xf32> -> vector<2000x384xf32>
    %get3A_37 = arith.constant 0 : index
    %get3A_38 = arith.constant 0 : index
    %get3A_39 = vector.load %arg11[%get3A_37, %get3A_38] : memref<1x384xf32, #tpu.memory_space<vmem>>, vector<1x384xf32>
    %add3A_40 = vector.broadcast %get3A_39 : vector<1x384xf32> to vector<2000x384xf32>
    %add3A_41 = arith.addf %dot_general3A_36, %add3A_40 : vector<2000x384xf32>
    %slice3A = vector.extract_strided_slice %add3A_28 {offsets = [0, 0], sizes = [2000, 128], strides = [1, 1]} : vector<2000x384xf32> to vector<2000x128xf32>
    %slice3A_42 = vector.extract_strided_slice %add3A_41 {offsets = [0, 0], sizes = [2000, 128], strides = [1, 1]} : vector<2000x384xf32> to vector<2000x128xf32>
    %add3A_43 = arith.addf %slice3A, %slice3A_42 : vector<2000x128xf32>
    %logistic3A = arith.negf %add3A_43 : vector<2000x128xf32>
    %logistic3A_44 = math.exp %logistic3A : vector<2000x128xf32>
    %logistic3A_45 = arith.constant 1.000000e+00 : f32
    %logistic3A_46 = vector.broadcast %logistic3A_45 : f32 to vector<2000x128xf32>
    %logistic3A_47 = arith.addf %logistic3A_46, %logistic3A_44 : vector<2000x128xf32>
    %logistic3A_48 = arith.divf %logistic3A_46, %logistic3A_47 : vector<2000x128xf32>
    %slice3A_49 = vector.extract_strided_slice %add3A_28 {offsets = [0, 128], sizes = [2000, 128], strides = [1, 1]} : vector<2000x384xf32> to vector<2000x128xf32>
    %slice3A_50 = vector.extract_strided_slice %add3A_41 {offsets = [0, 128], sizes = [2000, 128], strides = [1, 1]} : vector<2000x384xf32> to vector<2000x128xf32>
    %add3A_51 = arith.addf %slice3A_49, %slice3A_50 : vector<2000x128xf32>
    %logistic3A_52 = arith.negf %add3A_51 : vector<2000x128xf32>
    %logistic3A_53 = math.exp %logistic3A_52 : vector<2000x128xf32>
    %logistic3A_54 = arith.constant 1.000000e+00 : f32
    %logistic3A_55 = vector.broadcast %logistic3A_54 : f32 to vector<2000x128xf32>
    %logistic3A_56 = arith.addf %logistic3A_55, %logistic3A_53 : vector<2000x128xf32>
    %logistic3A_57 = arith.divf %logistic3A_55, %logistic3A_56 : vector<2000x128xf32>
    %slice3A_58 = vector.extract_strided_slice %add3A_28 {offsets = [0, 256], sizes = [2000, 128], strides = [1, 1]} : vector<2000x384xf32> to vector<2000x128xf32>
    %slice3A_59 = vector.extract_strided_slice %add3A_41 {offsets = [0, 256], sizes = [2000, 128], strides = [1, 1]} : vector<2000x384xf32> to vector<2000x128xf32>
    %mul3A_60 = arith.mulf %logistic3A_48, %slice3A_59 : vector<2000x128xf32>
    %add3A_61 = arith.addf %slice3A_58, %mul3A_60 : vector<2000x128xf32>
    %tanh3A = math.tanh %add3A_61 : vector<2000x128xf32>
    %sub3A = arith.constant 1.000000e+00 : f32
    %sub3A_62 = vector.broadcast %sub3A : f32 to vector<2000x128xf32>
    %sub3A_63 = arith.subf %sub3A_62, %logistic3A_57 : vector<2000x128xf32>
    %mul3A_64 = arith.mulf %sub3A_63, %tanh3A : vector<2000x128xf32>
    %mul3A_65 = arith.mulf %logistic3A_57, %get3A_31 : vector<2000x128xf32>
    %add3A_66 = arith.addf %mul3A_64, %mul3A_65 : vector<2000x128xf32>
    %get3A_67 = arith.constant 0 : index
    %get3A_68 = arith.constant 0 : index
    %get3A_69 = vector.load %arg4[%get3A_67, %get3A_68] : memref<2000x128xf32, #tpu.memory_space<vmem>>, vector<2000x128xf32>
    %add3A_70 = arith.addf %add3A_66, %get3A_69 : vector<2000x128xf32>
    %swap3A = arith.constant 0 : index
    %swap3A_71 = arith.constant 0 : index
    %swap3A_72 = vector.load %arg12[%swap3A, %swap3A_71] : memref<2000x128xf32, #tpu.memory_space<vmem>>, vector<2000x128xf32>
    tpu.vector_store %arg12[%swap3A, %swap3A_71], %add3A_70 {strides = array<i32>} : memref<2000x128xf32, #tpu.memory_space<vmem>>, vector<2000x128xf32>,
    %get3A_73 = arith.constant 0 : index
    %get3A_74 = arith.constant 0 : index
    %get3A_75 = vector.load %arg6[%get3A_73, %get3A_74] : memref<2000x128xf32, #tpu.memory_space<vmem>>, vector<2000x128xf32>
    %get3A_76 = arith.constant 0 : index
    %get3A_77 = arith.constant 0 : index
    %get3A_78 = vector.load %arg5[%get3A_76, %get3A_77] : memref<2000x1xf32, #tpu.memory_space<vmem>>, vector<2000x1xf32>
    %mul3A_79 = vector.broadcast %get3A_78 : vector<2000x1xf32> to vector<2000x128xf32>
    %mul3A_80 = arith.mulf %mul3A_79, %add3A_70 : vector<2000x128xf32>
    %add3A_81 = arith.addf %get3A_75, %mul3A_80 : vector<2000x128xf32>
    %swap3A_82 = arith.constant 0 : index
    %swap3A_83 = arith.constant 0 : index
    %swap3A_84 = vector.load %arg13[%swap3A_82, %swap3A_83] : memref<2000x128xf32, #tpu.memory_space<vmem>>, vector<2000x128xf32>
    tpu.vector_store %arg13[%swap3A_82, %swap3A_83], %add3A_81 {strides = array<i32>} : memref<2000x128xf32, #tpu.memory_space<vmem>>, vector<2000x128xf32>,
    return
  }
  func.func @transform_0(%arg0: i32) -> (i32, i32, i32) {
    %c0_i32 = arith.constant 0 : i32
    %c0_i32_0 = arith.constant 0 : i32
    %c0_i32_1 = arith.constant 0 : i32
    return %c0_i32, %arg0, %c0_i32_0 : i32, i32, i32
  }
  func.func @transform_1(%arg0: i32) -> (i32, i32) {
    %c0_i32 = arith.constant 0 : i32
    %c0_i32_0 = arith.constant 0 : i32
    return %arg0, %c0_i32 : i32, i32
  }
  func.func @transform_2(%arg0: i32) -> (i32, i32) {
    %c0_i32 = arith.constant 0 : i32
    %c0_i32_0 = arith.constant 0 : i32
    return %arg0, %c0_i32 : i32, i32
  }
  func.func @transform_3(%arg0: i32) -> (i32, i32) {
    %c0_i32 = arith.constant 0 : i32
    %c0_i32_0 = arith.constant 0 : i32
    return %arg0, %c0_i32 : i32, i32
  }
  func.func @transform_4(%arg0: i32) -> (i32, i32) {
    %c0_i32 = arith.constant 0 : i32
    %c0_i32_0 = arith.constant 0 : i32
    return %arg0, %c0_i32 : i32, i32
  }
  func.func @transform_5(%arg0: i32) -> (i32, i32) {
    %c0_i32 = arith.constant 0 : i32
    %c0_i32_0 = arith.constant 0 : i32
    return %arg0, %c0_i32 : i32, i32
  }
  func.func @transform_6(%arg0: i32) -> (i32, i32) {
    %c0_i32 = arith.constant 0 : i32
    %c0_i32_0 = arith.constant 0 : i32
    %c0_i32_1 = arith.constant 0 : i32
    return %c0_i32, %c0_i32_0 : i32, i32
  }
  func.func @transform_7(%arg0: i32) -> (i32, i32) {
    %c0_i32 = arith.constant 0 : i32
    %c0_i32_0 = arith.constant 0 : i32
    %c0_i32_1 = arith.constant 0 : i32
    return %c0_i32, %c0_i32_0 : i32, i32
  }
  func.func @transform_8(%arg0: i32) -> (i32, i32) {
    %c0_i32 = arith.constant 0 : i32
    %c0_i32_0 = arith.constant 0 : i32
    %c0_i32_1 = arith.constant 0 : i32
    return %c0_i32, %c0_i32_0 : i32, i32
  }
  func.func @transform_9(%arg0: i32) -> (i32, i32) {
    %c0_i32 = arith.constant 0 : i32
    %c0_i32_0 = arith.constant 0 : i32
    %c0_i32_1 = arith.constant 0 : i32
    return %c0_i32, %c0_i32_0 : i32, i32
  }
  func.func @transform_10(%arg0: i32) -> (i32, i32) {
    %c0_i32 = arith.constant 0 : i32
    %c0_i32_0 = arith.constant 0 : i32
    %c0_i32_1 = arith.constant 0 : i32
    return %c0_i32, %c0_i32_0 : i32, i32
  }
  func.func @transform_11(%arg0: i32) -> (i32, i32) {
    %c0_i32 = arith.constant 0 : i32
    %c0_i32_0 = arith.constant 0 : i32
    return %arg0, %c0_i32 : i32, i32
  }
  func.func @transform_12(%arg0: i32) -> (i32, i32) {
    %c0_i32 = arith.constant 0 : i32
    %c0_i32_0 = arith.constant 0 : i32
    return %arg0, %c0_i32 : i32, i32
  }
}

module attributes {stable_mosaic.version = 14 : i64} {
  func.func @_hop_body(%arg0: i32, %arg1: memref<2x2000x128xf32, #tpu.memory_space<vmem>>, %arg2: memref<2000x1xf32, #tpu.memory_space<vmem>>, %arg3: memref<2000x128xf32, #tpu.memory_space<vmem>>, %arg4: memref<2000x128xf32, #tpu.memory_space<vmem>>, %arg5: memref<2000x1xf32, #tpu.memory_space<vmem>>, %arg6: memref<2000x128xf32, #tpu.memory_space<vmem>>, %arg7: memref<128x128xf32, #tpu.memory_space<vmem>>, %arg8: memref<128x384xf32, #tpu.memory_space<vmem>>, %arg9: memref<128x384xf32, #tpu.memory_space<vmem>>, %arg10: memref<1x384xf32, #tpu.memory_space<vmem>>, %arg11: memref<1x384xf32, #tpu.memory_space<vmem>>, %arg12: memref<2000x128xf32, #tpu.memory_space<vmem>>, %arg13: memref<2000x128xf32, #tpu.memory_space<vmem>>) attributes {dimension_semantics = [#tpu.dimension_semantics<arbitrary>], iteration_bounds = array<i64: 5>, scalar_prefetch = 0 : i64, scratch_operands = 0 : i64, tpu.core_type = #tpu.core_type<tc>, window_params = [{transform_indices = @transform_0, window_bounds = array<i64: 2, 2000, 128>}, {transform_indices = @transform_1, window_bounds = array<i64: 2000, 1>}, {transform_indices = @transform_2, window_bounds = array<i64: 2000, 128>}, {transform_indices = @transform_3, window_bounds = array<i64: 2000, 128>}, {transform_indices = @transform_4, window_bounds = array<i64: 2000, 1>}, {transform_indices = @transform_5, window_bounds = array<i64: 2000, 128>}, {pipeline_mode = #tpu.pipeline_mode<synchronous>, transform_indices = @transform_6, window_bounds = array<i64: 128, 128>}, {pipeline_mode = #tpu.pipeline_mode<synchronous>, transform_indices = @transform_7, window_bounds = array<i64: 128, 384>}, {pipeline_mode = #tpu.pipeline_mode<synchronous>, transform_indices = @transform_8, window_bounds = array<i64: 128, 384>}, {pipeline_mode = #tpu.pipeline_mode<synchronous>, transform_indices = @transform_9, window_bounds = array<i64: 1, 384>}, {pipeline_mode = #tpu.pipeline_mode<synchronous>, transform_indices = @transform_10, window_bounds = array<i64: 1, 384>}, {transform_indices = @transform_11, window_bounds = array<i64: 2000, 128>}, {transform_indices = @transform_12, window_bounds = array<i64: 2000, 128>}]} {
    %get3A = arith.constant 0 : index
    %get3A_0 = arith.constant 0 : index
    %get3A_1 = arith.constant 0 : index
    %get3A_2 = vector.load %arg1[%get3A, %get3A_0, %get3A_1] : memref<2x2000x128xf32, #tpu.memory_space<vmem>>, vector<1x2000x128xf32>
    %get3A_3 = vector.shape_cast %get3A_2 : vector<1x2000x128xf32> to vector<2000x128xf32>
    %get3A_4 = arith.constant 1 : index
    %get3A_5 = arith.constant 0 : index
    %get3A_6 = arith.constant 0 : index
    %get3A_7 = vector.load %arg1[%get3A_4, %get3A_5, %get3A_6] : memref<2x2000x128xf32, #tpu.memory_space<vmem>>, vector<1x2000x128xf32>
    %get3A_8 = vector.shape_cast %get3A_7 : vector<1x2000x128xf32> to vector<2000x128xf32>
    %add3A = arith.addf %get3A_3, %get3A_8 : vector<2000x128xf32>
    %get3A_9 = arith.constant 0 : index
    %get3A_10 = arith.constant 0 : index
    %get3A_11 = vector.load %arg2[%get3A_9, %get3A_10] : memref<2000x1xf32, #tpu.memory_space<vmem>>, vector<2000x1xf32>
    %mul3A = vector.broadcast %get3A_11 : vector<2000x1xf32> to vector<2000x128xf32>
    %mul3A_12 = arith.mulf %add3A, %mul3A : vector<2000x128xf32>
    %get3A_13 = arith.constant 0 : index
    %get3A_14 = arith.constant 0 : index
    %get3A_15 = vector.load %arg7[%get3A_13, %get3A_14] : memref<128x128xf32, #tpu.memory_space<vmem>>, vector<128x128xf32>
    %dot_general3A = arith.constant dense<0.000000e+00> : vector<2000x128xf32>
    %dot_general3A_16 = tpu.matmul %mul3A_12, %get3A_15, %dot_general3A {dimension_numbers = #tpu.dot_dimension_numbers<[1], [0], [0], [1], [0, 0, 1, 1], [], []>, transpose_lhs_hint = false} : vector<2000x128xf32>, vector<128x128xf32>, vector<2000x128xf32> -> vector<2000x128xf32>
    %max3A = arith.constant 0.000000e+00 : f32
    %max3A_17 = vector.broadcast %max3A : f32 to vector<2000x128xf32>
    %max3A_18 = arith.maximumf %dot_general3A_16, %max3A_17 : vector<2000x128xf32>
    %get3A_19 = arith.constant 0 : index
    %get3A_20 = arith.constant 0 : index
    %get3A_21 = vector.load %arg8[%get3A_19, %get3A_20] : memref<128x384xf32, #tpu.memory_space<vmem>>, vector<128x384xf32>
    %dot_general3A_22 = arith.constant dense<0.000000e+00> : vector<2000x384xf32>
    %dot_general3A_23 = tpu.matmul %max3A_18, %get3A_21, %dot_general3A_22 {dimension_numbers = #tpu.dot_dimension_numbers<[1], [0], [0], [1], [0, 0, 1, 1], [], []>, transpose_lhs_hint = false} : vector<2000x128xf32>, vector<128x384xf32>, vector<2000x384xf32> -> vector<2000x384xf32>
    %get3A_24 = arith.constant 0 : index
    %get3A_25 = arith.constant 0 : index
    %get3A_26 = vector.load %arg10[%get3A_24, %get3A_25] : memref<1x384xf32, #tpu.memory_space<vmem>>, vector<1x384xf32>
    %add3A_27 = vector.broadcast %get3A_26 : vector<1x384xf32> to vector<2000x384xf32>
    %add3A_28 = arith.addf %dot_general3A_23, %add3A_27 : vector<2000x384xf32>
    %get3A_29 = arith.constant 0 : index
    %get3A_30 = arith.constant 0 : index
    %get3A_31 = vector.load %arg3[%get3A_29, %get3A_30] : memref<2000x128xf32, #tpu.memory_space<vmem>>, vector<2000x128xf32>
    %get3A_32 = arith.constant 0 : index
    %get3A_33 = arith.constant 0 : index
    %get3A_34 = vector.load %arg9[%get3A_32, %get3A_33] : memref<128x384xf32, #tpu.memory_space<vmem>>, vector<128x384xf32>
    %dot_general3A_35 = arith.constant dense<0.000000e+00> : vector<2000x384xf32>
    %dot_general3A_36 = tpu.matmul %get3A_31, %get3A_34, %dot_general3A_35 {dimension_numbers = #tpu.dot_dimension_numbers<[1], [0], [0], [1], [0, 0, 1, 1], [], []>, transpose_lhs_hint = false} : vector<2000x128xf32>, vector<128x384xf32>, vector<2000x384xf32> -> vector<2000x384xf32>
    %get3A_37 = arith.constant 0 : index
    %get3A_38 = arith.constant 0 : index
    %get3A_39 = vector.load %arg11[%get3A_37, %get3A_38] : memref<1x384xf32, #tpu.memory_space<vmem>>, vector<1x384xf32>
    %add3A_40 = vector.broadcast %get3A_39 : vector<1x384xf32> to vector<2000x384xf32>
    %add3A_41 = arith.addf %dot_general3A_36, %add3A_40 : vector<2000x384xf32>
    %slice3A = vector.extract_strided_slice %add3A_28 {offsets = [0, 0], sizes = [2000, 128], strides = [1, 1]} : vector<2000x384xf32> to vector<2000x128xf32>
    %slice3A_42 = vector.extract_strided_slice %add3A_41 {offsets = [0, 0], sizes = [2000, 128], strides = [1, 1]} : vector<2000x384xf32> to vector<2000x128xf32>
    %add3A_43 = arith.addf %slice3A, %slice3A_42 : vector<2000x128xf32>
    %logistic3A = arith.negf %add3A_43 : vector<2000x128xf32>
    %logistic3A_44 = math.exp %logistic3A : vector<2000x128xf32>
    %logistic3A_45 = arith.constant 1.000000e+00 : f32
    %logistic3A_46 = vector.broadcast %logistic3A_45 : f32 to vector<2000x128xf32>
    %logistic3A_47 = arith.addf %logistic3A_46, %logistic3A_44 : vector<2000x128xf32>
    %logistic3A_48 = arith.divf %logistic3A_46, %logistic3A_47 : vector<2000x128xf32>
    %slice3A_49 = vector.extract_strided_slice %add3A_28 {offsets = [0, 128], sizes = [2000, 128], strides = [1, 1]} : vector<2000x384xf32> to vector<2000x128xf32>
    %slice3A_50 = vector.extract_strided_slice %add3A_41 {offsets = [0, 128], sizes = [2000, 128], strides = [1, 1]} : vector<2000x384xf32> to vector<2000x128xf32>
    %add3A_51 = arith.addf %slice3A_49, %slice3A_50 : vector<2000x128xf32>
    %logistic3A_52 = arith.negf %add3A_51 : vector<2000x128xf32>
    %logistic3A_53 = math.exp %logistic3A_52 : vector<2000x128xf32>
    %logistic3A_54 = arith.constant 1.000000e+00 : f32
    %logistic3A_55 = vector.broadcast %logistic3A_54 : f32 to vector<2000x128xf32>
    %logistic3A_56 = arith.addf %logistic3A_55, %logistic3A_53 : vector<2000x128xf32>
    %logistic3A_57 = arith.divf %logistic3A_55, %logistic3A_56 : vector<2000x128xf32>
    %slice3A_58 = vector.extract_strided_slice %add3A_28 {offsets = [0, 256], sizes = [2000, 128], strides = [1, 1]} : vector<2000x384xf32> to vector<2000x128xf32>
    %slice3A_59 = vector.extract_strided_slice %add3A_41 {offsets = [0, 256], sizes = [2000, 128], strides = [1, 1]} : vector<2000x384xf32> to vector<2000x128xf32>
    %mul3A_60 = arith.mulf %logistic3A_48, %slice3A_59 : vector<2000x128xf32>
    %add3A_61 = arith.addf %slice3A_58, %mul3A_60 : vector<2000x128xf32>
    %tanh3A = math.tanh %add3A_61 : vector<2000x128xf32>
    %sub3A = arith.constant 1.000000e+00 : f32
    %sub3A_62 = vector.broadcast %sub3A : f32 to vector<2000x128xf32>
    %sub3A_63 = arith.subf %sub3A_62, %logistic3A_57 : vector<2000x128xf32>
    %mul3A_64 = arith.mulf %sub3A_63, %tanh3A : vector<2000x128xf32>
    %mul3A_65 = arith.mulf %logistic3A_57, %get3A_31 : vector<2000x128xf32>
    %add3A_66 = arith.addf %mul3A_64, %mul3A_65 : vector<2000x128xf32>
    %get3A_67 = arith.constant 0 : index
    %get3A_68 = arith.constant 0 : index
    %get3A_69 = vector.load %arg4[%get3A_67, %get3A_68] : memref<2000x128xf32, #tpu.memory_space<vmem>>, vector<2000x128xf32>
    %add3A_70 = arith.addf %add3A_66, %get3A_69 : vector<2000x128xf32>
    %swap3A = arith.constant 0 : index
    %swap3A_71 = arith.constant 0 : index
    %swap3A_72 = vector.load %arg12[%swap3A, %swap3A_71] : memref<2000x128xf32, #tpu.memory_space<vmem>>, vector<2000x128xf32>
    tpu.vector_store %arg12[%swap3A, %swap3A_71], %add3A_70 {strides = array<i32>} : memref<2000x128xf32, #tpu.memory_space<vmem>>, vector<2000x128xf32>,
    %get3A_73 = arith.constant 0 : index
    %get3A_74 = arith.constant 0 : index
    %get3A_75 = vector.load %arg6[%get3A_73, %get3A_74] : memref<2000x128xf32, #tpu.memory_space<vmem>>, vector<2000x128xf32>
    %get3A_76 = arith.constant 0 : index
    %get3A_77 = arith.constant 0 : index
    %get3A_78 = vector.load %arg5[%get3A_76, %get3A_77] : memref<2000x1xf32, #tpu.memory_space<vmem>>, vector<2000x1xf32>
    %mul3A_79 = vector.broadcast %get3A_78 : vector<2000x1xf32> to vector<2000x128xf32>
    %mul3A_80 = arith.mulf %mul3A_79, %add3A_70 : vector<2000x128xf32>
    %add3A_81 = arith.addf %get3A_75, %mul3A_80 : vector<2000x128xf32>
    %swap3A_82 = arith.constant 0 : index
    %swap3A_83 = arith.constant 0 : index
    %swap3A_84 = vector.load %arg13[%swap3A_82, %swap3A_83] : memref<2000x128xf32, #tpu.memory_space<vmem>>, vector<2000x128xf32>
    tpu.vector_store %arg13[%swap3A_82, %swap3A_83], %add3A_81 {strides = array<i32>} : memref<2000x128xf32, #tpu.memory_space<vmem>>, vector<2000x128xf32>,
    return
  }
  func.func @transform_0(%arg0: i32) -> (i32, i32, i32) {
    %c0_i32 = arith.constant 0 : i32
    %c0_i32_0 = arith.constant 0 : i32
    %c0_i32_1 = arith.constant 0 : i32
    return %c0_i32, %arg0, %c0_i32_0 : i32, i32, i32
  }
  func.func @transform_1(%arg0: i32) -> (i32, i32) {
    %c0_i32 = arith.constant 0 : i32
    %c0_i32_0 = arith.constant 0 : i32
    return %arg0, %c0_i32 : i32, i32
  }
  func.func @transform_2(%arg0: i32) -> (i32, i32) {
    %c0_i32 = arith.constant 0 : i32
    %c0_i32_0 = arith.constant 0 : i32
    return %arg0, %c0_i32 : i32, i32
  }
  func.func @transform_3(%arg0: i32) -> (i32, i32) {
    %c0_i32 = arith.constant 0 : i32
    %c0_i32_0 = arith.constant 0 : i32
    return %arg0, %c0_i32 : i32, i32
  }
  func.func @transform_4(%arg0: i32) -> (i32, i32) {
    %c0_i32 = arith.constant 0 : i32
    %c0_i32_0 = arith.constant 0 : i32
    return %arg0, %c0_i32 : i32, i32
  }
  func.func @transform_5(%arg0: i32) -> (i32, i32) {
    %c0_i32 = arith.constant 0 : i32
    %c0_i32_0 = arith.constant 0 : i32
    return %arg0, %c0_i32 : i32, i32
  }
  func.func @transform_6(%arg0: i32) -> (i32, i32) {
    %c0_i32 = arith.constant 0 : i32
    %c0_i32_0 = arith.constant 0 : i32
    %c0_i32_1 = arith.constant 0 : i32
    return %c0_i32, %c0_i32_0 : i32, i32
  }
  func.func @transform_7(%arg0: i32) -> (i32, i32) {
    %c0_i32 = arith.constant 0 : i32
    %c0_i32_0 = arith.constant 0 : i32
    %c0_i32_1 = arith.constant 0 : i32
    return %c0_i32, %c0_i32_0 : i32, i32
  }
  func.func @transform_8(%arg0: i32) -> (i32, i32) {
    %c0_i32 = arith.constant 0 : i32
    %c0_i32_0 = arith.constant 0 : i32
    %c0_i32_1 = arith.constant 0 : i32
    return %c0_i32, %c0_i32_0 : i32, i32
  }
  func.func @transform_9(%arg0: i32) -> (i32, i32) {
    %c0_i32 = arith.constant 0 : i32
    %c0_i32_0 = arith.constant 0 : i32
    %c0_i32_1 = arith.constant 0 : i32
    return %c0_i32, %c0_i32_0 : i32, i32
  }
  func.func @transform_10(%arg0: i32) -> (i32, i32) {
    %c0_i32 = arith.constant 0 : i32
    %c0_i32_0 = arith.constant 0 : i32
    %c0_i32_1 = arith.constant 0 : i32
    return %c0_i32, %c0_i32_0 : i32, i32
  }
  func.func @transform_11(%arg0: i32) -> (i32, i32) {
    %c0_i32 = arith.constant 0 : i32
    %c0_i32_0 = arith.constant 0 : i32
    return %arg0, %c0_i32 : i32, i32
  }
  func.func @transform_12(%arg0: i32) -> (i32, i32) {
    %c0_i32 = arith.constant 0 : i32
    %c0_i32_0 = arith.constant 0 : i32
    return %arg0, %c0_i32 : i32, i32
  }
}

module attributes {stable_mosaic.version = 14 : i64} {
  func.func @_hop_body(%arg0: i32, %arg1: memref<2x2000x128xf32, #tpu.memory_space<vmem>>, %arg2: memref<2000x1xf32, #tpu.memory_space<vmem>>, %arg3: memref<2000x128xf32, #tpu.memory_space<vmem>>, %arg4: memref<2000x128xf32, #tpu.memory_space<vmem>>, %arg5: memref<2000x1xf32, #tpu.memory_space<vmem>>, %arg6: memref<2000x128xf32, #tpu.memory_space<vmem>>, %arg7: memref<128x128xf32, #tpu.memory_space<vmem>>, %arg8: memref<128x384xf32, #tpu.memory_space<vmem>>, %arg9: memref<128x384xf32, #tpu.memory_space<vmem>>, %arg10: memref<1x384xf32, #tpu.memory_space<vmem>>, %arg11: memref<1x384xf32, #tpu.memory_space<vmem>>, %arg12: memref<2000x128xf32, #tpu.memory_space<vmem>>, %arg13: memref<2000x128xf32, #tpu.memory_space<vmem>>) attributes {dimension_semantics = [#tpu.dimension_semantics<arbitrary>], iteration_bounds = array<i64: 5>, scalar_prefetch = 0 : i64, scratch_operands = 0 : i64, tpu.core_type = #tpu.core_type<tc>, window_params = [{transform_indices = @transform_0, window_bounds = array<i64: 2, 2000, 128>}, {transform_indices = @transform_1, window_bounds = array<i64: 2000, 1>}, {transform_indices = @transform_2, window_bounds = array<i64: 2000, 128>}, {transform_indices = @transform_3, window_bounds = array<i64: 2000, 128>}, {transform_indices = @transform_4, window_bounds = array<i64: 2000, 1>}, {transform_indices = @transform_5, window_bounds = array<i64: 2000, 128>}, {pipeline_mode = #tpu.pipeline_mode<synchronous>, transform_indices = @transform_6, window_bounds = array<i64: 128, 128>}, {pipeline_mode = #tpu.pipeline_mode<synchronous>, transform_indices = @transform_7, window_bounds = array<i64: 128, 384>}, {pipeline_mode = #tpu.pipeline_mode<synchronous>, transform_indices = @transform_8, window_bounds = array<i64: 128, 384>}, {pipeline_mode = #tpu.pipeline_mode<synchronous>, transform_indices = @transform_9, window_bounds = array<i64: 1, 384>}, {pipeline_mode = #tpu.pipeline_mode<synchronous>, transform_indices = @transform_10, window_bounds = array<i64: 1, 384>}, {transform_indices = @transform_11, window_bounds = array<i64: 2000, 128>}, {transform_indices = @transform_12, window_bounds = array<i64: 2000, 128>}]} {
    %get3A = arith.constant 0 : index
    %get3A_0 = arith.constant 0 : index
    %get3A_1 = arith.constant 0 : index
    %get3A_2 = vector.load %arg1[%get3A, %get3A_0, %get3A_1] : memref<2x2000x128xf32, #tpu.memory_space<vmem>>, vector<1x2000x128xf32>
    %get3A_3 = vector.shape_cast %get3A_2 : vector<1x2000x128xf32> to vector<2000x128xf32>
    %get3A_4 = arith.constant 1 : index
    %get3A_5 = arith.constant 0 : index
    %get3A_6 = arith.constant 0 : index
    %get3A_7 = vector.load %arg1[%get3A_4, %get3A_5, %get3A_6] : memref<2x2000x128xf32, #tpu.memory_space<vmem>>, vector<1x2000x128xf32>
    %get3A_8 = vector.shape_cast %get3A_7 : vector<1x2000x128xf32> to vector<2000x128xf32>
    %add3A = arith.addf %get3A_3, %get3A_8 : vector<2000x128xf32>
    %get3A_9 = arith.constant 0 : index
    %get3A_10 = arith.constant 0 : index
    %get3A_11 = vector.load %arg2[%get3A_9, %get3A_10] : memref<2000x1xf32, #tpu.memory_space<vmem>>, vector<2000x1xf32>
    %mul3A = vector.broadcast %get3A_11 : vector<2000x1xf32> to vector<2000x128xf32>
    %mul3A_12 = arith.mulf %add3A, %mul3A : vector<2000x128xf32>
    %get3A_13 = arith.constant 0 : index
    %get3A_14 = arith.constant 0 : index
    %get3A_15 = vector.load %arg7[%get3A_13, %get3A_14] : memref<128x128xf32, #tpu.memory_space<vmem>>, vector<128x128xf32>
    %dot_general3A = arith.constant dense<0.000000e+00> : vector<2000x128xf32>
    %dot_general3A_16 = tpu.matmul %mul3A_12, %get3A_15, %dot_general3A {dimension_numbers = #tpu.dot_dimension_numbers<[1], [0], [0], [1], [0, 0, 1, 1], [], []>, transpose_lhs_hint = false} : vector<2000x128xf32>, vector<128x128xf32>, vector<2000x128xf32> -> vector<2000x128xf32>
    %max3A = arith.constant 0.000000e+00 : f32
    %max3A_17 = vector.broadcast %max3A : f32 to vector<2000x128xf32>
    %max3A_18 = arith.maximumf %dot_general3A_16, %max3A_17 : vector<2000x128xf32>
    %get3A_19 = arith.constant 0 : index
    %get3A_20 = arith.constant 0 : index
    %get3A_21 = vector.load %arg8[%get3A_19, %get3A_20] : memref<128x384xf32, #tpu.memory_space<vmem>>, vector<128x384xf32>
    %dot_general3A_22 = arith.constant dense<0.000000e+00> : vector<2000x384xf32>
    %dot_general3A_23 = tpu.matmul %max3A_18, %get3A_21, %dot_general3A_22 {dimension_numbers = #tpu.dot_dimension_numbers<[1], [0], [0], [1], [0, 0, 1, 1], [], []>, transpose_lhs_hint = false} : vector<2000x128xf32>, vector<128x384xf32>, vector<2000x384xf32> -> vector<2000x384xf32>
    %get3A_24 = arith.constant 0 : index
    %get3A_25 = arith.constant 0 : index
    %get3A_26 = vector.load %arg10[%get3A_24, %get3A_25] : memref<1x384xf32, #tpu.memory_space<vmem>>, vector<1x384xf32>
    %add3A_27 = vector.broadcast %get3A_26 : vector<1x384xf32> to vector<2000x384xf32>
    %add3A_28 = arith.addf %dot_general3A_23, %add3A_27 : vector<2000x384xf32>
    %get3A_29 = arith.constant 0 : index
    %get3A_30 = arith.constant 0 : index
    %get3A_31 = vector.load %arg3[%get3A_29, %get3A_30] : memref<2000x128xf32, #tpu.memory_space<vmem>>, vector<2000x128xf32>
    %get3A_32 = arith.constant 0 : index
    %get3A_33 = arith.constant 0 : index
    %get3A_34 = vector.load %arg9[%get3A_32, %get3A_33] : memref<128x384xf32, #tpu.memory_space<vmem>>, vector<128x384xf32>
    %dot_general3A_35 = arith.constant dense<0.000000e+00> : vector<2000x384xf32>
    %dot_general3A_36 = tpu.matmul %get3A_31, %get3A_34, %dot_general3A_35 {dimension_numbers = #tpu.dot_dimension_numbers<[1], [0], [0], [1], [0, 0, 1, 1], [], []>, transpose_lhs_hint = false} : vector<2000x128xf32>, vector<128x384xf32>, vector<2000x384xf32> -> vector<2000x384xf32>
    %get3A_37 = arith.constant 0 : index
    %get3A_38 = arith.constant 0 : index
    %get3A_39 = vector.load %arg11[%get3A_37, %get3A_38] : memref<1x384xf32, #tpu.memory_space<vmem>>, vector<1x384xf32>
    %add3A_40 = vector.broadcast %get3A_39 : vector<1x384xf32> to vector<2000x384xf32>
    %add3A_41 = arith.addf %dot_general3A_36, %add3A_40 : vector<2000x384xf32>
    %slice3A = vector.extract_strided_slice %add3A_28 {offsets = [0, 0], sizes = [2000, 128], strides = [1, 1]} : vector<2000x384xf32> to vector<2000x128xf32>
    %slice3A_42 = vector.extract_strided_slice %add3A_41 {offsets = [0, 0], sizes = [2000, 128], strides = [1, 1]} : vector<2000x384xf32> to vector<2000x128xf32>
    %add3A_43 = arith.addf %slice3A, %slice3A_42 : vector<2000x128xf32>
    %logistic3A = arith.negf %add3A_43 : vector<2000x128xf32>
    %logistic3A_44 = math.exp %logistic3A : vector<2000x128xf32>
    %logistic3A_45 = arith.constant 1.000000e+00 : f32
    %logistic3A_46 = vector.broadcast %logistic3A_45 : f32 to vector<2000x128xf32>
    %logistic3A_47 = arith.addf %logistic3A_46, %logistic3A_44 : vector<2000x128xf32>
    %logistic3A_48 = arith.divf %logistic3A_46, %logistic3A_47 : vector<2000x128xf32>
    %slice3A_49 = vector.extract_strided_slice %add3A_28 {offsets = [0, 128], sizes = [2000, 128], strides = [1, 1]} : vector<2000x384xf32> to vector<2000x128xf32>
    %slice3A_50 = vector.extract_strided_slice %add3A_41 {offsets = [0, 128], sizes = [2000, 128], strides = [1, 1]} : vector<2000x384xf32> to vector<2000x128xf32>
    %add3A_51 = arith.addf %slice3A_49, %slice3A_50 : vector<2000x128xf32>
    %logistic3A_52 = arith.negf %add3A_51 : vector<2000x128xf32>
    %logistic3A_53 = math.exp %logistic3A_52 : vector<2000x128xf32>
    %logistic3A_54 = arith.constant 1.000000e+00 : f32
    %logistic3A_55 = vector.broadcast %logistic3A_54 : f32 to vector<2000x128xf32>
    %logistic3A_56 = arith.addf %logistic3A_55, %logistic3A_53 : vector<2000x128xf32>
    %logistic3A_57 = arith.divf %logistic3A_55, %logistic3A_56 : vector<2000x128xf32>
    %slice3A_58 = vector.extract_strided_slice %add3A_28 {offsets = [0, 256], sizes = [2000, 128], strides = [1, 1]} : vector<2000x384xf32> to vector<2000x128xf32>
    %slice3A_59 = vector.extract_strided_slice %add3A_41 {offsets = [0, 256], sizes = [2000, 128], strides = [1, 1]} : vector<2000x384xf32> to vector<2000x128xf32>
    %mul3A_60 = arith.mulf %logistic3A_48, %slice3A_59 : vector<2000x128xf32>
    %add3A_61 = arith.addf %slice3A_58, %mul3A_60 : vector<2000x128xf32>
    %tanh3A = math.tanh %add3A_61 : vector<2000x128xf32>
    %sub3A = arith.constant 1.000000e+00 : f32
    %sub3A_62 = vector.broadcast %sub3A : f32 to vector<2000x128xf32>
    %sub3A_63 = arith.subf %sub3A_62, %logistic3A_57 : vector<2000x128xf32>
    %mul3A_64 = arith.mulf %sub3A_63, %tanh3A : vector<2000x128xf32>
    %mul3A_65 = arith.mulf %logistic3A_57, %get3A_31 : vector<2000x128xf32>
    %add3A_66 = arith.addf %mul3A_64, %mul3A_65 : vector<2000x128xf32>
    %get3A_67 = arith.constant 0 : index
    %get3A_68 = arith.constant 0 : index
    %get3A_69 = vector.load %arg4[%get3A_67, %get3A_68] : memref<2000x128xf32, #tpu.memory_space<vmem>>, vector<2000x128xf32>
    %add3A_70 = arith.addf %add3A_66, %get3A_69 : vector<2000x128xf32>
    %swap3A = arith.constant 0 : index
    %swap3A_71 = arith.constant 0 : index
    %swap3A_72 = vector.load %arg12[%swap3A, %swap3A_71] : memref<2000x128xf32, #tpu.memory_space<vmem>>, vector<2000x128xf32>
    tpu.vector_store %arg12[%swap3A, %swap3A_71], %add3A_70 {strides = array<i32>} : memref<2000x128xf32, #tpu.memory_space<vmem>>, vector<2000x128xf32>,
    %get3A_73 = arith.constant 0 : index
    %get3A_74 = arith.constant 0 : index
    %get3A_75 = vector.load %arg6[%get3A_73, %get3A_74] : memref<2000x128xf32, #tpu.memory_space<vmem>>, vector<2000x128xf32>
    %get3A_76 = arith.constant 0 : index
    %get3A_77 = arith.constant 0 : index
    %get3A_78 = vector.load %arg5[%get3A_76, %get3A_77] : memref<2000x1xf32, #tpu.memory_space<vmem>>, vector<2000x1xf32>
    %mul3A_79 = vector.broadcast %get3A_78 : vector<2000x1xf32> to vector<2000x128xf32>
    %mul3A_80 = arith.mulf %mul3A_79, %add3A_70 : vector<2000x128xf32>
    %add3A_81 = arith.addf %get3A_75, %mul3A_80 : vector<2000x128xf32>
    %swap3A_82 = arith.constant 0 : index
    %swap3A_83 = arith.constant 0 : index
    %swap3A_84 = vector.load %arg13[%swap3A_82, %swap3A_83] : memref<2000x128xf32, #tpu.memory_space<vmem>>, vector<2000x128xf32>
    tpu.vector_store %arg13[%swap3A_82, %swap3A_83], %add3A_81 {strides = array<i32>} : memref<2000x128xf32, #tpu.memory_space<vmem>>, vector<2000x128xf32>,
    return
  }
  func.func @transform_0(%arg0: i32) -> (i32, i32, i32) {
    %c0_i32 = arith.constant 0 : i32
    %c0_i32_0 = arith.constant 0 : i32
    %c0_i32_1 = arith.constant 0 : i32
    return %c0_i32, %arg0, %c0_i32_0 : i32, i32, i32
  }
  func.func @transform_1(%arg0: i32) -> (i32, i32) {
    %c0_i32 = arith.constant 0 : i32
    %c0_i32_0 = arith.constant 0 : i32
    return %arg0, %c0_i32 : i32, i32
  }
  func.func @transform_2(%arg0: i32) -> (i32, i32) {
    %c0_i32 = arith.constant 0 : i32
    %c0_i32_0 = arith.constant 0 : i32
    return %arg0, %c0_i32 : i32, i32
  }
  func.func @transform_3(%arg0: i32) -> (i32, i32) {
    %c0_i32 = arith.constant 0 : i32
    %c0_i32_0 = arith.constant 0 : i32
    return %arg0, %c0_i32 : i32, i32
  }
  func.func @transform_4(%arg0: i32) -> (i32, i32) {
    %c0_i32 = arith.constant 0 : i32
    %c0_i32_0 = arith.constant 0 : i32
    return %arg0, %c0_i32 : i32, i32
  }
  func.func @transform_5(%arg0: i32) -> (i32, i32) {
    %c0_i32 = arith.constant 0 : i32
    %c0_i32_0 = arith.constant 0 : i32
    return %arg0, %c0_i32 : i32, i32
  }
  func.func @transform_6(%arg0: i32) -> (i32, i32) {
    %c0_i32 = arith.constant 0 : i32
    %c0_i32_0 = arith.constant 0 : i32
    %c0_i32_1 = arith.constant 0 : i32
    return %c0_i32, %c0_i32_0 : i32, i32
  }
  func.func @transform_7(%arg0: i32) -> (i32, i32) {
    %c0_i32 = arith.constant 0 : i32
    %c0_i32_0 = arith.constant 0 : i32
    %c0_i32_1 = arith.constant 0 : i32
    return %c0_i32, %c0_i32_0 : i32, i32
  }
  func.func @transform_8(%arg0: i32) -> (i32, i32) {
    %c0_i32 = arith.constant 0 : i32
    %c0_i32_0 = arith.constant 0 : i32
    %c0_i32_1 = arith.constant 0 : i32
    return %c0_i32, %c0_i32_0 : i32, i32
  }
  func.func @transform_9(%arg0: i32) -> (i32, i32) {
    %c0_i32 = arith.constant 0 : i32
    %c0_i32_0 = arith.constant 0 : i32
    %c0_i32_1 = arith.constant 0 : i32
    return %c0_i32, %c0_i32_0 : i32, i32
  }
  func.func @transform_10(%arg0: i32) -> (i32, i32) {
    %c0_i32 = arith.constant 0 : i32
    %c0_i32_0 = arith.constant 0 : i32
    %c0_i32_1 = arith.constant 0 : i32
    return %c0_i32, %c0_i32_0 : i32, i32
  }
  func.func @transform_11(%arg0: i32) -> (i32, i32) {
    %c0_i32 = arith.constant 0 : i32
    %c0_i32_0 = arith.constant 0 : i32
    return %arg0, %c0_i32 : i32, i32
  }
  func.func @transform_12(%arg0: i32) -> (i32, i32) {
    %c0_i32 = arith.constant 0 : i32
    %c0_i32_0 = arith.constant 0 : i32
    return %arg0, %c0_i32 : i32, i32
  }
}

</mosaic_0001>

<sc_bundles>
// kernel: kernel.12.cloned.1.call-start
scs
__scs_entry_jumppad:
0x0: {  	(pc) =	sbr.rel $0x88, $3  }
0x1: {  	(tag) =	ssettag $0x0;
	lr =	simm.s32 $0x1  }
0x2: {  	[smem:$0x3F94] =	sst lr;
	_ =	strace $0xD0000000  }
0x3: {  	_ = 	snop  }
0x4: {  	_ = 	snop  }
0x5: {  	_ = 	snop  }
0x6: {  	_ = 	snop  }
0x7: {  	_ = 	snop  }
__scs_overlays_trampoline_lowered:
0x8: {  	[smem:$0x3FA3] =	sst s0  }
0x9: {  	[smem:$0x3FA4] =	sst s1  }
0xa: {  	[smem:$0x3FA5] =	sst s2  }
0xb: {  	[smem:$0x3FA6] =	sst s3  }
0xc: {  	[smem:$0x3FA7] =	sst s4  }
0xd: {  	[smem:$0x3FA8] =	sst s5  }
0xe: {  	[smem:$0x3FA9] =	sst s6  }
0xf: {  	[smem:$0x3FAA] =	sst s7  }
0x10: {  	[smem:$0x3FAB] =	sst s8  }
0x11: {  	[smem:$0x3FAC] =	sst s9;
	s0 =	simm.s32 @!p0 $0x0  }
0x12: {  	s1 =	sld [smem:$0x3F92];
	s0 =	simm.s32 @p0 $0x1  }
0x13: {  	[smem:$0x3FAD] =	sst s0;
	s0 =	simm.s32 @!p1 $0x0  }
0x14: {  	s2 =	sld [smem:$0x3F91];
	s0 =	simm.s32 @p1 $0x1  }
0x15: {  	[smem:$0x3FAE] =	sst s0;
	s0 =	simm.s32 @!p2 $0x0  }
0x16: {  	s3 =	sld [smem:$0x3FDB];
	s0 =	simm.s32 @p2 $0x1  }
0x17: {  	s4 =	simm.s32 $0x1BF5;
	[smem:$0x3FB0] =	sst s0  }
0x18: {  	s0 =	sld [smem:$0x3F93];
	_ =	swait.ge [sflag:s4], $0x0  }
0x19: {  	s7 =	sld [smem:$0x3F94]  }
0x1a: {  	s8 =	sadd.s32 $0xFFFFE003, lr  }
0x1b: {  	s9 =	sadd.s32 $0xFFFFFEF7, lr;
	s5 =	simm.s32 $0xFFFFFFFF;
	p2 =	slt.u32 s8, $0xFFFFF086  }
0x1c: {  	p1 =	slt.u32 s9, $0xF7A;
	s5 =	simm.s32 @!p2 $0x0  }
0x1d: {  	s5 =	simm.s32 @p1 $0x1;
	p0 =	seq.s32 s7, s2  }
0x1e: {  	s7 =	smul.u32 @!p0 $0xF7A, s2;
	p2 =	seq.s32 @!p0 s5, $0x0  }
0x1f: {  	s9 =	smul.u32 $0xF7A, s1;
	s8 =	simm.s32 @!p0 $0x1BF5;
	p2 =	por !p2, p0  }
0x20: {  	[sflag:s8] =	ssyncset.s32 @!p0 $0xFFFFF086;
	s6 =	sadd.s32 @!p0 s3, s7;
	s7 =	simm.s32 @!p0 $0x108  }
0x21: {  	s3 =	sadd.s32 s3, s9;
	s6 =	sadd.s32 @!p0 $0x88, s6;
	s7 =	simm.s32 @p2 $0x1082  }
0x22: {  	[simem:s7], [sflag:s8] =	dma.local @!p0 [hbm:s6], $0xF7A  }
0x23: {  	s9 =	sor.u32 $0xD0000000, s2;
	s6 =	simm.s32 $0x108;
	_ =	swait.ge @!p0 [sflag:s8], $0x0  }
0x24: {  	s3 =	sadd.s32 $0x88, s3;
	s6 =	simm.s32 @!p1 $0x1082;
	[sflag:s4] =	ssyncset.s32 $0xFFFFF086  }
0x25: {  	[simem:s6], [sflag:s4] =	dma.local [hbm:s3], $0xF7A  }
0x26: {  	[smem:$0x3F94] =	sst s1;
	(tag) =	ssettag s2;
	_ =	strace s9  }
0x27: {  	s1 =	sld [smem:$0x3FA4]  }
0x28: {  	s2 =	sld [smem:$0x3FA5]  }
0x29: {  	s4 =	sld [smem:$0x3FA7]  }
0x2a: {  	p0 =	seq.s32 s5, $0x0;
	s5 =	sld [smem:$0x3FA8]  }
0x2b: {  	s6 =	sld [smem:$0x3FA9]  }
0x2c: {  	s7 =	sld [smem:$0x3FAA]  }
0x2d: {  	s3 =	simm.s32 $0x108;
	s8 =	sld [smem:$0x3FAB]  }
0x2e: {  	s3 =	simm.s32 @!p0 $0x1082;
	s9 =	sld [smem:$0x3FAC]  }
0x2f: {  	lr =	sadd.s32 s0, s3;
	s0 =	sld [smem:$0x3FA3]  }
0x30: {  	s3 =	sld [smem:$0x3FA6]  }
0x31: {  	[smem:$0x3FAF] =	sst s10  }
0x32: {  	s10 =	sld [smem:$0x3FAD];
	_ =	sdelay $0x3  }
0x33: {  	p0 =	seq.s32 s10, $0x1;
	s10 =	sld [smem:$0x3FAF];
	_ =	sdelay $0x3  }
0x34: {  	[smem:$0x3FAF] =	sst s10  }
0x35: {  	s10 =	sld [smem:$0x3FAE];
	_ =	sdelay $0x3  }
0x36: {  	p1 =	seq.s32 s10, $0x1;
	s10 =	sld [smem:$0x3FAF];
	_ =	sdelay $0x3  }
0x37: {  	[smem:$0x3FAF] =	sst s10  }
0x38: {  	s10 =	sld [smem:$0x3FB0]  }
0x39: {  	_ = 	snop;
	(pc) =	sbr.ind lr, $3  }
0x3a: {  	_ = 	snop  }
0x3b: {  	_ = 	snop  }
0x3c: {  	p2 =	seq.s32 s10, $0x1;
	s10 =	sld [smem:$0x3FAF]  }
0x3d: {  	_ =	shalt  }
0x3e: {  	_ =	shalt  }
0x3f: {  	_ =	shalt  }
0x40: {  	_ =	shalt  }
0x41: {  	_ =	shalt  }
0x42: {  	_ =	shalt  }
0x43: {  	_ =	shalt  }
0x44: {  	_ =	shalt  }
0x45: {  	_ =	shalt  }
0x46: {  	_ =	shalt  }
0x47: {  	_ =	shalt  }
0x48: {  	_ =	shalt  }
0x49: {  	_ =	shalt  }
0x4a: {  	_ =	shalt  }
0x4b: {  	_ =	shalt  }
0x4c: {  	_ =	shalt  }
0x4d: {  	_ =	shalt  }
0x4e: {  	_ =	shalt  }
0x4f: {  	_ =	shalt  }
0x50: {  	_ =	shalt  }
0x51: {  	_ =	shalt  }
0x52: {  	_ =	shalt  }
0x53: {  	_ =	shalt  }
0x54: {  	_ =	shalt  }
0x55: {  	_ =	shalt  }
0x56: {  	_ =	shalt  }
0x57: {  	_ =	shalt  }
0x58: {  	_ =	shalt  }
0x59: {  	_ =	shalt  }
0x5a: {  	_ =	shalt  }
0x5b: {  	_ =	shalt  }
0x5c: {  	_ =	shalt  }
0x5d: {  	_ =	shalt  }
0x5e: {  	_ =	shalt  }
0x5f: {  	_ =	shalt  }
0x60: {  	_ =	shalt  }
0x61: {  	_ =	shalt  }
0x62: {  	_ =	shalt  }
0x63: {  	_ =	shalt  }
0x64: {  	_ =	shalt  }
0x65: {  	_ =	shalt  }
0x66: {  	_ =	shalt  }
0x67: {  	_ =	shalt  }
0x68: {  	_ =	shalt  }
0x69: {  	_ =	shalt  }
0x6a: {  	_ =	shalt  }
0x6b: {  	_ =	shalt  }
0x6c: {  	_ =	shalt  }
0x6d: {  	_ =	shalt  }
0x6e: {  	_ =	shalt  }
0x6f: {  	_ =	shalt  }
0x70: {  	_ =	shalt  }
0x71: {  	_ =	shalt  }
0x72: {  	_ =	shalt  }
0x73: {  	_ =	shalt  }
0x74: {  	_ =	shalt  }
0x75: {  	_ =	shalt  }
0x76: {  	_ =	shalt  }
0x77: {  	_ =	shalt  }
0x78: {  	_ =	shalt  }
0x79: {  	_ =	shalt  }
0x7a: {  	_ =	shalt  }
0x7b: {  	_ =	shalt  }
0x7c: {  	_ =	shalt  }
0x7d: {  	_ =	shalt  }
0x7e: {  	_ =	shalt  }
0x7f: {  	_ =	shalt  }
0x80: {  	_ =	shalt  }
0x81: {  	_ =	shalt  }
0x82: {  	_ =	shalt  }
0x83: {  	_ =	shalt  }
0x84: {  	_ =	shalt  }
0x85: {  	_ =	shalt  }
0x86: {  	_ =	shalt  }
0x87: {  	_ =	shalt  }
.Lfunc_end0:
.L_simem_size_0:
called_computation.1_lowered:
.L_overlay_start_0:
0x88: {  	s2 =	sld [smem:$0x3FD9]  }
0x89: {  	s3 =	sld [smem:$0x3FFE];
	_ =	sdelay $0x1  }
0x8a: {  	s1 =	srdreg.scid  }
0x8b: {  	s0 =	sand.u32 $0x1, s1  }
0x8c: {  	s17 =	sshll.u32 s0, $0xA;
	s2 =	sadd.s32 s3, s2  }
0x8d: {  	s2 =	sadd.s32 s2, s17  }
0x8e: {  	[smem:$0x3FBB] =	sst s2  }
0x8f: {  	_ = 	snop  }
0x90: {  	s2 =	sld [smem:$0x3FC9]  }
0x91: {  	s18 =	sld [smem:$0x3FD0];
	(tm) =	ssettm $0x1  }
0x92: {  	s4 =	sld [smem:$0x3FFB];
	_ =	sdelay $0x3  }
0x93: {  	_ =	strace s4  }
0x94: {  	s4 =	sld [smem:$0x3FFC];
	_ =	sdelay $0x3  }
0x95: {  	_ =	strace s4  }
0x96: {  	s4 =	sld [smem:$0x3FFD];
	_ =	sdelay $0x3  }
0x97: {  	_ =	strace s4  }
0x98: {  	_ =	strace $0x8FFFFFFF  }
0x99: {  	s19 =	sld [smem:$0x3FDB];
	_ =	sdelay $0x1  }
0x9a: {  	s5 =	simm.s32 $_scs_section_size  }
0x9b: {  	s6 =	simm.s32 $_size__tile_overlayer_lowered;
	s7 =	simm.s32 $_tile_overlayer_lowered  }
0x9c: {  	s22 =	simm.s32 $0x1BFF;
	s21 =	sshll.u32 s7, $0x1;
	s4 =	sadd.s32 s5, s19  }
0x9d: {  	s8 =	simm.s32 $0x0;
	s20 =	sshll.u32 s6, $0x1;
	s6 =	sadd.s32 s21, s4  }
0x9e: {  	[timem:s8], [sflag:s22] =	dma.local [hbm:s6], s20  }
0x9f: {  	_ =	swait.ge [sflag:s22], s20  }
0xa0: {  	s5 =	ssub.s32 $0x0, s20;
	[sflag:s22] =	ssyncset.done $0x0  }
0xa1: {  	[sflag:s22] =	ssyncadd.s32 s5;
	_ =	sdelay $0x1  }
0xa2: {  	s23 =	simm.s32 $0x1B8B  }
0xa3: {  	_ =	swait.ge [sflag:s23], $0x1  }
0xa4: {  	[sflag:s23] =	ssyncset.done $0x0  }
0xa5: {  	s25 =	simm.s32 $0x1B8E;
	s24 =	sld [smem:$0x3FFE];
	[sflag:s23] =	ssyncadd.s32 $0xFFFFFFFF  }
0xa6: {  	s26 =	simm.s32 $execute0_lowered;
	[smem:$0x3FD2] =	sst s25  }
0xa7: {  	s6 =	sshll.u32 s26, $0x1;
	_ =	strace $0x80000049;
	[dreg:$0x1] =	wrdreg $0xFFFFFFFF  }
0xa8: {  	s28 =	simm.s32 $_size_execute0_lowered;
	s4 =	sadd.s32 s4, s6;
	[dreg:$0x0] =	wrdreg $0x0  }
0xa9: {  	s6 =	sshll.u32 s28, $0x1;
	[dreg:$0x2] =	wrdreg s4  }
0xaa: {  	[dreg:$0x3] =	wrdreg s6  }
0xab: {  	[dreg:$0x4] =	wrdreg $0xC0  }
0xac: {  	_ =	task [dreg:s8], $0x5FFFF  }
0xad: {  	[dreg:$0x1] =	wrdreg $0xFFFFFFFF  }
0xae: {  	[dreg:$0x0] =	wrdreg $0x60  }
0xaf: {  	[dreg:$0x2] =	wrdreg s18  }
0xb0: {  	[dreg:$0x3] =	wrdreg s2  }
0xb1: {  	[dreg:$0x4] =	wrdreg s24  }
0xb2: {  	[dreg:$0x5] =	wrdreg $0xC3000  }
0xb3: {  	[dreg:$0x6] =	wrdreg $0x9  }
0xb4: {  	_ =	task.clear_ibuf [dreg:s8], $0x7FFFF;
	_ =	strace $0x90000049  }
0xb5: {  	s29 =	simm.s32 $0x9;
	_ =	strace $0x8000004B  }
0xb6: {  	_ =	swait.ge [sflag:s29], $0x1  }
0xb7: {  	[sflag:s29] =	ssyncadd.s32 $0xFFFFFFFF  }
0xb8: {  	_ =	strace $0x9000004B  }
0xb9: {  	_ =	sfence  }
0xba: {  	s30 =	sld [smem:$0x0];
	_ =	sdelay $0x2  }
0xbb: {  	s31 =	sshll.u32 s1, $0xD;
	s1 =	sshrl.u32 s1, $0x2  }
0xbc: {  	s3 =	sand.u32 $0x4000, s31;
	s1 =	sadd.s32 s1, s30  }
0xbd: {  	s0 =	sor.u32 s3, s0;
	s1 =	sshll.u32 s1, $0x11  }
0xbe: {  	s0 =	sor.u32 s1, s0  }
0xbf: {  	s0 =	sadd.s32 $0x8F2B, s0  }
0xc0: {  	[sflag:s0] =	ssyncadd.remote.s32 $0x1  }
0xc1: {  	_ =	sfence.sel $0xFFFF  }
0xc2: {  	[dreg:$0x0] =	wrdreg $0xFFFFFFFF;
	(pc) =	sbr.abs _section_cstart, $3  }
0xc3: {  	[dreg:$0x1] =	wrdreg $0xFFFFFFFF  }
0xc4: {  	_ =	task.clear_ibuf [dreg:s8], $0x2FFFF;
	_ =	strace $0x9FFFFFFF  }
0xc5: {  	(tm) =	ssettm $0x7FFFFFFF  }
tec
execute0_lowered:
.L_overlay_start_1:
0x0: {  	(tag) =	ssettag $0x1  }
0x1: {  	s1 =	rddreg [dreg:$0x0]  }
0x2: {  	s0 =	rddreg [dreg:$0x1]  }
0x3: {  	s2 =	rddreg [dreg:$0x2]  }
0x4: {  	s3 =	rddreg [dreg:$0x3];
	s4 =	simm.s32 $0x0;
	s5 =	srdreg.scid  }
0x5: {  	s20 =	stileid.u32;
	s30 =	simm.s32 $0x5;
	s31 =	simm.s32 $0x4000  }
0x6: {  	[smem:$0x7FF] =	sst s4;
	s5 =	sand.u32 $0x1, s5;
	s10 =	smul.u32 $0x4F000, s20  }
0x7: {  	s7 =	sshll.u32 s20, $0x1;
	s6 =	sadd.s32 $0x5400, s2;
	s24 =	smul.u32 $0x13C00, s20  }
0x8: {  	s2 =	sadd.s32 $0x53E00, s2;
	_ =	strace $0x8000004A;
	[dreg:$0x8] =	wrdreg s6  }
0x9: {  	s6 =	sor.u32 s5, s7;
	s8 =	ssub.s32 $0x2, s5;
	s13 =	ssub.s32 $0x9C4, s7  }
0xa: {  	s14 =	ssub.s32 $0x984, s7;
	s18 =	smul.u32 $0x13C000, s5;
	s7 =	ssub.s32 $0x9A4, s7  }
0xb: {  	s5 =	sshll.u32 s5, $0x5;
	s9 =	sshll.u32 s6, $0x5;
	s11 =	sshrl.u32 s8, $0x1  }
0xc: {  	s10 =	sshrl.u32 s10, $0x2;
	s15 =	sadd.s32 $0x4000, s24;
	[dreg:$0x5] =	wrdreg s13  }
0xd: {  	s16 =	sadd.s32 $0x8000, s24;
	s17 =	sadd.s32 $0xC000, s24;
	[dreg:$0x6] =	wrdreg s14  }
0xe: {  	s19 =	sadd.s32 $0x10000, s24;
	[dreg:$0x7] =	wrdreg s7;
	s12 =	sadd.s32 s0, s9  }
0xf: {  	s8 =	ssub.s32 s8, s11;
	s10 =	sadd.s32 s10, s3;
	s11 =	sadd.s32 s15, s3  }
0x10: {  	s13 =	sadd.s32 s17, s3;
	s14 =	sadd.s32 s19, s3;
	s9 =	sadd.s32 s24, s18  }
0x11: {  	s29 =	sadd.s32 s18, s15;
	s21 =	sadd.s32 s18, s16;
	s23 =	sadd.s32 s18, s17  }
0x12: {  	s25 =	sadd.s32 $0x400, s12;
	[dreg:$0x9] =	wrdreg s12;
	s26 =	sadd.s32 $0x800, s12  }
0x13: {  	s12 =	sadd.s32 s16, s3;
	s28 =	sshrl.u32 s9, $0x3;
	s15 =	sshrl.u32 s29, $0x3  }
0x14: {  	s22 =	sshrl.u32 s21, $0x3;
	s24 =	sshrl.u32 s23, $0x3;
	[dreg:$0xa] =	wrdreg s25  }
0x15: {  	s29 =	smax.u32 s8, $0x1;
	[dreg:$0xb] =	wrdreg s26;
	s7 =	sadd.s32 s2, s28  }
0x16: {  	s25 =	sshll.u32 s20, $0x6;
	s26 =	sadd.s32 s18, s19;
	[dreg:$0x11] =	wrdreg s29  }
0x17: {  	[dreg:$0xc] =	wrdreg s7;
	s7 =	sadd.s32 s2, s15;
	s0 =	sadd.s32 s25, s0  }
0x18: {  	s28 =	sshrl.u32 s26, $0x3;
	s25 =	simm.s32 $0x8000;
	s26 =	simm.s32 $0x7  }
0x19: {  	[dreg:$0xd] =	wrdreg s7;
	s7 =	sadd.s32 s2, s22;
	s0 =	sadd.s32 s5, s0  }
0x1a: {  	[dreg:$0xe] =	wrdreg s7;
	s7 =	sadd.s32 s2, s24;
	s2 =	sadd.s32 s2, s28  }
0x1b: {  	s21 =	sadd.s32 $0x1400, s0;
	s0 =	simm.s32 $0x1;
	[dreg:$0xf] =	wrdreg s7  }
0x1c: {  	s24 =	simm.s32 $0x0;
	[dreg:$0x10] =	wrdreg s2;
	s2 =	simm.s32 $0x2  }
.LBB2_1:
0x1d: {  	s5 =	rddreg [dreg:$0x9];
	s7 =	simm.s32 $0xC000  }
0x1e: {  	[tilespmem:s7], [sflag:$0x4] =	stream.linear.gather [hbm4b:s5+s4], $0x100, $0x38;
	[tilespmem:$0x1FF00] =	vst v63  }
0x1f: {  	s9 =	rddreg [dreg:$0xa];
	s8 =	simm.s32 $0xC100  }
0x20: {  	[tilespmem:s8], [sflag:$0x5] =	stream.linear.gather [hbm4b:s9+s4], $0x100, $0x38;
	[tilespmem:$0x1FF00] =	vst v63  }
0x21: {  	s15 =	rddreg [dreg:$0xb];
	s9 =	simm.s32 $0xC200  }
0x22: {  	[tilespmem:s9], [sflag:$0x6] =	stream.linear.gather [hbm4b:s15+s4], $0x100, $0x38;
	[tilespmem:$0x1FF00] =	vst v63  }
0x23: {  	s16 =	rddreg [dreg:$0x8]  }
0x24: {  	[tilespmem:s25], [sflag:$0x7] =	stream.linear.gather [hbm4b:s16+s4], $0x4000, $0x38;
	[tilespmem:$0x1FF00] =	vst v63  }
0x25: {  	_ =	swait.ge [sflag:s26], $0x4000  }
0x26: {  	[sflag:s26] =	ssyncset.done $0x0  }
0x27: {  	[sflag:s26] =	ssyncadd.s32 $0xFFFFC000  }
0x28: {  	[spmem:s10] =	stream.linear.scatter [tilespmem:s25], [sflag:$0x7], $0x4000, $0x38;
	[tilespmem:$0x1FF00] =	vst v63  }
0x29: {  	_ =	swait.ge [sflag:s26], $0x4000  }
0x2a: {  	[sflag:s26] =	ssyncset.done $0x0  }
0x2b: {  	[sflag:s26] =	ssyncadd.s32 $0xFFFFC000  }
0x2c: {  	[spmem:s11] =	stream.linear.scatter [tilespmem:s25], [sflag:$0x7], $0x4000, $0x38;
	[tilespmem:$0x1FF00] =	vst v63  }
0x2d: {  	_ =	swait.ge [sflag:s26], $0x4000  }
0x2e: {  	[sflag:s26] =	ssyncset.done $0x0  }
0x2f: {  	[sflag:s26] =	ssyncadd.s32 $0xFFFFC000  }
0x30: {  	[spmem:s12] =	stream.linear.scatter [tilespmem:s25], [sflag:$0x7], $0x4000, $0x38;
	[tilespmem:$0x1FF00] =	vst v63  }
0x31: {  	_ =	swait.ge [sflag:s26], $0x4000  }
0x32: {  	[sflag:s26] =	ssyncset.done $0x0  }
0x33: {  	[sflag:s26] =	ssyncadd.s32 $0xFFFFC000  }
0x34: {  	[spmem:s13] =	stream.linear.scatter [tilespmem:s25], [sflag:$0x7], $0x4000, $0x38;
	[tilespmem:$0x1FF00] =	vst v63  }
0x35: {  	_ =	swait.ge [sflag:s26], $0x4000  }
0x36: {  	[sflag:s26] =	ssyncset.done $0x0  }
0x37: {  	[sflag:s26] =	ssyncadd.s32 $0xFFFFC000  }
0x38: {  	[spmem:s14] =	stream.linear.scatter [tilespmem:s25], [sflag:$0x7], $0x3C00, $0x38;
	[tilespmem:$0x1FF00] =	vst v63  }
0x39: {  	_ =	swait.ge [sflag:s26], $0x3C00  }
0x3a: {  	[sflag:s26] =	ssyncset.done $0x0  }
0x3b: {  	[sflag:s26] =	ssyncadd.s32 $0xFFFFC400  }
0x3c: {  	s17 =	simm.s32 $0x4;
	[bflag:$0x0] =	sbarrier.arrive $0xFFFF  }
0x3d: {  	_ =	swait.ge [sflag:s17], $0x100  }
0x3e: {  	[sflag:s17] =	ssyncset.done $0x0  }
0x3f: {  	s18 =	simm.s32 $0x80;
	[sflag:s17] =	ssyncadd.s32 $0xFFFFFF00  }
0x40: {  	[tilespmem:s4], [sflag:$0x1] =	stream.indirect.gather [hbm4b:s1+s18], $0x80, s7, s18, $0xb8;
	[tilespmem:$0x1FF00] =	vst v63  }
0x41: {  	_ =	swait.ge [sflag:s30], $0x100  }
0x42: {  	[sflag:s30] =	ssyncset.done $0x0;
	s19 =	rddreg [dreg:$0x5]  }
0x43: {  	s20 =	sadd.s32 $0x0, s6;
	[sflag:s30] =	ssyncadd.s32 $0xFFFFFF00;
	p0 =	sle.u32 s19, $0x0  }
0x44: {  	[tilespmem:s31], [sflag:$0x2] =	stream.indirect.gather [hbm4b:s1+s18], $0x80, s8, s18, $0xb8;
	[tilespmem:$0x1FF00] =	vst v63  }
0x45: {  	s17 =	sadd.s32 $0x60, s20;
	s5 =	simm.s32 @!p0 $0x1  }
0x46: {  	p2 =	sgt.u32 s17, $0x9C3;
	_ =	swait.ge @!p0 [sflag:s5], $0x4000  }
0x47: {  	s7 =	simm.s32 @!p0 $0x0;
	s9 =	simm.s32 @!p0 $0x7;
	[sflag:s5] =	ssyncset.done @!p0 $0x0  }
0x48: {  	s15 =	simm.s32 @!p0 $0x80;
	s16 =	simm.s32 @!p0 $0xC080;
	[sflag:s5] =	ssyncadd.s32 @!p0 $0xFFFFC000  }
0x49: {  	[spmem:s3] =	stream.indirect.scatter.add.f32 @!p0 [tilespmem:s7], [sflag:$0x7], $0x80, s16, s15, $0xb8;
	[tilespmem:$0x1FF00] =	vst v63  }
0x4a: {  	s5 =	sadd.s32 @!p2 $0xFFFFF800, s21;
	_ =	swait.ge @!p0 [sflag:s9], $0x4000  }
0x4b: {  	s15 =	simm.s32 @!p2 $0x0;
	[sflag:s9] =	ssyncset.done @!p0 $0x0;
	s22 =	rddreg [dreg:$0x6]  }
0x4c: {  	s16 =	simm.s32 @!p2 $0xC000;
	[sflag:s9] =	ssyncadd.s32 @!p0 $0xFFFFC000;
	p0 =	sle.u32 s22, $0x0  }
0x4d: {  	[tilespmem:s16], [sflag:$0x4] =	stream.linear.gather @!p2 [hbm4b:s5+s15], $0x100, $0x38;
	[tilespmem:$0x1FF00] =	vst v63  }
0x4e: {  	s5 =	simm.s32 @!p0 $0x6  }
0x4f: {  	s9 =	simm.s32 @!p0 $0x8000;
	_ =	swait.ge @!p0 [sflag:s5], $0x100  }
0x50: {  	s17 =	simm.s32 @!p0 $0xC200;
	[sflag:s5] =	ssyncset.done @!p0 $0x0;
	s23 =	rddreg [dreg:$0x7]  }
0x51: {  	[sflag:s5] =	ssyncadd.s32 @!p0 $0xFFFFFF00;
	s5 =	simm.s32 @!p0 $0x80;
	p3 =	sle.u32 s23, $0x0  }
0x52: {  	[tilespmem:s9], [sflag:$0x3] =	stream.indirect.gather @!p0 [hbm4b:s1+s5], $0x80, s17, s5, $0xb8;
	[tilespmem:$0x1FF00] =	vst v63  }
0x53: {  	s7 =	simm.s32 @!p3 $0x2  }
0x54: {  	_ =	swait.ge @!p3 [sflag:s7], $0x4000  }
0x55: {  	s17 =	simm.s32 @!p3 $0x4000;
	[sflag:s7] =	ssyncset.done @!p3 $0x0  }
0x56: {  	s18 =	simm.s32 @!p3 $0x80;
	[sflag:s7] =	ssyncadd.s32 @!p3 $0xFFFFC000;
	s7 =	simm.s32 @!p3 $0xC180  }
0x57: {  	[spmem:s3] =	stream.indirect.scatter.add.f32 @!p3 [tilespmem:s17], [sflag:$0x7], $0x80, s7, s18, $0xb8;
	[tilespmem:$0x1FF00] =	vst v63  }
0x58: {  	s28 =	sadd.s32 $0x80, s20;
	s17 =	simm.s32 @!p3 $0x7  }
0x59: {  	p1 =	sgt.u32 s28, $0x9C3;
	_ =	swait.ge @!p3 [sflag:s17], $0x4000  }
0x5a: {  	s18 =	sadd.s32 @!p1 $0xFFFFFC00, s21;
	[sflag:s17] =	ssyncset.done @!p3 $0x0  }
0x5b: {  	s7 =	simm.s32 @!p1 $0xC100;
	[sflag:s17] =	ssyncadd.s32 @!p3 $0xFFFFC000;
	s17 =	simm.s32 @!p1 $0x0  }
0x5c: {  	[tilespmem:s7], [sflag:$0x5] =	stream.linear.gather @!p1 [hbm4b:s18+s17], $0x100, $0x38;
	[tilespmem:$0x1FF00] =	vst v63  }
0x5d: {  	s17 =	simm.s32 @!p2 $0x4  }
0x5e: {  	_ =	swait.ge @!p2 [sflag:s17], $0x100  }
0x5f: {  	[sflag:s17] =	ssyncset.done @!p2 $0x0  }
0x60: {  	[sflag:s17] =	ssyncadd.s32 @!p2 $0xFFFFFF00;
	s17 =	simm.s32 @!p2 $0x80  }
0x61: {  	[tilespmem:s15], [sflag:$0x1] =	stream.indirect.gather @!p2 [hbm4b:s1+s17], $0x80, s16, s17, $0xb8;
	[tilespmem:$0x1FF00] =	vst v63  }
0x62: {  	s15 =	simm.s32 @!p0 $0x3  }
0x63: {  	_ =	swait.ge @!p0 [sflag:s15], $0x4000  }
0x64: {  	s29 =	sadd.s32 $0xA0, s20;
	s8 =	simm.s32 $0x60;
	[sflag:s15] =	ssyncset.done @!p0 $0x0  }
0x65: {  	s16 =	simm.s32 @!p0 $0xC280;
	[sflag:s15] =	ssyncadd.s32 @!p0 $0xFFFFC000;
	s15 =	simm.s32 @!p0 $0x7  }
0x66: {  	[spmem:s3] =	stream.indirect.scatter.add.f32 @!p0 [tilespmem:s9], [sflag:$0x7], $0x80, s16, s5, $0xb8;
	[tilespmem:$0x1FF00] =	vst v63  }
0x67: {  	s22 =	simm.s32 @!p1 $0x80;
	p2 =	sgt.u32 s29, $0x9C3;
	_ =	swait.ge @!p0 [sflag:s15], $0x4000  }
0x68: {  	s18 =	simm.s32 @!p1 $0x4000;
	s5 =	simm.s32 @!p2 $0x0;
	[sflag:s15] =	ssyncset.done @!p0 $0x0  }
0x69: {  	s9 =	simm.s32 @!p2 $0xC200;
	[sflag:s15] =	ssyncadd.s32 @!p0 $0xFFFFC000;
	s15 =	simm.s32 @!p1 $0x5  }
0x6a: {  	[tilespmem:s9], [sflag:$0x6] =	stream.linear.gather @!p2 [hbm4b:s21+s5], $0x100, $0x38;
	[tilespmem:$0x1FF00] =	vst v63  }
0x6b: {  	s9 =	simm.s32 $0xC0;
	s5 =	sadd.s32 $0xC00, s21;
	_ =	swait.ge @!p1 [sflag:s15], $0x100  }
.LBB2_2:
0x6c: {  	[sflag:s15] =	ssyncset.done @!p1 $0x0  }
0x6d: {  	s16 =	rddreg [dreg:$0x5];
	[sflag:s15] =	ssyncadd.s32 @!p1 $0xFFFFFF00  }
0x6e: {  	[tilespmem:s18], [sflag:$0x2] =	stream.indirect.gather @!p1 [hbm4b:s1+s22], $0x80, s7, s22, $0xb8;
	[tilespmem:$0x1FF00] =	vst v63  }
0x6f: {  	s29 =	sadd.s32 s8, s6;
	p1 =	sge.u32 s8, s16  }
0x70: {  	s19 =	sadd.s32 $0x60, s29;
	s15 =	simm.s32 @!p1 $0x1  }
0x71: {  	p3 =	sgt.u32 s19, $0x9C3;
	_ =	swait.ge @!p1 [sflag:s15], $0x4000  }
0x72: {  	s16 =	simm.s32 @!p1 $0x0;
	s18 =	simm.s32 @!p1 $0x7;
	[sflag:s15] =	ssyncset.done @!p1 $0x0  }
0x73: {  	s17 =	simm.s32 @!p1 $0x80;
	s22 =	simm.s32 @!p1 $0xC080;
	[sflag:s15] =	ssyncadd.s32 @!p1 $0xFFFFC000  }
0x74: {  	[spmem:s3] =	stream.indirect.scatter.add.f32 @!p1 [tilespmem:s16], [sflag:$0x7], $0x80, s22, s17, $0xb8;
	[tilespmem:$0x1FF00] =	vst v63  }
0x75: {  	s7 =	sadd.s32 @!p3 $0xFFFFF800, s5;
	_ =	swait.ge @!p1 [sflag:s18], $0x4000  }
0x76: {  	s16 =	simm.s32 @!p3 $0x0;
	[sflag:s18] =	ssyncset.done @!p1 $0x0;
	s22 =	rddreg [dreg:$0x6]  }
0x77: {  	s17 =	simm.s32 @!p3 $0xC000;
	[sflag:s18] =	ssyncadd.s32 @!p1 $0xFFFFC000;
	p2 =	sge.u32 s8, s22  }
0x78: {  	[tilespmem:s17], [sflag:$0x4] =	stream.linear.gather @!p3 [hbm4b:s7+s16], $0x100, $0x38;
	[tilespmem:$0x1FF00] =	vst v63  }
0x79: {  	s20 =	sadd.s32 $0x80, s29;
	s7 =	simm.s32 @!p2 $0x6  }
0x7a: {  	s15 =	sadd.s32 $0xA0, s29;
	s19 =	simm.s32 @!p2 $0x8000;
	_ =	swait.ge @!p2 [sflag:s7], $0x100  }
0x7b: {  	s29 =	simm.s32 @!p2 $0x80;
	[sflag:s7] =	ssyncset.done @!p2 $0x0;
	s28 =	rddreg [dreg:$0x7]  }
0x7c: {  	[sflag:s7] =	ssyncadd.s32 @!p2 $0xFFFFFF00;
	s7 =	simm.s32 @!p2 $0xC200;
	p4 =	sge.u32 s8, s28  }
0x7d: {  	[tilespmem:s19], [sflag:$0x3] =	stream.indirect.gather @!p2 [hbm4b:s1+s29], $0x80, s7, s29, $0xb8;
	[tilespmem:$0x1FF00] =	vst v63  }
0x7e: {  	s23 =	smov.u32 s9;
	s7 =	simm.s32 @!p4 $0x2  }
0x7f: {  	s8 =	smov.u32 s23;
	_ =	swait.ge @!p4 [sflag:s7], $0x4000  }
0x80: {  	s18 =	simm.s32 @!p4 $0x4000;
	s22 =	simm.s32 @!p4 $0x80;
	[sflag:s7] =	ssyncset.done @!p4 $0x0  }
0x81: {  	s23 =	simm.s32 @!p4 $0xC180;
	s28 =	simm.s32 @!p4 $0x7;
	[sflag:s7] =	ssyncadd.s32 @!p4 $0xFFFFC000  }
0x82: {  	[spmem:s3] =	stream.indirect.scatter.add.f32 @!p4 [tilespmem:s18], [sflag:$0x7], $0x80, s23, s22, $0xb8;
	[tilespmem:$0x1FF00] =	vst v63  }
0x83: {  	p1 =	sgt.u32 s20, $0x9C3;
	_ =	swait.ge @!p4 [sflag:s28], $0x4000  }
0x84: {  	s20 =	simm.s32 @!p1 $0x0;
	s7 =	simm.s32 @!p1 $0xC100;
	[sflag:s28] =	ssyncset.done @!p4 $0x0  }
0x85: {  	s18 =	sadd.s32 @!p1 $0xFFFFFC00, s5;
	s23 =	simm.s32 @!p3 $0x4;
	[sflag:s28] =	ssyncadd.s32 @!p4 $0xFFFFC000  }
0x86: {  	[tilespmem:s7], [sflag:$0x5] =	stream.linear.gather @!p1 [hbm4b:s18+s20], $0x100, $0x38;
	[tilespmem:$0x1FF00] =	vst v63  }
0x87: {  	_ =	swait.ge @!p3 [sflag:s23], $0x100  }
0x88: {  	[sflag:s23] =	ssyncset.done @!p3 $0x0  }
0x89: {  	s20 =	simm.s32 @!p3 $0x80;
	[sflag:s23] =	ssyncadd.s32 @!p3 $0xFFFFFF00;
	s23 =	simm.s32 @!p2 $0x3  }
0x8a: {  	[tilespmem:s16], [sflag:$0x1] =	stream.indirect.gather @!p3 [hbm4b:s1+s20], $0x80, s17, s20, $0xb8;
	[tilespmem:$0x1FF00] =	vst v63  }
0x8b: {  	s9 =	sadd.s32 $0x60, s9;
	_ =	swait.ge @!p2 [sflag:s23], $0x4000  }
0x8c: {  	p0 =	sne.s32 s9, $0xA20;
	[sflag:s23] =	ssyncset.done @!p2 $0x0  }
0x8d: {  	s16 =	simm.s32 @!p2 $0xC280;
	s17 =	simm.s32 @!p2 $0x7;
	[sflag:s23] =	ssyncadd.s32 @!p2 $0xFFFFC000  }
0x8e: {  	[spmem:s3] =	stream.indirect.scatter.add.f32 @!p2 [tilespmem:s19], [sflag:$0x7], $0x80, s16, s29, $0xb8;
	[tilespmem:$0x1FF00] =	vst v63  }
.Ltmp0:
0x8f: {  	s22 =	simm.s32 @!p1 $0x80;
	_ =	swait.ge @!p2 [sflag:s17], $0x4000;
	(pc) =	sbr.rel @p0 .LBB2_2-.Ltmp0, $4  }
0x90: {  	p3 =	sgt.u32 s15, $0x9C3;
	s15 =	simm.s32 @!p1 $0x5;
	[sflag:s17] =	ssyncset.done @!p2 $0x0  }
0x91: {  	s16 =	simm.s32 @!p3 $0x0;
	s19 =	simm.s32 @!p3 $0xC200;
	[sflag:s17] =	ssyncadd.s32 @!p2 $0xFFFFC000  }
0x92: {  	[tilespmem:s19], [sflag:$0x6] =	stream.linear.gather @!p3 [hbm4b:s5+s16], $0x100, $0x38;
	[tilespmem:$0x1FF00] =	vst v63  }
0x93: {  	s18 =	simm.s32 @!p1 $0x4000;
	s5 =	sadd.s32 $0xC00, s5;
	_ =	swait.ge @!p1 [sflag:s15], $0x100  }
0x94: {  	s9 =	rddreg [dreg:$0x5];
	[sflag:s15] =	ssyncset.done @!p1 $0x0  }
0x95: {  	[sflag:s15] =	ssyncadd.s32 @!p1 $0xFFFFFF00;
	p0 =	sge.u32 s8, s9  }
0x96: {  	[tilespmem:s18], [sflag:$0x2] =	stream.indirect.gather @!p1 [hbm4b:s1+s22], $0x80, s7, s22, $0xb8;
	[tilespmem:$0x1FF00] =	vst v63  }
0x97: {  	s7 =	simm.s32 @!p0 $0x1;
	s22 =	sadd.s32 s8, s6  }
0x98: {  	s15 =	simm.s32 @!p0 $0x0;
	s16 =	simm.s32 @!p0 $0x7;
	_ =	swait.ge @!p0 [sflag:s7], $0x4000  }
0x99: {  	s17 =	simm.s32 @!p0 $0x80;
	s19 =	sadd.s32 $0x60, s22;
	[sflag:s7] =	ssyncset.done @!p0 $0x0  }
0x9a: {  	s18 =	simm.s32 @!p0 $0xC080;
	p1 =	sgt.u32 s19, $0x9C3;
	[sflag:s7] =	ssyncadd.s32 @!p0 $0xFFFFC000  }
0x9b: {  	[spmem:s3] =	stream.indirect.scatter.add.f32 @!p0 [tilespmem:s15], [sflag:$0x7], $0x80, s18, s17, $0xb8;
	[tilespmem:$0x1FF00] =	vst v63  }
0x9c: {  	s7 =	sadd.s32 @!p1 $0xFFFFF800, s5;
	_ =	swait.ge @!p0 [sflag:s16], $0x4000  }
0x9d: {  	s17 =	simm.s32 @!p1 $0x0;
	[sflag:s16] =	ssyncset.done @!p0 $0x0;
	s23 =	rddreg [dreg:$0x6]  }
0x9e: {  	s18 =	simm.s32 @!p1 $0xC000;
	[sflag:s16] =	ssyncadd.s32 @!p0 $0xFFFFC000;
	p0 =	sge.u32 s8, s23  }
0x9f: {  	[tilespmem:s18], [sflag:$0x4] =	stream.linear.gather @!p1 [hbm4b:s7+s17], $0x100, $0x38;
	[tilespmem:$0x1FF00] =	vst v63  }
0xa0: {  	s7 =	simm.s32 @!p0 $0x6  }
0xa1: {  	s15 =	simm.s32 @!p0 $0x8000;
	_ =	swait.ge @!p0 [sflag:s7], $0x100  }
0xa2: {  	s19 =	simm.s32 @!p0 $0xC200;
	[sflag:s7] =	ssyncset.done @!p0 $0x0;
	s28 =	rddreg [dreg:$0x7]  }
0xa3: {  	[sflag:s7] =	ssyncadd.s32 @!p0 $0xFFFFFF00;
	s7 =	simm.s32 @!p0 $0x80;
	p3 =	sge.u32 s8, s28  }
0xa4: {  	[tilespmem:s15], [sflag:$0x3] =	stream.indirect.gather @!p0 [hbm4b:s1+s7], $0x80, s19, s7, $0xb8;
	[tilespmem:$0x1FF00] =	vst v63  }
0xa5: {  	s8 =	simm.s32 @!p3 $0x2  }
0xa6: {  	_ =	swait.ge @!p3 [sflag:s8], $0x4000  }
0xa7: {  	s16 =	simm.s32 @!p3 $0x4000;
	[sflag:s8] =	ssyncset.done @!p3 $0x0  }
0xa8: {  	s19 =	simm.s32 @!p3 $0x80;
	[sflag:s8] =	ssyncadd.s32 @!p3 $0xFFFFC000;
	s8 =	simm.s32 @!p3 $0xC180  }
0xa9: {  	[spmem:s3] =	stream.indirect.scatter.add.f32 @!p3 [tilespmem:s16], [sflag:$0x7], $0x80, s8, s19, $0xb8;
	[tilespmem:$0x1FF00] =	vst v63  }
0xaa: {  	s29 =	sadd.s32 $0x80, s22;
	s16 =	simm.s32 @!p3 $0x7  }
0xab: {  	p2 =	sgt.u32 s29, $0x9C3;
	_ =	swait.ge @!p3 [sflag:s16], $0x4000  }
0xac: {  	s8 =	sadd.s32 @!p2 $0xFFFFFC00, s5;
	[sflag:s16] =	ssyncset.done @!p3 $0x0  }
0xad: {  	s19 =	simm.s32 @!p2 $0xC100;
	[sflag:s16] =	ssyncadd.s32 @!p3 $0xFFFFC000;
	s16 =	simm.s32 @!p2 $0x0  }
0xae: {  	[tilespmem:s19], [sflag:$0x5] =	stream.linear.gather @!p2 [hbm4b:s8+s16], $0x100, $0x38;
	[tilespmem:$0x1FF00] =	vst v63  }
0xaf: {  	s8 =	simm.s32 @!p1 $0x4  }
0xb0: {  	_ =	swait.ge @!p1 [sflag:s8], $0x100  }
0xb1: {  	[sflag:s8] =	ssyncset.done @!p1 $0x0  }
0xb2: {  	[sflag:s8] =	ssyncadd.s32 @!p1 $0xFFFFFF00;
	s8 =	simm.s32 @!p1 $0x80  }
0xb3: {  	[tilespmem:s17], [sflag:$0x1] =	stream.indirect.gather @!p1 [hbm4b:s1+s8], $0x80, s18, s8, $0xb8;
	[tilespmem:$0x1FF00] =	vst v63  }
0xb4: {  	s8 =	simm.s32 @!p0 $0x3  }
0xb5: {  	_ =	swait.ge @!p0 [sflag:s8], $0x4000  }
0xb6: {  	[sflag:s8] =	ssyncset.done @!p0 $0x0  }
0xb7: {  	[sflag:s8] =	ssyncadd.s32 @!p0 $0xFFFFC000;
	s8 =	simm.s32 @!p0 $0xC280  }
0xb8: {  	[spmem:s3] =	stream.indirect.scatter.add.f32 @!p0 [tilespmem:s15], [sflag:$0x7], $0x80, s8, s7, $0xb8;
	[tilespmem:$0x1FF00] =	vst v63  }
0xb9: {  	s7 =	simm.s32 @!p0 $0x7  }
0xba: {  	s18 =	sadd.s32 $0xA0, s22;
	_ =	swait.ge @!p0 [sflag:s7], $0x4000  }
0xbb: {  	p1 =	sgt.u32 s18, $0x9C3;
	[sflag:s7] =	ssyncset.done @!p0 $0x0  }
0xbc: {  	s8 =	simm.s32 @!p1 $0x0;
	[sflag:s7] =	ssyncadd.s32 @!p0 $0xFFFFC000;
	s7 =	simm.s32 @!p1 $0xC200  }
0xbd: {  	[tilespmem:s7], [sflag:$0x6] =	stream.linear.gather @!p1 [hbm4b:s5+s8], $0x100, $0x38;
	[tilespmem:$0x1FF00] =	vst v63  }
0xbe: {  	s5 =	simm.s32 @!p2 $0x5  }
0xbf: {  	_ =	swait.ge @!p2 [sflag:s5], $0x100  }
0xc0: {  	[sflag:s5] =	ssyncset.done @!p2 $0x0  }
0xc1: {  	s7 =	simm.s32 @!p2 $0x80;
	[sflag:s5] =	ssyncadd.s32 @!p2 $0xFFFFFF00;
	s5 =	simm.s32 @!p2 $0x4000  }
0xc2: {  	[tilespmem:s5], [sflag:$0x2] =	stream.indirect.gather @!p2 [hbm4b:s1+s7], $0x80, s19, s7, $0xb8;
	[tilespmem:$0x1FF00] =	vst v63  }
0xc3: {  	[bflag:$0x0] =	sbarrier.arrive $0xFFFF  }
0xc4: {  	[tilespmem:s4], [sflag:$0x1] =	stream.linear.gather [spmem:s10], $0x4000, $0x38;
	[tilespmem:$0x1FF00] =	vst v63  }
0xc5: {  	_ = 	snop  }
0xc6: {  	[tilespmem:s31], [sflag:$0x2] =	stream.linear.gather [spmem:s11], $0x4000, $0x38;
	[tilespmem:$0x1FF00] =	vst v63  }
0xc7: {  	_ =	swait.ge [sflag:s0], $0x4000  }
0xc8: {  	[sflag:s0] =	ssyncset.done $0x0  }
0xc9: {  	s19 =	rddreg [dreg:$0xc];
	[sflag:s0] =	ssyncadd.s32 $0xFFFFC000  }
0xca: {  	[hbm4b:s19+s4] =	stream.linear.scatter [tilespmem:s4], [sflag:$0x7], $0x4000, $0x38;
	[tilespmem:$0x1FF00] =	vst v63  }
0xcb: {  	_ =	swait.ge [sflag:s26], $0x4000  }
0xcc: {  	[sflag:s26] =	ssyncset.done $0x0  }
0xcd: {  	[sflag:s26] =	ssyncadd.s32 $0xFFFFC000  }
0xce: {  	[tilespmem:s4], [sflag:$0x1] =	stream.linear.gather [spmem:s12], $0x4000, $0x38;
	[tilespmem:$0x1FF00] =	vst v63  }
0xcf: {  	_ =	swait.ge [sflag:s2], $0x4000  }
0xd0: {  	[sflag:s2] =	ssyncset.done $0x0  }
0xd1: {  	s20 =	rddreg [dreg:$0xd];
	[sflag:s2] =	ssyncadd.s32 $0xFFFFC000  }
0xd2: {  	[hbm4b:s20+s4] =	stream.linear.scatter [tilespmem:s31], [sflag:$0x7], $0x4000, $0x38;
	[tilespmem:$0x1FF00] =	vst v63  }
0xd3: {  	_ =	swait.ge [sflag:s26], $0x4000  }
0xd4: {  	[sflag:s26] =	ssyncset.done $0x0  }
0xd5: {  	[sflag:s26] =	ssyncadd.s32 $0xFFFFC000  }
0xd6: {  	[tilespmem:s31], [sflag:$0x2] =	stream.linear.gather [spmem:s13], $0x4000, $0x38;
	[tilespmem:$0x1FF00] =	vst v63  }
0xd7: {  	_ =	swait.ge [sflag:s0], $0x4000  }
0xd8: {  	[sflag:s0] =	ssyncset.done $0x0  }
0xd9: {  	s22 =	rddreg [dreg:$0xe];
	[sflag:s0] =	ssyncadd.s32 $0xFFFFC000  }
0xda: {  	[hbm4b:s22+s4] =	stream.linear.scatter [tilespmem:s4], [sflag:$0x7], $0x4000, $0x38;
	[tilespmem:$0x1FF00] =	vst v63  }
0xdb: {  	_ =	swait.ge [sflag:s26], $0x4000  }
0xdc: {  	[sflag:s26] =	ssyncset.done $0x0  }
0xdd: {  	[sflag:s26] =	ssyncadd.s32 $0xFFFFC000  }
0xde: {  	[tilespmem:s4], [sflag:$0x1] =	stream.linear.gather [spmem:s14], $0x3C00, $0x38;
	[tilespmem:$0x1FF00] =	vst v63  }
0xdf: {  	_ =	swait.ge [sflag:s2], $0x4000  }
0xe0: {  	[sflag:s2] =	ssyncset.done $0x0  }
0xe1: {  	s23 =	rddreg [dreg:$0xf];
	[sflag:s2] =	ssyncadd.s32 $0xFFFFC000  }
0xe2: {  	[hbm4b:s23+s4] =	stream.linear.scatter [tilespmem:s31], [sflag:$0x7], $0x4000, $0x38;
	[tilespmem:$0x1FF00] =	vst v63  }
0xe3: {  	_ =	swait.ge [sflag:s26], $0x4000  }
0xe4: {  	[sflag:s26] =	ssyncset.done $0x0  }
0xe5: {  	[sflag:s26] =	ssyncadd.s32 $0xFFFFC000  }
0xe6: {  	_ =	swait.ge [sflag:s0], $0x3C00  }
0xe7: {  	[sflag:s0] =	ssyncset.done $0x0  }
0xe8: {  	s28 =	rddreg [dreg:$0x10];
	[sflag:s0] =	ssyncadd.s32 $0xFFFFC400  }
0xe9: {  	[hbm4b:s28+s4] =	stream.linear.scatter [tilespmem:s4], [sflag:$0x7], $0x3C00, $0x38;
	[tilespmem:$0x1FF00] =	vst v63  }
0xea: {  	_ =	swait.ge [sflag:s26], $0x3C00  }
0xeb: {  	s24 =	sadd.s32 $0x1, s24;
	s29 =	rddreg [dreg:$0x11]  }
0xec: {  	p0 =	sne.s32 s24, s29  }
.Ltmp1:
0xed: {  	_ = 	snop;
	(pc) =	sbr.rel @p0 .LBB2_1-.Ltmp1, $3  }
0xee: {  	_ =	sdelay $0x1  }
0xef: {  	[sflag:s26] =	ssyncset.done $0x0  }
0xf0: {  	[sflag:s26] =	ssyncadd.s32 $0xFFFFC400  }
0xf1: {  	_ =	sfence.sel $0x180000  }
0xf2: {  	[bflag:$0x0] =	sbarrier.arrive $0xFFFF  }
0xf3: {  	_ =	strace $0x9000004A  }
0xf4: {  	s0 =	stileid.u32;
	[bflag:$0x2] =	sbarrier.arrive $0xFFFF  }
0xf5: {  	p0 =	sne.s32 s0, $0x0;
	s0 =	rddreg [dreg:$0x4]  }
0xf6: {  	s0 =	sadd.s32 @!p0 $0x100000, s0  }
0xf7: {  	[sflag:s0] =	ssyncadd.tile.s32 @!p0 $0x1;
	_ =	shalt  }
.Lfunc_end2:
_tile_overlayer_lowered:
.L_overlay_start_2:
0xf8: {  	(tag) =	ssettag $0x2  }
0xf9: {  	s0 =	rddreg [dreg:$0x0];
	s2 =	stileid.u32  }
0xfa: {  	s1 =	rddreg [dreg:$0x1];
	p0 =	sne.s32 s2, $0x0  }
0xfb: {  	s3 =	rddreg [dreg:$0x2];
	[bflag:$0x3] =	sbarrier.arrive $0xFFFF;
	s2 =	simm.s32 @!p0 $0x1C07  }
0xfc: {  	[timem:s3], [sflag:s2] =	dma.local @!p0 [hbm:s0], s1  }
0xfd: {  	s0 =	simm.s32 @!p0 $0x7  }
0xfe: {  	_ =	swait.ge @!p0 [sflag:s0], s1  }
0xff: {  	s1 =	ssub.s32 @!p0 $0x0, s1;
	[sflag:s0] =	ssyncset.done @!p0 $0x0  }
0x100: {  	[sflag:s0] =	ssyncadd.s32 @!p0 s1  }
0x101: {  	[bflag:$0x3] =	sbarrier.arrive $0xFFFF  }
0x102: {  	_ =	shalt  }

// kernel: kernel.15.cloned.1.call-start
scs
__scs_entry_jumppad:
0x0: {  	(pc) =	sbr.rel $0x88, $3  }
0x1: {  	(tag) =	ssettag $0x0;
	lr =	simm.s32 $0x1  }
0x2: {  	[smem:$0x3F94] =	sst lr;
	_ =	strace $0xD0000000  }
0x3: {  	_ = 	snop  }
0x4: {  	_ = 	snop  }
0x5: {  	_ = 	snop  }
0x6: {  	_ = 	snop  }
0x7: {  	_ = 	snop  }
__scs_overlays_trampoline_lowered:
0x8: {  	[smem:$0x3FA3] =	sst s0  }
0x9: {  	[smem:$0x3FA4] =	sst s1  }
0xa: {  	[smem:$0x3FA5] =	sst s2  }
0xb: {  	[smem:$0x3FA6] =	sst s3  }
0xc: {  	[smem:$0x3FA7] =	sst s4  }
0xd: {  	[smem:$0x3FA8] =	sst s5  }
0xe: {  	[smem:$0x3FA9] =	sst s6  }
0xf: {  	[smem:$0x3FAA] =	sst s7  }
0x10: {  	[smem:$0x3FAB] =	sst s8  }
0x11: {  	[smem:$0x3FAC] =	sst s9;
	s0 =	simm.s32 @!p0 $0x0  }
0x12: {  	s1 =	sld [smem:$0x3F92];
	s0 =	simm.s32 @p0 $0x1  }
0x13: {  	[smem:$0x3FAD] =	sst s0;
	s0 =	simm.s32 @!p1 $0x0  }
0x14: {  	s2 =	sld [smem:$0x3F91];
	s0 =	simm.s32 @p1 $0x1  }
0x15: {  	[smem:$0x3FAE] =	sst s0;
	s0 =	simm.s32 @!p2 $0x0  }
0x16: {  	s3 =	sld [smem:$0x3FDB];
	s0 =	simm.s32 @p2 $0x1  }
0x17: {  	s4 =	simm.s32 $0x1BF5;
	[smem:$0x3FB0] =	sst s0  }
0x18: {  	s0 =	sld [smem:$0x3F93];
	_ =	swait.ge [sflag:s4], $0x0  }
0x19: {  	s7 =	sld [smem:$0x3F94]  }
0x1a: {  	s8 =	sadd.s32 $0xFFFFE003, lr  }
0x1b: {  	s9 =	sadd.s32 $0xFFFFFEF7, lr;
	s5 =	simm.s32 $0xFFFFFFFF;
	p2 =	slt.u32 s8, $0xFFFFF086  }
0x1c: {  	p1 =	slt.u32 s9, $0xF7A;
	s5 =	simm.s32 @!p2 $0x0  }
0x1d: {  	s5 =	simm.s32 @p1 $0x1;
	p0 =	seq.s32 s7, s2  }
0x1e: {  	s7 =	smul.u32 @!p0 $0xF7A, s2;
	p2 =	seq.s32 @!p0 s5, $0x0  }
0x1f: {  	s9 =	smul.u32 $0xF7A, s1;
	s8 =	simm.s32 @!p0 $0x1BF5;
	p2 =	por !p2, p0  }
0x20: {  	[sflag:s8] =	ssyncset.s32 @!p0 $0xFFFFF086;
	s6 =	sadd.s32 @!p0 s3, s7;
	s7 =	simm.s32 @!p0 $0x108  }
0x21: {  	s3 =	sadd.s32 s3, s9;
	s6 =	sadd.s32 @!p0 $0x88, s6;
	s7 =	simm.s32 @p2 $0x1082  }
0x22: {  	[simem:s7], [sflag:s8] =	dma.local @!p0 [hbm:s6], $0xF7A  }
0x23: {  	s9 =	sor.u32 $0xD0000000, s2;
	s6 =	simm.s32 $0x108;
	_ =	swait.ge @!p0 [sflag:s8], $0x0  }
0x24: {  	s3 =	sadd.s32 $0x88, s3;
	s6 =	simm.s32 @!p1 $0x1082;
	[sflag:s4] =	ssyncset.s32 $0xFFFFF086  }
0x25: {  	[simem:s6], [sflag:s4] =	dma.local [hbm:s3], $0xF7A  }
0x26: {  	[smem:$0x3F94] =	sst s1;
	(tag) =	ssettag s2;
	_ =	strace s9  }
0x27: {  	s1 =	sld [smem:$0x3FA4]  }
0x28: {  	s2 =	sld [smem:$0x3FA5]  }
0x29: {  	s4 =	sld [smem:$0x3FA7]  }
0x2a: {  	p0 =	seq.s32 s5, $0x0;
	s5 =	sld [smem:$0x3FA8]  }
0x2b: {  	s6 =	sld [smem:$0x3FA9]  }
0x2c: {  	s7 =	sld [smem:$0x3FAA]  }
0x2d: {  	s3 =	simm.s32 $0x108;
	s8 =	sld [smem:$0x3FAB]  }
0x2e: {  	s3 =	simm.s32 @!p0 $0x1082;
	s9 =	sld [smem:$0x3FAC]  }
0x2f: {  	lr =	sadd.s32 s0, s3;
	s0 =	sld [smem:$0x3FA3]  }
0x30: {  	s3 =	sld [smem:$0x3FA6]  }
0x31: {  	[smem:$0x3FAF] =	sst s10  }
0x32: {  	s10 =	sld [smem:$0x3FAD];
	_ =	sdelay $0x3  }
0x33: {  	p0 =	seq.s32 s10, $0x1;
	s10 =	sld [smem:$0x3FAF];
	_ =	sdelay $0x3  }
0x34: {  	[smem:$0x3FAF] =	sst s10  }
0x35: {  	s10 =	sld [smem:$0x3FAE];
	_ =	sdelay $0x3  }
0x36: {  	p1 =	seq.s32 s10, $0x1;
	s10 =	sld [smem:$0x3FAF];
	_ =	sdelay $0x3  }
0x37: {  	[smem:$0x3FAF] =	sst s10  }
0x38: {  	s10 =	sld [smem:$0x3FB0]  }
0x39: {  	_ = 	snop;
	(pc) =	sbr.ind lr, $3  }
0x3a: {  	_ = 	snop  }
0x3b: {  	_ = 	snop  }
0x3c: {  	p2 =	seq.s32 s10, $0x1;
	s10 =	sld [smem:$0x3FAF]  }
0x3d: {  	_ =	shalt  }
0x3e: {  	_ =	shalt  }
0x3f: {  	_ =	shalt  }
0x40: {  	_ =	shalt  }
0x41: {  	_ =	shalt  }
0x42: {  	_ =	shalt  }
0x43: {  	_ =	shalt  }
0x44: {  	_ =	shalt  }
0x45: {  	_ =	shalt  }
0x46: {  	_ =	shalt  }
0x47: {  	_ =	shalt  }
0x48: {  	_ =	shalt  }
0x49: {  	_ =	shalt  }
0x4a: {  	_ =	shalt  }
0x4b: {  	_ =	shalt  }
0x4c: {  	_ =	shalt  }
0x4d: {  	_ =	shalt  }
0x4e: {  	_ =	shalt  }
0x4f: {  	_ =	shalt  }
0x50: {  	_ =	shalt  }
0x51: {  	_ =	shalt  }
0x52: {  	_ =	shalt  }
0x53: {  	_ =	shalt  }
0x54: {  	_ =	shalt  }
0x55: {  	_ =	shalt  }
0x56: {  	_ =	shalt  }
0x57: {  	_ =	shalt  }
0x58: {  	_ =	shalt  }
0x59: {  	_ =	shalt  }
0x5a: {  	_ =	shalt  }
0x5b: {  	_ =	shalt  }
0x5c: {  	_ =	shalt  }
0x5d: {  	_ =	shalt  }
0x5e: {  	_ =	shalt  }
0x5f: {  	_ =	shalt  }
0x60: {  	_ =	shalt  }
0x61: {  	_ =	shalt  }
0x62: {  	_ =	shalt  }
0x63: {  	_ =	shalt  }
0x64: {  	_ =	shalt  }
0x65: {  	_ =	shalt  }
0x66: {  	_ =	shalt  }
0x67: {  	_ =	shalt  }
0x68: {  	_ =	shalt  }
0x69: {  	_ =	shalt  }
0x6a: {  	_ =	shalt  }
0x6b: {  	_ =	shalt  }
0x6c: {  	_ =	shalt  }
0x6d: {  	_ =	shalt  }
0x6e: {  	_ =	shalt  }
0x6f: {  	_ =	shalt  }
0x70: {  	_ =	shalt  }
0x71: {  	_ =	shalt  }
0x72: {  	_ =	shalt  }
0x73: {  	_ =	shalt  }
0x74: {  	_ =	shalt  }
0x75: {  	_ =	shalt  }
0x76: {  	_ =	shalt  }
0x77: {  	_ =	shalt  }
0x78: {  	_ =	shalt  }
0x79: {  	_ =	shalt  }
0x7a: {  	_ =	shalt  }
0x7b: {  	_ =	shalt  }
0x7c: {  	_ =	shalt  }
0x7d: {  	_ =	shalt  }
0x7e: {  	_ =	shalt  }
0x7f: {  	_ =	shalt  }
0x80: {  	_ =	shalt  }
0x81: {  	_ =	shalt  }
0x82: {  	_ =	shalt  }
0x83: {  	_ =	shalt  }
0x84: {  	_ =	shalt  }
0x85: {  	_ =	shalt  }
0x86: {  	_ =	shalt  }
0x87: {  	_ =	shalt  }
.Lfunc_end0:
.L_simem_size_0:
called_computation.2_lowered:
.L_overlay_start_0:
0x88: {  	s2 =	sld [smem:$0x3FD9]  }
0x89: {  	s3 =	sld [smem:$0x3FFE];
	_ =	sdelay $0x1  }
0x8a: {  	s1 =	srdreg.scid  }
0x8b: {  	s0 =	sand.u32 $0x1, s1  }
0x8c: {  	s17 =	sshll.u32 s0, $0xA;
	s2 =	sadd.s32 s3, s2  }
0x8d: {  	s2 =	sadd.s32 s2, s17  }
0x8e: {  	[smem:$0x3FBB] =	sst s2  }
0x8f: {  	_ = 	snop  }
0x90: {  	s2 =	sld [smem:$0x3FC9]  }
0x91: {  	s18 =	sld [smem:$0x3FD0];
	(tm) =	ssettm $0x1  }
0x92: {  	s4 =	sld [smem:$0x3FFB];
	_ =	sdelay $0x3  }
0x93: {  	_ =	strace s4  }
0x94: {  	s4 =	sld [smem:$0x3FFC];
	_ =	sdelay $0x3  }
0x95: {  	_ =	strace s4  }
0x96: {  	s4 =	sld [smem:$0x3FFD];
	_ =	sdelay $0x3  }
0x97: {  	_ =	strace s4  }
0x98: {  	_ =	strace $0x8FFFFFFF  }
0x99: {  	s19 =	sld [smem:$0x3FDB];
	_ =	sdelay $0x1  }
0x9a: {  	s5 =	simm.s32 $_scs_section_size  }
0x9b: {  	s6 =	simm.s32 $_size__tile_overlayer_lowered;
	s7 =	simm.s32 $_tile_overlayer_lowered  }
0x9c: {  	s22 =	simm.s32 $0x1BFF;
	s21 =	sshll.u32 s7, $0x1;
	s4 =	sadd.s32 s5, s19  }
0x9d: {  	s8 =	simm.s32 $0x0;
	s20 =	sshll.u32 s6, $0x1;
	s6 =	sadd.s32 s21, s4  }
0x9e: {  	[timem:s8], [sflag:s22] =	dma.local [hbm:s6], s20  }
0x9f: {  	_ =	swait.ge [sflag:s22], s20  }
0xa0: {  	s5 =	ssub.s32 $0x0, s20;
	[sflag:s22] =	ssyncset.done $0x0  }
0xa1: {  	[sflag:s22] =	ssyncadd.s32 s5;
	_ =	sdelay $0x1  }
0xa2: {  	s23 =	simm.s32 $0x1B8B  }
0xa3: {  	_ =	swait.ge [sflag:s23], $0x1  }
0xa4: {  	[sflag:s23] =	ssyncset.done $0x0  }
0xa5: {  	s25 =	simm.s32 $0x1B8E;
	s24 =	sld [smem:$0x3FFE];
	[sflag:s23] =	ssyncadd.s32 $0xFFFFFFFF  }
0xa6: {  	s26 =	simm.s32 $execute0_lowered;
	[smem:$0x3FD2] =	sst s25  }
0xa7: {  	s6 =	sshll.u32 s26, $0x1;
	_ =	strace $0x8000004C;
	[dreg:$0x1] =	wrdreg $0xFFFFFFFF  }
0xa8: {  	s28 =	simm.s32 $_size_execute0_lowered;
	s4 =	sadd.s32 s4, s6;
	[dreg:$0x0] =	wrdreg $0x0  }
0xa9: {  	s6 =	sshll.u32 s28, $0x1;
	[dreg:$0x2] =	wrdreg s4  }
0xaa: {  	[dreg:$0x3] =	wrdreg s6  }
0xab: {  	[dreg:$0x4] =	wrdreg $0xC0  }
0xac: {  	_ =	task [dreg:s8], $0x5FFFF  }
0xad: {  	[dreg:$0x1] =	wrdreg $0xFFFFFFFF  }
0xae: {  	[dreg:$0x0] =	wrdreg $0x60  }
0xaf: {  	[dreg:$0x2] =	wrdreg s18  }
0xb0: {  	[dreg:$0x3] =	wrdreg s2  }
0xb1: {  	[dreg:$0x4] =	wrdreg s24  }
0xb2: {  	[dreg:$0x5] =	wrdreg $0xC3000  }
0xb3: {  	[dreg:$0x6] =	wrdreg $0x9  }
0xb4: {  	_ =	task.clear_ibuf [dreg:s8], $0x7FFFF;
	_ =	strace $0x9000004C  }
0xb5: {  	s29 =	simm.s32 $0x9;
	_ =	strace $0x8000004E  }
0xb6: {  	_ =	swait.ge [sflag:s29], $0x1  }
0xb7: {  	[sflag:s29] =	ssyncadd.s32 $0xFFFFFFFF  }
0xb8: {  	_ =	strace $0x9000004E  }
0xb9: {  	_ =	sfence  }
0xba: {  	s30 =	sld [smem:$0x0];
	_ =	sdelay $0x2  }
0xbb: {  	s31 =	sshll.u32 s1, $0xD;
	s1 =	sshrl.u32 s1, $0x2  }
0xbc: {  	s3 =	sand.u32 $0x4000, s31;
	s1 =	sadd.s32 s1, s30  }
0xbd: {  	s0 =	sor.u32 s3, s0;
	s1 =	sshll.u32 s1, $0x11  }
0xbe: {  	s0 =	sor.u32 s1, s0  }
0xbf: {  	s0 =	sadd.s32 $0x8F2B, s0  }
0xc0: {  	[sflag:s0] =	ssyncadd.remote.s32 $0x1  }
0xc1: {  	_ =	sfence.sel $0xFFFF  }
0xc2: {  	[dreg:$0x0] =	wrdreg $0xFFFFFFFF;
	(pc) =	sbr.abs _section_cstart, $3  }
0xc3: {  	[dreg:$0x1] =	wrdreg $0xFFFFFFFF  }
0xc4: {  	_ =	task.clear_ibuf [dreg:s8], $0x2FFFF;
	_ =	strace $0x9FFFFFFF  }
0xc5: {  	(tm) =	ssettm $0x7FFFFFFF  }
tec
execute0_lowered:
.L_overlay_start_1:
0x0: {  	(tag) =	ssettag $0x1  }
0x1: {  	s1 =	rddreg [dreg:$0x0]  }
0x2: {  	s0 =	rddreg [dreg:$0x1]  }
0x3: {  	s2 =	rddreg [dreg:$0x2]  }
0x4: {  	s3 =	rddreg [dreg:$0x3];
	s4 =	simm.s32 $0x0;
	s5 =	srdreg.scid  }
0x5: {  	s20 =	stileid.u32;
	s30 =	simm.s32 $0x5;
	s31 =	simm.s32 $0x4000  }
0x6: {  	[smem:$0x7FF] =	sst s4;
	s5 =	sand.u32 $0x1, s5;
	s10 =	smul.u32 $0x4F000, s20  }
0x7: {  	s7 =	sshll.u32 s20, $0x1;
	s6 =	sadd.s32 $0x5400, s2;
	s24 =	smul.u32 $0x13C00, s20  }
0x8: {  	s2 =	sadd.s32 $0x53E00, s2;
	_ =	strace $0x8000004D;
	[dreg:$0x8] =	wrdreg s6  }
0x9: {  	s6 =	sor.u32 s5, s7;
	s8 =	ssub.s32 $0x2, s5;
	s13 =	ssub.s32 $0x9C4, s7  }
0xa: {  	s14 =	ssub.s32 $0x984, s7;
	s18 =	smul.u32 $0x13C000, s5;
	s7 =	ssub.s32 $0x9A4, s7  }
0xb: {  	s5 =	sshll.u32 s5, $0x5;
	s9 =	sshll.u32 s6, $0x5;
	s11 =	sshrl.u32 s8, $0x1  }
0xc: {  	s10 =	sshrl.u32 s10, $0x2;
	s15 =	sadd.s32 $0x4000, s24;
	[dreg:$0x5] =	wrdreg s13  }
0xd: {  	s16 =	sadd.s32 $0x8000, s24;
	s17 =	sadd.s32 $0xC000, s24;
	[dreg:$0x6] =	wrdreg s14  }
0xe: {  	s19 =	sadd.s32 $0x10000, s24;
	[dreg:$0x7] =	wrdreg s7;
	s12 =	sadd.s32 s0, s9  }
0xf: {  	s8 =	ssub.s32 s8, s11;
	s10 =	sadd.s32 s10, s3;
	s11 =	sadd.s32 s15, s3  }
0x10: {  	s13 =	sadd.s32 s17, s3;
	s14 =	sadd.s32 s19, s3;
	s9 =	sadd.s32 s24, s18  }
0x11: {  	s29 =	sadd.s32 s18, s15;
	s21 =	sadd.s32 s18, s16;
	s23 =	sadd.s32 s18, s17  }
0x12: {  	s25 =	sadd.s32 $0x400, s12;
	[dreg:$0x9] =	wrdreg s12;
	s26 =	sadd.s32 $0x800, s12  }
0x13: {  	s12 =	sadd.s32 s16, s3;
	s28 =	sshrl.u32 s9, $0x3;
	s15 =	sshrl.u32 s29, $0x3  }
0x14: {  	s22 =	sshrl.u32 s21, $0x3;
	s24 =	sshrl.u32 s23, $0x3;
	[dreg:$0xa] =	wrdreg s25  }
0x15: {  	s29 =	smax.u32 s8, $0x1;
	[dreg:$0xb] =	wrdreg s26;
	s7 =	sadd.s32 s2, s28  }
0x16: {  	s25 =	sshll.u32 s20, $0x6;
	s26 =	sadd.s32 s18, s19;
	[dreg:$0x11] =	wrdreg s29  }
0x17: {  	[dreg:$0xc] =	wrdreg s7;
	s7 =	sadd.s32 s2, s15;
	s0 =	sadd.s32 s25, s0  }
0x18: {  	s28 =	sshrl.u32 s26, $0x3;
	s25 =	simm.s32 $0x8000;
	s26 =	simm.s32 $0x7  }
0x19: {  	[dreg:$0xd] =	wrdreg s7;
	s7 =	sadd.s32 s2, s22;
	s0 =	sadd.s32 s5, s0  }
0x1a: {  	[dreg:$0xe] =	wrdreg s7;
	s7 =	sadd.s32 s2, s24;
	s2 =	sadd.s32 s2, s28  }
0x1b: {  	s21 =	sadd.s32 $0x1400, s0;
	s0 =	simm.s32 $0x1;
	[dreg:$0xf] =	wrdreg s7  }
0x1c: {  	s24 =	simm.s32 $0x0;
	[dreg:$0x10] =	wrdreg s2;
	s2 =	simm.s32 $0x2  }
.LBB2_1:
0x1d: {  	s5 =	rddreg [dreg:$0x9];
	s7 =	simm.s32 $0xC000  }
0x1e: {  	[tilespmem:s7], [sflag:$0x4] =	stream.linear.gather [hbm4b:s5+s4], $0x100, $0x38;
	[tilespmem:$0x1FF00] =	vst v63  }
0x1f: {  	s9 =	rddreg [dreg:$0xa];
	s8 =	simm.s32 $0xC100  }
0x20: {  	[tilespmem:s8], [sflag:$0x5] =	stream.linear.gather [hbm4b:s9+s4], $0x100, $0x38;
	[tilespmem:$0x1FF00] =	vst v63  }
0x21: {  	s15 =	rddreg [dreg:$0xb];
	s9 =	simm.s32 $0xC200  }
0x22: {  	[tilespmem:s9], [sflag:$0x6] =	stream.linear.gather [hbm4b:s15+s4], $0x100, $0x38;
	[tilespmem:$0x1FF00] =	vst v63  }
0x23: {  	s16 =	rddreg [dreg:$0x8]  }
0x24: {  	[tilespmem:s25], [sflag:$0x7] =	stream.linear.gather [hbm4b:s16+s4], $0x4000, $0x38;
	[tilespmem:$0x1FF00] =	vst v63  }
0x25: {  	_ =	swait.ge [sflag:s26], $0x4000  }
0x26: {  	[sflag:s26] =	ssyncset.done $0x0  }
0x27: {  	[sflag:s26] =	ssyncadd.s32 $0xFFFFC000  }
0x28: {  	[spmem:s10] =	stream.linear.scatter [tilespmem:s25], [sflag:$0x7], $0x4000, $0x38;
	[tilespmem:$0x1FF00] =	vst v63  }
0x29: {  	_ =	swait.ge [sflag:s26], $0x4000  }
0x2a: {  	[sflag:s26] =	ssyncset.done $0x0  }
0x2b: {  	[sflag:s26] =	ssyncadd.s32 $0xFFFFC000  }
0x2c: {  	[spmem:s11] =	stream.linear.scatter [tilespmem:s25], [sflag:$0x7], $0x4000, $0x38;
	[tilespmem:$0x1FF00] =	vst v63  }
0x2d: {  	_ =	swait.ge [sflag:s26], $0x4000  }
0x2e: {  	[sflag:s26] =	ssyncset.done $0x0  }
0x2f: {  	[sflag:s26] =	ssyncadd.s32 $0xFFFFC000  }
0x30: {  	[spmem:s12] =	stream.linear.scatter [tilespmem:s25], [sflag:$0x7], $0x4000, $0x38;
	[tilespmem:$0x1FF00] =	vst v63  }
0x31: {  	_ =	swait.ge [sflag:s26], $0x4000  }
0x32: {  	[sflag:s26] =	ssyncset.done $0x0  }
0x33: {  	[sflag:s26] =	ssyncadd.s32 $0xFFFFC000  }
0x34: {  	[spmem:s13] =	stream.linear.scatter [tilespmem:s25], [sflag:$0x7], $0x4000, $0x38;
	[tilespmem:$0x1FF00] =	vst v63  }
0x35: {  	_ =	swait.ge [sflag:s26], $0x4000  }
0x36: {  	[sflag:s26] =	ssyncset.done $0x0  }
0x37: {  	[sflag:s26] =	ssyncadd.s32 $0xFFFFC000  }
0x38: {  	[spmem:s14] =	stream.linear.scatter [tilespmem:s25], [sflag:$0x7], $0x3C00, $0x38;
	[tilespmem:$0x1FF00] =	vst v63  }
0x39: {  	_ =	swait.ge [sflag:s26], $0x3C00  }
0x3a: {  	[sflag:s26] =	ssyncset.done $0x0  }
0x3b: {  	[sflag:s26] =	ssyncadd.s32 $0xFFFFC400  }
0x3c: {  	s17 =	simm.s32 $0x4;
	[bflag:$0x0] =	sbarrier.arrive $0xFFFF  }
0x3d: {  	_ =	swait.ge [sflag:s17], $0x100  }
0x3e: {  	[sflag:s17] =	ssyncset.done $0x0  }
0x3f: {  	s18 =	simm.s32 $0x80;
	[sflag:s17] =	ssyncadd.s32 $0xFFFFFF00  }
0x40: {  	[tilespmem:s4], [sflag:$0x1] =	stream.indirect.gather [hbm4b:s1+s18], $0x80, s7, s18, $0xb8;
	[tilespmem:$0x1FF00] =	vst v63  }
0x41: {  	_ =	swait.ge [sflag:s30], $0x100  }
0x42: {  	[sflag:s30] =	ssyncset.done $0x0;
	s19 =	rddreg [dreg:$0x5]  }
0x43: {  	s20 =	sadd.s32 $0x0, s6;
	[sflag:s30] =	ssyncadd.s32 $0xFFFFFF00;
	p0 =	sle.u32 s19, $0x0  }
0x44: {  	[tilespmem:s31], [sflag:$0x2] =	stream.indirect.gather [hbm4b:s1+s18], $0x80, s8, s18, $0xb8;
	[tilespmem:$0x1FF00] =	vst v63  }
0x45: {  	s17 =	sadd.s32 $0x60, s20;
	s5 =	simm.s32 @!p0 $0x1  }
0x46: {  	p2 =	sgt.u32 s17, $0x9C3;
	_ =	swait.ge @!p0 [sflag:s5], $0x4000  }
0x47: {  	s7 =	simm.s32 @!p0 $0x0;
	s9 =	simm.s32 @!p0 $0x7;
	[sflag:s5] =	ssyncset.done @!p0 $0x0  }
0x48: {  	s15 =	simm.s32 @!p0 $0x80;
	s16 =	simm.s32 @!p0 $0xC080;
	[sflag:s5] =	ssyncadd.s32 @!p0 $0xFFFFC000  }
0x49: {  	[spmem:s3] =	stream.indirect.scatter.add.f32 @!p0 [tilespmem:s7], [sflag:$0x7], $0x80, s16, s15, $0xb8;
	[tilespmem:$0x1FF00] =	vst v63  }
0x4a: {  	s5 =	sadd.s32 @!p2 $0xFFFFF800, s21;
	_ =	swait.ge @!p0 [sflag:s9], $0x4000  }
0x4b: {  	s15 =	simm.s32 @!p2 $0x0;
	[sflag:s9] =	ssyncset.done @!p0 $0x0;
	s22 =	rddreg [dreg:$0x6]  }
0x4c: {  	s16 =	simm.s32 @!p2 $0xC000;
	[sflag:s9] =	ssyncadd.s32 @!p0 $0xFFFFC000;
	p0 =	sle.u32 s22, $0x0  }
0x4d: {  	[tilespmem:s16], [sflag:$0x4] =	stream.linear.gather @!p2 [hbm4b:s5+s15], $0x100, $0x38;
	[tilespmem:$0x1FF00] =	vst v63  }
0x4e: {  	s5 =	simm.s32 @!p0 $0x6  }
0x4f: {  	s9 =	simm.s32 @!p0 $0x8000;
	_ =	swait.ge @!p0 [sflag:s5], $0x100  }
0x50: {  	s17 =	simm.s32 @!p0 $0xC200;
	[sflag:s5] =	ssyncset.done @!p0 $0x0;
	s23 =	rddreg [dreg:$0x7]  }
0x51: {  	[sflag:s5] =	ssyncadd.s32 @!p0 $0xFFFFFF00;
	s5 =	simm.s32 @!p0 $0x80;
	p3 =	sle.u32 s23, $0x0  }
0x52: {  	[tilespmem:s9], [sflag:$0x3] =	stream.indirect.gather @!p0 [hbm4b:s1+s5], $0x80, s17, s5, $0xb8;
	[tilespmem:$0x1FF00] =	vst v63  }
0x53: {  	s7 =	simm.s32 @!p3 $0x2  }
0x54: {  	_ =	swait.ge @!p3 [sflag:s7], $0x4000  }
0x55: {  	s17 =	simm.s32 @!p3 $0x4000;
	[sflag:s7] =	ssyncset.done @!p3 $0x0  }
0x56: {  	s18 =	simm.s32 @!p3 $0x80;
	[sflag:s7] =	ssyncadd.s32 @!p3 $0xFFFFC000;
	s7 =	simm.s32 @!p3 $0xC180  }
0x57: {  	[spmem:s3] =	stream.indirect.scatter.add.f32 @!p3 [tilespmem:s17], [sflag:$0x7], $0x80, s7, s18, $0xb8;
	[tilespmem:$0x1FF00] =	vst v63  }
0x58: {  	s28 =	sadd.s32 $0x80, s20;
	s17 =	simm.s32 @!p3 $0x7  }
0x59: {  	p1 =	sgt.u32 s28, $0x9C3;
	_ =	swait.ge @!p3 [sflag:s17], $0x4000  }
0x5a: {  	s18 =	sadd.s32 @!p1 $0xFFFFFC00, s21;
	[sflag:s17] =	ssyncset.done @!p3 $0x0  }
0x5b: {  	s7 =	simm.s32 @!p1 $0xC100;
	[sflag:s17] =	ssyncadd.s32 @!p3 $0xFFFFC000;
	s17 =	simm.s32 @!p1 $0x0  }
0x5c: {  	[tilespmem:s7], [sflag:$0x5] =	stream.linear.gather @!p1 [hbm4b:s18+s17], $0x100, $0x38;
	[tilespmem:$0x1FF00] =	vst v63  }
0x5d: {  	s17 =	simm.s32 @!p2 $0x4  }
0x5e: {  	_ =	swait.ge @!p2 [sflag:s17], $0x100  }
0x5f: {  	[sflag:s17] =	ssyncset.done @!p2 $0x0  }
0x60: {  	[sflag:s17] =	ssyncadd.s32 @!p2 $0xFFFFFF00;
	s17 =	simm.s32 @!p2 $0x80  }
0x61: {  	[tilespmem:s15], [sflag:$0x1] =	stream.indirect.gather @!p2 [hbm4b:s1+s17], $0x80, s16, s17, $0xb8;
	[tilespmem:$0x1FF00] =	vst v63  }
0x62: {  	s15 =	simm.s32 @!p0 $0x3  }
0x63: {  	_ =	swait.ge @!p0 [sflag:s15], $0x4000  }
0x64: {  	s29 =	sadd.s32 $0xA0, s20;
	s8 =	simm.s32 $0x60;
	[sflag:s15] =	ssyncset.done @!p0 $0x0  }
0x65: {  	s16 =	simm.s32 @!p0 $0xC280;
	[sflag:s15] =	ssyncadd.s32 @!p0 $0xFFFFC000;
	s15 =	simm.s32 @!p0 $0x7  }
0x66: {  	[spmem:s3] =	stream.indirect.scatter.add.f32 @!p0 [tilespmem:s9], [sflag:$0x7], $0x80, s16, s5, $0xb8;
	[tilespmem:$0x1FF00] =	vst v63  }
0x67: {  	s22 =	simm.s32 @!p1 $0x80;
	p2 =	sgt.u32 s29, $0x9C3;
	_ =	swait.ge @!p0 [sflag:s15], $0x4000  }
0x68: {  	s18 =	simm.s32 @!p1 $0x4000;
	s5 =	simm.s32 @!p2 $0x0;
	[sflag:s15] =	ssyncset.done @!p0 $0x0  }
0x69: {  	s9 =	simm.s32 @!p2 $0xC200;
	[sflag:s15] =	ssyncadd.s32 @!p0 $0xFFFFC000;
	s15 =	simm.s32 @!p1 $0x5  }
0x6a: {  	[tilespmem:s9], [sflag:$0x6] =	stream.linear.gather @!p2 [hbm4b:s21+s5], $0x100, $0x38;
	[tilespmem:$0x1FF00] =	vst v63  }
0x6b: {  	s9 =	simm.s32 $0xC0;
	s5 =	sadd.s32 $0xC00, s21;
	_ =	swait.ge @!p1 [sflag:s15], $0x100  }
.LBB2_2:
0x6c: {  	[sflag:s15] =	ssyncset.done @!p1 $0x0  }
0x6d: {  	s16 =	rddreg [dreg:$0x5];
	[sflag:s15] =	ssyncadd.s32 @!p1 $0xFFFFFF00  }
0x6e: {  	[tilespmem:s18], [sflag:$0x2] =	stream.indirect.gather @!p1 [hbm4b:s1+s22], $0x80, s7, s22, $0xb8;
	[tilespmem:$0x1FF00] =	vst v63  }
0x6f: {  	s29 =	sadd.s32 s8, s6;
	p1 =	sge.u32 s8, s16  }
0x70: {  	s19 =	sadd.s32 $0x60, s29;
	s15 =	simm.s32 @!p1 $0x1  }
0x71: {  	p3 =	sgt.u32 s19, $0x9C3;
	_ =	swait.ge @!p1 [sflag:s15], $0x4000  }
0x72: {  	s16 =	simm.s32 @!p1 $0x0;
	s18 =	simm.s32 @!p1 $0x7;
	[sflag:s15] =	ssyncset.done @!p1 $0x0  }
0x73: {  	s17 =	simm.s32 @!p1 $0x80;
	s22 =	simm.s32 @!p1 $0xC080;
	[sflag:s15] =	ssyncadd.s32 @!p1 $0xFFFFC000  }
0x74: {  	[spmem:s3] =	stream.indirect.scatter.add.f32 @!p1 [tilespmem:s16], [sflag:$0x7], $0x80, s22, s17, $0xb8;
	[tilespmem:$0x1FF00] =	vst v63  }
0x75: {  	s7 =	sadd.s32 @!p3 $0xFFFFF800, s5;
	_ =	swait.ge @!p1 [sflag:s18], $0x4000  }
0x76: {  	s16 =	simm.s32 @!p3 $0x0;
	[sflag:s18] =	ssyncset.done @!p1 $0x0;
	s22 =	rddreg [dreg:$0x6]  }
0x77: {  	s17 =	simm.s32 @!p3 $0xC000;
	[sflag:s18] =	ssyncadd.s32 @!p1 $0xFFFFC000;
	p2 =	sge.u32 s8, s22  }
0x78: {  	[tilespmem:s17], [sflag:$0x4] =	stream.linear.gather @!p3 [hbm4b:s7+s16], $0x100, $0x38;
	[tilespmem:$0x1FF00] =	vst v63  }
0x79: {  	s20 =	sadd.s32 $0x80, s29;
	s7 =	simm.s32 @!p2 $0x6  }
0x7a: {  	s15 =	sadd.s32 $0xA0, s29;
	s19 =	simm.s32 @!p2 $0x8000;
	_ =	swait.ge @!p2 [sflag:s7], $0x100  }
0x7b: {  	s29 =	simm.s32 @!p2 $0x80;
	[sflag:s7] =	ssyncset.done @!p2 $0x0;
	s28 =	rddreg [dreg:$0x7]  }
0x7c: {  	[sflag:s7] =	ssyncadd.s32 @!p2 $0xFFFFFF00;
	s7 =	simm.s32 @!p2 $0xC200;
	p4 =	sge.u32 s8, s28  }
0x7d: {  	[tilespmem:s19], [sflag:$0x3] =	stream.indirect.gather @!p2 [hbm4b:s1+s29], $0x80, s7, s29, $0xb8;
	[tilespmem:$0x1FF00] =	vst v63  }
0x7e: {  	s23 =	smov.u32 s9;
	s7 =	simm.s32 @!p4 $0x2  }
0x7f: {  	s8 =	smov.u32 s23;
	_ =	swait.ge @!p4 [sflag:s7], $0x4000  }
0x80: {  	s18 =	simm.s32 @!p4 $0x4000;
	s22 =	simm.s32 @!p4 $0x80;
	[sflag:s7] =	ssyncset.done @!p4 $0x0  }
0x81: {  	s23 =	simm.s32 @!p4 $0xC180;
	s28 =	simm.s32 @!p4 $0x7;
	[sflag:s7] =	ssyncadd.s32 @!p4 $0xFFFFC000  }
0x82: {  	[spmem:s3] =	stream.indirect.scatter.add.f32 @!p4 [tilespmem:s18], [sflag:$0x7], $0x80, s23, s22, $0xb8;
	[tilespmem:$0x1FF00] =	vst v63  }
0x83: {  	p1 =	sgt.u32 s20, $0x9C3;
	_ =	swait.ge @!p4 [sflag:s28], $0x4000  }
0x84: {  	s20 =	simm.s32 @!p1 $0x0;
	s7 =	simm.s32 @!p1 $0xC100;
	[sflag:s28] =	ssyncset.done @!p4 $0x0  }
0x85: {  	s18 =	sadd.s32 @!p1 $0xFFFFFC00, s5;
	s23 =	simm.s32 @!p3 $0x4;
	[sflag:s28] =	ssyncadd.s32 @!p4 $0xFFFFC000  }
0x86: {  	[tilespmem:s7], [sflag:$0x5] =	stream.linear.gather @!p1 [hbm4b:s18+s20], $0x100, $0x38;
	[tilespmem:$0x1FF00] =	vst v63  }
0x87: {  	_ =	swait.ge @!p3 [sflag:s23], $0x100  }
0x88: {  	[sflag:s23] =	ssyncset.done @!p3 $0x0  }
0x89: {  	s20 =	simm.s32 @!p3 $0x80;
	[sflag:s23] =	ssyncadd.s32 @!p3 $0xFFFFFF00;
	s23 =	simm.s32 @!p2 $0x3  }
0x8a: {  	[tilespmem:s16], [sflag:$0x1] =	stream.indirect.gather @!p3 [hbm4b:s1+s20], $0x80, s17, s20, $0xb8;
	[tilespmem:$0x1FF00] =	vst v63  }
0x8b: {  	s9 =	sadd.s32 $0x60, s9;
	_ =	swait.ge @!p2 [sflag:s23], $0x4000  }
0x8c: {  	p0 =	sne.s32 s9, $0xA20;
	[sflag:s23] =	ssyncset.done @!p2 $0x0  }
0x8d: {  	s16 =	simm.s32 @!p2 $0xC280;
	s17 =	simm.s32 @!p2 $0x7;
	[sflag:s23] =	ssyncadd.s32 @!p2 $0xFFFFC000  }
0x8e: {  	[spmem:s3] =	stream.indirect.scatter.add.f32 @!p2 [tilespmem:s19], [sflag:$0x7], $0x80, s16, s29, $0xb8;
	[tilespmem:$0x1FF00] =	vst v63  }
.Ltmp0:
0x8f: {  	s22 =	simm.s32 @!p1 $0x80;
	_ =	swait.ge @!p2 [sflag:s17], $0x4000;
	(pc) =	sbr.rel @p0 .LBB2_2-.Ltmp0, $4  }
0x90: {  	p3 =	sgt.u32 s15, $0x9C3;
	s15 =	simm.s32 @!p1 $0x5;
	[sflag:s17] =	ssyncset.done @!p2 $0x0  }
0x91: {  	s16 =	simm.s32 @!p3 $0x0;
	s19 =	simm.s32 @!p3 $0xC200;
	[sflag:s17] =	ssyncadd.s32 @!p2 $0xFFFFC000  }
0x92: {  	[tilespmem:s19], [sflag:$0x6] =	stream.linear.gather @!p3 [hbm4b:s5+s16], $0x100, $0x38;
	[tilespmem:$0x1FF00] =	vst v63  }
0x93: {  	s18 =	simm.s32 @!p1 $0x4000;
	s5 =	sadd.s32 $0xC00, s5;
	_ =	swait.ge @!p1 [sflag:s15], $0x100  }
0x94: {  	s9 =	rddreg [dreg:$0x5];
	[sflag:s15] =	ssyncset.done @!p1 $0x0  }
0x95: {  	[sflag:s15] =	ssyncadd.s32 @!p1 $0xFFFFFF00;
	p0 =	sge.u32 s8, s9  }
0x96: {  	[tilespmem:s18], [sflag:$0x2] =	stream.indirect.gather @!p1 [hbm4b:s1+s22], $0x80, s7, s22, $0xb8;
	[tilespmem:$0x1FF00] =	vst v63  }
0x97: {  	s7 =	simm.s32 @!p0 $0x1;
	s22 =	sadd.s32 s8, s6  }
0x98: {  	s15 =	simm.s32 @!p0 $0x0;
	s16 =	simm.s32 @!p0 $0x7;
	_ =	swait.ge @!p0 [sflag:s7], $0x4000  }
0x99: {  	s17 =	simm.s32 @!p0 $0x80;
	s19 =	sadd.s32 $0x60, s22;
	[sflag:s7] =	ssyncset.done @!p0 $0x0  }
0x9a: {  	s18 =	simm.s32 @!p0 $0xC080;
	p1 =	sgt.u32 s19, $0x9C3;
	[sflag:s7] =	ssyncadd.s32 @!p0 $0xFFFFC000  }
0x9b: {  	[spmem:s3] =	stream.indirect.scatter.add.f32 @!p0 [tilespmem:s15], [sflag:$0x7], $0x80, s18, s17, $0xb8;
	[tilespmem:$0x1FF00] =	vst v63  }
0x9c: {  	s7 =	sadd.s32 @!p1 $0xFFFFF800, s5;
	_ =	swait.ge @!p0 [sflag:s16], $0x4000  }
0x9d: {  	s17 =	simm.s32 @!p1 $0x0;
	[sflag:s16] =	ssyncset.done @!p0 $0x0;
	s23 =	rddreg [dreg:$0x6]  }
0x9e: {  	s18 =	simm.s32 @!p1 $0xC000;
	[sflag:s16] =	ssyncadd.s32 @!p0 $0xFFFFC000;
	p0 =	sge.u32 s8, s23  }
0x9f: {  	[tilespmem:s18], [sflag:$0x4] =	stream.linear.gather @!p1 [hbm4b:s7+s17], $0x100, $0x38;
	[tilespmem:$0x1FF00] =	vst v63  }
0xa0: {  	s7 =	simm.s32 @!p0 $0x6  }
0xa1: {  	s15 =	simm.s32 @!p0 $0x8000;
	_ =	swait.ge @!p0 [sflag:s7], $0x100  }
0xa2: {  	s19 =	simm.s32 @!p0 $0xC200;
	[sflag:s7] =	ssyncset.done @!p0 $0x0;
	s28 =	rddreg [dreg:$0x7]  }
0xa3: {  	[sflag:s7] =	ssyncadd.s32 @!p0 $0xFFFFFF00;
	s7 =	simm.s32 @!p0 $0x80;
	p3 =	sge.u32 s8, s28  }
0xa4: {  	[tilespmem:s15], [sflag:$0x3] =	stream.indirect.gather @!p0 [hbm4b:s1+s7], $0x80, s19, s7, $0xb8;
	[tilespmem:$0x1FF00] =	vst v63  }
0xa5: {  	s8 =	simm.s32 @!p3 $0x2  }
0xa6: {  	_ =	swait.ge @!p3 [sflag:s8], $0x4000  }
0xa7: {  	s16 =	simm.s32 @!p3 $0x4000;
	[sflag:s8] =	ssyncset.done @!p3 $0x0  }
0xa8: {  	s19 =	simm.s32 @!p3 $0x80;
	[sflag:s8] =	ssyncadd.s32 @!p3 $0xFFFFC000;
	s8 =	simm.s32 @!p3 $0xC180  }
0xa9: {  	[spmem:s3] =	stream.indirect.scatter.add.f32 @!p3 [tilespmem:s16], [sflag:$0x7], $0x80, s8, s19, $0xb8;
	[tilespmem:$0x1FF00] =	vst v63  }
0xaa: {  	s29 =	sadd.s32 $0x80, s22;
	s16 =	simm.s32 @!p3 $0x7  }
0xab: {  	p2 =	sgt.u32 s29, $0x9C3;
	_ =	swait.ge @!p3 [sflag:s16], $0x4000  }
0xac: {  	s8 =	sadd.s32 @!p2 $0xFFFFFC00, s5;
	[sflag:s16] =	ssyncset.done @!p3 $0x0  }
0xad: {  	s19 =	simm.s32 @!p2 $0xC100;
	[sflag:s16] =	ssyncadd.s32 @!p3 $0xFFFFC000;
	s16 =	simm.s32 @!p2 $0x0  }
0xae: {  	[tilespmem:s19], [sflag:$0x5] =	stream.linear.gather @!p2 [hbm4b:s8+s16], $0x100, $0x38;
	[tilespmem:$0x1FF00] =	vst v63  }
0xaf: {  	s8 =	simm.s32 @!p1 $0x4  }
0xb0: {  	_ =	swait.ge @!p1 [sflag:s8], $0x100  }
0xb1: {  	[sflag:s8] =	ssyncset.done @!p1 $0x0  }
0xb2: {  	[sflag:s8] =	ssyncadd.s32 @!p1 $0xFFFFFF00;
	s8 =	simm.s32 @!p1 $0x80  }
0xb3: {  	[tilespmem:s17], [sflag:$0x1] =	stream.indirect.gather @!p1 [hbm4b:s1+s8], $0x80, s18, s8, $0xb8;
	[tilespmem:$0x1FF00] =	vst v63  }
0xb4: {  	s8 =	simm.s32 @!p0 $0x3  }
0xb5: {  	_ =	swait.ge @!p0 [sflag:s8], $0x4000  }
0xb6: {  	[sflag:s8] =	ssyncset.done @!p0 $0x0  }
0xb7: {  	[sflag:s8] =	ssyncadd.s32 @!p0 $0xFFFFC000;
	s8 =	simm.s32 @!p0 $0xC280  }
0xb8: {  	[spmem:s3] =	stream.indirect.scatter.add.f32 @!p0 [tilespmem:s15], [sflag:$0x7], $0x80, s8, s7, $0xb8;
	[tilespmem:$0x1FF00] =	vst v63  }
0xb9: {  	s7 =	simm.s32 @!p0 $0x7  }
0xba: {  	s18 =	sadd.s32 $0xA0, s22;
	_ =	swait.ge @!p0 [sflag:s7], $0x4000  }
0xbb: {  	p1 =	sgt.u32 s18, $0x9C3;
	[sflag:s7] =	ssyncset.done @!p0 $0x0  }
0xbc: {  	s8 =	simm.s32 @!p1 $0x0;
	[sflag:s7] =	ssyncadd.s32 @!p0 $0xFFFFC000;
	s7 =	simm.s32 @!p1 $0xC200  }
0xbd: {  	[tilespmem:s7], [sflag:$0x6] =	stream.linear.gather @!p1 [hbm4b:s5+s8], $0x100, $0x38;
	[tilespmem:$0x1FF00] =	vst v63  }
0xbe: {  	s5 =	simm.s32 @!p2 $0x5  }
0xbf: {  	_ =	swait.ge @!p2 [sflag:s5], $0x100  }
0xc0: {  	[sflag:s5] =	ssyncset.done @!p2 $0x0  }
0xc1: {  	s7 =	simm.s32 @!p2 $0x80;
	[sflag:s5] =	ssyncadd.s32 @!p2 $0xFFFFFF00;
	s5 =	simm.s32 @!p2 $0x4000  }
0xc2: {  	[tilespmem:s5], [sflag:$0x2] =	stream.indirect.gather @!p2 [hbm4b:s1+s7], $0x80, s19, s7, $0xb8;
	[tilespmem:$0x1FF00] =	vst v63  }
0xc3: {  	[bflag:$0x0] =	sbarrier.arrive $0xFFFF  }
0xc4: {  	[tilespmem:s4], [sflag:$0x1] =	stream.linear.gather [spmem:s10], $0x4000, $0x38;
	[tilespmem:$0x1FF00] =	vst v63  }
0xc5: {  	_ = 	snop  }
0xc6: {  	[tilespmem:s31], [sflag:$0x2] =	stream.linear.gather [spmem:s11], $0x4000, $0x38;
	[tilespmem:$0x1FF00] =	vst v63  }
0xc7: {  	_ =	swait.ge [sflag:s0], $0x4000  }
0xc8: {  	[sflag:s0] =	ssyncset.done $0x0  }
0xc9: {  	s19 =	rddreg [dreg:$0xc];
	[sflag:s0] =	ssyncadd.s32 $0xFFFFC000  }
0xca: {  	[hbm4b:s19+s4] =	stream.linear.scatter [tilespmem:s4], [sflag:$0x7], $0x4000, $0x38;
	[tilespmem:$0x1FF00] =	vst v63  }
0xcb: {  	_ =	swait.ge [sflag:s26], $0x4000  }
0xcc: {  	[sflag:s26] =	ssyncset.done $0x0  }
0xcd: {  	[sflag:s26] =	ssyncadd.s32 $0xFFFFC000  }
0xce: {  	[tilespmem:s4], [sflag:$0x1] =	stream.linear.gather [spmem:s12], $0x4000, $0x38;
	[tilespmem:$0x1FF00] =	vst v63  }
0xcf: {  	_ =	swait.ge [sflag:s2], $0x4000  }
0xd0: {  	[sflag:s2] =	ssyncset.done $0x0  }
0xd1: {  	s20 =	rddreg [dreg:$0xd];
	[sflag:s2] =	ssyncadd.s32 $0xFFFFC000  }
0xd2: {  	[hbm4b:s20+s4] =	stream.linear.scatter [tilespmem:s31], [sflag:$0x7], $0x4000, $0x38;
	[tilespmem:$0x1FF00] =	vst v63  }
0xd3: {  	_ =	swait.ge [sflag:s26], $0x4000  }
0xd4: {  	[sflag:s26] =	ssyncset.done $0x0  }
0xd5: {  	[sflag:s26] =	ssyncadd.s32 $0xFFFFC000  }
0xd6: {  	[tilespmem:s31], [sflag:$0x2] =	stream.linear.gather [spmem:s13], $0x4000, $0x38;
	[tilespmem:$0x1FF00] =	vst v63  }
0xd7: {  	_ =	swait.ge [sflag:s0], $0x4000  }
0xd8: {  	[sflag:s0] =	ssyncset.done $0x0  }
0xd9: {  	s22 =	rddreg [dreg:$0xe];
	[sflag:s0] =	ssyncadd.s32 $0xFFFFC000  }
0xda: {  	[hbm4b:s22+s4] =	stream.linear.scatter [tilespmem:s4], [sflag:$0x7], $0x4000, $0x38;
	[tilespmem:$0x1FF00] =	vst v63  }
0xdb: {  	_ =	swait.ge [sflag:s26], $0x4000  }
0xdc: {  	[sflag:s26] =	ssyncset.done $0x0  }
0xdd: {  	[sflag:s26] =	ssyncadd.s32 $0xFFFFC000  }
0xde: {  	[tilespmem:s4], [sflag:$0x1] =	stream.linear.gather [spmem:s14], $0x3C00, $0x38;
	[tilespmem:$0x1FF00] =	vst v63  }
0xdf: {  	_ =	swait.ge [sflag:s2], $0x4000  }
0xe0: {  	[sflag:s2] =	ssyncset.done $0x0  }
0xe1: {  	s23 =	rddreg [dreg:$0xf];
	[sflag:s2] =	ssyncadd.s32 $0xFFFFC000  }
0xe2: {  	[hbm4b:s23+s4] =	stream.linear.scatter [tilespmem:s31], [sflag:$0x7], $0x4000, $0x38;
	[tilespmem:$0x1FF00] =	vst v63  }
0xe3: {  	_ =	swait.ge [sflag:s26], $0x4000  }
0xe4: {  	[sflag:s26] =	ssyncset.done $0x0  }
0xe5: {  	[sflag:s26] =	ssyncadd.s32 $0xFFFFC000  }
0xe6: {  	_ =	swait.ge [sflag:s0], $0x3C00  }
0xe7: {  	[sflag:s0] =	ssyncset.done $0x0  }
0xe8: {  	s28 =	rddreg [dreg:$0x10];
	[sflag:s0] =	ssyncadd.s32 $0xFFFFC400  }
0xe9: {  	[hbm4b:s28+s4] =	stream.linear.scatter [tilespmem:s4], [sflag:$0x7], $0x3C00, $0x38;
	[tilespmem:$0x1FF00] =	vst v63  }
0xea: {  	_ =	swait.ge [sflag:s26], $0x3C00  }
0xeb: {  	s24 =	sadd.s32 $0x1, s24;
	s29 =	rddreg [dreg:$0x11]  }
0xec: {  	p0 =	sne.s32 s24, s29  }
.Ltmp1:
0xed: {  	_ = 	snop;
	(pc) =	sbr.rel @p0 .LBB2_1-.Ltmp1, $3  }
0xee: {  	_ =	sdelay $0x1  }
0xef: {  	[sflag:s26] =	ssyncset.done $0x0  }
0xf0: {  	[sflag:s26] =	ssyncadd.s32 $0xFFFFC400  }
0xf1: {  	_ =	sfence.sel $0x180000  }
0xf2: {  	[bflag:$0x0] =	sbarrier.arrive $0xFFFF  }
0xf3: {  	_ =	strace $0x9000004D  }
0xf4: {  	s0 =	stileid.u32;
	[bflag:$0x2] =	sbarrier.arrive $0xFFFF  }
0xf5: {  	p0 =	sne.s32 s0, $0x0;
	s0 =	rddreg [dreg:$0x4]  }
0xf6: {  	s0 =	sadd.s32 @!p0 $0x100000, s0  }
0xf7: {  	[sflag:s0] =	ssyncadd.tile.s32 @!p0 $0x1;
	_ =	shalt  }
.Lfunc_end2:
_tile_overlayer_lowered:
.L_overlay_start_2:
0xf8: {  	(tag) =	ssettag $0x2  }
0xf9: {  	s0 =	rddreg [dreg:$0x0];
	s2 =	stileid.u32  }
0xfa: {  	s1 =	rddreg [dreg:$0x1];
	p0 =	sne.s32 s2, $0x0  }
0xfb: {  	s3 =	rddreg [dreg:$0x2];
	[bflag:$0x3] =	sbarrier.arrive $0xFFFF;
	s2 =	simm.s32 @!p0 $0x1C07  }
0xfc: {  	[timem:s3], [sflag:s2] =	dma.local @!p0 [hbm:s0], s1  }
0xfd: {  	s0 =	simm.s32 @!p0 $0x7  }
0xfe: {  	_ =	swait.ge @!p0 [sflag:s0], s1  }
0xff: {  	s1 =	ssub.s32 @!p0 $0x0, s1;
	[sflag:s0] =	ssyncset.done @!p0 $0x0  }
0x100: {  	[sflag:s0] =	ssyncadd.s32 @!p0 s1  }
0x101: {  	[bflag:$0x3] =	sbarrier.arrive $0xFFFF  }
0x102: {  	_ =	shalt  }

// kernel: kernel.9.cloned.1.call-start
scs
__scs_entry_jumppad:
0x0: {  	(pc) =	sbr.rel $0x88, $3  }
0x1: {  	(tag) =	ssettag $0x0;
	lr =	simm.s32 $0x1  }
0x2: {  	[smem:$0x3F94] =	sst lr;
	_ =	strace $0xD0000000  }
0x3: {  	_ = 	snop  }
0x4: {  	_ = 	snop  }
0x5: {  	_ = 	snop  }
0x6: {  	_ = 	snop  }
0x7: {  	_ = 	snop  }
__scs_overlays_trampoline_lowered:
0x8: {  	[smem:$0x3FA3] =	sst s0  }
0x9: {  	[smem:$0x3FA4] =	sst s1  }
0xa: {  	[smem:$0x3FA5] =	sst s2  }
0xb: {  	[smem:$0x3FA6] =	sst s3  }
0xc: {  	[smem:$0x3FA7] =	sst s4  }
0xd: {  	[smem:$0x3FA8] =	sst s5  }
0xe: {  	[smem:$0x3FA9] =	sst s6  }
0xf: {  	[smem:$0x3FAA] =	sst s7  }
0x10: {  	[smem:$0x3FAB] =	sst s8  }
0x11: {  	[smem:$0x3FAC] =	sst s9;
	s0 =	simm.s32 @!p0 $0x0  }
0x12: {  	s1 =	sld [smem:$0x3F92];
	s0 =	simm.s32 @p0 $0x1  }
0x13: {  	[smem:$0x3FAD] =	sst s0;
	s0 =	simm.s32 @!p1 $0x0  }
0x14: {  	s2 =	sld [smem:$0x3F91];
	s0 =	simm.s32 @p1 $0x1  }
0x15: {  	[smem:$0x3FAE] =	sst s0;
	s0 =	simm.s32 @!p2 $0x0  }
0x16: {  	s3 =	sld [smem:$0x3FDB];
	s0 =	simm.s32 @p2 $0x1  }
0x17: {  	s4 =	simm.s32 $0x1BF5;
	[smem:$0x3FB0] =	sst s0  }
0x18: {  	s0 =	sld [smem:$0x3F93];
	_ =	swait.ge [sflag:s4], $0x0  }
0x19: {  	s7 =	sld [smem:$0x3F94]  }
0x1a: {  	s8 =	sadd.s32 $0xFFFFE003, lr  }
0x1b: {  	s9 =	sadd.s32 $0xFFFFFEF7, lr;
	s5 =	simm.s32 $0xFFFFFFFF;
	p2 =	slt.u32 s8, $0xFFFFF086  }
0x1c: {  	p1 =	slt.u32 s9, $0xF7A;
	s5 =	simm.s32 @!p2 $0x0  }
0x1d: {  	s5 =	simm.s32 @p1 $0x1;
	p0 =	seq.s32 s7, s2  }
0x1e: {  	s7 =	smul.u32 @!p0 $0xF7A, s2;
	p2 =	seq.s32 @!p0 s5, $0x0  }
0x1f: {  	s9 =	smul.u32 $0xF7A, s1;
	s8 =	simm.s32 @!p0 $0x1BF5;
	p2 =	por !p2, p0  }
0x20: {  	[sflag:s8] =	ssyncset.s32 @!p0 $0xFFFFF086;
	s6 =	sadd.s32 @!p0 s3, s7;
	s7 =	simm.s32 @!p0 $0x108  }
0x21: {  	s3 =	sadd.s32 s3, s9;
	s6 =	sadd.s32 @!p0 $0x88, s6;
	s7 =	simm.s32 @p2 $0x1082  }
0x22: {  	[simem:s7], [sflag:s8] =	dma.local @!p0 [hbm:s6], $0xF7A  }
0x23: {  	s9 =	sor.u32 $0xD0000000, s2;
	s6 =	simm.s32 $0x108;
	_ =	swait.ge @!p0 [sflag:s8], $0x0  }
0x24: {  	s3 =	sadd.s32 $0x88, s3;
	s6 =	simm.s32 @!p1 $0x1082;
	[sflag:s4] =	ssyncset.s32 $0xFFFFF086  }
0x25: {  	[simem:s6], [sflag:s4] =	dma.local [hbm:s3], $0xF7A  }
0x26: {  	[smem:$0x3F94] =	sst s1;
	(tag) =	ssettag s2;
	_ =	strace s9  }
0x27: {  	s1 =	sld [smem:$0x3FA4]  }
0x28: {  	s2 =	sld [smem:$0x3FA5]  }
0x29: {  	s4 =	sld [smem:$0x3FA7]  }
0x2a: {  	p0 =	seq.s32 s5, $0x0;
	s5 =	sld [smem:$0x3FA8]  }
0x2b: {  	s6 =	sld [smem:$0x3FA9]  }
0x2c: {  	s7 =	sld [smem:$0x3FAA]  }
0x2d: {  	s3 =	simm.s32 $0x108;
	s8 =	sld [smem:$0x3FAB]  }
0x2e: {  	s3 =	simm.s32 @!p0 $0x1082;
	s9 =	sld [smem:$0x3FAC]  }
0x2f: {  	lr =	sadd.s32 s0, s3;
	s0 =	sld [smem:$0x3FA3]  }
0x30: {  	s3 =	sld [smem:$0x3FA6]  }
0x31: {  	[smem:$0x3FAF] =	sst s10  }
0x32: {  	s10 =	sld [smem:$0x3FAD];
	_ =	sdelay $0x3  }
0x33: {  	p0 =	seq.s32 s10, $0x1;
	s10 =	sld [smem:$0x3FAF];
	_ =	sdelay $0x3  }
0x34: {  	[smem:$0x3FAF] =	sst s10  }
0x35: {  	s10 =	sld [smem:$0x3FAE];
	_ =	sdelay $0x3  }
0x36: {  	p1 =	seq.s32 s10, $0x1;
	s10 =	sld [smem:$0x3FAF];
	_ =	sdelay $0x3  }
0x37: {  	[smem:$0x3FAF] =	sst s10  }
0x38: {  	s10 =	sld [smem:$0x3FB0]  }
0x39: {  	_ = 	snop;
	(pc) =	sbr.ind lr, $3  }
0x3a: {  	_ = 	snop  }
0x3b: {  	_ = 	snop  }
0x3c: {  	p2 =	seq.s32 s10, $0x1;
	s10 =	sld [smem:$0x3FAF]  }
0x3d: {  	_ =	shalt  }
0x3e: {  	_ =	shalt  }
0x3f: {  	_ =	shalt  }
0x40: {  	_ =	shalt  }
0x41: {  	_ =	shalt  }
0x42: {  	_ =	shalt  }
0x43: {  	_ =	shalt  }
0x44: {  	_ =	shalt  }
0x45: {  	_ =	shalt  }
0x46: {  	_ =	shalt  }
0x47: {  	_ =	shalt  }
0x48: {  	_ =	shalt  }
0x49: {  	_ =	shalt  }
0x4a: {  	_ =	shalt  }
0x4b: {  	_ =	shalt  }
0x4c: {  	_ =	shalt  }
0x4d: {  	_ =	shalt  }
0x4e: {  	_ =	shalt  }
0x4f: {  	_ =	shalt  }
0x50: {  	_ =	shalt  }
0x51: {  	_ =	shalt  }
0x52: {  	_ =	shalt  }
0x53: {  	_ =	shalt  }
0x54: {  	_ =	shalt  }
0x55: {  	_ =	shalt  }
0x56: {  	_ =	shalt  }
0x57: {  	_ =	shalt  }
0x58: {  	_ =	shalt  }
0x59: {  	_ =	shalt  }
0x5a: {  	_ =	shalt  }
0x5b: {  	_ =	shalt  }
0x5c: {  	_ =	shalt  }
0x5d: {  	_ =	shalt  }
0x5e: {  	_ =	shalt  }
0x5f: {  	_ =	shalt  }
0x60: {  	_ =	shalt  }
0x61: {  	_ =	shalt  }
0x62: {  	_ =	shalt  }
0x63: {  	_ =	shalt  }
0x64: {  	_ =	shalt  }
0x65: {  	_ =	shalt  }
0x66: {  	_ =	shalt  }
0x67: {  	_ =	shalt  }
0x68: {  	_ =	shalt  }
0x69: {  	_ =	shalt  }
0x6a: {  	_ =	shalt  }
0x6b: {  	_ =	shalt  }
0x6c: {  	_ =	shalt  }
0x6d: {  	_ =	shalt  }
0x6e: {  	_ =	shalt  }
0x6f: {  	_ =	shalt  }
0x70: {  	_ =	shalt  }
0x71: {  	_ =	shalt  }
0x72: {  	_ =	shalt  }
0x73: {  	_ =	shalt  }
0x74: {  	_ =	shalt  }
0x75: {  	_ =	shalt  }
0x76: {  	_ =	shalt  }
0x77: {  	_ =	shalt  }
0x78: {  	_ =	shalt  }
0x79: {  	_ =	shalt  }
0x7a: {  	_ =	shalt  }
0x7b: {  	_ =	shalt  }
0x7c: {  	_ =	shalt  }
0x7d: {  	_ =	shalt  }
0x7e: {  	_ =	shalt  }
0x7f: {  	_ =	shalt  }
0x80: {  	_ =	shalt  }
0x81: {  	_ =	shalt  }
0x82: {  	_ =	shalt  }
0x83: {  	_ =	shalt  }
0x84: {  	_ =	shalt  }
0x85: {  	_ =	shalt  }
0x86: {  	_ =	shalt  }
0x87: {  	_ =	shalt  }
.Lfunc_end0:
.L_simem_size_0:
called_computation_lowered:
.L_overlay_start_0:
0x88: {  	s2 =	sld [smem:$0x3FD9]  }
0x89: {  	s3 =	sld [smem:$0x3FFE];
	_ =	sdelay $0x1  }
0x8a: {  	s1 =	srdreg.scid  }
0x8b: {  	s0 =	sand.u32 $0x1, s1  }
0x8c: {  	s17 =	sshll.u32 s0, $0xA;
	s2 =	sadd.s32 s3, s2  }
0x8d: {  	s2 =	sadd.s32 s2, s17  }
0x8e: {  	[smem:$0x3FBB] =	sst s2  }
0x8f: {  	_ = 	snop  }
0x90: {  	s2 =	sld [smem:$0x3FC9]  }
0x91: {  	s18 =	sld [smem:$0x3FC8]  }
0x92: {  	s4 =	sld [smem:$0x3FD0];
	(tm) =	ssettm $0x1  }
0x93: {  	s5 =	sld [smem:$0x3FFB];
	_ =	sdelay $0x3  }
0x94: {  	_ =	strace s5  }
0x95: {  	s5 =	sld [smem:$0x3FFC];
	_ =	sdelay $0x3  }
0x96: {  	_ =	strace s5  }
0x97: {  	s5 =	sld [smem:$0x3FFD];
	_ =	sdelay $0x3  }
0x98: {  	_ =	strace s5  }
0x99: {  	_ =	strace $0x8FFFFFFF  }
0x9a: {  	s19 =	sld [smem:$0x3FDB];
	_ =	sdelay $0x1  }
0x9b: {  	s6 =	simm.s32 $_scs_section_size  }
0x9c: {  	s7 =	simm.s32 $_size__tile_overlayer_lowered;
	s8 =	simm.s32 $_tile_overlayer_lowered  }
0x9d: {  	s22 =	simm.s32 $0x1BFF;
	s21 =	sshll.u32 s8, $0x1;
	s5 =	sadd.s32 s6, s19  }
0x9e: {  	s9 =	simm.s32 $0x0;
	s20 =	sshll.u32 s7, $0x1;
	s7 =	sadd.s32 s21, s5  }
0x9f: {  	[timem:s9], [sflag:s22] =	dma.local [hbm:s7], s20  }
0xa0: {  	_ =	swait.ge [sflag:s22], s20  }
0xa1: {  	s6 =	ssub.s32 $0x0, s20;
	[sflag:s22] =	ssyncset.done $0x0  }
0xa2: {  	[sflag:s22] =	ssyncadd.s32 s6;
	_ =	sdelay $0x1  }
0xa3: {  	s23 =	simm.s32 $0x1B8B  }
0xa4: {  	_ =	swait.ge [sflag:s23], $0x1  }
0xa5: {  	[sflag:s23] =	ssyncset.done $0x0  }
0xa6: {  	s25 =	simm.s32 $0x1B8E;
	s24 =	sld [smem:$0x3FFE];
	[sflag:s23] =	ssyncadd.s32 $0xFFFFFFFF  }
0xa7: {  	s26 =	simm.s32 $execute0_lowered;
	[smem:$0x3FD2] =	sst s25  }
0xa8: {  	s7 =	sshll.u32 s26, $0x1;
	_ =	strace $0x80000046;
	[dreg:$0x1] =	wrdreg $0xFFFFFFFF  }
0xa9: {  	s28 =	simm.s32 $_size_execute0_lowered;
	s5 =	sadd.s32 s5, s7;
	[dreg:$0x0] =	wrdreg $0x0  }
0xaa: {  	s7 =	sshll.u32 s28, $0x1;
	[dreg:$0x2] =	wrdreg s5  }
0xab: {  	[dreg:$0x3] =	wrdreg s7  }
0xac: {  	[dreg:$0x4] =	wrdreg $0xC0  }
0xad: {  	_ =	task [dreg:s9], $0x5FFFF  }
0xae: {  	[dreg:$0x1] =	wrdreg $0xFFFFFFFF  }
0xaf: {  	[dreg:$0x0] =	wrdreg $0x60  }
0xb0: {  	[dreg:$0x2] =	wrdreg s18  }
0xb1: {  	[dreg:$0x3] =	wrdreg s2  }
0xb2: {  	[dreg:$0x4] =	wrdreg s24  }
0xb3: {  	[dreg:$0x5] =	wrdreg s4  }
0xb4: {  	[dreg:$0x6] =	wrdreg $0x84000  }
0xb5: {  	[dreg:$0x7] =	wrdreg $0x1C3000  }
0xb6: {  	[dreg:$0x8] =	wrdreg $0x1C5780  }
0xb7: {  	[dreg:$0x9] =	wrdreg $0x9  }
0xb8: {  	_ =	task.clear_ibuf [dreg:s9], $0xAFFFF;
	_ =	strace $0x90000046  }
0xb9: {  	s29 =	simm.s32 $0x9;
	_ =	strace $0x80000048  }
0xba: {  	_ =	swait.ge [sflag:s29], $0x1  }
0xbb: {  	[sflag:s29] =	ssyncadd.s32 $0xFFFFFFFF  }
0xbc: {  	_ =	strace $0x90000048  }
0xbd: {  	_ =	sfence  }
0xbe: {  	s30 =	sld [smem:$0x0];
	_ =	sdelay $0x2  }
0xbf: {  	s31 =	sshll.u32 s1, $0xD;
	s1 =	sshrl.u32 s1, $0x2  }
0xc0: {  	s3 =	sand.u32 $0x4000, s31;
	s1 =	sadd.s32 s1, s30  }
0xc1: {  	s0 =	sor.u32 s3, s0;
	s1 =	sshll.u32 s1, $0x11  }
0xc2: {  	s0 =	sor.u32 s1, s0  }
0xc3: {  	s0 =	sadd.s32 $0x8F2B, s0  }
0xc4: {  	[sflag:s0] =	ssyncadd.remote.s32 $0x1  }
0xc5: {  	_ =	sfence.sel $0xFFFF  }
0xc6: {  	[dreg:$0x0] =	wrdreg $0xFFFFFFFF;
	(pc) =	sbr.abs _section_cstart, $3  }
0xc7: {  	[dreg:$0x1] =	wrdreg $0xFFFFFFFF  }
0xc8: {  	_ =	task.clear_ibuf [dreg:s9], $0x2FFFF;
	_ =	strace $0x9FFFFFFF  }
0xc9: {  	(tm) =	ssettm $0x7FFFFFFF  }
tec
execute0_lowered:
.L_overlay_start_1:
0x0: {  	(tag) =	ssettag $0x1  }
0x1: {  	s0 =	rddreg [dreg:$0x0]  }
0x2: {  	s1 =	rddreg [dreg:$0x1]  }
0x3: {  	s4 =	rddreg [dreg:$0x2]  }
0x4: {  	s9 =	rddreg [dreg:$0x3]  }
0x5: {  	s2 =	rddreg [dreg:$0x4]  }
0x6: {  	s3 =	rddreg [dreg:$0x5];
	s6 =	srdreg.scid  }
0x7: {  	s5 =	rddreg [dreg:$0x6];
	s22 =	stileid.u32  }
0x8: {  	s31 =	simm.s32 $0x8000;
	s28 =	simm.s32 $0x1C000;
	s29 =	simm.s32 $0x2  }
0x9: {  	s30 =	simm.s32 $0x6;
	s10 =	sand.u32 $0x1, s6;
	s11 =	smul.u32 $0x278, s22  }
0xa: {  	s6 =	simm.s32 $0x0;
	s12 =	sadd.s32 $0x2CC00, s4;
	s16 =	smul.u32 $0x13C00, s22  }
0xb: {  	s4 =	sadd.s32 $0x5400, s4;
	s7 =	ssub.s32 $0x2, s10;
	s14 =	smul.u32 $0x13C000, s10  }
0xc: {  	s21 =	smul.u32 $0x4F00, s10;
	[smem:$0x7FF] =	sst s6;
	s8 =	sshrl.u32 s7, $0x1  }
0xd: {  	s15 =	sshll.u32 s11, $0x7;
	s13 =	ssub.s32 s7, s8;
	s7 =	sshll.u32 s22, $0x1  }
0xe: {  	s17 =	sadd.s32 $0x4000, s15;
	s18 =	sadd.s32 $0x8000, s15;
	s20 =	sadd.s32 $0xC000, s15  }
0xf: {  	s16 =	sadd.s32 s16, s14;
	s15 =	sadd.s32 $0x10000, s15;
	s21 =	sadd.s32 s11, s21  }
0x10: {  	s8 =	sor.u32 s10, s7;
	s19 =	sadd.s32 s14, s17;
	s16 =	sshrl.u32 s16, $0x3  }
0x11: {  	s25 =	sadd.s32 s14, s18;
	s26 =	sadd.s32 s14, s20;
	s14 =	sadd.s32 s14, s15  }
0x12: {  	s17 =	sadd.s32 s17, s2;
	s18 =	sadd.s32 s18, s2;
	s20 =	sadd.s32 s20, s2  }
0x13: {  	s10 =	sshll.u32 s10, $0x5;
	s19 =	sshrl.u32 s19, $0x3;
	s16 =	sadd.s32 s12, s16  }
0x14: {  	[dreg:$0x8] =	wrdreg s16;
	s24 =	sadd.s32 s12, s19;
	s16 =	sshrl.u32 s25, $0x3  }
0x15: {  	s19 =	sshrl.u32 s26, $0x3;
	[dreg:$0x9] =	wrdreg s24;
	s16 =	sadd.s32 s12, s16  }
0x16: {  	s14 =	sshrl.u32 s14, $0x3;
	[dreg:$0xa] =	wrdreg s16;
	s16 =	sadd.s32 s12, s19  }
0x17: {  	s23 =	sshll.u32 s8, $0x5;
	s12 =	sadd.s32 s12, s14;
	[dreg:$0xb] =	wrdreg s16  }
0x18: {  	s25 =	smul.u32 $0x4F000, s22;
	s26 =	sshll.u32 s22, $0x6;
	[dreg:$0xc] =	wrdreg s12  }
0x19: {  	s14 =	smax.u32 s13, $0x1;
	_ =	strace $0x80000047;
	[dreg:$0xf] =	wrdreg s4  }
0x1a: {  	s24 =	sshrl.u32 s21, $0x3;
	s12 =	sadd.s32 s1, s23;
	[dreg:$0x16] =	wrdreg s14  }
0x1b: {  	s22 =	sadd.s32 s11, s3;
	s16 =	sadd.s32 s9, s24;
	[dreg:$0xe] =	wrdreg s12  }
0x1c: {  	s21 =	sadd.s32 s15, s2;
	s13 =	simm.s32 $0x80;
	[dreg:$0xd] =	wrdreg s16  }
0x1d: {  	s1 =	sadd.s32 s26, s1;
	s9 =	sshrl.u32 s25, $0x2;
	[dreg:$0x11] =	wrdreg s18  }
0x1e: {  	s23 =	sadd.s32 s11, s5;
	s11 =	simm.s32 $0x1C080;
	[dreg:$0x12] =	wrdreg s20  }
0x1f: {  	s19 =	sadd.s32 s9, s2;
	s1 =	sadd.s32 s10, s1;
	[dreg:$0x13] =	wrdreg s21  }
0x20: {  	s15 =	sadd.s32 $0x400, s12;
	s24 =	sadd.s32 $0x800, s12;
	[dreg:$0x14] =	wrdreg s17  }
0x21: {  	s25 =	sadd.s32 $0xC00, s12;
	s26 =	sadd.s32 $0x4F0, s16;
	[dreg:$0x15] =	wrdreg s23  }
0x22: {  	s4 =	simm.s32 $0x8200;
	s9 =	simm.s32 $0x8300;
	[dreg:$0x18] =	wrdreg s15  }
.Ltmp0:
0x23: {  	s10 =	simm.s32 $0x7;
	[dreg:$0x19] =	wrdreg s24;
	(pc) =	sbr.rel .LBB2_1-.Ltmp0, $4  }
0x24: {  	s14 =	simm.s32 $0x4000;
	s12 =	simm.s32 $0x0;
	[dreg:$0x1a] =	wrdreg s25  }
0x25: {  	s1 =	sadd.s32 $0x1C00, s1;
	[dreg:$0x1b] =	wrdreg s26;
	s24 =	simm.s32 $0x1  }
0x26: {  	s26 =	simm.s32 $0x8080;
	s25 =	simm.s32 $0x8180;
	[dreg:$0x10] =	wrdreg s19  }
0x27: {  	v0 =	vimm.f32 $1.000000000e+00;
	v1 =	vimm.f32 $0.0e+00;
	s15 =	simm.s32 $0x8280;
	[dreg:$0x17] =	wrdreg s1;
	s1 =	simm.s32 $0x8100  }
.LBB2_7:
0x28: {  	[bflag:$0x0] =	sbarrier.arrive $0xFFFF  }
0x29: {  	s19 =	rddreg [dreg:$0x10]  }
0x2a: {  	[tilespmem:s6], [sflag:$0x1] =	stream.linear.gather [spmem:s19], $0x4000, $0x38;
	[tilespmem:$0x1C7F0] =	vst v63  }
0x2b: {  	s17 =	rddreg [dreg:$0x14]  }
0x2c: {  	[tilespmem:s14], [sflag:$0x2] =	stream.linear.gather [spmem:s17], $0x4000, $0x38;
	[tilespmem:$0x1C7F0] =	vst v63  }
0x2d: {  	_ =	swait.ge [sflag:s24], $0x4000  }
0x2e: {  	[sflag:s24] =	ssyncset.done $0x0  }
0x2f: {  	s16 =	rddreg [dreg:$0x8];
	[sflag:s24] =	ssyncadd.s32 $0xFFFFC000  }
0x30: {  	[hbm4b:s16+s6] =	stream.linear.scatter [tilespmem:s6], [sflag:$0x7], $0x4000, $0x38;
	[tilespmem:$0x1C7F0] =	vst v63  }
0x31: {  	_ =	swait.ge [sflag:s10], $0x4000  }
0x32: {  	[sflag:s10] =	ssyncset.done $0x0  }
0x33: {  	s18 =	rddreg [dreg:$0x11];
	[sflag:s10] =	ssyncadd.s32 $0xFFFFC000  }
0x34: {  	[tilespmem:s6], [sflag:$0x1] =	stream.linear.gather [spmem:s18], $0x4000, $0x38;
	[tilespmem:$0x1C7F0] =	vst v63  }
0x35: {  	_ =	swait.ge [sflag:s29], $0x4000  }
0x36: {  	[sflag:s29] =	ssyncset.done $0x0  }
0x37: {  	s20 =	rddreg [dreg:$0x9];
	[sflag:s29] =	ssyncadd.s32 $0xFFFFC000  }
0x38: {  	[hbm4b:s20+s6] =	stream.linear.scatter [tilespmem:s14], [sflag:$0x7], $0x4000, $0x38;
	[tilespmem:$0x1C7F0] =	vst v63  }
0x39: {  	_ =	swait.ge [sflag:s10], $0x4000  }
0x3a: {  	[sflag:s10] =	ssyncset.done $0x0  }
0x3b: {  	s20 =	rddreg [dreg:$0x12];
	[sflag:s10] =	ssyncadd.s32 $0xFFFFC000  }
0x3c: {  	[tilespmem:s14], [sflag:$0x2] =	stream.linear.gather [spmem:s20], $0x4000, $0x38;
	[tilespmem:$0x1C7F0] =	vst v63  }
0x3d: {  	_ =	swait.ge [sflag:s24], $0x4000  }
0x3e: {  	[sflag:s24] =	ssyncset.done $0x0  }
0x3f: {  	s21 =	rddreg [dreg:$0xa];
	[sflag:s24] =	ssyncadd.s32 $0xFFFFC000  }
0x40: {  	[hbm4b:s21+s6] =	stream.linear.scatter [tilespmem:s6], [sflag:$0x7], $0x4000, $0x38;
	[tilespmem:$0x1C7F0] =	vst v63  }
0x41: {  	_ =	swait.ge [sflag:s10], $0x4000  }
0x42: {  	[sflag:s10] =	ssyncset.done $0x0  }
0x43: {  	s21 =	rddreg [dreg:$0x13];
	[sflag:s10] =	ssyncadd.s32 $0xFFFFC000  }
0x44: {  	[tilespmem:s6], [sflag:$0x1] =	stream.linear.gather [spmem:s21], $0x3C00, $0x38;
	[tilespmem:$0x1C7F0] =	vst v63  }
0x45: {  	_ =	swait.ge [sflag:s29], $0x4000  }
0x46: {  	[sflag:s29] =	ssyncset.done $0x0  }
0x47: {  	s22 =	rddreg [dreg:$0xb];
	[sflag:s29] =	ssyncadd.s32 $0xFFFFC000  }
0x48: {  	[hbm4b:s22+s6] =	stream.linear.scatter [tilespmem:s14], [sflag:$0x7], $0x4000, $0x38;
	[tilespmem:$0x1C7F0] =	vst v63  }
0x49: {  	_ =	swait.ge [sflag:s10], $0x4000  }
0x4a: {  	[sflag:s10] =	ssyncset.done $0x0  }
0x4b: {  	[sflag:s10] =	ssyncadd.s32 $0xFFFFC000  }
0x4c: {  	_ =	swait.ge [sflag:s24], $0x3C00  }
0x4d: {  	[sflag:s24] =	ssyncset.done $0x0  }
0x4e: {  	s22 =	rddreg [dreg:$0xc];
	[sflag:s24] =	ssyncadd.s32 $0xFFFFC400  }
0x4f: {  	[hbm4b:s22+s6] =	stream.linear.scatter [tilespmem:s6], [sflag:$0x7], $0x3C00, $0x38;
	[tilespmem:$0x1C7F0] =	vst v63  }
0x50: {  	_ =	swait.ge [sflag:s10], $0x3C00  }
0x51: {  	[sflag:s10] =	ssyncset.done $0x0  }
0x52: {  	[sflag:s10] =	ssyncadd.s32 $0xFFFFC400  }
0x53: {  	[tilespmem:s11], [sflag:$0x7] =	stream.linear.gather [spmem:s23], $0x278, $0x38;
	[tilespmem:$0x1C7F0] =	vst v63  }
0x54: {  	_ =	swait.ge [sflag:s10], $0x278  }
0x55: {  	[sflag:s10] =	ssyncset.done $0x0  }
0x56: {  	s22 =	smov.u32 s23;
	s23 =	rddreg [dreg:$0xd];
	[sflag:s10] =	ssyncadd.s32 $0xFFFFFD88  }
0x57: {  	[hbm4b:s23+s6] =	stream.linear.scatter [tilespmem:s11], [sflag:$0x7], $0x278, $0x38;
	[tilespmem:$0x1C7F0] =	vst v63  }
0x58: {  	_ =	swait.ge [sflag:s10], $0x278  }
0x59: {  	[sflag:s10] =	ssyncset.done $0x0  }
0x5a: {  	s23 =	rddreg [dreg:$0x15];
	[sflag:s10] =	ssyncadd.s32 $0xFFFFFD88  }
0x5b: {  	[tilespmem:s11], [sflag:$0x7] =	stream.linear.gather [spmem:s23], $0x278, $0x38;
	[tilespmem:$0x1C7F0] =	vst v63  }
0x5c: {  	_ =	swait.ge [sflag:s10], $0x278  }
0x5d: {  	[sflag:s10] =	ssyncset.done $0x0  }
0x5e: {  	s16 =	rddreg [dreg:$0x1b];
	[sflag:s10] =	ssyncadd.s32 $0xFFFFFD88  }
0x5f: {  	[hbm4b:s16+s6] =	stream.linear.scatter [tilespmem:s11], [sflag:$0x7], $0x278, $0x38;
	[tilespmem:$0x1C7F0] =	vst v63  }
0x60: {  	_ =	swait.ge [sflag:s10], $0x278  }
0x61: {  	s12 =	sadd.s32 $0x1, s12;
	s16 =	rddreg [dreg:$0x16]  }
0x62: {  	p0 =	sne.s32 s12, s16  }
.Ltmp1:
0x63: {  	_ = 	snop;
	(pc) =	sbr.rel @!p0 .LBB2_8-.Ltmp1, $3  }
0x64: {  	_ =	sdelay $0x1  }
0x65: {  	[sflag:s10] =	ssyncset.done $0x0  }
0x66: {  	[sflag:s10] =	ssyncadd.s32 $0xFFFFFD88  }
.LBB2_1:
0x67: {  	s16 =	rddreg [dreg:$0xe]  }
0x68: {  	[tilespmem:s31], [sflag:$0x3] =	stream.linear.gather [hbm4b:s16+s6], $0x100, $0x38;
	[tilespmem:$0x1C7F0] =	vst v63  }
0x69: {  	s16 =	rddreg [dreg:$0x18]  }
0x6a: {  	[tilespmem:s1], [sflag:$0x4] =	stream.linear.gather [hbm4b:s16+s6], $0x100, $0x38;
	[tilespmem:$0x1C7F0] =	vst v63  }
0x6b: {  	s16 =	rddreg [dreg:$0x19]  }
0x6c: {  	[tilespmem:s4], [sflag:$0x5] =	stream.linear.gather [hbm4b:s16+s6], $0x100, $0x38;
	[tilespmem:$0x1C7F0] =	vst v63  }
0x6d: {  	s16 =	rddreg [dreg:$0x1a]  }
0x6e: {  	[tilespmem:s9], [sflag:$0x6] =	stream.linear.gather [hbm4b:s16+s6], $0x100, $0x38;
	[tilespmem:$0x1C7F0] =	vst v63  }
0x6f: {  	s16 =	rddreg [dreg:$0xf]  }
0x70: {  	[tilespmem:s6], [sflag:$0x7] =	stream.linear.gather [hbm4b:s16+s6], $0x4000, $0x38;
	[tilespmem:$0x1C7F0] =	vst v63  }
0x71: {  	_ =	swait.ge [sflag:s10], $0x4000  }
0x72: {  	[sflag:s10] =	ssyncset.done $0x0  }
0x73: {  	[sflag:s10] =	ssyncadd.s32 $0xFFFFC000  }
0x74: {  	[spmem:s19] =	stream.linear.scatter [tilespmem:s6], [sflag:$0x7], $0x4000, $0x38;
	[tilespmem:$0x1C7F0] =	vst v63  }
0x75: {  	_ =	swait.ge [sflag:s10], $0x4000  }
0x76: {  	[sflag:s10] =	ssyncset.done $0x0  }
0x77: {  	[sflag:s10] =	ssyncadd.s32 $0xFFFFC000  }
0x78: {  	[spmem:s17] =	stream.linear.scatter [tilespmem:s6], [sflag:$0x7], $0x4000, $0x38;
	[tilespmem:$0x1C7F0] =	vst v63  }
0x79: {  	_ =	swait.ge [sflag:s10], $0x4000  }
0x7a: {  	[sflag:s10] =	ssyncset.done $0x0  }
0x7b: {  	[sflag:s10] =	ssyncadd.s32 $0xFFFFC000  }
0x7c: {  	[spmem:s18] =	stream.linear.scatter [tilespmem:s6], [sflag:$0x7], $0x4000, $0x38;
	[tilespmem:$0x1C7F0] =	vst v63  }
0x7d: {  	_ =	swait.ge [sflag:s10], $0x4000  }
0x7e: {  	[sflag:s10] =	ssyncset.done $0x0  }
0x7f: {  	[sflag:s10] =	ssyncadd.s32 $0xFFFFC000  }
0x80: {  	[spmem:s20] =	stream.linear.scatter [tilespmem:s6], [sflag:$0x7], $0x4000, $0x38;
	[tilespmem:$0x1C7F0] =	vst v63  }
0x81: {  	_ =	swait.ge [sflag:s10], $0x4000  }
0x82: {  	[sflag:s10] =	ssyncset.done $0x0  }
0x83: {  	[sflag:s10] =	ssyncadd.s32 $0xFFFFC000  }
0x84: {  	[spmem:s21] =	stream.linear.scatter [tilespmem:s6], [sflag:$0x7], $0x3C00, $0x38;
	[tilespmem:$0x1C7F0] =	vst v63  }
0x85: {  	_ =	swait.ge [sflag:s10], $0x3C00  }
0x86: {  	[sflag:s10] =	ssyncset.done $0x0  }
0x87: {  	[sflag:s10] =	ssyncadd.s32 $0xFFFFC400  }
0x88: {  	[tilespmem:$0x1C000] =	vst v0  }
0x89: {  	[tilespmem:$0x1C010] =	vst v0  }
0x8a: {  	[tilespmem:$0x1C020] =	vst v0  }
0x8b: {  	[tilespmem:$0x1C030] =	vst v0  }
0x8c: {  	[tilespmem:$0x1C040] =	vst v0  }
0x8d: {  	[tilespmem:$0x1C050] =	vst v0  }
0x8e: {  	[tilespmem:$0x1C060] =	vst v0  }
0x8f: {  	[tilespmem:$0x1C070] =	vst v0  }
0x90: {  	[tilespmem:$0x1C080] =	vst v1  }
0x91: {  	[tilespmem:$0x1C090] =	vst v1  }
0x92: {  	[tilespmem:$0x1C0A0] =	vst v1  }
0x93: {  	[tilespmem:$0x1C0B0] =	vst v1  }
0x94: {  	[tilespmem:$0x1C0C0] =	vst v1  }
0x95: {  	[tilespmem:$0x1C0D0] =	vst v1  }
0x96: {  	[tilespmem:$0x1C0E0] =	vst v1  }
0x97: {  	[tilespmem:$0x1C0F0] =	vst v1  }
0x98: {  	[tilespmem:$0x1C100] =	vst v1  }
0x99: {  	[tilespmem:$0x1C110] =	vst v1  }
0x9a: {  	[tilespmem:$0x1C120] =	vst v1  }
0x9b: {  	[tilespmem:$0x1C130] =	vst v1  }
0x9c: {  	[tilespmem:$0x1C140] =	vst v1  }
0x9d: {  	[tilespmem:$0x1C150] =	vst v1  }
0x9e: {  	[tilespmem:$0x1C160] =	vst v1  }
0x9f: {  	[tilespmem:$0x1C170] =	vst v1  }
0xa0: {  	[tilespmem:$0x1C180] =	vst v1  }
0xa1: {  	[tilespmem:$0x1C190] =	vst v1  }
0xa2: {  	[tilespmem:$0x1C1A0] =	vst v1  }
0xa3: {  	[tilespmem:$0x1C1B0] =	vst v1  }
0xa4: {  	[tilespmem:$0x1C1C0] =	vst v1  }
0xa5: {  	[tilespmem:$0x1C1D0] =	vst v1  }
0xa6: {  	[tilespmem:$0x1C1E0] =	vst v1  }
0xa7: {  	[tilespmem:$0x1C1F0] =	vst v1  }
0xa8: {  	[tilespmem:$0x1C200] =	vst v1  }
0xa9: {  	[tilespmem:$0x1C210] =	vst v1  }
0xaa: {  	[tilespmem:$0x1C220] =	vst v1  }
0xab: {  	[tilespmem:$0x1C230] =	vst v1  }
0xac: {  	[tilespmem:$0x1C240] =	vst v1  }
0xad: {  	[tilespmem:$0x1C250] =	vst v1  }
0xae: {  	[tilespmem:$0x1C260] =	vst v1  }
0xaf: {  	[tilespmem:$0x1C270] =	vst v1  }
0xb0: {  	[tilespmem:$0x1C280] =	vst v1  }
0xb1: {  	[tilespmem:$0x1C290] =	vst v1  }
0xb2: {  	[tilespmem:$0x1C2A0] =	vst v1  }
0xb3: {  	[tilespmem:$0x1C2B0] =	vst v1  }
0xb4: {  	[tilespmem:$0x1C2C0] =	vst v1  }
0xb5: {  	[tilespmem:$0x1C2D0] =	vst v1  }
0xb6: {  	[tilespmem:$0x1C2E0] =	vst v1  }
0xb7: {  	[tilespmem:$0x1C2F0] =	vst v1  }
0xb8: {  	[spmem:s22] =	stream.linear.scatter [tilespmem:s11], [sflag:$0x7], $0x278, $0x38;
	[tilespmem:$0x1C7F0] =	vst v63  }
0xb9: {  	_ =	swait.ge [sflag:s10], $0x278  }
0xba: {  	[sflag:s10] =	ssyncset.done $0x0  }
0xbb: {  	s20 =	smov.u32 s23;
	[sflag:s10] =	ssyncadd.s32 $0xFFFFFD88  }
0xbc: {  	[spmem:s20] =	stream.linear.scatter [tilespmem:s11], [sflag:$0x7], $0x278, $0x38;
	[tilespmem:$0x1C7F0] =	vst v63  }
0xbd: {  	_ =	swait.ge [sflag:s10], $0x278  }
0xbe: {  	[sflag:s10] =	ssyncset.done $0x0  }
0xbf: {  	[sflag:s10] =	ssyncadd.s32 $0xFFFFFD88  }
0xc0: {  	s21 =	simm.s32 $0x3;
	[bflag:$0x0] =	sbarrier.arrive $0xFFFF  }
0xc1: {  	_ =	swait.ge [sflag:s21], $0x100  }
0xc2: {  	[sflag:s21] =	ssyncset.done $0x0  }
0xc3: {  	[sflag:s21] =	ssyncadd.s32 $0xFFFFFF00  }
0xc4: {  	[tilespmem:s6], [sflag:$0x1] =	stream.indirect.gather [hbm4b:s0+s13], $0x80, s31, s13, $0xb8;
	[tilespmem:$0x1C7F0] =	vst v63  }
.Ltmp2:
0xc5: {  	s23 =	smov.u32 s22;
	s22 =	simm.s32 $0x4;
	(pc) =	sbr.rel .LBB2_2-.Ltmp2, $4  }
0xc6: {  	_ =	swait.ge [sflag:s22], $0x100  }
0xc7: {  	[sflag:s22] =	ssyncset.done $0x0  }
0xc8: {  	s17 =	simm.s32 $0x0;
	s16 =	rddreg [dreg:$0x17];
	[sflag:s22] =	ssyncadd.s32 $0xFFFFFF00  }
0xc9: {  	[tilespmem:s14], [sflag:$0x2] =	stream.indirect.gather [hbm4b:s0+s13], $0x80, s1, s13, $0xb8;
	[tilespmem:$0x1C7F0] =	vst v63  }
.LBB2_3:
0xca: {  	_ =	swait.ge [sflag:s30], $0x100  }
0xcb: {  	[sflag:s30] =	ssyncset.done $0x0  }
0xcc: {  	[sflag:s30] =	ssyncadd.s32 $0xFFFFFF00  }
0xcd: {  	[tilespmem:s14], [sflag:$0x2] =	stream.indirect.gather [hbm4b:s0+s13], $0x80, s9, s13, $0xb8;
	[tilespmem:$0x1C7F0] =	vst v63  }
.LBB2_5:
0xce: {  	_ =	swait.ge [sflag:s24], $0x4000  }
0xcf: {  	[sflag:s24] =	ssyncset.done $0x0  }
0xd0: {  	[sflag:s24] =	ssyncadd.s32 $0xFFFFC000  }
0xd1: {  	[spmem:s2] =	stream.indirect.scatter.add.f32 [tilespmem:s6], [sflag:$0x7], $0x80, s15, s13, $0xb8;
	[tilespmem:$0x1C7F0] =	vst v63  }
0xd2: {  	_ =	swait.ge [sflag:s10], $0x4000  }
0xd3: {  	[sflag:s10] =	ssyncset.done $0x0  }
0xd4: {  	[sflag:s10] =	ssyncadd.s32 $0xFFFFC000  }
0xd5: {  	[spmem:s3] =	stream.indirect.scatter.add.f32 [tilespmem:s28], [sflag:$0x7], $0x1, s15, s13, $0xb8;
	[tilespmem:$0x1C7F0] =	vst v63  }
0xd6: {  	_ =	swait.ge [sflag:s10], $0x80  }
0xd7: {  	[sflag:s10] =	ssyncset.done $0x0  }
0xd8: {  	[sflag:s10] =	ssyncadd.s32 $0xFFFFFF80  }
0xd9: {  	[spmem:s5] =	stream.indirect.scatter.add.f32 [tilespmem:s28], [sflag:$0x7], $0x1, s4, s13, $0xb8;
	[tilespmem:$0x1C7F0] =	vst v63  }
0xda: {  	_ =	swait.ge [sflag:s10], $0x80  }
0xdb: {  	[sflag:s10] =	ssyncset.done $0x0  }
0xdc: {  	[sflag:s10] =	ssyncadd.s32 $0xFFFFFF80  }
.LBB2_6:
0xdd: {  	s19 =	sadd.s32 $0xC0, s18  }
0xde: {  	p3 =	sgt.u32 s19, $0x9C3  }
0xdf: {  	s19 =	sadd.s32 @!p3 $0xFFFFFC00, s16;
	s20 =	simm.s32 @!p3 $0x0;
	s21 =	simm.s32 @!p3 $0x8200  }
0xe0: {  	[tilespmem:s21], [sflag:$0x5] =	stream.linear.gather @!p3 [hbm4b:s19+s20], $0x100, $0x38;
	[tilespmem:$0x1C7F0] =	vst v63  }
0xe1: {  	s19 =	simm.s32 @!p1 $0x3  }
0xe2: {  	_ =	swait.ge @!p1 [sflag:s19], $0x100  }
0xe3: {  	s20 =	simm.s32 @!p1 $0x8000;
	[sflag:s19] =	ssyncset.done @!p1 $0x0  }
0xe4: {  	s21 =	simm.s32 @!p1 $0x0;
	[sflag:s19] =	ssyncadd.s32 @!p1 $0xFFFFFF00;
	s19 =	simm.s32 @!p1 $0x80  }
0xe5: {  	[tilespmem:s21], [sflag:$0x1] =	stream.indirect.gather @!p1 [hbm4b:s0+s19], $0x80, s20, s19, $0xb8;
	[tilespmem:$0x1C7F0] =	vst v63  }
0xe6: {  	s19 =	simm.s32 @!p2 $0x2  }
0xe7: {  	_ =	swait.ge @!p2 [sflag:s19], $0x4000  }
0xe8: {  	s20 =	simm.s32 @!p2 $0x8380;
	[sflag:s19] =	ssyncset.done @!p2 $0x0  }
0xe9: {  	s21 =	simm.s32 @!p2 $0x4000;
	[sflag:s19] =	ssyncadd.s32 @!p2 $0xFFFFC000;
	s19 =	simm.s32 @!p2 $0x80  }
0xea: {  	[spmem:s2] =	stream.indirect.scatter.add.f32 @!p2 [tilespmem:s21], [sflag:$0x7], $0x80, s20, s19, $0xb8;
	[tilespmem:$0x1C7F0] =	vst v63  }
0xeb: {  	s21 =	simm.s32 @!p2 $0x7  }
0xec: {  	_ =	swait.ge @!p2 [sflag:s21], $0x4000  }
0xed: {  	[sflag:s21] =	ssyncset.done @!p2 $0x0  }
0xee: {  	s22 =	simm.s32 @!p2 $0x1C000;
	[sflag:s21] =	ssyncadd.s32 @!p2 $0xFFFFC000  }
0xef: {  	[spmem:s3] =	stream.indirect.scatter.add.f32 @!p2 [tilespmem:s22], [sflag:$0x7], $0x1, s20, s19, $0xb8;
	[tilespmem:$0x1C7F0] =	vst v63  }
0xf0: {  	_ =	swait.ge @!p2 [sflag:s21], $0x80  }
0xf1: {  	[sflag:s21] =	ssyncset.done @!p2 $0x0  }
0xf2: {  	s20 =	simm.s32 @!p2 $0x8300;
	[sflag:s21] =	ssyncadd.s32 @!p2 $0xFFFFFF80  }
0xf3: {  	[spmem:s5] =	stream.indirect.scatter.add.f32 @!p2 [tilespmem:s22], [sflag:$0x7], $0x1, s20, s19, $0xb8;
	[tilespmem:$0x1C7F0] =	vst v63  }
0xf4: {  	s22 =	sadd.s32 $0xE0, s18;
	_ =	swait.ge @!p2 [sflag:s21], $0x80  }
0xf5: {  	p1 =	sgt.u32 s22, $0x9C3;
	[sflag:s21] =	ssyncset.done @!p2 $0x0  }
0xf6: {  	s18 =	simm.s32 @!p1 $0x0;
	s19 =	simm.s32 @!p1 $0x8300;
	[sflag:s21] =	ssyncadd.s32 @!p2 $0xFFFFFF80  }
0xf7: {  	[tilespmem:s19], [sflag:$0x6] =	stream.linear.gather @!p1 [hbm4b:s16+s18], $0x100, $0x38;
	[tilespmem:$0x1C7F0] =	vst v63  }
0xf8: {  	s18 =	simm.s32 @!p0 $0x4  }
0xf9: {  	_ =	swait.ge @!p0 [sflag:s18], $0x100  }
0xfa: {  	s17 =	sadd.s32 $0x80, s17;
	s20 =	simm.s32 @!p0 $0x4000;
	[sflag:s18] =	ssyncset.done @!p0 $0x0  }
0xfb: {  	s19 =	simm.s32 @!p0 $0x8100;
	[sflag:s18] =	ssyncadd.s32 @!p0 $0xFFFFFF00;
	s18 =	simm.s32 @!p0 $0x80  }
0xfc: {  	[tilespmem:s20], [sflag:$0x2] =	stream.indirect.gather @!p0 [hbm4b:s0+s18], $0x80, s19, s18, $0xb8;
	[tilespmem:$0x1C7F0] =	vst v63  }
0xfd: {  	p0 =	sne.s32 s17, $0xA00  }
.Ltmp3:
0xfe: {  	_ = 	snop;
	(pc) =	sbr.rel @!p0 .LBB2_7-.Ltmp3, $2  }
0xff: {  	_ =	sdelay $0x2  }
0x100: {  	s16 =	sadd.s32 $0x1000, s16  }
.LBB2_2:
0x101: {  	_ =	swait.ge [sflag:s24], $0x4000  }
0x102: {  	[sflag:s24] =	ssyncset.done $0x0  }
0x103: {  	[sflag:s24] =	ssyncadd.s32 $0xFFFFC000  }
0x104: {  	[spmem:s2] =	stream.indirect.scatter.add.f32 [tilespmem:s6], [sflag:$0x7], $0x80, s26, s13, $0xb8;
	[tilespmem:$0x1C7F0] =	vst v63  }
0x105: {  	_ =	swait.ge [sflag:s10], $0x4000  }
0x106: {  	[sflag:s10] =	ssyncset.done $0x0  }
0x107: {  	[sflag:s10] =	ssyncadd.s32 $0xFFFFC000  }
0x108: {  	[spmem:s3] =	stream.indirect.scatter.add.f32 [tilespmem:s28], [sflag:$0x7], $0x1, s26, s13, $0xb8;
	[tilespmem:$0x1C7F0] =	vst v63  }
0x109: {  	_ =	swait.ge [sflag:s10], $0x80  }
0x10a: {  	s18 =	sadd.s32 s17, s8;
	[sflag:s10] =	ssyncset.done $0x0  }
0x10b: {  	s19 =	sadd.s32 $0x80, s18;
	[sflag:s10] =	ssyncadd.s32 $0xFFFFFF80  }
0x10c: {  	[spmem:s5] =	stream.indirect.scatter.add.f32 [tilespmem:s28], [sflag:$0x7], $0x1, s31, s13, $0xb8;
	[tilespmem:$0x1C7F0] =	vst v63  }
0x10d: {  	s20 =	sadd.s32 s17, s7;
	p1 =	sgt.u32 s19, $0x9C3;
	_ =	swait.ge [sflag:s10], $0x80  }
0x10e: {  	p3 =	sgt.u32 s20, $0x983;
	s19 =	sadd.s32 @!p1 $0xFFFFF400, s16;
	[sflag:s10] =	ssyncset.done $0x0  }
0x10f: {  	s21 =	simm.s32 @!p1 $0x0;
	s22 =	simm.s32 @!p1 $0x8000;
	[sflag:s10] =	ssyncadd.s32 $0xFFFFFF80  }
0x110: {  	[tilespmem:s22], [sflag:$0x3] =	stream.linear.gather @!p1 [hbm4b:s19+s21], $0x100, $0x38;
	[tilespmem:$0x1C7F0] =	vst v63  }
0x111: {  	s19 =	simm.s32 @!p3 $0x5  }
0x112: {  	_ =	swait.ge @!p3 [sflag:s19], $0x100  }
0x113: {  	s21 =	simm.s32 @!p3 $0x8200;
	[sflag:s19] =	ssyncset.done @!p3 $0x0  }
0x114: {  	s22 =	simm.s32 @!p3 $0x0;
	[sflag:s19] =	ssyncadd.s32 @!p3 $0xFFFFFF00;
	s19 =	simm.s32 @!p3 $0x80  }
0x115: {  	[tilespmem:s22], [sflag:$0x1] =	stream.indirect.gather @!p3 [hbm4b:s0+s19], $0x80, s21, s19, $0xb8;
	[tilespmem:$0x1C7F0] =	vst v63  }
0x116: {  	_ =	swait.ge [sflag:s29], $0x4000  }
0x117: {  	[sflag:s29] =	ssyncset.done $0x0  }
0x118: {  	[sflag:s29] =	ssyncadd.s32 $0xFFFFC000  }
0x119: {  	[spmem:s2] =	stream.indirect.scatter.add.f32 [tilespmem:s14], [sflag:$0x7], $0x80, s25, s13, $0xb8;
	[tilespmem:$0x1C7F0] =	vst v63  }
0x11a: {  	_ =	swait.ge [sflag:s10], $0x4000  }
0x11b: {  	[sflag:s10] =	ssyncset.done $0x0  }
0x11c: {  	[sflag:s10] =	ssyncadd.s32 $0xFFFFC000  }
0x11d: {  	[spmem:s3] =	stream.indirect.scatter.add.f32 [tilespmem:s28], [sflag:$0x7], $0x1, s25, s13, $0xb8;
	[tilespmem:$0x1C7F0] =	vst v63  }
0x11e: {  	_ =	swait.ge [sflag:s10], $0x80  }
0x11f: {  	[sflag:s10] =	ssyncset.done $0x0  }
0x120: {  	p2 =	sgt.u32 s20, $0x963;
	[sflag:s10] =	ssyncadd.s32 $0xFFFFFF80  }
0x121: {  	[spmem:s5] =	stream.indirect.scatter.add.f32 [tilespmem:s28], [sflag:$0x7], $0x1, s1, s13, $0xb8;
	[tilespmem:$0x1C7F0] =	vst v63  }
.Ltmp4:
0x122: {  	s22 =	sadd.s32 $0xA0, s18;
	(pc) =	sbr.rel @!p2 .LBB2_3-.Ltmp4, $4  }
0x123: {  	p0 =	sgt.u32 s22, $0x9C3;
	_ =	swait.ge [sflag:s10], $0x80  }
0x124: {  	s19 =	sadd.s32 @!p0 $0xFFFFF800, s16;
	[sflag:s10] =	ssyncset.done $0x0  }
0x125: {  	s21 =	simm.s32 @!p0 $0x0;
	s22 =	simm.s32 @!p0 $0x8100;
	[sflag:s10] =	ssyncadd.s32 $0xFFFFFF80  }
0x126: {  	[tilespmem:s22], [sflag:$0x4] =	stream.linear.gather @!p0 [hbm4b:s19+s21], $0x100, $0x38;
	[tilespmem:$0x1C7F0] =	vst v63  }
.Ltmp5:
0x127: {  	(pc) =	sbr.rel @p3 .LBB2_6-.Ltmp5, $4  }
.Ltmp6:
0x128: {  	(pc) =	sbr.rel @!p3 .LBB2_5-.Ltmp6, $4  }
0x129: {  	_ = 	snop  }
0x12a: {  	_ = 	snop  }
0x12b: {  	_ = 	snop  }
0x12c: {  	_ = 	snop  }
.LBB2_8:
0x12d: {  	_ =	sfence.sel $0x180000  }
0x12e: {  	[bflag:$0x0] =	sbarrier.arrive $0xFFFF  }
0x12f: {  	_ =	strace $0x90000047  }
0x130: {  	s0 =	stileid.u32;
	[bflag:$0x2] =	sbarrier.arrive $0xFFFF  }
0x131: {  	p0 =	sne.s32 s0, $0x0;
	s0 =	rddreg [dreg:$0x7]  }
0x132: {  	s0 =	sadd.s32 @!p0 $0x100000, s0  }
0x133: {  	[sflag:s0] =	ssyncadd.tile.s32 @!p0 $0x1;
	_ =	shalt  }
.Lfunc_end2:
_tile_overlayer_lowered:
.L_overlay_start_2:
0x134: {  	(tag) =	ssettag $0x2  }
0x135: {  	s0 =	rddreg [dreg:$0x0];
	s2 =	stileid.u32  }
0x136: {  	s1 =	rddreg [dreg:$0x1];
	p0 =	sne.s32 s2, $0x0  }
0x137: {  	s3 =	rddreg [dreg:$0x2];
	[bflag:$0x3] =	sbarrier.arrive $0xFFFF;
	s2 =	simm.s32 @!p0 $0x1C07  }
0x138: {  	[timem:s3], [sflag:s2] =	dma.local @!p0 [hbm:s0], s1  }
0x139: {  	s0 =	simm.s32 @!p0 $0x7  }
0x13a: {  	_ =	swait.ge @!p0 [sflag:s0], s1  }
0x13b: {  	s1 =	ssub.s32 @!p0 $0x0, s1;
	[sflag:s0] =	ssyncset.done @!p0 $0x0  }
0x13c: {  	[sflag:s0] =	ssyncadd.s32 @!p0 s1  }
0x13d: {  	[bflag:$0x3] =	sbarrier.arrive $0xFFFF  }
0x13e: {  	_ =	shalt  }

</sc_bundles>
